<compile_context>
chip_gen: v7x
topology: tpu7x:2x2x1
jax: 0.10.2.dev20260603
libtpu: 0.0.44.dev20260713+nightly
codegen_flags: <defaults>
</compile_context>

<pallas_src>
import functools

import jax
import jax.numpy as jnp
from jax import lax
from jax.experimental import pallas as pl
from jax.experimental.pallas import tpu as pltpu
from jax.experimental.pallas import tpu_sc as plsc

N = 10000
E = 320000
D = 128
NC = 2
NS = 16
NW = NC * NS
SPLITS = (128000, 192000)
OFFS = (0, 128000)
CG = 80
CS = 40
NBUF = 5
STRIPE = 632
NP = NS * STRIPE

_mesh = plsc.VectorSubcoreMesh(core_axis_name="c", subcore_axis_name="s")


def _make_gather(eh):
    ewh = eh // NW
    nch = ewh // CG
    assert ewh % 8 == 0 and nch % NBUF == 0

    @functools.partial(
        pl.kernel,
        out_type=jax.ShapeDtypeStruct((eh, D), jnp.float32),
        mesh=_mesh,
        scratch_types=[
            pltpu.VMEM((nch, CG), jnp.int32),
            pltpu.VMEM((nch, CG), jnp.int32),
            pltpu.VMEM((NBUF, CG, D), jnp.float32),
            pltpu.SemaphoreType.DMA((NBUF,)),
            pltpu.SemaphoreType.DMA((NBUF,)),
            pltpu.SemaphoreType.DMA((NBUF,)),
        ],
    )
    def gather_sum(ps_hbm, pr_hbm, snd_hbm, rcv_hbm, out_hbm,
                   idx_s, idx_r, bufs, gsem, asem, wsem):
        w = lax.axis_index("s") * NC + lax.axis_index("c")
        base0 = w * ewh
        pltpu.sync_copy(snd_hbm.at[w], idx_s)
        pltpu.sync_copy(rcv_hbm.at[w], idx_r)

        def gs(j, b):
            pltpu.async_copy(ps_hbm.at[idx_s.at[j]], bufs.at[b], gsem.at[b])

        def ga(j, b):
            pltpu.make_async_copy(ps_hbm.at[idx_s.at[j]], bufs.at[b],
                                  gsem.at[b]).wait()
            pltpu.async_copy(pr_hbm.at[idx_r.at[j]], bufs.at[b], asem.at[b],
                             add=True)

        def wr(j, b):
            pltpu.make_async_copy(pr_hbm.at[idx_r.at[j]], bufs.at[b],
                                  asem.at[b]).wait()
            pltpu.async_copy(bufs.at[b],
                             out_hbm.at[pl.ds(base0 + j * CG, CG), :],
                             wsem.at[b])

        def wr_wait(j, b):
            pltpu.make_async_copy(bufs.at[b],
                                  out_hbm.at[pl.ds(base0 + j * CG, CG), :],
                                  wsem.at[b]).wait()

        def outer(i, carry):
            for b in range(NBUF):
                j = i * NBUF + b

                @pl.when(j >= 2)
                def _():
                    wr(j - 2, (b - 2) % NBUF)

                @pl.when(j >= 1)
                def _():
                    ga(j - 1, (b - 1) % NBUF)

                @pl.when(j >= NBUF)
                def _():
                    wr_wait(j - NBUF, b)

                gs(j, b)
            return carry

        lax.fori_loop(0, nch // NBUF, outer, 0)
        ga(nch - 1, (nch - 1) % NBUF)
        wr(nch - 2, (nch - 2) % NBUF)
        wr(nch - 1, (nch - 1) % NBUF)
        for b in range(NBUF):
            wr_wait(nch - NBUF + b, b)

    return gather_sum


def _make_seg_sum(eh, cs=CS, nbuf=NBUF):
    ewh = eh // NW
    nch = ewh // cs
    assert ewh % 8 == 0 and nch % nbuf == 0

    @functools.partial(
        pl.kernel,
        out_type=jax.ShapeDtypeStruct((NC * NP, D), jnp.float32),
        mesh=_mesh,
        scratch_types=[
            pltpu.VMEM((nbuf, cs), jnp.int32),
            pltpu.VMEM((nbuf, cs, D), jnp.float32),
            pltpu.VMEM_SHARED((NP, D), jnp.float32),
            pltpu.SemaphoreType.DMA((nbuf,)),
            pltpu.SemaphoreType.DMA((nbuf,)),
            pltpu.SemaphoreType.DMA((nbuf,)),
        ],
    )
    def seg_sum(edge_hbm, rcv_hbm, zeros_hbm, out_hbm, idx, bufs, acc,
                isem, lsem, ssem):
        c = lax.axis_index("c")
        s = lax.axis_index("s")
        w = s * NC + c
        base0 = w * ewh
        pltpu.sync_copy(zeros_hbm, acc.at[pl.ds(s * STRIPE, STRIPE), :])
        plsc.subcore_barrier()

        def ld(j, b):
            pltpu.async_copy(rcv_hbm.at[pl.ds(base0 + j * cs, cs)], idx.at[b],
                             isem.at[b])
            pltpu.async_copy(edge_hbm.at[pl.ds(base0 + j * cs, cs), :],
                             bufs.at[b], lsem.at[b])

        def sadd(j, b):
            pltpu.make_async_copy(rcv_hbm.at[pl.ds(base0 + j * cs, cs)],
                                  idx.at[b], isem.at[b]).wait()
            pltpu.make_async_copy(edge_hbm.at[pl.ds(base0 + j * cs, cs), :],
                                  bufs.at[b], lsem.at[b]).wait()
            pltpu.async_copy(bufs.at[b], acc.at[idx.at[b]], ssem.at[b],
                             add=True)

        def sadd_wait(b):
            pltpu.make_async_copy(bufs.at[b], acc.at[idx.at[b]],
                                  ssem.at[b]).wait()

        def outer(i, carry):
            for b in range(nbuf):
                j = i * nbuf + b

                @pl.when(j >= 1)
                def _():
                    sadd(j - 1, (b - 1) % nbuf)

                @pl.when(j >= nbuf)
                def _():
                    sadd_wait(b)

                ld(j, b)
            return carry

        lax.fori_loop(0, nch // nbuf, outer, 0)
        sadd(nch - 1, (nch - 1) % nbuf)
        for b in range(nbuf):
            sadd_wait(b)
        plsc.subcore_barrier()
        pltpu.sync_copy(
            acc.at[pl.ds(s * STRIPE, STRIPE), :],
            out_hbm.at[pl.ds(c * NP + s * STRIPE, STRIPE), :],
        )

    return seg_sum


_gathers = [_make_gather(eh) for eh in SPLITS]
_seg_sums = [_make_seg_sum(SPLITS[0], 80, 2), _make_seg_sum(SPLITS[1], 80, 3)]


BN = 2000
BEDGE = 2000


def _proj_body(nf, w1s, w1r, ps, pr):
    x = nf[...]
    ps[...] = jnp.dot(x, w1s[...], preferred_element_type=jnp.float32)
    pr[...] = jnp.dot(x, w1r[...], preferred_element_type=jnp.float32)


_proj = pl.pallas_call(
    _proj_body,
    grid=(N // BN,),
    in_specs=[
        pl.BlockSpec((BN, D), lambda i: (i, 0)),
        pl.BlockSpec((D, D), lambda i: (0, 0)),
        pl.BlockSpec((D, D), lambda i: (0, 0)),
    ],
    out_specs=[pl.BlockSpec((BN, D), lambda i: (i, 0))] * 2,
    out_shape=[jax.ShapeDtypeStruct((N, D), jnp.float32)] * 2,
)


def _layer_norm(h, g, beta):
    mu = jnp.mean(h, axis=-1, keepdims=True)
    d = h - mu
    var = jnp.mean(d * d, axis=-1, keepdims=True)
    return d * lax.rsqrt(var + 1e-5) * g + beta


def _edge_mlp_body0(gath, ef, w1e, b1, w2, b2, g, beta, new_edge, out_edge):
    e = ef[...]
    h = gath[...] + jnp.dot(e, w1e[...], preferred_element_type=jnp.float32)
    h = jnp.maximum(h + b1[...], 0.0)
    h = jnp.dot(h, w2[...], preferred_element_type=jnp.float32) + b2[...]
    y = _layer_norm(h, g[...], beta[...])
    new_edge[...] = y
    out_edge[...] = y + e


def _edge_mlp_body1(gath, ef, w1e, b1, w2, b2, g, beta, oe_prev,
                    new_edge, out_edge):
    del oe_prev
    _edge_mlp_body0(gath, ef, w1e, b1, w2, b2, g, beta, new_edge, out_edge)


_W_SPECS = [
    pl.BlockSpec((D, D), lambda i: (0, 0)),
    pl.BlockSpec((1, D), lambda i: (0, 0)),
    pl.BlockSpec((D, D), lambda i: (0, 0)),
    pl.BlockSpec((1, D), lambda i: (0, 0)),
    pl.BlockSpec((1, D), lambda i: (0, 0)),
    pl.BlockSpec((1, D), lambda i: (0, 0)),
]


def _make_edge_mlp(k):
    nbe = SPLITS[k] // BEDGE
    off = OFFS[k] // BEDGE
    body = _edge_mlp_body0 if k == 0 else _edge_mlp_body1
    in_specs = [
        pl.BlockSpec((BEDGE, D), lambda i: (i, 0)),
        pl.BlockSpec((BEDGE, D), lambda i: (i + off, 0)),
    ] + _W_SPECS
    kwargs = {}
    if k > 0:
        in_specs = in_specs + [pl.BlockSpec(memory_space=pl.MemorySpace.ANY)]
        kwargs["input_output_aliases"] = {8: 1}
    return pl.pallas_call(
        body,
        grid=(nbe,),
        in_specs=in_specs,
        out_specs=[
            pl.BlockSpec((BEDGE, D), lambda i: (i, 0)),
            pl.BlockSpec((BEDGE, D), lambda i: (i + off, 0)),
        ],
        out_shape=[
            jax.ShapeDtypeStruct((SPLITS[k], D), jnp.float32),
            jax.ShapeDtypeStruct((E, D), jnp.float32),
        ],
        **kwargs,
    )


_edge_mlps = [_make_edge_mlp(k) for k in range(len(SPLITS))]

_NPARTS = 2 * len(SPLITS)


def _node_mlp_body(nf, *rest):
    parts = rest[:_NPARTS]
    w1a, w1b, b1, w2, b2, g, beta, out = rest[_NPARTS:]
    x = nf[...]
    seg = parts[0][...]
    for p in parts[1:]:
        seg = seg + p[...]
    h = jnp.dot(x, w1a[...], preferred_element_type=jnp.float32)
    h = h + jnp.dot(seg, w1b[...], preferred_element_type=jnp.float32)
    h = jnp.maximum(h + b1[...], 0.0)
    h = jnp.dot(h, w2[...], preferred_element_type=jnp.float32) + b2[...]
    out[...] = _layer_norm(h, g[...], beta[...]) + x


_node_mlp = pl.pallas_call(
    _node_mlp_body,
    grid=(N // BN,),
    in_specs=[pl.BlockSpec((BN, D), lambda i: (i, 0))] * (1 + _NPARTS) + [
        pl.BlockSpec((D, D), lambda i: (0, 0)),
        pl.BlockSpec((D, D), lambda i: (0, 0)),
        pl.BlockSpec((1, D), lambda i: (0, 0)),
        pl.BlockSpec((D, D), lambda i: (0, 0)),
        pl.BlockSpec((1, D), lambda i: (0, 0)),
        pl.BlockSpec((1, D), lambda i: (0, 0)),
        pl.BlockSpec((1, D), lambda i: (0, 0)),
    ],
    out_specs=pl.BlockSpec((BN, D), lambda i: (i, 0)),
    out_shape=jax.ShapeDtypeStruct((N, D), jnp.float32),
)


def kernel(node_features, edge_features, senders, receivers,
           edge_w1, edge_b1, edge_w2, edge_b2, edge_g, edge_beta,
           node_w1, node_b1, node_w2, node_b2, node_g, node_beta):
    ps, pr = _proj(node_features, edge_w1[:D], edge_w1[D:2 * D])
    w1e = edge_w1[2 * D:]
    eb1 = edge_b1.reshape(1, D)
    eb2 = edge_b2.reshape(1, D)
    eg = edge_g.reshape(1, D)
    ebt = edge_beta.reshape(1, D)
    zeros = jnp.zeros((STRIPE, D), jnp.float32)

    oe = None
    parts = []
    gaths = []
    rcvs = []
    for k, (eh, off) in enumerate(zip(SPLITS, OFFS)):
        ewh = eh // NW
        snd_k = lax.dynamic_slice_in_dim(senders, off, eh).reshape(
            NW, ewh // CG, CG)
        rcv_k = lax.dynamic_slice_in_dim(receivers, off, eh)
        rcvs.append(rcv_k)
        gaths.append(_gathers[k](ps, pr, snd_k,
                                 rcv_k.reshape(NW, ewh // CG, CG)))
    for k in range(len(SPLITS)):
        args = (gaths[k], edge_features, w1e, eb1, edge_w2, eb2, eg, ebt)
        if k > 0:
            args = args + (oe,)
        ne_k, oe = _edge_mlps[k](*args)
        parts.append(_seg_sums[k](ne_k, rcvs[k], zeros))

    pslices = []
    for p in parts:
        pslices += [p[:N], p[NP:NP + N]]
    out_node = _node_mlp(
        node_features, *pslices, node_w1[:D], node_w1[D:],
        node_b1.reshape(1, D), node_w2, node_b2.reshape(1, D),
        node_g.reshape(1, D), node_beta.reshape(1, D))
    return (out_node, oe)

# --- scband reference (transcript-rebuilt; emitter-appended) ---
"""Pipeline reference for scband-graph-net-block-4672924418725 (READ-ONLY COPY).

The authoritative reference and input builder live on the scoring server;
editing this copy changes nothing except your own understanding.
"""

import jax, jax.numpy as jnp
import numpy as np

N_NODES = 10000
N_EDGES = 320000
D = 128


def _mlp(x, w1, b1, w2, b2, g, beta):
    h = jax.nn.relu(x @ w1 + b1)
    h = h @ w2 + b2
    mu = jnp.mean(h, axis=-1, keepdims=True)
    var = jnp.var(h, axis=-1, keepdims=True)
    h = (h - mu) * jax.lax.rsqrt(var + 1e-5)
    return h * g + beta


def setup_inputs(seed: int = 0):
    key = jax.random.key(seed)
    ks = jax.random.split(key, 16)
    node_features = jax.random.normal(ks[0], (N_NODES, D), dtype=jnp.float32)
    edge_features = jax.random.normal(ks[1], (N_EDGES, D), dtype=jnp.float32)
    senders = jax.random.randint(ks[2], (N_EDGES,), 0, N_NODES, dtype=jnp.int32)
    receivers = jax.random.randint(ks[3], (N_EDGES,), 0, N_NODES, dtype=jnp.int32)
    d_edge_in = 3 * D  # sender + receiver + edge feats
    d_node_in = 2 * D  # node feats + aggregated edge feats
    edge_w1 = jax.random.normal(ks[4], (d_edge_in, D), dtype=jnp.float32) / np.sqrt(d_edge_in)
    edge_b1 = jnp.zeros((D,), dtype=jnp.float32)
    edge_w2 = jax.random.normal(ks[5], (D, D), dtype=jnp.float32) / np.sqrt(D)
    edge_b2 = jnp.zeros((D,), dtype=jnp.float32)
    edge_g = jnp.ones((D,), dtype=jnp.float32)
    edge_beta = jnp.zeros((D,), dtype=jnp.float32)
    node_w1 = jax.random.normal(ks[6], (d_node_in, D), dtype=jnp.float32) / np.sqrt(d_node_in)
    node_b1 = jnp.zeros((D,), dtype=jnp.float32)
    node_w2 = jax.random.normal(ks[7], (D, D), dtype=jnp.float32) / np.sqrt(D)
    node_b2 = jnp.zeros((D,), dtype=jnp.float32)
    node_g = jnp.ones((D,), dtype=jnp.float32)
    node_beta = jnp.zeros((D,), dtype=jnp.float32)
    return {
        'node_features': node_features,
        'edge_features': edge_features,
        'senders': senders,
        'receivers': receivers,
        'edge_w1': edge_w1, 'edge_b1': edge_b1, 'edge_w2': edge_w2, 'edge_b2': edge_b2,
        'edge_g': edge_g, 'edge_beta': edge_beta,
        'node_w1': node_w1, 'node_b1': node_b1, 'node_w2': node_w2, 'node_b2': node_b2,
        'node_g': node_g, 'node_beta': node_beta,
    }


def reference(node_features, edge_features, senders, receivers,
              edge_w1, edge_b1, edge_w2, edge_b2, edge_g, edge_beta,
              node_w1, node_b1, node_w2, node_b2, node_g, node_beta):
    # _update_edge_features: gather sender/receiver node feats, concat with edge feats, MLP
    sender_f = jnp.take(node_features, senders, axis=0)
    receiver_f = jnp.take(node_features, receivers, axis=0)
    edge_in = jnp.concatenate([sender_f, receiver_f, edge_features], axis=-1)
    new_edge = _mlp(edge_in, edge_w1, edge_b1, edge_w2, edge_b2, edge_g, edge_beta)
    # _update_node_features: scatter-add (segment sum) of updated edge feats onto receivers
    seg_sum = jax.ops.segment_sum(new_edge, receivers, num_segments=N_NODES)
    node_in = jnp.concatenate([node_features, seg_sum], axis=-1)
    new_node = _mlp(node_in, node_w1, node_b1, node_w2, node_b2, node_g, node_beta)
    # residual connections
    new_node = new_node + node_features
    new_edge = new_edge + edge_features
    return (new_node, new_edge)

if __name__ == "__main__":
    import jax
    _d = setup_inputs()
    print(jax.jit(kernel)(*tuple(_d.values())))

</pallas_src>

<mosaic_0001>
#map = affine_map<(d0, d1) -> (0, 0)>
#map1 = affine_map<(d0, d1) -> (0)>
module attributes {stable_mosaic.version = 14 : i64} {
  func.func @seg_sum(%arg0: i32, %arg1: i32, %arg2: memref<128000x128xf32, #tpu.memory_space<hbm>>, %arg3: memref<128000xi32, #tpu.memory_space<hbm>>, %arg4: memref<632x128xf32, #tpu.memory_space<hbm>>, %arg5: memref<20224x128xf32, #tpu.memory_space<hbm>>, %arg6: memref<2x80xi32, #tpu.memory_space<vmem>>, %arg7: memref<2x80x128xf32, #tpu.memory_space<vmem>>, %arg8: memref<10112x128xf32, #tpu.memory_space<vmem_shared>>, %arg9: memref<2x!tpu.dma_semaphore, #tpu.memory_space<semaphore_mem>>, %arg10: memref<2x!tpu.dma_semaphore, #tpu.memory_space<semaphore_mem>>, %arg11: memref<2x!tpu.dma_semaphore, #tpu.memory_space<semaphore_mem>>) attributes {dimension_semantics = [#tpu.dimension_semantics<core_parallel>, #tpu.dimension_semantics<subcore_parallel>], iteration_bounds = array<i64: 2, 16>, scalar_prefetch = 0 : i64, scratch_operands = 6 : i64, tpu.core_type = #tpu.core_type<sc_vector_subcore>, window_params = [{transform_indices = #map}, {transform_indices = #map1}, {transform_indices = #map}, {transform_indices = #map}]} {
    %mul3A = arith.constant 2 : i32
    %mul3A_0 = arith.muli %arg1, %mul3A : i32
    %add3A = arith.addi %mul3A_0, %arg0 : i32
    %mul3A_1 = arith.constant 4000 : i32
    %mul3A_2 = arith.muli %add3A, %mul3A_1 : i32
    %mul3A_3 = arith.constant 632 : i32
    %mul3A_4 = arith.muli %arg1, %mul3A_3 : i32
    "tpu.region"() ({
      %run_scoped3A = tpu.sem_alloc : memref<!tpu.dma_semaphore, #tpu.memory_space<semaphore_mem>>
      %dma_start3A_93 = arith.constant 0 : i32
      %dma_start3A_94 = tpu.memref_slice %arg8[%mul3A_4, %dma_start3A_93] : memref<10112x128xf32, #tpu.memory_space<vmem_shared>> -> memref<632x128xf32, #tpu.memory_space<vmem_shared>>
      tpu.enqueue_dma source(%arg4 : memref<632x128xf32, #tpu.memory_space<hbm>>) target(%dma_start3A_94 : memref<632x128xf32, #tpu.memory_space<vmem_shared>>) target_semaphore(%run_scoped3A : memref<!tpu.dma_semaphore, #tpu.memory_space<semaphore_mem>>)
      %dma_wait3A_95 = arith.constant 0 : i32
      %dma_wait3A_96 = tpu.memref_slice %arg8[%mul3A_4, %dma_wait3A_95] : memref<10112x128xf32, #tpu.memory_space<vmem_shared>> -> memref<632x128xf32, #tpu.memory_space<vmem_shared>>
      tpu.wait_dma2 semaphore(%run_scoped3A : memref<!tpu.dma_semaphore, #tpu.memory_space<semaphore_mem>>) src(%arg4 : memref<632x128xf32, #tpu.memory_space<hbm>>) dst(%dma_wait3A_96 : memref<632x128xf32, #tpu.memory_space<vmem_shared>>)
      tpu.yield
    }) : () -> ()
    %barrier3A = arith.constant 0 : index
    tpu.barrier barrier_id(%barrier3A)
    %scan3A = arith.constant 0 : i32
    %scan3A_5 = arith.constant 0 : i32
    %scan3A_6 = arith.constant 25 : i32
    %scan3A_7 = arith.addi %scan3A_5, %scan3A_6 : i32
    %scan3A_8 = arith.constant 1 : i32
    scf.for %scan3A_93 = %scan3A_5 to %scan3A_7 step %scan3A_8  : i32 {
      %mul3A_94 = arith.constant 2 : i32
      %mul3A_95 = arith.muli %scan3A_93, %mul3A_94 : i32
      %add3A_96 = arith.constant 0 : i32
      %add3A_97 = arith.addi %mul3A_95, %add3A_96 : i32
      %ge3A = arith.constant 1 : i32
      %ge3A_98 = arith.cmpi sge, %add3A_97, %ge3A : i32
      %convert_element_type3A = arith.extui %ge3A_98 : i1 to i32
      %cond3A = arith.constant 0 : i32
      %cond3A_99 = arith.cmpi ne, %convert_element_type3A, %cond3A : i32
      scf.if %cond3A_99 {
        %sub3A = arith.constant 1 : i32
        %sub3A_187 = arith.subi %add3A_97, %sub3A : i32
        %mul3A_188 = arith.constant 80 : i32
        %mul3A_189 = arith.muli %sub3A_187, %mul3A_188 : i32
        %add3A_190 = arith.addi %mul3A_2, %mul3A_189 : i32
        %dma_wait3A_191 = arith.constant 1 : i32
        %dma_wait3A_192 = arith.constant 1 : i32
        %dma_wait3A_193 = arith.constant 0 : i32
        %dma_wait3A_194 = tpu.memref_slice %arg6[%dma_wait3A_191, %dma_wait3A_193] : memref<2x80xi32, #tpu.memory_space<vmem>> -> memref<1x80xi32, #tpu.memory_space<vmem>>
        %dma_wait3A_195 = tpu.memref_squeeze %dma_wait3A_194 : memref<1x80xi32, #tpu.memory_space<vmem>> -> memref<80xi32, #tpu.memory_space<vmem>>
        %dma_wait3A_196 = tpu.memref_slice %arg3[%add3A_190] : memref<128000xi32, #tpu.memory_space<hbm>> -> memref<80xi32, #tpu.memory_space<hbm>>
        %dma_wait3A_197 = tpu.memref_slice %arg9[%dma_wait3A_192] : memref<2x!tpu.dma_semaphore, #tpu.memory_space<semaphore_mem>> -> memref<1x!tpu.dma_semaphore, #tpu.memory_space<semaphore_mem>>
        %dma_wait3A_198 = tpu.memref_squeeze %dma_wait3A_197 : memref<1x!tpu.dma_semaphore, #tpu.memory_space<semaphore_mem>> -> memref<!tpu.dma_semaphore, #tpu.memory_space<semaphore_mem>>
        %dma_wait3A_199 = arith.constant 0 : i32
        %dma_wait3A_200 = tpu.memref_slice %arg6[%dma_wait3A_191, %dma_wait3A_199] : memref<2x80xi32, #tpu.memory_space<vmem>> -> memref<1x80xi32, #tpu.memory_space<vmem>>
        %dma_wait3A_201 = tpu.memref_squeeze %dma_wait3A_200 : memref<1x80xi32, #tpu.memory_space<vmem>> -> memref<80xi32, #tpu.memory_space<vmem>>
        %dma_wait3A_202 = tpu.memref_slice %arg3[%add3A_190] : memref<128000xi32, #tpu.memory_space<hbm>> -> memref<80xi32, #tpu.memory_space<hbm>>
        tpu.wait_dma2 semaphore(%dma_wait3A_198 : memref<!tpu.dma_semaphore, #tpu.memory_space<semaphore_mem>>) src(%dma_wait3A_202 : memref<80xi32, #tpu.memory_space<hbm>>) dst(%dma_wait3A_201 : memref<80xi32, #tpu.memory_space<vmem>>)
        %mul3A_203 = arith.constant 80 : i32
        %mul3A_204 = arith.muli %sub3A_187, %mul3A_203 : i32
        %add3A_205 = arith.addi %mul3A_2, %mul3A_204 : i32
        %dma_wait3A_206 = arith.constant 1 : i32
        %dma_wait3A_207 = arith.constant 1 : i32
        %dma_wait3A_208 = arith.constant 0 : i32
        %dma_wait3A_209 = arith.constant 0 : i32
        %dma_wait3A_210 = tpu.memref_slice %arg7[%dma_wait3A_206, %dma_wait3A_208, %dma_wait3A_209] : memref<2x80x128xf32, #tpu.memory_space<vmem>> -> memref<1x80x128xf32, #tpu.memory_space<vmem>>
        %dma_wait3A_211 = tpu.memref_squeeze %dma_wait3A_210 : memref<1x80x128xf32, #tpu.memory_space<vmem>> -> memref<80x128xf32, #tpu.memory_space<vmem>>
        %dma_wait3A_212 = arith.constant 0 : i32
        %dma_wait3A_213 = tpu.memref_slice %arg2[%add3A_205, %dma_wait3A_212] : memref<128000x128xf32, #tpu.memory_space<hbm>> -> memref<80x128xf32, #tpu.memory_space<hbm>>
        %dma_wait3A_214 = tpu.memref_slice %arg10[%dma_wait3A_207] : memref<2x!tpu.dma_semaphore, #tpu.memory_space<semaphore_mem>> -> memref<1x!tpu.dma_semaphore, #tpu.memory_space<semaphore_mem>>
        %dma_wait3A_215 = tpu.memref_squeeze %dma_wait3A_214 : memref<1x!tpu.dma_semaphore, #tpu.memory_space<semaphore_mem>> -> memref<!tpu.dma_semaphore, #tpu.memory_space<semaphore_mem>>
        %dma_wait3A_216 = arith.constant 0 : i32
        %dma_wait3A_217 = arith.constant 0 : i32
        %dma_wait3A_218 = tpu.memref_slice %arg7[%dma_wait3A_206, %dma_wait3A_216, %dma_wait3A_217] : memref<2x80x128xf32, #tpu.memory_space<vmem>> -> memref<1x80x128xf32, #tpu.memory_space<vmem>>
        %dma_wait3A_219 = tpu.memref_squeeze %dma_wait3A_218 : memref<1x80x128xf32, #tpu.memory_space<vmem>> -> memref<80x128xf32, #tpu.memory_space<vmem>>
        %dma_wait3A_220 = arith.constant 0 : i32
        %dma_wait3A_221 = tpu.memref_slice %arg2[%add3A_205, %dma_wait3A_220] : memref<128000x128xf32, #tpu.memory_space<hbm>> -> memref<80x128xf32, #tpu.memory_space<hbm>>
        tpu.wait_dma2 semaphore(%dma_wait3A_215 : memref<!tpu.dma_semaphore, #tpu.memory_space<semaphore_mem>>) src(%dma_wait3A_221 : memref<80x128xf32, #tpu.memory_space<hbm>>) dst(%dma_wait3A_219 : memref<80x128xf32, #tpu.memory_space<vmem>>)
        %dma_start3A_222 = arith.constant 1 : i32
        %dma_start3A_223 = arith.constant 1 : i32
        %dma_start3A_224 = arith.constant 1 : i32
        %dma_start3A_225 = arith.constant 0 : i32
        %dma_start3A_226 = arith.constant 0 : i32
        %dma_start3A_227 = tpu.memref_slice %arg7[%dma_start3A_222, %dma_start3A_225, %dma_start3A_226] : memref<2x80x128xf32, #tpu.memory_space<vmem>> -> memref<1x80x128xf32, #tpu.memory_space<vmem>>
        %dma_start3A_228 = tpu.memref_squeeze %dma_start3A_227 : memref<1x80x128xf32, #tpu.memory_space<vmem>> -> memref<80x128xf32, #tpu.memory_space<vmem>>
        %dma_start3A_229 = arith.constant 0 : i32
        %dma_start3A_230 = tpu.memref_slice %arg6[%dma_start3A_223, %dma_start3A_229] : memref<2x80xi32, #tpu.memory_space<vmem>> -> memref<1x80xi32, #tpu.memory_space<vmem>>
        %dma_start3A_231 = tpu.memref_squeeze %dma_start3A_230 : memref<1x80xi32, #tpu.memory_space<vmem>> -> memref<80xi32, #tpu.memory_space<vmem>>
        %dma_start3A_232 = arith.constant 0 : i32
        %dma_start3A_233 = arith.constant 0 : i32
        %dma_start3A_234 = tpu.memref_slice %arg8[%dma_start3A_232, %dma_start3A_233] : memref<10112x128xf32, #tpu.memory_space<vmem_shared>> -> memref<10112x128xf32, #tpu.memory_space<vmem_shared>>
        %dma_start3A_235 = tpu.memref_slice %arg11[%dma_start3A_224] : memref<2x!tpu.dma_semaphore, #tpu.memory_space<semaphore_mem>> -> memref<1x!tpu.dma_semaphore, #tpu.memory_space<semaphore_mem>>
        %dma_start3A_236 = tpu.memref_squeeze %dma_start3A_235 : memref<1x!tpu.dma_semaphore, #tpu.memory_space<semaphore_mem>> -> memref<!tpu.dma_semaphore, #tpu.memory_space<semaphore_mem>>
        tpu.enqueue_indirect_dma source(%dma_start3A_228 : memref<80x128xf32, #tpu.memory_space<vmem>>) target(%dma_start3A_234 : memref<10112x128xf32, #tpu.memory_space<vmem_shared>>) offsets(%dma_start3A_231 : memref<80xi32, #tpu.memory_space<vmem>>) semaphore(%dma_start3A_236 : memref<!tpu.dma_semaphore, #tpu.memory_space<semaphore_mem>>) {add = true}
      } else {
      }
      %ge3A_100 = arith.constant 2 : i32
      %ge3A_101 = arith.cmpi sge, %add3A_97, %ge3A_100 : i32
      %convert_element_type3A_102 = arith.extui %ge3A_101 : i1 to i32
      %cond3A_103 = arith.constant 0 : i32
      %cond3A_104 = arith.cmpi ne, %convert_element_type3A_102, %cond3A_103 : i32
      scf.if %cond3A_104 {
        %dma_wait3A_187 = arith.constant 0 : i32
        %dma_wait3A_188 = arith.constant 0 : i32
        %dma_wait3A_189 = arith.constant 0 : i32
        %dma_wait3A_190 = arith.constant 0 : i32
        %dma_wait3A_191 = arith.constant 0 : i32
        %dma_wait3A_192 = tpu.memref_slice %arg7[%dma_wait3A_187, %dma_wait3A_190, %dma_wait3A_191] : memref<2x80x128xf32, #tpu.memory_space<vmem>> -> memref<1x80x128xf32, #tpu.memory_space<vmem>>
        %dma_wait3A_193 = tpu.memref_squeeze %dma_wait3A_192 : memref<1x80x128xf32, #tpu.memory_space<vmem>> -> memref<80x128xf32, #tpu.memory_space<vmem>>
        %dma_wait3A_194 = arith.constant 0 : i32
        %dma_wait3A_195 = tpu.memref_slice %arg6[%dma_wait3A_188, %dma_wait3A_194] : memref<2x80xi32, #tpu.memory_space<vmem>> -> memref<1x80xi32, #tpu.memory_space<vmem>>
        %dma_wait3A_196 = tpu.memref_squeeze %dma_wait3A_195 : memref<1x80xi32, #tpu.memory_space<vmem>> -> memref<80xi32, #tpu.memory_space<vmem>>
        %dma_wait3A_197 = arith.constant 0 : i32
        %dma_wait3A_198 = arith.constant 0 : i32
        %dma_wait3A_199 = tpu.memref_slice %arg8[%dma_wait3A_197, %dma_wait3A_198] : memref<10112x128xf32, #tpu.memory_space<vmem_shared>> -> memref<10112x128xf32, #tpu.memory_space<vmem_shared>>
        %dma_wait3A_200 = tpu.memref_slice %arg11[%dma_wait3A_189] : memref<2x!tpu.dma_semaphore, #tpu.memory_space<semaphore_mem>> -> memref<1x!tpu.dma_semaphore, #tpu.memory_space<semaphore_mem>>
        %dma_wait3A_201 = tpu.memref_squeeze %dma_wait3A_200 : memref<1x!tpu.dma_semaphore, #tpu.memory_space<semaphore_mem>> -> memref<!tpu.dma_semaphore, #tpu.memory_space<semaphore_mem>>
        tpu.wait_indirect_dma semaphore(%dma_wait3A_201 : memref<!tpu.dma_semaphore, #tpu.memory_space<semaphore_mem>>) src(%dma_wait3A_193 : memref<80x128xf32, #tpu.memory_space<vmem>>) dst(%dma_wait3A_199 : memref<10112x128xf32, #tpu.memory_space<vmem_shared>>)
      } else {
      }
      %mul3A_105 = arith.constant 80 : i32
      %mul3A_106 = arith.muli %add3A_97, %mul3A_105 : i32
      %add3A_107 = arith.addi %mul3A_2, %mul3A_106 : i32
      %dma_start3A_108 = arith.constant 0 : i32
      %dma_start3A_109 = arith.constant 0 : i32
      %dma_start3A_110 = arith.constant 0 : i32
      %dma_start3A_111 = tpu.memref_slice %arg6[%dma_start3A_108, %dma_start3A_110] : memref<2x80xi32, #tpu.memory_space<vmem>> -> memref<1x80xi32, #tpu.memory_space<vmem>>
      %dma_start3A_112 = tpu.memref_squeeze %dma_start3A_111 : memref<1x80xi32, #tpu.memory_space<vmem>> -> memref<80xi32, #tpu.memory_space<vmem>>
      %dma_start3A_113 = tpu.memref_slice %arg3[%add3A_107] : memref<128000xi32, #tpu.memory_space<hbm>> -> memref<80xi32, #tpu.memory_space<hbm>>
      %dma_start3A_114 = tpu.memref_slice %arg9[%dma_start3A_109] : memref<2x!tpu.dma_semaphore, #tpu.memory_space<semaphore_mem>> -> memref<1x!tpu.dma_semaphore, #tpu.memory_space<semaphore_mem>>
      %dma_start3A_115 = tpu.memref_squeeze %dma_start3A_114 : memref<1x!tpu.dma_semaphore, #tpu.memory_space<semaphore_mem>> -> memref<!tpu.dma_semaphore, #tpu.memory_space<semaphore_mem>>
      %dma_start3A_116 = arith.constant 0 : i32
      %dma_start3A_117 = tpu.memref_slice %arg6[%dma_start3A_108, %dma_start3A_116] : memref<2x80xi32, #tpu.memory_space<vmem>> -> memref<1x80xi32, #tpu.memory_space<vmem>>
      %dma_start3A_118 = tpu.memref_squeeze %dma_start3A_117 : memref<1x80xi32, #tpu.memory_space<vmem>> -> memref<80xi32, #tpu.memory_space<vmem>>
      %dma_start3A_119 = tpu.memref_slice %arg3[%add3A_107] : memref<128000xi32, #tpu.memory_space<hbm>> -> memref<80xi32, #tpu.memory_space<hbm>>
      tpu.enqueue_dma source(%dma_start3A_119 : memref<80xi32, #tpu.memory_space<hbm>>) target(%dma_start3A_118 : memref<80xi32, #tpu.memory_space<vmem>>) target_semaphore(%dma_start3A_115 : memref<!tpu.dma_semaphore, #tpu.memory_space<semaphore_mem>>)
      %mul3A_120 = arith.constant 80 : i32
      %mul3A_121 = arith.muli %add3A_97, %mul3A_120 : i32
      %add3A_122 = arith.addi %mul3A_2, %mul3A_121 : i32
      %dma_start3A_123 = arith.constant 0 : i32
      %dma_start3A_124 = arith.constant 0 : i32
      %dma_start3A_125 = arith.constant 0 : i32
      %dma_start3A_126 = arith.constant 0 : i32
      %dma_start3A_127 = tpu.memref_slice %arg7[%dma_start3A_123, %dma_start3A_125, %dma_start3A_126] : memref<2x80x128xf32, #tpu.memory_space<vmem>> -> memref<1x80x128xf32, #tpu.memory_space<vmem>>
      %dma_start3A_128 = tpu.memref_squeeze %dma_start3A_127 : memref<1x80x128xf32, #tpu.memory_space<vmem>> -> memref<80x128xf32, #tpu.memory_space<vmem>>
      %dma_start3A_129 = arith.constant 0 : i32
      %dma_start3A_130 = tpu.memref_slice %arg2[%add3A_122, %dma_start3A_129] : memref<128000x128xf32, #tpu.memory_space<hbm>> -> memref<80x128xf32, #tpu.memory_space<hbm>>
      %dma_start3A_131 = tpu.memref_slice %arg10[%dma_start3A_124] : memref<2x!tpu.dma_semaphore, #tpu.memory_space<semaphore_mem>> -> memref<1x!tpu.dma_semaphore, #tpu.memory_space<semaphore_mem>>
      %dma_start3A_132 = tpu.memref_squeeze %dma_start3A_131 : memref<1x!tpu.dma_semaphore, #tpu.memory_space<semaphore_mem>> -> memref<!tpu.dma_semaphore, #tpu.memory_space<semaphore_mem>>
      %dma_start3A_133 = arith.constant 0 : i32
      %dma_start3A_134 = arith.constant 0 : i32
      %dma_start3A_135 = tpu.memref_slice %arg7[%dma_start3A_123, %dma_start3A_133, %dma_start3A_134] : memref<2x80x128xf32, #tpu.memory_space<vmem>> -> memref<1x80x128xf32, #tpu.memory_space<vmem>>
      %dma_start3A_136 = tpu.memref_squeeze %dma_start3A_135 : memref<1x80x128xf32, #tpu.memory_space<vmem>> -> memref<80x128xf32, #tpu.memory_space<vmem>>
      %dma_start3A_137 = arith.constant 0 : i32
      %dma_start3A_138 = tpu.memref_slice %arg2[%add3A_122, %dma_start3A_137] : memref<128000x128xf32, #tpu.memory_space<hbm>> -> memref<80x128xf32, #tpu.memory_space<hbm>>
      tpu.enqueue_dma source(%dma_start3A_138 : memref<80x128xf32, #tpu.memory_space<hbm>>) target(%dma_start3A_136 : memref<80x128xf32, #tpu.memory_space<vmem>>) target_semaphore(%dma_start3A_132 : memref<!tpu.dma_semaphore, #tpu.memory_space<semaphore_mem>>)
      %mul3A_139 = arith.constant 2 : i32
      %mul3A_140 = arith.muli %scan3A_93, %mul3A_139 : i32
      %add3A_141 = arith.constant 1 : i32
      %add3A_142 = arith.addi %mul3A_140, %add3A_141 : i32
      %ge3A_143 = arith.constant 1 : i32
      %ge3A_144 = arith.cmpi sge, %add3A_142, %ge3A_143 : i32
      %convert_element_type3A_145 = arith.extui %ge3A_144 : i1 to i32
      %cond3A_146 = arith.constant 0 : i32
      %cond3A_147 = arith.cmpi ne, %convert_element_type3A_145, %cond3A_146 : i32
      scf.if %cond3A_147 {
        %sub3A = arith.constant 1 : i32
        %sub3A_187 = arith.subi %add3A_142, %sub3A : i32
        %mul3A_188 = arith.constant 80 : i32
        %mul3A_189 = arith.muli %sub3A_187, %mul3A_188 : i32
        %add3A_190 = arith.addi %mul3A_2, %mul3A_189 : i32
        %dma_wait3A_191 = arith.constant 0 : i32
        %dma_wait3A_192 = arith.constant 0 : i32
        %dma_wait3A_193 = arith.constant 0 : i32
        %dma_wait3A_194 = tpu.memref_slice %arg6[%dma_wait3A_191, %dma_wait3A_193] : memref<2x80xi32, #tpu.memory_space<vmem>> -> memref<1x80xi32, #tpu.memory_space<vmem>>
        %dma_wait3A_195 = tpu.memref_squeeze %dma_wait3A_194 : memref<1x80xi32, #tpu.memory_space<vmem>> -> memref<80xi32, #tpu.memory_space<vmem>>
        %dma_wait3A_196 = tpu.memref_slice %arg3[%add3A_190] : memref<128000xi32, #tpu.memory_space<hbm>> -> memref<80xi32, #tpu.memory_space<hbm>>
        %dma_wait3A_197 = tpu.memref_slice %arg9[%dma_wait3A_192] : memref<2x!tpu.dma_semaphore, #tpu.memory_space<semaphore_mem>> -> memref<1x!tpu.dma_semaphore, #tpu.memory_space<semaphore_mem>>
        %dma_wait3A_198 = tpu.memref_squeeze %dma_wait3A_197 : memref<1x!tpu.dma_semaphore, #tpu.memory_space<semaphore_mem>> -> memref<!tpu.dma_semaphore, #tpu.memory_space<semaphore_mem>>
        %dma_wait3A_199 = arith.constant 0 : i32
        %dma_wait3A_200 = tpu.memref_slice %arg6[%dma_wait3A_191, %dma_wait3A_199] : memref<2x80xi32, #tpu.memory_space<vmem>> -> memref<1x80xi32, #tpu.memory_space<vmem>>
        %dma_wait3A_201 = tpu.memref_squeeze %dma_wait3A_200 : memref<1x80xi32, #tpu.memory_space<vmem>> -> memref<80xi32, #tpu.memory_space<vmem>>
        %dma_wait3A_202 = tpu.memref_slice %arg3[%add3A_190] : memref<128000xi32, #tpu.memory_space<hbm>> -> memref<80xi32, #tpu.memory_space<hbm>>
        tpu.wait_dma2 semaphore(%dma_wait3A_198 : memref<!tpu.dma_semaphore, #tpu.memory_space<semaphore_mem>>) src(%dma_wait3A_202 : memref<80xi32, #tpu.memory_space<hbm>>) dst(%dma_wait3A_201 : memref<80xi32, #tpu.memory_space<vmem>>)
        %mul3A_203 = arith.constant 80 : i32
        %mul3A_204 = arith.muli %sub3A_187, %mul3A_203 : i32
        %add3A_205 = arith.addi %mul3A_2, %mul3A_204 : i32
        %dma_wait3A_206 = arith.constant 0 : i32
        %dma_wait3A_207 = arith.constant 0 : i32
        %dma_wait3A_208 = arith.constant 0 : i32
        %dma_wait3A_209 = arith.constant 0 : i32
        %dma_wait3A_210 = tpu.memref_slice %arg7[%dma_wait3A_206, %dma_wait3A_208, %dma_wait3A_209] : memref<2x80x128xf32, #tpu.memory_space<vmem>> -> memref<1x80x128xf32, #tpu.memory_space<vmem>>
        %dma_wait3A_211 = tpu.memref_squeeze %dma_wait3A_210 : memref<1x80x128xf32, #tpu.memory_space<vmem>> -> memref<80x128xf32, #tpu.memory_space<vmem>>
        %dma_wait3A_212 = arith.constant 0 : i32
        %dma_wait3A_213 = tpu.memref_slice %arg2[%add3A_205, %dma_wait3A_212] : memref<128000x128xf32, #tpu.memory_space<hbm>> -> memref<80x128xf32, #tpu.memory_space<hbm>>
        %dma_wait3A_214 = tpu.memref_slice %arg10[%dma_wait3A_207] : memref<2x!tpu.dma_semaphore, #tpu.memory_space<semaphore_mem>> -> memref<1x!tpu.dma_semaphore, #tpu.memory_space<semaphore_mem>>
        %dma_wait3A_215 = tpu.memref_squeeze %dma_wait3A_214 : memref<1x!tpu.dma_semaphore, #tpu.memory_space<semaphore_mem>> -> memref<!tpu.dma_semaphore, #tpu.memory_space<semaphore_mem>>
        %dma_wait3A_216 = arith.constant 0 : i32
        %dma_wait3A_217 = arith.constant 0 : i32
        %dma_wait3A_218 = tpu.memref_slice %arg7[%dma_wait3A_206, %dma_wait3A_216, %dma_wait3A_217] : memref<2x80x128xf32, #tpu.memory_space<vmem>> -> memref<1x80x128xf32, #tpu.memory_space<vmem>>
        %dma_wait3A_219 = tpu.memref_squeeze %dma_wait3A_218 : memref<1x80x128xf32, #tpu.memory_space<vmem>> -> memref<80x128xf32, #tpu.memory_space<vmem>>
        %dma_wait3A_220 = arith.constant 0 : i32
        %dma_wait3A_221 = tpu.memref_slice %arg2[%add3A_205, %dma_wait3A_220] : memref<128000x128xf32, #tpu.memory_space<hbm>> -> memref<80x128xf32, #tpu.memory_space<hbm>>
        tpu.wait_dma2 semaphore(%dma_wait3A_215 : memref<!tpu.dma_semaphore, #tpu.memory_space<semaphore_mem>>) src(%dma_wait3A_221 : memref<80x128xf32, #tpu.memory_space<hbm>>) dst(%dma_wait3A_219 : memref<80x128xf32, #tpu.memory_space<vmem>>)
        %dma_start3A_222 = arith.constant 0 : i32
        %dma_start3A_223 = arith.constant 0 : i32
        %dma_start3A_224 = arith.constant 0 : i32
        %dma_start3A_225 = arith.constant 0 : i32
        %dma_start3A_226 = arith.constant 0 : i32
        %dma_start3A_227 = tpu.memref_slice %arg7[%dma_start3A_222, %dma_start3A_225, %dma_start3A_226] : memref<2x80x128xf32, #tpu.memory_space<vmem>> -> memref<1x80x128xf32, #tpu.memory_space<vmem>>
        %dma_start3A_228 = tpu.memref_squeeze %dma_start3A_227 : memref<1x80x128xf32, #tpu.memory_space<vmem>> -> memref<80x128xf32, #tpu.memory_space<vmem>>
        %dma_start3A_229 = arith.constant 0 : i32
        %dma_start3A_230 = tpu.memref_slice %arg6[%dma_start3A_223, %dma_start3A_229] : memref<2x80xi32, #tpu.memory_space<vmem>> -> memref<1x80xi32, #tpu.memory_space<vmem>>
        %dma_start3A_231 = tpu.memref_squeeze %dma_start3A_230 : memref<1x80xi32, #tpu.memory_space<vmem>> -> memref<80xi32, #tpu.memory_space<vmem>>
        %dma_start3A_232 = arith.constant 0 : i32
        %dma_start3A_233 = arith.constant 0 : i32
        %dma_start3A_234 = tpu.memref_slice %arg8[%dma_start3A_232, %dma_start3A_233] : memref<10112x128xf32, #tpu.memory_space<vmem_shared>> -> memref<10112x128xf32, #tpu.memory_space<vmem_shared>>
        %dma_start3A_235 = tpu.memref_slice %arg11[%dma_start3A_224] : memref<2x!tpu.dma_semaphore, #tpu.memory_space<semaphore_mem>> -> memref<1x!tpu.dma_semaphore, #tpu.memory_space<semaphore_mem>>
        %dma_start3A_236 = tpu.memref_squeeze %dma_start3A_235 : memref<1x!tpu.dma_semaphore, #tpu.memory_space<semaphore_mem>> -> memref<!tpu.dma_semaphore, #tpu.memory_space<semaphore_mem>>
        tpu.enqueue_indirect_dma source(%dma_start3A_228 : memref<80x128xf32, #tpu.memory_space<vmem>>) target(%dma_start3A_234 : memref<10112x128xf32, #tpu.memory_space<vmem_shared>>) offsets(%dma_start3A_231 : memref<80xi32, #tpu.memory_space<vmem>>) semaphore(%dma_start3A_236 : memref<!tpu.dma_semaphore, #tpu.memory_space<semaphore_mem>>) {add = true}
      } else {
      }
      %ge3A_148 = arith.constant 2 : i32
      %ge3A_149 = arith.cmpi sge, %add3A_142, %ge3A_148 : i32
      %convert_element_type3A_150 = arith.extui %ge3A_149 : i1 to i32
      %cond3A_151 = arith.constant 0 : i32
      %cond3A_152 = arith.cmpi ne, %convert_element_type3A_150, %cond3A_151 : i32
      scf.if %cond3A_152 {
        %dma_wait3A_187 = arith.constant 1 : i32
        %dma_wait3A_188 = arith.constant 1 : i32
        %dma_wait3A_189 = arith.constant 1 : i32
        %dma_wait3A_190 = arith.constant 0 : i32
        %dma_wait3A_191 = arith.constant 0 : i32
        %dma_wait3A_192 = tpu.memref_slice %arg7[%dma_wait3A_187, %dma_wait3A_190, %dma_wait3A_191] : memref<2x80x128xf32, #tpu.memory_space<vmem>> -> memref<1x80x128xf32, #tpu.memory_space<vmem>>
        %dma_wait3A_193 = tpu.memref_squeeze %dma_wait3A_192 : memref<1x80x128xf32, #tpu.memory_space<vmem>> -> memref<80x128xf32, #tpu.memory_space<vmem>>
        %dma_wait3A_194 = arith.constant 0 : i32
        %dma_wait3A_195 = tpu.memref_slice %arg6[%dma_wait3A_188, %dma_wait3A_194] : memref<2x80xi32, #tpu.memory_space<vmem>> -> memref<1x80xi32, #tpu.memory_space<vmem>>
        %dma_wait3A_196 = tpu.memref_squeeze %dma_wait3A_195 : memref<1x80xi32, #tpu.memory_space<vmem>> -> memref<80xi32, #tpu.memory_space<vmem>>
        %dma_wait3A_197 = arith.constant 0 : i32
        %dma_wait3A_198 = arith.constant 0 : i32
        %dma_wait3A_199 = tpu.memref_slice %arg8[%dma_wait3A_197, %dma_wait3A_198] : memref<10112x128xf32, #tpu.memory_space<vmem_shared>> -> memref<10112x128xf32, #tpu.memory_space<vmem_shared>>
        %dma_wait3A_200 = tpu.memref_slice %arg11[%dma_wait3A_189] : memref<2x!tpu.dma_semaphore, #tpu.memory_space<semaphore_mem>> -> memref<1x!tpu.dma_semaphore, #tpu.memory_space<semaphore_mem>>
        %dma_wait3A_201 = tpu.memref_squeeze %dma_wait3A_200 : memref<1x!tpu.dma_semaphore, #tpu.memory_space<semaphore_mem>> -> memref<!tpu.dma_semaphore, #tpu.memory_space<semaphore_mem>>
        tpu.wait_indirect_dma semaphore(%dma_wait3A_201 : memref<!tpu.dma_semaphore, #tpu.memory_space<semaphore_mem>>) src(%dma_wait3A_193 : memref<80x128xf32, #tpu.memory_space<vmem>>) dst(%dma_wait3A_199 : memref<10112x128xf32, #tpu.memory_space<vmem_shared>>)
      } else {
      }
      %mul3A_153 = arith.constant 80 : i32
      %mul3A_154 = arith.muli %add3A_142, %mul3A_153 : i32
      %add3A_155 = arith.addi %mul3A_2, %mul3A_154 : i32
      %dma_start3A_156 = arith.constant 1 : i32
      %dma_start3A_157 = arith.constant 1 : i32
      %dma_start3A_158 = arith.constant 0 : i32
      %dma_start3A_159 = tpu.memref_slice %arg6[%dma_start3A_156, %dma_start3A_158] : memref<2x80xi32, #tpu.memory_space<vmem>> -> memref<1x80xi32, #tpu.memory_space<vmem>>
      %dma_start3A_160 = tpu.memref_squeeze %dma_start3A_159 : memref<1x80xi32, #tpu.memory_space<vmem>> -> memref<80xi32, #tpu.memory_space<vmem>>
      %dma_start3A_161 = tpu.memref_slice %arg3[%add3A_155] : memref<128000xi32, #tpu.memory_space<hbm>> -> memref<80xi32, #tpu.memory_space<hbm>>
      %dma_start3A_162 = tpu.memref_slice %arg9[%dma_start3A_157] : memref<2x!tpu.dma_semaphore, #tpu.memory_space<semaphore_mem>> -> memref<1x!tpu.dma_semaphore, #tpu.memory_space<semaphore_mem>>
      %dma_start3A_163 = tpu.memref_squeeze %dma_start3A_162 : memref<1x!tpu.dma_semaphore, #tpu.memory_space<semaphore_mem>> -> memref<!tpu.dma_semaphore, #tpu.memory_space<semaphore_mem>>
      %dma_start3A_164 = arith.constant 0 : i32
      %dma_start3A_165 = tpu.memref_slice %arg6[%dma_start3A_156, %dma_start3A_164] : memref<2x80xi32, #tpu.memory_space<vmem>> -> memref<1x80xi32, #tpu.memory_space<vmem>>
      %dma_start3A_166 = tpu.memref_squeeze %dma_start3A_165 : memref<1x80xi32, #tpu.memory_space<vmem>> -> memref<80xi32, #tpu.memory_space<vmem>>
      %dma_start3A_167 = tpu.memref_slice %arg3[%add3A_155] : memref<128000xi32, #tpu.memory_space<hbm>> -> memref<80xi32, #tpu.memory_space<hbm>>
      tpu.enqueue_dma source(%dma_start3A_167 : memref<80xi32, #tpu.memory_space<hbm>>) target(%dma_start3A_166 : memref<80xi32, #tpu.memory_space<vmem>>) target_semaphore(%dma_start3A_163 : memref<!tpu.dma_semaphore, #tpu.memory_space<semaphore_mem>>)
      %mul3A_168 = arith.constant 80 : i32
      %mul3A_169 = arith.muli %add3A_142, %mul3A_168 : i32
      %add3A_170 = arith.addi %mul3A_2, %mul3A_169 : i32
      %dma_start3A_171 = arith.constant 1 : i32
      %dma_start3A_172 = arith.constant 1 : i32
      %dma_start3A_173 = arith.constant 0 : i32
      %dma_start3A_174 = arith.constant 0 : i32
      %dma_start3A_175 = tpu.memref_slice %arg7[%dma_start3A_171, %dma_start3A_173, %dma_start3A_174] : memref<2x80x128xf32, #tpu.memory_space<vmem>> -> memref<1x80x128xf32, #tpu.memory_space<vmem>>
      %dma_start3A_176 = tpu.memref_squeeze %dma_start3A_175 : memref<1x80x128xf32, #tpu.memory_space<vmem>> -> memref<80x128xf32, #tpu.memory_space<vmem>>
      %dma_start3A_177 = arith.constant 0 : i32
      %dma_start3A_178 = tpu.memref_slice %arg2[%add3A_170, %dma_start3A_177] : memref<128000x128xf32, #tpu.memory_space<hbm>> -> memref<80x128xf32, #tpu.memory_space<hbm>>
      %dma_start3A_179 = tpu.memref_slice %arg10[%dma_start3A_172] : memref<2x!tpu.dma_semaphore, #tpu.memory_space<semaphore_mem>> -> memref<1x!tpu.dma_semaphore, #tpu.memory_space<semaphore_mem>>
      %dma_start3A_180 = tpu.memref_squeeze %dma_start3A_179 : memref<1x!tpu.dma_semaphore, #tpu.memory_space<semaphore_mem>> -> memref<!tpu.dma_semaphore, #tpu.memory_space<semaphore_mem>>
      %dma_start3A_181 = arith.constant 0 : i32
      %dma_start3A_182 = arith.constant 0 : i32
      %dma_start3A_183 = tpu.memref_slice %arg7[%dma_start3A_171, %dma_start3A_181, %dma_start3A_182] : memref<2x80x128xf32, #tpu.memory_space<vmem>> -> memref<1x80x128xf32, #tpu.memory_space<vmem>>
      %dma_start3A_184 = tpu.memref_squeeze %dma_start3A_183 : memref<1x80x128xf32, #tpu.memory_space<vmem>> -> memref<80x128xf32, #tpu.memory_space<vmem>>
      %dma_start3A_185 = arith.constant 0 : i32
      %dma_start3A_186 = tpu.memref_slice %arg2[%add3A_170, %dma_start3A_185] : memref<128000x128xf32, #tpu.memory_space<hbm>> -> memref<80x128xf32, #tpu.memory_space<hbm>>
      tpu.enqueue_dma source(%dma_start3A_186 : memref<80x128xf32, #tpu.memory_space<hbm>>) target(%dma_start3A_184 : memref<80x128xf32, #tpu.memory_space<vmem>>) target_semaphore(%dma_start3A_180 : memref<!tpu.dma_semaphore, #tpu.memory_space<semaphore_mem>>)
    }
    %scan3A_9 = arith.constant 25 : i32
    %add3A_10 = arith.constant 3920 : i32
    %add3A_11 = arith.addi %mul3A_2, %add3A_10 : i32
    %dma_wait3A = arith.constant 1 : i32
    %dma_wait3A_12 = arith.constant 1 : i32
    %dma_wait3A_13 = arith.constant 0 : i32
    %dma_wait3A_14 = tpu.memref_slice %arg6[%dma_wait3A, %dma_wait3A_13] : memref<2x80xi32, #tpu.memory_space<vmem>> -> memref<1x80xi32, #tpu.memory_space<vmem>>
    %dma_wait3A_15 = tpu.memref_squeeze %dma_wait3A_14 : memref<1x80xi32, #tpu.memory_space<vmem>> -> memref<80xi32, #tpu.memory_space<vmem>>
    %dma_wait3A_16 = tpu.memref_slice %arg3[%add3A_11] : memref<128000xi32, #tpu.memory_space<hbm>> -> memref<80xi32, #tpu.memory_space<hbm>>
    %dma_wait3A_17 = tpu.memref_slice %arg9[%dma_wait3A_12] : memref<2x!tpu.dma_semaphore, #tpu.memory_space<semaphore_mem>> -> memref<1x!tpu.dma_semaphore, #tpu.memory_space<semaphore_mem>>
    %dma_wait3A_18 = tpu.memref_squeeze %dma_wait3A_17 : memref<1x!tpu.dma_semaphore, #tpu.memory_space<semaphore_mem>> -> memref<!tpu.dma_semaphore, #tpu.memory_space<semaphore_mem>>
    %dma_wait3A_19 = arith.constant 0 : i32
    %dma_wait3A_20 = tpu.memref_slice %arg6[%dma_wait3A, %dma_wait3A_19] : memref<2x80xi32, #tpu.memory_space<vmem>> -> memref<1x80xi32, #tpu.memory_space<vmem>>
    %dma_wait3A_21 = tpu.memref_squeeze %dma_wait3A_20 : memref<1x80xi32, #tpu.memory_space<vmem>> -> memref<80xi32, #tpu.memory_space<vmem>>
    %dma_wait3A_22 = tpu.memref_slice %arg3[%add3A_11] : memref<128000xi32, #tpu.memory_space<hbm>> -> memref<80xi32, #tpu.memory_space<hbm>>
    tpu.wait_dma2 semaphore(%dma_wait3A_18 : memref<!tpu.dma_semaphore, #tpu.memory_space<semaphore_mem>>) src(%dma_wait3A_22 : memref<80xi32, #tpu.memory_space<hbm>>) dst(%dma_wait3A_21 : memref<80xi32, #tpu.memory_space<vmem>>)
    %add3A_23 = arith.constant 3920 : i32
    %add3A_24 = arith.addi %mul3A_2, %add3A_23 : i32
    %dma_wait3A_25 = arith.constant 1 : i32
    %dma_wait3A_26 = arith.constant 1 : i32
    %dma_wait3A_27 = arith.constant 0 : i32
    %dma_wait3A_28 = arith.constant 0 : i32
    %dma_wait3A_29 = tpu.memref_slice %arg7[%dma_wait3A_25, %dma_wait3A_27, %dma_wait3A_28] : memref<2x80x128xf32, #tpu.memory_space<vmem>> -> memref<1x80x128xf32, #tpu.memory_space<vmem>>
    %dma_wait3A_30 = tpu.memref_squeeze %dma_wait3A_29 : memref<1x80x128xf32, #tpu.memory_space<vmem>> -> memref<80x128xf32, #tpu.memory_space<vmem>>
    %dma_wait3A_31 = arith.constant 0 : i32
    %dma_wait3A_32 = tpu.memref_slice %arg2[%add3A_24, %dma_wait3A_31] : memref<128000x128xf32, #tpu.memory_space<hbm>> -> memref<80x128xf32, #tpu.memory_space<hbm>>
    %dma_wait3A_33 = tpu.memref_slice %arg10[%dma_wait3A_26] : memref<2x!tpu.dma_semaphore, #tpu.memory_space<semaphore_mem>> -> memref<1x!tpu.dma_semaphore, #tpu.memory_space<semaphore_mem>>
    %dma_wait3A_34 = tpu.memref_squeeze %dma_wait3A_33 : memref<1x!tpu.dma_semaphore, #tpu.memory_space<semaphore_mem>> -> memref<!tpu.dma_semaphore, #tpu.memory_space<semaphore_mem>>
    %dma_wait3A_35 = arith.constant 0 : i32
    %dma_wait3A_36 = arith.constant 0 : i32
    %dma_wait3A_37 = tpu.memref_slice %arg7[%dma_wait3A_25, %dma_wait3A_35, %dma_wait3A_36] : memref<2x80x128xf32, #tpu.memory_space<vmem>> -> memref<1x80x128xf32, #tpu.memory_space<vmem>>
    %dma_wait3A_38 = tpu.memref_squeeze %dma_wait3A_37 : memref<1x80x128xf32, #tpu.memory_space<vmem>> -> memref<80x128xf32, #tpu.memory_space<vmem>>
    %dma_wait3A_39 = arith.constant 0 : i32
    %dma_wait3A_40 = tpu.memref_slice %arg2[%add3A_24, %dma_wait3A_39] : memref<128000x128xf32, #tpu.memory_space<hbm>> -> memref<80x128xf32, #tpu.memory_space<hbm>>
    tpu.wait_dma2 semaphore(%dma_wait3A_34 : memref<!tpu.dma_semaphore, #tpu.memory_space<semaphore_mem>>) src(%dma_wait3A_40 : memref<80x128xf32, #tpu.memory_space<hbm>>) dst(%dma_wait3A_38 : memref<80x128xf32, #tpu.memory_space<vmem>>)
    %dma_start3A = arith.constant 1 : i32
    %dma_start3A_41 = arith.constant 1 : i32
    %dma_start3A_42 = arith.constant 1 : i32
    %dma_start3A_43 = arith.constant 0 : i32
    %dma_start3A_44 = arith.constant 0 : i32
    %dma_start3A_45 = tpu.memref_slice %arg7[%dma_start3A, %dma_start3A_43, %dma_start3A_44] : memref<2x80x128xf32, #tpu.memory_space<vmem>> -> memref<1x80x128xf32, #tpu.memory_space<vmem>>
    %dma_start3A_46 = tpu.memref_squeeze %dma_start3A_45 : memref<1x80x128xf32, #tpu.memory_space<vmem>> -> memref<80x128xf32, #tpu.memory_space<vmem>>
    %dma_start3A_47 = arith.constant 0 : i32
    %dma_start3A_48 = tpu.memref_slice %arg6[%dma_start3A_41, %dma_start3A_47] : memref<2x80xi32, #tpu.memory_space<vmem>> -> memref<1x80xi32, #tpu.memory_space<vmem>>
    %dma_start3A_49 = tpu.memref_squeeze %dma_start3A_48 : memref<1x80xi32, #tpu.memory_space<vmem>> -> memref<80xi32, #tpu.memory_space<vmem>>
    %dma_start3A_50 = arith.constant 0 : i32
    %dma_start3A_51 = arith.constant 0 : i32
    %dma_start3A_52 = tpu.memref_slice %arg8[%dma_start3A_50, %dma_start3A_51] : memref<10112x128xf32, #tpu.memory_space<vmem_shared>> -> memref<10112x128xf32, #tpu.memory_space<vmem_shared>>
    %dma_start3A_53 = tpu.memref_slice %arg11[%dma_start3A_42] : memref<2x!tpu.dma_semaphore, #tpu.memory_space<semaphore_mem>> -> memref<1x!tpu.dma_semaphore, #tpu.memory_space<semaphore_mem>>
    %dma_start3A_54 = tpu.memref_squeeze %dma_start3A_53 : memref<1x!tpu.dma_semaphore, #tpu.memory_space<semaphore_mem>> -> memref<!tpu.dma_semaphore, #tpu.memory_space<semaphore_mem>>
    tpu.enqueue_indirect_dma source(%dma_start3A_46 : memref<80x128xf32, #tpu.memory_space<vmem>>) target(%dma_start3A_52 : memref<10112x128xf32, #tpu.memory_space<vmem_shared>>) offsets(%dma_start3A_49 : memref<80xi32, #tpu.memory_space<vmem>>) semaphore(%dma_start3A_54 : memref<!tpu.dma_semaphore, #tpu.memory_space<semaphore_mem>>) {add = true}
    %dma_wait3A_55 = arith.constant 0 : i32
    %dma_wait3A_56 = arith.constant 0 : i32
    %dma_wait3A_57 = arith.constant 0 : i32
    %dma_wait3A_58 = arith.constant 0 : i32
    %dma_wait3A_59 = arith.constant 0 : i32
    %dma_wait3A_60 = tpu.memref_slice %arg7[%dma_wait3A_55, %dma_wait3A_58, %dma_wait3A_59] : memref<2x80x128xf32, #tpu.memory_space<vmem>> -> memref<1x80x128xf32, #tpu.memory_space<vmem>>
    %dma_wait3A_61 = tpu.memref_squeeze %dma_wait3A_60 : memref<1x80x128xf32, #tpu.memory_space<vmem>> -> memref<80x128xf32, #tpu.memory_space<vmem>>
    %dma_wait3A_62 = arith.constant 0 : i32
    %dma_wait3A_63 = tpu.memref_slice %arg6[%dma_wait3A_56, %dma_wait3A_62] : memref<2x80xi32, #tpu.memory_space<vmem>> -> memref<1x80xi32, #tpu.memory_space<vmem>>
    %dma_wait3A_64 = tpu.memref_squeeze %dma_wait3A_63 : memref<1x80xi32, #tpu.memory_space<vmem>> -> memref<80xi32, #tpu.memory_space<vmem>>
    %dma_wait3A_65 = arith.constant 0 : i32
    %dma_wait3A_66 = arith.constant 0 : i32
    %dma_wait3A_67 = tpu.memref_slice %arg8[%dma_wait3A_65, %dma_wait3A_66] : memref<10112x128xf32, #tpu.memory_space<vmem_shared>> -> memref<10112x128xf32, #tpu.memory_space<vmem_shared>>
    %dma_wait3A_68 = tpu.memref_slice %arg11[%dma_wait3A_57] : memref<2x!tpu.dma_semaphore, #tpu.memory_space<semaphore_mem>> -> memref<1x!tpu.dma_semaphore, #tpu.memory_space<semaphore_mem>>
    %dma_wait3A_69 = tpu.memref_squeeze %dma_wait3A_68 : memref<1x!tpu.dma_semaphore, #tpu.memory_space<semaphore_mem>> -> memref<!tpu.dma_semaphore, #tpu.memory_space<semaphore_mem>>
    tpu.wait_indirect_dma semaphore(%dma_wait3A_69 : memref<!tpu.dma_semaphore, #tpu.memory_space<semaphore_mem>>) src(%dma_wait3A_61 : memref<80x128xf32, #tpu.memory_space<vmem>>) dst(%dma_wait3A_67 : memref<10112x128xf32, #tpu.memory_space<vmem_shared>>)
    %dma_wait3A_70 = arith.constant 1 : i32
    %dma_wait3A_71 = arith.constant 1 : i32
    %dma_wait3A_72 = arith.constant 1 : i32
    %dma_wait3A_73 = arith.constant 0 : i32
    %dma_wait3A_74 = arith.constant 0 : i32
    %dma_wait3A_75 = tpu.memref_slice %arg7[%dma_wait3A_70, %dma_wait3A_73, %dma_wait3A_74] : memref<2x80x128xf32, #tpu.memory_space<vmem>> -> memref<1x80x128xf32, #tpu.memory_space<vmem>>
    %dma_wait3A_76 = tpu.memref_squeeze %dma_wait3A_75 : memref<1x80x128xf32, #tpu.memory_space<vmem>> -> memref<80x128xf32, #tpu.memory_space<vmem>>
    %dma_wait3A_77 = arith.constant 0 : i32
    %dma_wait3A_78 = tpu.memref_slice %arg6[%dma_wait3A_71, %dma_wait3A_77] : memref<2x80xi32, #tpu.memory_space<vmem>> -> memref<1x80xi32, #tpu.memory_space<vmem>>
    %dma_wait3A_79 = tpu.memref_squeeze %dma_wait3A_78 : memref<1x80xi32, #tpu.memory_space<vmem>> -> memref<80xi32, #tpu.memory_space<vmem>>
    %dma_wait3A_80 = arith.constant 0 : i32
    %dma_wait3A_81 = arith.constant 0 : i32
    %dma_wait3A_82 = tpu.memref_slice %arg8[%dma_wait3A_80, %dma_wait3A_81] : memref<10112x128xf32, #tpu.memory_space<vmem_shared>> -> memref<10112x128xf32, #tpu.memory_space<vmem_shared>>
    %dma_wait3A_83 = tpu.memref_slice %arg11[%dma_wait3A_72] : memref<2x!tpu.dma_semaphore, #tpu.memory_space<semaphore_mem>> -> memref<1x!tpu.dma_semaphore, #tpu.memory_space<semaphore_mem>>
    %dma_wait3A_84 = tpu.memref_squeeze %dma_wait3A_83 : memref<1x!tpu.dma_semaphore, #tpu.memory_space<semaphore_mem>> -> memref<!tpu.dma_semaphore, #tpu.memory_space<semaphore_mem>>
    tpu.wait_indirect_dma semaphore(%dma_wait3A_84 : memref<!tpu.dma_semaphore, #tpu.memory_space<semaphore_mem>>) src(%dma_wait3A_76 : memref<80x128xf32, #tpu.memory_space<vmem>>) dst(%dma_wait3A_82 : memref<10112x128xf32, #tpu.memory_space<vmem_shared>>)
    %barrier3A_85 = arith.constant 0 : index
    tpu.barrier barrier_id(%barrier3A_85)
    %mul3A_86 = arith.constant 632 : i32
    %mul3A_87 = arith.muli %arg1, %mul3A_86 : i32
    %mul3A_88 = arith.constant 10112 : i32
    %mul3A_89 = arith.muli %arg0, %mul3A_88 : i32
    %mul3A_90 = arith.constant 632 : i32
    %mul3A_91 = arith.muli %arg1, %mul3A_90 : i32
    %add3A_92 = arith.addi %mul3A_89, %mul3A_91 : i32
    "tpu.region"() ({
      %run_scoped3A = tpu.sem_alloc : memref<!tpu.dma_semaphore, #tpu.memory_space<semaphore_mem>>
      %dma_start3A_93 = arith.constant 0 : i32
      %dma_start3A_94 = tpu.memref_slice %arg5[%add3A_92, %dma_start3A_93] : memref<20224x128xf32, #tpu.memory_space<hbm>> -> memref<632x128xf32, #tpu.memory_space<hbm>>
      %dma_start3A_95 = arith.constant 0 : i32
      %dma_start3A_96 = tpu.memref_slice %arg8[%mul3A_87, %dma_start3A_95] : memref<10112x128xf32, #tpu.memory_space<vmem_shared>> -> memref<632x128xf32, #tpu.memory_space<vmem_shared>>
      tpu.enqueue_dma source(%dma_start3A_96 : memref<632x128xf32, #tpu.memory_space<vmem_shared>>) target(%dma_start3A_94 : memref<632x128xf32, #tpu.memory_space<hbm>>) target_semaphore(%run_scoped3A : memref<!tpu.dma_semaphore, #tpu.memory_space<semaphore_mem>>)
      %dma_wait3A_97 = arith.constant 0 : i32
      %dma_wait3A_98 = tpu.memref_slice %arg5[%add3A_92, %dma_wait3A_97] : memref<20224x128xf32, #tpu.memory_space<hbm>> -> memref<632x128xf32, #tpu.memory_space<hbm>>
      %dma_wait3A_99 = arith.constant 0 : i32
      %dma_wait3A_100 = tpu.memref_slice %arg8[%mul3A_87, %dma_wait3A_99] : memref<10112x128xf32, #tpu.memory_space<vmem_shared>> -> memref<632x128xf32, #tpu.memory_space<vmem_shared>>
      tpu.wait_dma2 semaphore(%run_scoped3A : memref<!tpu.dma_semaphore, #tpu.memory_space<semaphore_mem>>) src(%dma_wait3A_100 : memref<632x128xf32, #tpu.memory_space<vmem_shared>>) dst(%dma_wait3A_98 : memref<632x128xf32, #tpu.memory_space<hbm>>)
      tpu.yield
    }) : () -> ()
    return
  }
}

#map = affine_map<(d0, d1) -> (0, 0)>
#map1 = affine_map<(d0, d1) -> (0)>
module attributes {stable_mosaic.version = 14 : i64} {
  func.func @seg_sum(%arg0: i32, %arg1: i32, %arg2: memref<192000x128xf32, #tpu.memory_space<hbm>>, %arg3: memref<192000xi32, #tpu.memory_space<hbm>>, %arg4: memref<632x128xf32, #tpu.memory_space<hbm>>, %arg5: memref<20224x128xf32, #tpu.memory_space<hbm>>, %arg6: memref<3x80xi32, #tpu.memory_space<vmem>>, %arg7: memref<3x80x128xf32, #tpu.memory_space<vmem>>, %arg8: memref<10112x128xf32, #tpu.memory_space<vmem_shared>>, %arg9: memref<3x!tpu.dma_semaphore, #tpu.memory_space<semaphore_mem>>, %arg10: memref<3x!tpu.dma_semaphore, #tpu.memory_space<semaphore_mem>>, %arg11: memref<3x!tpu.dma_semaphore, #tpu.memory_space<semaphore_mem>>) attributes {dimension_semantics = [#tpu.dimension_semantics<core_parallel>, #tpu.dimension_semantics<subcore_parallel>], iteration_bounds = array<i64: 2, 16>, scalar_prefetch = 0 : i64, scratch_operands = 6 : i64, tpu.core_type = #tpu.core_type<sc_vector_subcore>, window_params = [{transform_indices = #map}, {transform_indices = #map1}, {transform_indices = #map}, {transform_indices = #map}]} {
    %mul3A = arith.constant 2 : i32
    %mul3A_0 = arith.muli %arg1, %mul3A : i32
    %add3A = arith.addi %mul3A_0, %arg0 : i32
    %mul3A_1 = arith.constant 6000 : i32
    %mul3A_2 = arith.muli %add3A, %mul3A_1 : i32
    %mul3A_3 = arith.constant 632 : i32
    %mul3A_4 = arith.muli %arg1, %mul3A_3 : i32
    "tpu.region"() ({
      %run_scoped3A = tpu.sem_alloc : memref<!tpu.dma_semaphore, #tpu.memory_space<semaphore_mem>>
      %dma_start3A_108 = arith.constant 0 : i32
      %dma_start3A_109 = tpu.memref_slice %arg8[%mul3A_4, %dma_start3A_108] : memref<10112x128xf32, #tpu.memory_space<vmem_shared>> -> memref<632x128xf32, #tpu.memory_space<vmem_shared>>
      tpu.enqueue_dma source(%arg4 : memref<632x128xf32, #tpu.memory_space<hbm>>) target(%dma_start3A_109 : memref<632x128xf32, #tpu.memory_space<vmem_shared>>) target_semaphore(%run_scoped3A : memref<!tpu.dma_semaphore, #tpu.memory_space<semaphore_mem>>)
      %dma_wait3A_110 = arith.constant 0 : i32
      %dma_wait3A_111 = tpu.memref_slice %arg8[%mul3A_4, %dma_wait3A_110] : memref<10112x128xf32, #tpu.memory_space<vmem_shared>> -> memref<632x128xf32, #tpu.memory_space<vmem_shared>>
      tpu.wait_dma2 semaphore(%run_scoped3A : memref<!tpu.dma_semaphore, #tpu.memory_space<semaphore_mem>>) src(%arg4 : memref<632x128xf32, #tpu.memory_space<hbm>>) dst(%dma_wait3A_111 : memref<632x128xf32, #tpu.memory_space<vmem_shared>>)
      tpu.yield
    }) : () -> ()
    %barrier3A = arith.constant 0 : index
    tpu.barrier barrier_id(%barrier3A)
    %scan3A = arith.constant 0 : i32
    %scan3A_5 = arith.constant 0 : i32
    %scan3A_6 = arith.constant 25 : i32
    %scan3A_7 = arith.addi %scan3A_5, %scan3A_6 : i32
    %scan3A_8 = arith.constant 1 : i32
    scf.for %scan3A_108 = %scan3A_5 to %scan3A_7 step %scan3A_8  : i32 {
      %mul3A_109 = arith.constant 3 : i32
      %mul3A_110 = arith.muli %scan3A_108, %mul3A_109 : i32
      %add3A_111 = arith.constant 0 : i32
      %add3A_112 = arith.addi %mul3A_110, %add3A_111 : i32
      %ge3A = arith.constant 1 : i32
      %ge3A_113 = arith.cmpi sge, %add3A_112, %ge3A : i32
      %convert_element_type3A = arith.extui %ge3A_113 : i1 to i32
      %cond3A = arith.constant 0 : i32
      %cond3A_114 = arith.cmpi ne, %convert_element_type3A, %cond3A : i32
      scf.if %cond3A_114 {
        %sub3A = arith.constant 1 : i32
        %sub3A_250 = arith.subi %add3A_112, %sub3A : i32
        %mul3A_251 = arith.constant 80 : i32
        %mul3A_252 = arith.muli %sub3A_250, %mul3A_251 : i32
        %add3A_253 = arith.addi %mul3A_2, %mul3A_252 : i32
        %dma_wait3A_254 = arith.constant 2 : i32
        %dma_wait3A_255 = arith.constant 2 : i32
        %dma_wait3A_256 = arith.constant 0 : i32
        %dma_wait3A_257 = tpu.memref_slice %arg6[%dma_wait3A_254, %dma_wait3A_256] : memref<3x80xi32, #tpu.memory_space<vmem>> -> memref<1x80xi32, #tpu.memory_space<vmem>>
        %dma_wait3A_258 = tpu.memref_squeeze %dma_wait3A_257 : memref<1x80xi32, #tpu.memory_space<vmem>> -> memref<80xi32, #tpu.memory_space<vmem>>
        %dma_wait3A_259 = tpu.memref_slice %arg3[%add3A_253] : memref<192000xi32, #tpu.memory_space<hbm>> -> memref<80xi32, #tpu.memory_space<hbm>>
        %dma_wait3A_260 = tpu.memref_slice %arg9[%dma_wait3A_255] : memref<3x!tpu.dma_semaphore, #tpu.memory_space<semaphore_mem>> -> memref<1x!tpu.dma_semaphore, #tpu.memory_space<semaphore_mem>>
        %dma_wait3A_261 = tpu.memref_squeeze %dma_wait3A_260 : memref<1x!tpu.dma_semaphore, #tpu.memory_space<semaphore_mem>> -> memref<!tpu.dma_semaphore, #tpu.memory_space<semaphore_mem>>
        %dma_wait3A_262 = arith.constant 0 : i32
        %dma_wait3A_263 = tpu.memref_slice %arg6[%dma_wait3A_254, %dma_wait3A_262] : memref<3x80xi32, #tpu.memory_space<vmem>> -> memref<1x80xi32, #tpu.memory_space<vmem>>
        %dma_wait3A_264 = tpu.memref_squeeze %dma_wait3A_263 : memref<1x80xi32, #tpu.memory_space<vmem>> -> memref<80xi32, #tpu.memory_space<vmem>>
        %dma_wait3A_265 = tpu.memref_slice %arg3[%add3A_253] : memref<192000xi32, #tpu.memory_space<hbm>> -> memref<80xi32, #tpu.memory_space<hbm>>
        tpu.wait_dma2 semaphore(%dma_wait3A_261 : memref<!tpu.dma_semaphore, #tpu.memory_space<semaphore_mem>>) src(%dma_wait3A_265 : memref<80xi32, #tpu.memory_space<hbm>>) dst(%dma_wait3A_264 : memref<80xi32, #tpu.memory_space<vmem>>)
        %mul3A_266 = arith.constant 80 : i32
        %mul3A_267 = arith.muli %sub3A_250, %mul3A_266 : i32
        %add3A_268 = arith.addi %mul3A_2, %mul3A_267 : i32
        %dma_wait3A_269 = arith.constant 2 : i32
        %dma_wait3A_270 = arith.constant 2 : i32
        %dma_wait3A_271 = arith.constant 0 : i32
        %dma_wait3A_272 = arith.constant 0 : i32
        %dma_wait3A_273 = tpu.memref_slice %arg7[%dma_wait3A_269, %dma_wait3A_271, %dma_wait3A_272] : memref<3x80x128xf32, #tpu.memory_space<vmem>> -> memref<1x80x128xf32, #tpu.memory_space<vmem>>
        %dma_wait3A_274 = tpu.memref_squeeze %dma_wait3A_273 : memref<1x80x128xf32, #tpu.memory_space<vmem>> -> memref<80x128xf32, #tpu.memory_space<vmem>>
        %dma_wait3A_275 = arith.constant 0 : i32
        %dma_wait3A_276 = tpu.memref_slice %arg2[%add3A_268, %dma_wait3A_275] : memref<192000x128xf32, #tpu.memory_space<hbm>> -> memref<80x128xf32, #tpu.memory_space<hbm>>
        %dma_wait3A_277 = tpu.memref_slice %arg10[%dma_wait3A_270] : memref<3x!tpu.dma_semaphore, #tpu.memory_space<semaphore_mem>> -> memref<1x!tpu.dma_semaphore, #tpu.memory_space<semaphore_mem>>
        %dma_wait3A_278 = tpu.memref_squeeze %dma_wait3A_277 : memref<1x!tpu.dma_semaphore, #tpu.memory_space<semaphore_mem>> -> memref<!tpu.dma_semaphore, #tpu.memory_space<semaphore_mem>>
        %dma_wait3A_279 = arith.constant 0 : i32
        %dma_wait3A_280 = arith.constant 0 : i32
        %dma_wait3A_281 = tpu.memref_slice %arg7[%dma_wait3A_269, %dma_wait3A_279, %dma_wait3A_280] : memref<3x80x128xf32, #tpu.memory_space<vmem>> -> memref<1x80x128xf32, #tpu.memory_space<vmem>>
        %dma_wait3A_282 = tpu.memref_squeeze %dma_wait3A_281 : memref<1x80x128xf32, #tpu.memory_space<vmem>> -> memref<80x128xf32, #tpu.memory_space<vmem>>
        %dma_wait3A_283 = arith.constant 0 : i32
        %dma_wait3A_284 = tpu.memref_slice %arg2[%add3A_268, %dma_wait3A_283] : memref<192000x128xf32, #tpu.memory_space<hbm>> -> memref<80x128xf32, #tpu.memory_space<hbm>>
        tpu.wait_dma2 semaphore(%dma_wait3A_278 : memref<!tpu.dma_semaphore, #tpu.memory_space<semaphore_mem>>) src(%dma_wait3A_284 : memref<80x128xf32, #tpu.memory_space<hbm>>) dst(%dma_wait3A_282 : memref<80x128xf32, #tpu.memory_space<vmem>>)
        %dma_start3A_285 = arith.constant 2 : i32
        %dma_start3A_286 = arith.constant 2 : i32
        %dma_start3A_287 = arith.constant 2 : i32
        %dma_start3A_288 = arith.constant 0 : i32
        %dma_start3A_289 = arith.constant 0 : i32
        %dma_start3A_290 = tpu.memref_slice %arg7[%dma_start3A_285, %dma_start3A_288, %dma_start3A_289] : memref<3x80x128xf32, #tpu.memory_space<vmem>> -> memref<1x80x128xf32, #tpu.memory_space<vmem>>
        %dma_start3A_291 = tpu.memref_squeeze %dma_start3A_290 : memref<1x80x128xf32, #tpu.memory_space<vmem>> -> memref<80x128xf32, #tpu.memory_space<vmem>>
        %dma_start3A_292 = arith.constant 0 : i32
        %dma_start3A_293 = tpu.memref_slice %arg6[%dma_start3A_286, %dma_start3A_292] : memref<3x80xi32, #tpu.memory_space<vmem>> -> memref<1x80xi32, #tpu.memory_space<vmem>>
        %dma_start3A_294 = tpu.memref_squeeze %dma_start3A_293 : memref<1x80xi32, #tpu.memory_space<vmem>> -> memref<80xi32, #tpu.memory_space<vmem>>
        %dma_start3A_295 = arith.constant 0 : i32
        %dma_start3A_296 = arith.constant 0 : i32
        %dma_start3A_297 = tpu.memref_slice %arg8[%dma_start3A_295, %dma_start3A_296] : memref<10112x128xf32, #tpu.memory_space<vmem_shared>> -> memref<10112x128xf32, #tpu.memory_space<vmem_shared>>
        %dma_start3A_298 = tpu.memref_slice %arg11[%dma_start3A_287] : memref<3x!tpu.dma_semaphore, #tpu.memory_space<semaphore_mem>> -> memref<1x!tpu.dma_semaphore, #tpu.memory_space<semaphore_mem>>
        %dma_start3A_299 = tpu.memref_squeeze %dma_start3A_298 : memref<1x!tpu.dma_semaphore, #tpu.memory_space<semaphore_mem>> -> memref<!tpu.dma_semaphore, #tpu.memory_space<semaphore_mem>>
        tpu.enqueue_indirect_dma source(%dma_start3A_291 : memref<80x128xf32, #tpu.memory_space<vmem>>) target(%dma_start3A_297 : memref<10112x128xf32, #tpu.memory_space<vmem_shared>>) offsets(%dma_start3A_294 : memref<80xi32, #tpu.memory_space<vmem>>) semaphore(%dma_start3A_299 : memref<!tpu.dma_semaphore, #tpu.memory_space<semaphore_mem>>) {add = true}
      } else {
      }
      %ge3A_115 = arith.constant 3 : i32
      %ge3A_116 = arith.cmpi sge, %add3A_112, %ge3A_115 : i32
      %convert_element_type3A_117 = arith.extui %ge3A_116 : i1 to i32
      %cond3A_118 = arith.constant 0 : i32
      %cond3A_119 = arith.cmpi ne, %convert_element_type3A_117, %cond3A_118 : i32
      scf.if %cond3A_119 {
        %dma_wait3A_250 = arith.constant 0 : i32
        %dma_wait3A_251 = arith.constant 0 : i32
        %dma_wait3A_252 = arith.constant 0 : i32
        %dma_wait3A_253 = arith.constant 0 : i32
        %dma_wait3A_254 = arith.constant 0 : i32
        %dma_wait3A_255 = tpu.memref_slice %arg7[%dma_wait3A_250, %dma_wait3A_253, %dma_wait3A_254] : memref<3x80x128xf32, #tpu.memory_space<vmem>> -> memref<1x80x128xf32, #tpu.memory_space<vmem>>
        %dma_wait3A_256 = tpu.memref_squeeze %dma_wait3A_255 : memref<1x80x128xf32, #tpu.memory_space<vmem>> -> memref<80x128xf32, #tpu.memory_space<vmem>>
        %dma_wait3A_257 = arith.constant 0 : i32
        %dma_wait3A_258 = tpu.memref_slice %arg6[%dma_wait3A_251, %dma_wait3A_257] : memref<3x80xi32, #tpu.memory_space<vmem>> -> memref<1x80xi32, #tpu.memory_space<vmem>>
        %dma_wait3A_259 = tpu.memref_squeeze %dma_wait3A_258 : memref<1x80xi32, #tpu.memory_space<vmem>> -> memref<80xi32, #tpu.memory_space<vmem>>
        %dma_wait3A_260 = arith.constant 0 : i32
        %dma_wait3A_261 = arith.constant 0 : i32
        %dma_wait3A_262 = tpu.memref_slice %arg8[%dma_wait3A_260, %dma_wait3A_261] : memref<10112x128xf32, #tpu.memory_space<vmem_shared>> -> memref<10112x128xf32, #tpu.memory_space<vmem_shared>>
        %dma_wait3A_263 = tpu.memref_slice %arg11[%dma_wait3A_252] : memref<3x!tpu.dma_semaphore, #tpu.memory_space<semaphore_mem>> -> memref<1x!tpu.dma_semaphore, #tpu.memory_space<semaphore_mem>>
        %dma_wait3A_264 = tpu.memref_squeeze %dma_wait3A_263 : memref<1x!tpu.dma_semaphore, #tpu.memory_space<semaphore_mem>> -> memref<!tpu.dma_semaphore, #tpu.memory_space<semaphore_mem>>
        tpu.wait_indirect_dma semaphore(%dma_wait3A_264 : memref<!tpu.dma_semaphore, #tpu.memory_space<semaphore_mem>>) src(%dma_wait3A_256 : memref<80x128xf32, #tpu.memory_space<vmem>>) dst(%dma_wait3A_262 : memref<10112x128xf32, #tpu.memory_space<vmem_shared>>)
      } else {
      }
      %mul3A_120 = arith.constant 80 : i32
      %mul3A_121 = arith.muli %add3A_112, %mul3A_120 : i32
      %add3A_122 = arith.addi %mul3A_2, %mul3A_121 : i32
      %dma_start3A_123 = arith.constant 0 : i32
      %dma_start3A_124 = arith.constant 0 : i32
      %dma_start3A_125 = arith.constant 0 : i32
      %dma_start3A_126 = tpu.memref_slice %arg6[%dma_start3A_123, %dma_start3A_125] : memref<3x80xi32, #tpu.memory_space<vmem>> -> memref<1x80xi32, #tpu.memory_space<vmem>>
      %dma_start3A_127 = tpu.memref_squeeze %dma_start3A_126 : memref<1x80xi32, #tpu.memory_space<vmem>> -> memref<80xi32, #tpu.memory_space<vmem>>
      %dma_start3A_128 = tpu.memref_slice %arg3[%add3A_122] : memref<192000xi32, #tpu.memory_space<hbm>> -> memref<80xi32, #tpu.memory_space<hbm>>
      %dma_start3A_129 = tpu.memref_slice %arg9[%dma_start3A_124] : memref<3x!tpu.dma_semaphore, #tpu.memory_space<semaphore_mem>> -> memref<1x!tpu.dma_semaphore, #tpu.memory_space<semaphore_mem>>
      %dma_start3A_130 = tpu.memref_squeeze %dma_start3A_129 : memref<1x!tpu.dma_semaphore, #tpu.memory_space<semaphore_mem>> -> memref<!tpu.dma_semaphore, #tpu.memory_space<semaphore_mem>>
      %dma_start3A_131 = arith.constant 0 : i32
      %dma_start3A_132 = tpu.memref_slice %arg6[%dma_start3A_123, %dma_start3A_131] : memref<3x80xi32, #tpu.memory_space<vmem>> -> memref<1x80xi32, #tpu.memory_space<vmem>>
      %dma_start3A_133 = tpu.memref_squeeze %dma_start3A_132 : memref<1x80xi32, #tpu.memory_space<vmem>> -> memref<80xi32, #tpu.memory_space<vmem>>
      %dma_start3A_134 = tpu.memref_slice %arg3[%add3A_122] : memref<192000xi32, #tpu.memory_space<hbm>> -> memref<80xi32, #tpu.memory_space<hbm>>
      tpu.enqueue_dma source(%dma_start3A_134 : memref<80xi32, #tpu.memory_space<hbm>>) target(%dma_start3A_133 : memref<80xi32, #tpu.memory_space<vmem>>) target_semaphore(%dma_start3A_130 : memref<!tpu.dma_semaphore, #tpu.memory_space<semaphore_mem>>)
      %mul3A_135 = arith.constant 80 : i32
      %mul3A_136 = arith.muli %add3A_112, %mul3A_135 : i32
      %add3A_137 = arith.addi %mul3A_2, %mul3A_136 : i32
      %dma_start3A_138 = arith.constant 0 : i32
      %dma_start3A_139 = arith.constant 0 : i32
      %dma_start3A_140 = arith.constant 0 : i32
      %dma_start3A_141 = arith.constant 0 : i32
      %dma_start3A_142 = tpu.memref_slice %arg7[%dma_start3A_138, %dma_start3A_140, %dma_start3A_141] : memref<3x80x128xf32, #tpu.memory_space<vmem>> -> memref<1x80x128xf32, #tpu.memory_space<vmem>>
      %dma_start3A_143 = tpu.memref_squeeze %dma_start3A_142 : memref<1x80x128xf32, #tpu.memory_space<vmem>> -> memref<80x128xf32, #tpu.memory_space<vmem>>
      %dma_start3A_144 = arith.constant 0 : i32
      %dma_start3A_145 = tpu.memref_slice %arg2[%add3A_137, %dma_start3A_144] : memref<192000x128xf32, #tpu.memory_space<hbm>> -> memref<80x128xf32, #tpu.memory_space<hbm>>
      %dma_start3A_146 = tpu.memref_slice %arg10[%dma_start3A_139] : memref<3x!tpu.dma_semaphore, #tpu.memory_space<semaphore_mem>> -> memref<1x!tpu.dma_semaphore, #tpu.memory_space<semaphore_mem>>
      %dma_start3A_147 = tpu.memref_squeeze %dma_start3A_146 : memref<1x!tpu.dma_semaphore, #tpu.memory_space<semaphore_mem>> -> memref<!tpu.dma_semaphore, #tpu.memory_space<semaphore_mem>>
      %dma_start3A_148 = arith.constant 0 : i32
      %dma_start3A_149 = arith.constant 0 : i32
      %dma_start3A_150 = tpu.memref_slice %arg7[%dma_start3A_138, %dma_start3A_148, %dma_start3A_149] : memref<3x80x128xf32, #tpu.memory_space<vmem>> -> memref<1x80x128xf32, #tpu.memory_space<vmem>>
      %dma_start3A_151 = tpu.memref_squeeze %dma_start3A_150 : memref<1x80x128xf32, #tpu.memory_space<vmem>> -> memref<80x128xf32, #tpu.memory_space<vmem>>
      %dma_start3A_152 = arith.constant 0 : i32
      %dma_start3A_153 = tpu.memref_slice %arg2[%add3A_137, %dma_start3A_152] : memref<192000x128xf32, #tpu.memory_space<hbm>> -> memref<80x128xf32, #tpu.memory_space<hbm>>
      tpu.enqueue_dma source(%dma_start3A_153 : memref<80x128xf32, #tpu.memory_space<hbm>>) target(%dma_start3A_151 : memref<80x128xf32, #tpu.memory_space<vmem>>) target_semaphore(%dma_start3A_147 : memref<!tpu.dma_semaphore, #tpu.memory_space<semaphore_mem>>)
      %mul3A_154 = arith.constant 3 : i32
      %mul3A_155 = arith.muli %scan3A_108, %mul3A_154 : i32
      %add3A_156 = arith.constant 1 : i32
      %add3A_157 = arith.addi %mul3A_155, %add3A_156 : i32
      %ge3A_158 = arith.constant 1 : i32
      %ge3A_159 = arith.cmpi sge, %add3A_157, %ge3A_158 : i32
      %convert_element_type3A_160 = arith.extui %ge3A_159 : i1 to i32
      %cond3A_161 = arith.constant 0 : i32
      %cond3A_162 = arith.cmpi ne, %convert_element_type3A_160, %cond3A_161 : i32
      scf.if %cond3A_162 {
        %sub3A = arith.constant 1 : i32
        %sub3A_250 = arith.subi %add3A_157, %sub3A : i32
        %mul3A_251 = arith.constant 80 : i32
        %mul3A_252 = arith.muli %sub3A_250, %mul3A_251 : i32
        %add3A_253 = arith.addi %mul3A_2, %mul3A_252 : i32
        %dma_wait3A_254 = arith.constant 0 : i32
        %dma_wait3A_255 = arith.constant 0 : i32
        %dma_wait3A_256 = arith.constant 0 : i32
        %dma_wait3A_257 = tpu.memref_slice %arg6[%dma_wait3A_254, %dma_wait3A_256] : memref<3x80xi32, #tpu.memory_space<vmem>> -> memref<1x80xi32, #tpu.memory_space<vmem>>
        %dma_wait3A_258 = tpu.memref_squeeze %dma_wait3A_257 : memref<1x80xi32, #tpu.memory_space<vmem>> -> memref<80xi32, #tpu.memory_space<vmem>>
        %dma_wait3A_259 = tpu.memref_slice %arg3[%add3A_253] : memref<192000xi32, #tpu.memory_space<hbm>> -> memref<80xi32, #tpu.memory_space<hbm>>
        %dma_wait3A_260 = tpu.memref_slice %arg9[%dma_wait3A_255] : memref<3x!tpu.dma_semaphore, #tpu.memory_space<semaphore_mem>> -> memref<1x!tpu.dma_semaphore, #tpu.memory_space<semaphore_mem>>
        %dma_wait3A_261 = tpu.memref_squeeze %dma_wait3A_260 : memref<1x!tpu.dma_semaphore, #tpu.memory_space<semaphore_mem>> -> memref<!tpu.dma_semaphore, #tpu.memory_space<semaphore_mem>>
        %dma_wait3A_262 = arith.constant 0 : i32
        %dma_wait3A_263 = tpu.memref_slice %arg6[%dma_wait3A_254, %dma_wait3A_262] : memref<3x80xi32, #tpu.memory_space<vmem>> -> memref<1x80xi32, #tpu.memory_space<vmem>>
        %dma_wait3A_264 = tpu.memref_squeeze %dma_wait3A_263 : memref<1x80xi32, #tpu.memory_space<vmem>> -> memref<80xi32, #tpu.memory_space<vmem>>
        %dma_wait3A_265 = tpu.memref_slice %arg3[%add3A_253] : memref<192000xi32, #tpu.memory_space<hbm>> -> memref<80xi32, #tpu.memory_space<hbm>>
        tpu.wait_dma2 semaphore(%dma_wait3A_261 : memref<!tpu.dma_semaphore, #tpu.memory_space<semaphore_mem>>) src(%dma_wait3A_265 : memref<80xi32, #tpu.memory_space<hbm>>) dst(%dma_wait3A_264 : memref<80xi32, #tpu.memory_space<vmem>>)
        %mul3A_266 = arith.constant 80 : i32
        %mul3A_267 = arith.muli %sub3A_250, %mul3A_266 : i32
        %add3A_268 = arith.addi %mul3A_2, %mul3A_267 : i32
        %dma_wait3A_269 = arith.constant 0 : i32
        %dma_wait3A_270 = arith.constant 0 : i32
        %dma_wait3A_271 = arith.constant 0 : i32
        %dma_wait3A_272 = arith.constant 0 : i32
        %dma_wait3A_273 = tpu.memref_slice %arg7[%dma_wait3A_269, %dma_wait3A_271, %dma_wait3A_272] : memref<3x80x128xf32, #tpu.memory_space<vmem>> -> memref<1x80x128xf32, #tpu.memory_space<vmem>>
        %dma_wait3A_274 = tpu.memref_squeeze %dma_wait3A_273 : memref<1x80x128xf32, #tpu.memory_space<vmem>> -> memref<80x128xf32, #tpu.memory_space<vmem>>
        %dma_wait3A_275 = arith.constant 0 : i32
        %dma_wait3A_276 = tpu.memref_slice %arg2[%add3A_268, %dma_wait3A_275] : memref<192000x128xf32, #tpu.memory_space<hbm>> -> memref<80x128xf32, #tpu.memory_space<hbm>>
        %dma_wait3A_277 = tpu.memref_slice %arg10[%dma_wait3A_270] : memref<3x!tpu.dma_semaphore, #tpu.memory_space<semaphore_mem>> -> memref<1x!tpu.dma_semaphore, #tpu.memory_space<semaphore_mem>>
        %dma_wait3A_278 = tpu.memref_squeeze %dma_wait3A_277 : memref<1x!tpu.dma_semaphore, #tpu.memory_space<semaphore_mem>> -> memref<!tpu.dma_semaphore, #tpu.memory_space<semaphore_mem>>
        %dma_wait3A_279 = arith.constant 0 : i32
        %dma_wait3A_280 = arith.constant 0 : i32
        %dma_wait3A_281 = tpu.memref_slice %arg7[%dma_wait3A_269, %dma_wait3A_279, %dma_wait3A_280] : memref<3x80x128xf32, #tpu.memory_space<vmem>> -> memref<1x80x128xf32, #tpu.memory_space<vmem>>
        %dma_wait3A_282 = tpu.memref_squeeze %dma_wait3A_281 : memref<1x80x128xf32, #tpu.memory_space<vmem>> -> memref<80x128xf32, #tpu.memory_space<vmem>>
        %dma_wait3A_283 = arith.constant 0 : i32
        %dma_wait3A_284 = tpu.memref_slice %arg2[%add3A_268, %dma_wait3A_283] : memref<192000x128xf32, #tpu.memory_space<hbm>> -> memref<80x128xf32, #tpu.memory_space<hbm>>
        tpu.wait_dma2 semaphore(%dma_wait3A_278 : memref<!tpu.dma_semaphore, #tpu.memory_space<semaphore_mem>>) src(%dma_wait3A_284 : memref<80x128xf32, #tpu.memory_space<hbm>>) dst(%dma_wait3A_282 : memref<80x128xf32, #tpu.memory_space<vmem>>)
        %dma_start3A_285 = arith.constant 0 : i32
        %dma_start3A_286 = arith.constant 0 : i32
        %dma_start3A_287 = arith.constant 0 : i32
        %dma_start3A_288 = arith.constant 0 : i32
        %dma_start3A_289 = arith.constant 0 : i32
        %dma_start3A_290 = tpu.memref_slice %arg7[%dma_start3A_285, %dma_start3A_288, %dma_start3A_289] : memref<3x80x128xf32, #tpu.memory_space<vmem>> -> memref<1x80x128xf32, #tpu.memory_space<vmem>>
        %dma_start3A_291 = tpu.memref_squeeze %dma_start3A_290 : memref<1x80x128xf32, #tpu.memory_space<vmem>> -> memref<80x128xf32, #tpu.memory_space<vmem>>
        %dma_start3A_292 = arith.constant 0 : i32
        %dma_start3A_293 = tpu.memref_slice %arg6[%dma_start3A_286, %dma_start3A_292] : memref<3x80xi32, #tpu.memory_space<vmem>> -> memref<1x80xi32, #tpu.memory_space<vmem>>
        %dma_start3A_294 = tpu.memref_squeeze %dma_start3A_293 : memref<1x80xi32, #tpu.memory_space<vmem>> -> memref<80xi32, #tpu.memory_space<vmem>>
        %dma_start3A_295 = arith.constant 0 : i32
        %dma_start3A_296 = arith.constant 0 : i32
        %dma_start3A_297 = tpu.memref_slice %arg8[%dma_start3A_295, %dma_start3A_296] : memref<10112x128xf32, #tpu.memory_space<vmem_shared>> -> memref<10112x128xf32, #tpu.memory_space<vmem_shared>>
        %dma_start3A_298 = tpu.memref_slice %arg11[%dma_start3A_287] : memref<3x!tpu.dma_semaphore, #tpu.memory_space<semaphore_mem>> -> memref<1x!tpu.dma_semaphore, #tpu.memory_space<semaphore_mem>>
        %dma_start3A_299 = tpu.memref_squeeze %dma_start3A_298 : memref<1x!tpu.dma_semaphore, #tpu.memory_space<semaphore_mem>> -> memref<!tpu.dma_semaphore, #tpu.memory_space<semaphore_mem>>
        tpu.enqueue_indirect_dma source(%dma_start3A_291 : memref<80x128xf32, #tpu.memory_space<vmem>>) target(%dma_start3A_297 : memref<10112x128xf32, #tpu.memory_space<vmem_shared>>) offsets(%dma_start3A_294 : memref<80xi32, #tpu.memory_space<vmem>>) semaphore(%dma_start3A_299 : memref<!tpu.dma_semaphore, #tpu.memory_space<semaphore_mem>>) {add = true}
      } else {
      }
      %ge3A_163 = arith.constant 3 : i32
      %ge3A_164 = arith.cmpi sge, %add3A_157, %ge3A_163 : i32
      %convert_element_type3A_165 = arith.extui %ge3A_164 : i1 to i32
      %cond3A_166 = arith.constant 0 : i32
      %cond3A_167 = arith.cmpi ne, %convert_element_type3A_165, %cond3A_166 : i32
      scf.if %cond3A_167 {
        %dma_wait3A_250 = arith.constant 1 : i32
        %dma_wait3A_251 = arith.constant 1 : i32
        %dma_wait3A_252 = arith.constant 1 : i32
        %dma_wait3A_253 = arith.constant 0 : i32
        %dma_wait3A_254 = arith.constant 0 : i32
        %dma_wait3A_255 = tpu.memref_slice %arg7[%dma_wait3A_250, %dma_wait3A_253, %dma_wait3A_254] : memref<3x80x128xf32, #tpu.memory_space<vmem>> -> memref<1x80x128xf32, #tpu.memory_space<vmem>>
        %dma_wait3A_256 = tpu.memref_squeeze %dma_wait3A_255 : memref<1x80x128xf32, #tpu.memory_space<vmem>> -> memref<80x128xf32, #tpu.memory_space<vmem>>
        %dma_wait3A_257 = arith.constant 0 : i32
        %dma_wait3A_258 = tpu.memref_slice %arg6[%dma_wait3A_251, %dma_wait3A_257] : memref<3x80xi32, #tpu.memory_space<vmem>> -> memref<1x80xi32, #tpu.memory_space<vmem>>
        %dma_wait3A_259 = tpu.memref_squeeze %dma_wait3A_258 : memref<1x80xi32, #tpu.memory_space<vmem>> -> memref<80xi32, #tpu.memory_space<vmem>>
        %dma_wait3A_260 = arith.constant 0 : i32
        %dma_wait3A_261 = arith.constant 0 : i32
        %dma_wait3A_262 = tpu.memref_slice %arg8[%dma_wait3A_260, %dma_wait3A_261] : memref<10112x128xf32, #tpu.memory_space<vmem_shared>> -> memref<10112x128xf32, #tpu.memory_space<vmem_shared>>
        %dma_wait3A_263 = tpu.memref_slice %arg11[%dma_wait3A_252] : memref<3x!tpu.dma_semaphore, #tpu.memory_space<semaphore_mem>> -> memref<1x!tpu.dma_semaphore, #tpu.memory_space<semaphore_mem>>
        %dma_wait3A_264 = tpu.memref_squeeze %dma_wait3A_263 : memref<1x!tpu.dma_semaphore, #tpu.memory_space<semaphore_mem>> -> memref<!tpu.dma_semaphore, #tpu.memory_space<semaphore_mem>>
        tpu.wait_indirect_dma semaphore(%dma_wait3A_264 : memref<!tpu.dma_semaphore, #tpu.memory_space<semaphore_mem>>) src(%dma_wait3A_256 : memref<80x128xf32, #tpu.memory_space<vmem>>) dst(%dma_wait3A_262 : memref<10112x128xf32, #tpu.memory_space<vmem_shared>>)
      } else {
      }
      %mul3A_168 = arith.constant 80 : i32
      %mul3A_169 = arith.muli %add3A_157, %mul3A_168 : i32
      %add3A_170 = arith.addi %mul3A_2, %mul3A_169 : i32
      %dma_start3A_171 = arith.constant 1 : i32
      %dma_start3A_172 = arith.constant 1 : i32
      %dma_start3A_173 = arith.constant 0 : i32
      %dma_start3A_174 = tpu.memref_slice %arg6[%dma_start3A_171, %dma_start3A_173] : memref<3x80xi32, #tpu.memory_space<vmem>> -> memref<1x80xi32, #tpu.memory_space<vmem>>
      %dma_start3A_175 = tpu.memref_squeeze %dma_start3A_174 : memref<1x80xi32, #tpu.memory_space<vmem>> -> memref<80xi32, #tpu.memory_space<vmem>>
      %dma_start3A_176 = tpu.memref_slice %arg3[%add3A_170] : memref<192000xi32, #tpu.memory_space<hbm>> -> memref<80xi32, #tpu.memory_space<hbm>>
      %dma_start3A_177 = tpu.memref_slice %arg9[%dma_start3A_172] : memref<3x!tpu.dma_semaphore, #tpu.memory_space<semaphore_mem>> -> memref<1x!tpu.dma_semaphore, #tpu.memory_space<semaphore_mem>>
      %dma_start3A_178 = tpu.memref_squeeze %dma_start3A_177 : memref<1x!tpu.dma_semaphore, #tpu.memory_space<semaphore_mem>> -> memref<!tpu.dma_semaphore, #tpu.memory_space<semaphore_mem>>
      %dma_start3A_179 = arith.constant 0 : i32
      %dma_start3A_180 = tpu.memref_slice %arg6[%dma_start3A_171, %dma_start3A_179] : memref<3x80xi32, #tpu.memory_space<vmem>> -> memref<1x80xi32, #tpu.memory_space<vmem>>
      %dma_start3A_181 = tpu.memref_squeeze %dma_start3A_180 : memref<1x80xi32, #tpu.memory_space<vmem>> -> memref<80xi32, #tpu.memory_space<vmem>>
      %dma_start3A_182 = tpu.memref_slice %arg3[%add3A_170] : memref<192000xi32, #tpu.memory_space<hbm>> -> memref<80xi32, #tpu.memory_space<hbm>>
      tpu.enqueue_dma source(%dma_start3A_182 : memref<80xi32, #tpu.memory_space<hbm>>) target(%dma_start3A_181 : memref<80xi32, #tpu.memory_space<vmem>>) target_semaphore(%dma_start3A_178 : memref<!tpu.dma_semaphore, #tpu.memory_space<semaphore_mem>>)
      %mul3A_183 = arith.constant 80 : i32
      %mul3A_184 = arith.muli %add3A_157, %mul3A_183 : i32
      %add3A_185 = arith.addi %mul3A_2, %mul3A_184 : i32
      %dma_start3A_186 = arith.constant 1 : i32
      %dma_start3A_187 = arith.constant 1 : i32
      %dma_start3A_188 = arith.constant 0 : i32
      %dma_start3A_189 = arith.constant 0 : i32
      %dma_start3A_190 = tpu.memref_slice %arg7[%dma_start3A_186, %dma_start3A_188, %dma_start3A_189] : memref<3x80x128xf32, #tpu.memory_space<vmem>> -> memref<1x80x128xf32, #tpu.memory_space<vmem>>
      %dma_start3A_191 = tpu.memref_squeeze %dma_start3A_190 : memref<1x80x128xf32, #tpu.memory_space<vmem>> -> memref<80x128xf32, #tpu.memory_space<vmem>>
      %dma_start3A_192 = arith.constant 0 : i32
      %dma_start3A_193 = tpu.memref_slice %arg2[%add3A_185, %dma_start3A_192] : memref<192000x128xf32, #tpu.memory_space<hbm>> -> memref<80x128xf32, #tpu.memory_space<hbm>>
      %dma_start3A_194 = tpu.memref_slice %arg10[%dma_start3A_187] : memref<3x!tpu.dma_semaphore, #tpu.memory_space<semaphore_mem>> -> memref<1x!tpu.dma_semaphore, #tpu.memory_space<semaphore_mem>>
      %dma_start3A_195 = tpu.memref_squeeze %dma_start3A_194 : memref<1x!tpu.dma_semaphore, #tpu.memory_space<semaphore_mem>> -> memref<!tpu.dma_semaphore, #tpu.memory_space<semaphore_mem>>
      %dma_start3A_196 = arith.constant 0 : i32
      %dma_start3A_197 = arith.constant 0 : i32
      %dma_start3A_198 = tpu.memref_slice %arg7[%dma_start3A_186, %dma_start3A_196, %dma_start3A_197] : memref<3x80x128xf32, #tpu.memory_space<vmem>> -> memref<1x80x128xf32, #tpu.memory_space<vmem>>
      %dma_start3A_199 = tpu.memref_squeeze %dma_start3A_198 : memref<1x80x128xf32, #tpu.memory_space<vmem>> -> memref<80x128xf32, #tpu.memory_space<vmem>>
      %dma_start3A_200 = arith.constant 0 : i32
      %dma_start3A_201 = tpu.memref_slice %arg2[%add3A_185, %dma_start3A_200] : memref<192000x128xf32, #tpu.memory_space<hbm>> -> memref<80x128xf32, #tpu.memory_space<hbm>>
      tpu.enqueue_dma source(%dma_start3A_201 : memref<80x128xf32, #tpu.memory_space<hbm>>) target(%dma_start3A_199 : memref<80x128xf32, #tpu.memory_space<vmem>>) target_semaphore(%dma_start3A_195 : memref<!tpu.dma_semaphore, #tpu.memory_space<semaphore_mem>>)
      %mul3A_202 = arith.constant 3 : i32
      %mul3A_203 = arith.muli %scan3A_108, %mul3A_202 : i32
      %add3A_204 = arith.constant 2 : i32
      %add3A_205 = arith.addi %mul3A_203, %add3A_204 : i32
      %ge3A_206 = arith.constant 1 : i32
      %ge3A_207 = arith.cmpi sge, %add3A_205, %ge3A_206 : i32
      %convert_element_type3A_208 = arith.extui %ge3A_207 : i1 to i32
      %cond3A_209 = arith.constant 0 : i32
      %cond3A_210 = arith.cmpi ne, %convert_element_type3A_208, %cond3A_209 : i32
      scf.if %cond3A_210 {
        %sub3A = arith.constant 1 : i32
        %sub3A_250 = arith.subi %add3A_205, %sub3A : i32
        %mul3A_251 = arith.constant 80 : i32
        %mul3A_252 = arith.muli %sub3A_250, %mul3A_251 : i32
        %add3A_253 = arith.addi %mul3A_2, %mul3A_252 : i32
        %dma_wait3A_254 = arith.constant 1 : i32
        %dma_wait3A_255 = arith.constant 1 : i32
        %dma_wait3A_256 = arith.constant 0 : i32
        %dma_wait3A_257 = tpu.memref_slice %arg6[%dma_wait3A_254, %dma_wait3A_256] : memref<3x80xi32, #tpu.memory_space<vmem>> -> memref<1x80xi32, #tpu.memory_space<vmem>>
        %dma_wait3A_258 = tpu.memref_squeeze %dma_wait3A_257 : memref<1x80xi32, #tpu.memory_space<vmem>> -> memref<80xi32, #tpu.memory_space<vmem>>
        %dma_wait3A_259 = tpu.memref_slice %arg3[%add3A_253] : memref<192000xi32, #tpu.memory_space<hbm>> -> memref<80xi32, #tpu.memory_space<hbm>>
        %dma_wait3A_260 = tpu.memref_slice %arg9[%dma_wait3A_255] : memref<3x!tpu.dma_semaphore, #tpu.memory_space<semaphore_mem>> -> memref<1x!tpu.dma_semaphore, #tpu.memory_space<semaphore_mem>>
        %dma_wait3A_261 = tpu.memref_squeeze %dma_wait3A_260 : memref<1x!tpu.dma_semaphore, #tpu.memory_space<semaphore_mem>> -> memref<!tpu.dma_semaphore, #tpu.memory_space<semaphore_mem>>
        %dma_wait3A_262 = arith.constant 0 : i32
        %dma_wait3A_263 = tpu.memref_slice %arg6[%dma_wait3A_254, %dma_wait3A_262] : memref<3x80xi32, #tpu.memory_space<vmem>> -> memref<1x80xi32, #tpu.memory_space<vmem>>
        %dma_wait3A_264 = tpu.memref_squeeze %dma_wait3A_263 : memref<1x80xi32, #tpu.memory_space<vmem>> -> memref<80xi32, #tpu.memory_space<vmem>>
        %dma_wait3A_265 = tpu.memref_slice %arg3[%add3A_253] : memref<192000xi32, #tpu.memory_space<hbm>> -> memref<80xi32, #tpu.memory_space<hbm>>
        tpu.wait_dma2 semaphore(%dma_wait3A_261 : memref<!tpu.dma_semaphore, #tpu.memory_space<semaphore_mem>>) src(%dma_wait3A_265 : memref<80xi32, #tpu.memory_space<hbm>>) dst(%dma_wait3A_264 : memref<80xi32, #tpu.memory_space<vmem>>)
        %mul3A_266 = arith.constant 80 : i32
        %mul3A_267 = arith.muli %sub3A_250, %mul3A_266 : i32
        %add3A_268 = arith.addi %mul3A_2, %mul3A_267 : i32
        %dma_wait3A_269 = arith.constant 1 : i32
        %dma_wait3A_270 = arith.constant 1 : i32
        %dma_wait3A_271 = arith.constant 0 : i32
        %dma_wait3A_272 = arith.constant 0 : i32
        %dma_wait3A_273 = tpu.memref_slice %arg7[%dma_wait3A_269, %dma_wait3A_271, %dma_wait3A_272] : memref<3x80x128xf32, #tpu.memory_space<vmem>> -> memref<1x80x128xf32, #tpu.memory_space<vmem>>
        %dma_wait3A_274 = tpu.memref_squeeze %dma_wait3A_273 : memref<1x80x128xf32, #tpu.memory_space<vmem>> -> memref<80x128xf32, #tpu.memory_space<vmem>>
        %dma_wait3A_275 = arith.constant 0 : i32
        %dma_wait3A_276 = tpu.memref_slice %arg2[%add3A_268, %dma_wait3A_275] : memref<192000x128xf32, #tpu.memory_space<hbm>> -> memref<80x128xf32, #tpu.memory_space<hbm>>
        %dma_wait3A_277 = tpu.memref_slice %arg10[%dma_wait3A_270] : memref<3x!tpu.dma_semaphore, #tpu.memory_space<semaphore_mem>> -> memref<1x!tpu.dma_semaphore, #tpu.memory_space<semaphore_mem>>
        %dma_wait3A_278 = tpu.memref_squeeze %dma_wait3A_277 : memref<1x!tpu.dma_semaphore, #tpu.memory_space<semaphore_mem>> -> memref<!tpu.dma_semaphore, #tpu.memory_space<semaphore_mem>>
        %dma_wait3A_279 = arith.constant 0 : i32
        %dma_wait3A_280 = arith.constant 0 : i32
        %dma_wait3A_281 = tpu.memref_slice %arg7[%dma_wait3A_269, %dma_wait3A_279, %dma_wait3A_280] : memref<3x80x128xf32, #tpu.memory_space<vmem>> -> memref<1x80x128xf32, #tpu.memory_space<vmem>>
        %dma_wait3A_282 = tpu.memref_squeeze %dma_wait3A_281 : memref<1x80x128xf32, #tpu.memory_space<vmem>> -> memref<80x128xf32, #tpu.memory_space<vmem>>
        %dma_wait3A_283 = arith.constant 0 : i32
        %dma_wait3A_284 = tpu.memref_slice %arg2[%add3A_268, %dma_wait3A_283] : memref<192000x128xf32, #tpu.memory_space<hbm>> -> memref<80x128xf32, #tpu.memory_space<hbm>>
        tpu.wait_dma2 semaphore(%dma_wait3A_278 : memref<!tpu.dma_semaphore, #tpu.memory_space<semaphore_mem>>) src(%dma_wait3A_284 : memref<80x128xf32, #tpu.memory_space<hbm>>) dst(%dma_wait3A_282 : memref<80x128xf32, #tpu.memory_space<vmem>>)
        %dma_start3A_285 = arith.constant 1 : i32
        %dma_start3A_286 = arith.constant 1 : i32
        %dma_start3A_287 = arith.constant 1 : i32
        %dma_start3A_288 = arith.constant 0 : i32
        %dma_start3A_289 = arith.constant 0 : i32
        %dma_start3A_290 = tpu.memref_slice %arg7[%dma_start3A_285, %dma_start3A_288, %dma_start3A_289] : memref<3x80x128xf32, #tpu.memory_space<vmem>> -> memref<1x80x128xf32, #tpu.memory_space<vmem>>
        %dma_start3A_291 = tpu.memref_squeeze %dma_start3A_290 : memref<1x80x128xf32, #tpu.memory_space<vmem>> -> memref<80x128xf32, #tpu.memory_space<vmem>>
        %dma_start3A_292 = arith.constant 0 : i32
        %dma_start3A_293 = tpu.memref_slice %arg6[%dma_start3A_286, %dma_start3A_292] : memref<3x80xi32, #tpu.memory_space<vmem>> -> memref<1x80xi32, #tpu.memory_space<vmem>>
        %dma_start3A_294 = tpu.memref_squeeze %dma_start3A_293 : memref<1x80xi32, #tpu.memory_space<vmem>> -> memref<80xi32, #tpu.memory_space<vmem>>
        %dma_start3A_295 = arith.constant 0 : i32
        %dma_start3A_296 = arith.constant 0 : i32
        %dma_start3A_297 = tpu.memref_slice %arg8[%dma_start3A_295, %dma_start3A_296] : memref<10112x128xf32, #tpu.memory_space<vmem_shared>> -> memref<10112x128xf32, #tpu.memory_space<vmem_shared>>
        %dma_start3A_298 = tpu.memref_slice %arg11[%dma_start3A_287] : memref<3x!tpu.dma_semaphore, #tpu.memory_space<semaphore_mem>> -> memref<1x!tpu.dma_semaphore, #tpu.memory_space<semaphore_mem>>
        %dma_start3A_299 = tpu.memref_squeeze %dma_start3A_298 : memref<1x!tpu.dma_semaphore, #tpu.memory_space<semaphore_mem>> -> memref<!tpu.dma_semaphore, #tpu.memory_space<semaphore_mem>>
        tpu.enqueue_indirect_dma source(%dma_start3A_291 : memref<80x128xf32, #tpu.memory_space<vmem>>) target(%dma_start3A_297 : memref<10112x128xf32, #tpu.memory_space<vmem_shared>>) offsets(%dma_start3A_294 : memref<80xi32, #tpu.memory_space<vmem>>) semaphore(%dma_start3A_299 : memref<!tpu.dma_semaphore, #tpu.memory_space<semaphore_mem>>) {add = true}
      } else {
      }
      %ge3A_211 = arith.constant 3 : i32
      %ge3A_212 = arith.cmpi sge, %add3A_205, %ge3A_211 : i32
      %convert_element_type3A_213 = arith.extui %ge3A_212 : i1 to i32
      %cond3A_214 = arith.constant 0 : i32
      %cond3A_215 = arith.cmpi ne, %convert_element_type3A_213, %cond3A_214 : i32
      scf.if %cond3A_215 {
        %dma_wait3A_250 = arith.constant 2 : i32
        %dma_wait3A_251 = arith.constant 2 : i32
        %dma_wait3A_252 = arith.constant 2 : i32
        %dma_wait3A_253 = arith.constant 0 : i32
        %dma_wait3A_254 = arith.constant 0 : i32
        %dma_wait3A_255 = tpu.memref_slice %arg7[%dma_wait3A_250, %dma_wait3A_253, %dma_wait3A_254] : memref<3x80x128xf32, #tpu.memory_space<vmem>> -> memref<1x80x128xf32, #tpu.memory_space<vmem>>
        %dma_wait3A_256 = tpu.memref_squeeze %dma_wait3A_255 : memref<1x80x128xf32, #tpu.memory_space<vmem>> -> memref<80x128xf32, #tpu.memory_space<vmem>>
        %dma_wait3A_257 = arith.constant 0 : i32
        %dma_wait3A_258 = tpu.memref_slice %arg6[%dma_wait3A_251, %dma_wait3A_257] : memref<3x80xi32, #tpu.memory_space<vmem>> -> memref<1x80xi32, #tpu.memory_space<vmem>>
        %dma_wait3A_259 = tpu.memref_squeeze %dma_wait3A_258 : memref<1x80xi32, #tpu.memory_space<vmem>> -> memref<80xi32, #tpu.memory_space<vmem>>
        %dma_wait3A_260 = arith.constant 0 : i32
        %dma_wait3A_261 = arith.constant 0 : i32
        %dma_wait3A_262 = tpu.memref_slice %arg8[%dma_wait3A_260, %dma_wait3A_261] : memref<10112x128xf32, #tpu.memory_space<vmem_shared>> -> memref<10112x128xf32, #tpu.memory_space<vmem_shared>>
        %dma_wait3A_263 = tpu.memref_slice %arg11[%dma_wait3A_252] : memref<3x!tpu.dma_semaphore, #tpu.memory_space<semaphore_mem>> -> memref<1x!tpu.dma_semaphore, #tpu.memory_space<semaphore_mem>>
        %dma_wait3A_264 = tpu.memref_squeeze %dma_wait3A_263 : memref<1x!tpu.dma_semaphore, #tpu.memory_space<semaphore_mem>> -> memref<!tpu.dma_semaphore, #tpu.memory_space<semaphore_mem>>
        tpu.wait_indirect_dma semaphore(%dma_wait3A_264 : memref<!tpu.dma_semaphore, #tpu.memory_space<semaphore_mem>>) src(%dma_wait3A_256 : memref<80x128xf32, #tpu.memory_space<vmem>>) dst(%dma_wait3A_262 : memref<10112x128xf32, #tpu.memory_space<vmem_shared>>)
      } else {
      }
      %mul3A_216 = arith.constant 80 : i32
      %mul3A_217 = arith.muli %add3A_205, %mul3A_216 : i32
      %add3A_218 = arith.addi %mul3A_2, %mul3A_217 : i32
      %dma_start3A_219 = arith.constant 2 : i32
      %dma_start3A_220 = arith.constant 2 : i32
      %dma_start3A_221 = arith.constant 0 : i32
      %dma_start3A_222 = tpu.memref_slice %arg6[%dma_start3A_219, %dma_start3A_221] : memref<3x80xi32, #tpu.memory_space<vmem>> -> memref<1x80xi32, #tpu.memory_space<vmem>>
      %dma_start3A_223 = tpu.memref_squeeze %dma_start3A_222 : memref<1x80xi32, #tpu.memory_space<vmem>> -> memref<80xi32, #tpu.memory_space<vmem>>
      %dma_start3A_224 = tpu.memref_slice %arg3[%add3A_218] : memref<192000xi32, #tpu.memory_space<hbm>> -> memref<80xi32, #tpu.memory_space<hbm>>
      %dma_start3A_225 = tpu.memref_slice %arg9[%dma_start3A_220] : memref<3x!tpu.dma_semaphore, #tpu.memory_space<semaphore_mem>> -> memref<1x!tpu.dma_semaphore, #tpu.memory_space<semaphore_mem>>
      %dma_start3A_226 = tpu.memref_squeeze %dma_start3A_225 : memref<1x!tpu.dma_semaphore, #tpu.memory_space<semaphore_mem>> -> memref<!tpu.dma_semaphore, #tpu.memory_space<semaphore_mem>>
      %dma_start3A_227 = arith.constant 0 : i32
      %dma_start3A_228 = tpu.memref_slice %arg6[%dma_start3A_219, %dma_start3A_227] : memref<3x80xi32, #tpu.memory_space<vmem>> -> memref<1x80xi32, #tpu.memory_space<vmem>>
      %dma_start3A_229 = tpu.memref_squeeze %dma_start3A_228 : memref<1x80xi32, #tpu.memory_space<vmem>> -> memref<80xi32, #tpu.memory_space<vmem>>
      %dma_start3A_230 = tpu.memref_slice %arg3[%add3A_218] : memref<192000xi32, #tpu.memory_space<hbm>> -> memref<80xi32, #tpu.memory_space<hbm>>
      tpu.enqueue_dma source(%dma_start3A_230 : memref<80xi32, #tpu.memory_space<hbm>>) target(%dma_start3A_229 : memref<80xi32, #tpu.memory_space<vmem>>) target_semaphore(%dma_start3A_226 : memref<!tpu.dma_semaphore, #tpu.memory_space<semaphore_mem>>)
      %mul3A_231 = arith.constant 80 : i32
      %mul3A_232 = arith.muli %add3A_205, %mul3A_231 : i32
      %add3A_233 = arith.addi %mul3A_2, %mul3A_232 : i32
      %dma_start3A_234 = arith.constant 2 : i32
      %dma_start3A_235 = arith.constant 2 : i32
      %dma_start3A_236 = arith.constant 0 : i32
      %dma_start3A_237 = arith.constant 0 : i32
      %dma_start3A_238 = tpu.memref_slice %arg7[%dma_start3A_234, %dma_start3A_236, %dma_start3A_237] : memref<3x80x128xf32, #tpu.memory_space<vmem>> -> memref<1x80x128xf32, #tpu.memory_space<vmem>>
      %dma_start3A_239 = tpu.memref_squeeze %dma_start3A_238 : memref<1x80x128xf32, #tpu.memory_space<vmem>> -> memref<80x128xf32, #tpu.memory_space<vmem>>
      %dma_start3A_240 = arith.constant 0 : i32
      %dma_start3A_241 = tpu.memref_slice %arg2[%add3A_233, %dma_start3A_240] : memref<192000x128xf32, #tpu.memory_space<hbm>> -> memref<80x128xf32, #tpu.memory_space<hbm>>
      %dma_start3A_242 = tpu.memref_slice %arg10[%dma_start3A_235] : memref<3x!tpu.dma_semaphore, #tpu.memory_space<semaphore_mem>> -> memref<1x!tpu.dma_semaphore, #tpu.memory_space<semaphore_mem>>
      %dma_start3A_243 = tpu.memref_squeeze %dma_start3A_242 : memref<1x!tpu.dma_semaphore, #tpu.memory_space<semaphore_mem>> -> memref<!tpu.dma_semaphore, #tpu.memory_space<semaphore_mem>>
      %dma_start3A_244 = arith.constant 0 : i32
      %dma_start3A_245 = arith.constant 0 : i32
      %dma_start3A_246 = tpu.memref_slice %arg7[%dma_start3A_234, %dma_start3A_244, %dma_start3A_245] : memref<3x80x128xf32, #tpu.memory_space<vmem>> -> memref<1x80x128xf32, #tpu.memory_space<vmem>>
      %dma_start3A_247 = tpu.memref_squeeze %dma_start3A_246 : memref<1x80x128xf32, #tpu.memory_space<vmem>> -> memref<80x128xf32, #tpu.memory_space<vmem>>
      %dma_start3A_248 = arith.constant 0 : i32
      %dma_start3A_249 = tpu.memref_slice %arg2[%add3A_233, %dma_start3A_248] : memref<192000x128xf32, #tpu.memory_space<hbm>> -> memref<80x128xf32, #tpu.memory_space<hbm>>
      tpu.enqueue_dma source(%dma_start3A_249 : memref<80x128xf32, #tpu.memory_space<hbm>>) target(%dma_start3A_247 : memref<80x128xf32, #tpu.memory_space<vmem>>) target_semaphore(%dma_start3A_243 : memref<!tpu.dma_semaphore, #tpu.memory_space<semaphore_mem>>)
    }
    %scan3A_9 = arith.constant 25 : i32
    %add3A_10 = arith.constant 5920 : i32
    %add3A_11 = arith.addi %mul3A_2, %add3A_10 : i32
    %dma_wait3A = arith.constant 2 : i32
    %dma_wait3A_12 = arith.constant 2 : i32
    %dma_wait3A_13 = arith.constant 0 : i32
    %dma_wait3A_14 = tpu.memref_slice %arg6[%dma_wait3A, %dma_wait3A_13] : memref<3x80xi32, #tpu.memory_space<vmem>> -> memref<1x80xi32, #tpu.memory_space<vmem>>
    %dma_wait3A_15 = tpu.memref_squeeze %dma_wait3A_14 : memref<1x80xi32, #tpu.memory_space<vmem>> -> memref<80xi32, #tpu.memory_space<vmem>>
    %dma_wait3A_16 = tpu.memref_slice %arg3[%add3A_11] : memref<192000xi32, #tpu.memory_space<hbm>> -> memref<80xi32, #tpu.memory_space<hbm>>
    %dma_wait3A_17 = tpu.memref_slice %arg9[%dma_wait3A_12] : memref<3x!tpu.dma_semaphore, #tpu.memory_space<semaphore_mem>> -> memref<1x!tpu.dma_semaphore, #tpu.memory_space<semaphore_mem>>
    %dma_wait3A_18 = tpu.memref_squeeze %dma_wait3A_17 : memref<1x!tpu.dma_semaphore, #tpu.memory_space<semaphore_mem>> -> memref<!tpu.dma_semaphore, #tpu.memory_space<semaphore_mem>>
    %dma_wait3A_19 = arith.constant 0 : i32
    %dma_wait3A_20 = tpu.memref_slice %arg6[%dma_wait3A, %dma_wait3A_19] : memref<3x80xi32, #tpu.memory_space<vmem>> -> memref<1x80xi32, #tpu.memory_space<vmem>>
    %dma_wait3A_21 = tpu.memref_squeeze %dma_wait3A_20 : memref<1x80xi32, #tpu.memory_space<vmem>> -> memref<80xi32, #tpu.memory_space<vmem>>
    %dma_wait3A_22 = tpu.memref_slice %arg3[%add3A_11] : memref<192000xi32, #tpu.memory_space<hbm>> -> memref<80xi32, #tpu.memory_space<hbm>>
    tpu.wait_dma2 semaphore(%dma_wait3A_18 : memref<!tpu.dma_semaphore, #tpu.memory_space<semaphore_mem>>) src(%dma_wait3A_22 : memref<80xi32, #tpu.memory_space<hbm>>) dst(%dma_wait3A_21 : memref<80xi32, #tpu.memory_space<vmem>>)
    %add3A_23 = arith.constant 5920 : i32
    %add3A_24 = arith.addi %mul3A_2, %add3A_23 : i32
    %dma_wait3A_25 = arith.constant 2 : i32
    %dma_wait3A_26 = arith.constant 2 : i32
    %dma_wait3A_27 = arith.constant 0 : i32
    %dma_wait3A_28 = arith.constant 0 : i32
    %dma_wait3A_29 = tpu.memref_slice %arg7[%dma_wait3A_25, %dma_wait3A_27, %dma_wait3A_28] : memref<3x80x128xf32, #tpu.memory_space<vmem>> -> memref<1x80x128xf32, #tpu.memory_space<vmem>>
    %dma_wait3A_30 = tpu.memref_squeeze %dma_wait3A_29 : memref<1x80x128xf32, #tpu.memory_space<vmem>> -> memref<80x128xf32, #tpu.memory_space<vmem>>
    %dma_wait3A_31 = arith.constant 0 : i32
    %dma_wait3A_32 = tpu.memref_slice %arg2[%add3A_24, %dma_wait3A_31] : memref<192000x128xf32, #tpu.memory_space<hbm>> -> memref<80x128xf32, #tpu.memory_space<hbm>>
    %dma_wait3A_33 = tpu.memref_slice %arg10[%dma_wait3A_26] : memref<3x!tpu.dma_semaphore, #tpu.memory_space<semaphore_mem>> -> memref<1x!tpu.dma_semaphore, #tpu.memory_space<semaphore_mem>>
    %dma_wait3A_34 = tpu.memref_squeeze %dma_wait3A_33 : memref<1x!tpu.dma_semaphore, #tpu.memory_space<semaphore_mem>> -> memref<!tpu.dma_semaphore, #tpu.memory_space<semaphore_mem>>
    %dma_wait3A_35 = arith.constant 0 : i32
    %dma_wait3A_36 = arith.constant 0 : i32
    %dma_wait3A_37 = tpu.memref_slice %arg7[%dma_wait3A_25, %dma_wait3A_35, %dma_wait3A_36] : memref<3x80x128xf32, #tpu.memory_space<vmem>> -> memref<1x80x128xf32, #tpu.memory_space<vmem>>
    %dma_wait3A_38 = tpu.memref_squeeze %dma_wait3A_37 : memref<1x80x128xf32, #tpu.memory_space<vmem>> -> memref<80x128xf32, #tpu.memory_space<vmem>>
    %dma_wait3A_39 = arith.constant 0 : i32
    %dma_wait3A_40 = tpu.memref_slice %arg2[%add3A_24, %dma_wait3A_39] : memref<192000x128xf32, #tpu.memory_space<hbm>> -> memref<80x128xf32, #tpu.memory_space<hbm>>
    tpu.wait_dma2 semaphore(%dma_wait3A_34 : memref<!tpu.dma_semaphore, #tpu.memory_space<semaphore_mem>>) src(%dma_wait3A_40 : memref<80x128xf32, #tpu.memory_space<hbm>>) dst(%dma_wait3A_38 : memref<80x128xf32, #tpu.memory_space<vmem>>)
    %dma_start3A = arith.constant 2 : i32
    %dma_start3A_41 = arith.constant 2 : i32
    %dma_start3A_42 = arith.constant 2 : i32
    %dma_start3A_43 = arith.constant 0 : i32
    %dma_start3A_44 = arith.constant 0 : i32
    %dma_start3A_45 = tpu.memref_slice %arg7[%dma_start3A, %dma_start3A_43, %dma_start3A_44] : memref<3x80x128xf32, #tpu.memory_space<vmem>> -> memref<1x80x128xf32, #tpu.memory_space<vmem>>
    %dma_start3A_46 = tpu.memref_squeeze %dma_start3A_45 : memref<1x80x128xf32, #tpu.memory_space<vmem>> -> memref<80x128xf32, #tpu.memory_space<vmem>>
    %dma_start3A_47 = arith.constant 0 : i32
    %dma_start3A_48 = tpu.memref_slice %arg6[%dma_start3A_41, %dma_start3A_47] : memref<3x80xi32, #tpu.memory_space<vmem>> -> memref<1x80xi32, #tpu.memory_space<vmem>>
    %dma_start3A_49 = tpu.memref_squeeze %dma_start3A_48 : memref<1x80xi32, #tpu.memory_space<vmem>> -> memref<80xi32, #tpu.memory_space<vmem>>
    %dma_start3A_50 = arith.constant 0 : i32
    %dma_start3A_51 = arith.constant 0 : i32
    %dma_start3A_52 = tpu.memref_slice %arg8[%dma_start3A_50, %dma_start3A_51] : memref<10112x128xf32, #tpu.memory_space<vmem_shared>> -> memref<10112x128xf32, #tpu.memory_space<vmem_shared>>
    %dma_start3A_53 = tpu.memref_slice %arg11[%dma_start3A_42] : memref<3x!tpu.dma_semaphore, #tpu.memory_space<semaphore_mem>> -> memref<1x!tpu.dma_semaphore, #tpu.memory_space<semaphore_mem>>
    %dma_start3A_54 = tpu.memref_squeeze %dma_start3A_53 : memref<1x!tpu.dma_semaphore, #tpu.memory_space<semaphore_mem>> -> memref<!tpu.dma_semaphore, #tpu.memory_space<semaphore_mem>>
    tpu.enqueue_indirect_dma source(%dma_start3A_46 : memref<80x128xf32, #tpu.memory_space<vmem>>) target(%dma_start3A_52 : memref<10112x128xf32, #tpu.memory_space<vmem_shared>>) offsets(%dma_start3A_49 : memref<80xi32, #tpu.memory_space<vmem>>) semaphore(%dma_start3A_54 : memref<!tpu.dma_semaphore, #tpu.memory_space<semaphore_mem>>) {add = true}
    %dma_wait3A_55 = arith.constant 0 : i32
    %dma_wait3A_56 = arith.constant 0 : i32
    %dma_wait3A_57 = arith.constant 0 : i32
    %dma_wait3A_58 = arith.constant 0 : i32
    %dma_wait3A_59 = arith.constant 0 : i32
    %dma_wait3A_60 = tpu.memref_slice %arg7[%dma_wait3A_55, %dma_wait3A_58, %dma_wait3A_59] : memref<3x80x128xf32, #tpu.memory_space<vmem>> -> memref<1x80x128xf32, #tpu.memory_space<vmem>>
    %dma_wait3A_61 = tpu.memref_squeeze %dma_wait3A_60 : memref<1x80x128xf32, #tpu.memory_space<vmem>> -> memref<80x128xf32, #tpu.memory_space<vmem>>
    %dma_wait3A_62 = arith.constant 0 : i32
    %dma_wait3A_63 = tpu.memref_slice %arg6[%dma_wait3A_56, %dma_wait3A_62] : memref<3x80xi32, #tpu.memory_space<vmem>> -> memref<1x80xi32, #tpu.memory_space<vmem>>
    %dma_wait3A_64 = tpu.memref_squeeze %dma_wait3A_63 : memref<1x80xi32, #tpu.memory_space<vmem>> -> memref<80xi32, #tpu.memory_space<vmem>>
    %dma_wait3A_65 = arith.constant 0 : i32
    %dma_wait3A_66 = arith.constant 0 : i32
    %dma_wait3A_67 = tpu.memref_slice %arg8[%dma_wait3A_65, %dma_wait3A_66] : memref<10112x128xf32, #tpu.memory_space<vmem_shared>> -> memref<10112x128xf32, #tpu.memory_space<vmem_shared>>
    %dma_wait3A_68 = tpu.memref_slice %arg11[%dma_wait3A_57] : memref<3x!tpu.dma_semaphore, #tpu.memory_space<semaphore_mem>> -> memref<1x!tpu.dma_semaphore, #tpu.memory_space<semaphore_mem>>
    %dma_wait3A_69 = tpu.memref_squeeze %dma_wait3A_68 : memref<1x!tpu.dma_semaphore, #tpu.memory_space<semaphore_mem>> -> memref<!tpu.dma_semaphore, #tpu.memory_space<semaphore_mem>>
    tpu.wait_indirect_dma semaphore(%dma_wait3A_69 : memref<!tpu.dma_semaphore, #tpu.memory_space<semaphore_mem>>) src(%dma_wait3A_61 : memref<80x128xf32, #tpu.memory_space<vmem>>) dst(%dma_wait3A_67 : memref<10112x128xf32, #tpu.memory_space<vmem_shared>>)
    %dma_wait3A_70 = arith.constant 1 : i32
    %dma_wait3A_71 = arith.constant 1 : i32
    %dma_wait3A_72 = arith.constant 1 : i32
    %dma_wait3A_73 = arith.constant 0 : i32
    %dma_wait3A_74 = arith.constant 0 : i32
    %dma_wait3A_75 = tpu.memref_slice %arg7[%dma_wait3A_70, %dma_wait3A_73, %dma_wait3A_74] : memref<3x80x128xf32, #tpu.memory_space<vmem>> -> memref<1x80x128xf32, #tpu.memory_space<vmem>>
    %dma_wait3A_76 = tpu.memref_squeeze %dma_wait3A_75 : memref<1x80x128xf32, #tpu.memory_space<vmem>> -> memref<80x128xf32, #tpu.memory_space<vmem>>
    %dma_wait3A_77 = arith.constant 0 : i32
    %dma_wait3A_78 = tpu.memref_slice %arg6[%dma_wait3A_71, %dma_wait3A_77] : memref<3x80xi32, #tpu.memory_space<vmem>> -> memref<1x80xi32, #tpu.memory_space<vmem>>
    %dma_wait3A_79 = tpu.memref_squeeze %dma_wait3A_78 : memref<1x80xi32, #tpu.memory_space<vmem>> -> memref<80xi32, #tpu.memory_space<vmem>>
    %dma_wait3A_80 = arith.constant 0 : i32
    %dma_wait3A_81 = arith.constant 0 : i32
    %dma_wait3A_82 = tpu.memref_slice %arg8[%dma_wait3A_80, %dma_wait3A_81] : memref<10112x128xf32, #tpu.memory_space<vmem_shared>> -> memref<10112x128xf32, #tpu.memory_space<vmem_shared>>
    %dma_wait3A_83 = tpu.memref_slice %arg11[%dma_wait3A_72] : memref<3x!tpu.dma_semaphore, #tpu.memory_space<semaphore_mem>> -> memref<1x!tpu.dma_semaphore, #tpu.memory_space<semaphore_mem>>
    %dma_wait3A_84 = tpu.memref_squeeze %dma_wait3A_83 : memref<1x!tpu.dma_semaphore, #tpu.memory_space<semaphore_mem>> -> memref<!tpu.dma_semaphore, #tpu.memory_space<semaphore_mem>>
    tpu.wait_indirect_dma semaphore(%dma_wait3A_84 : memref<!tpu.dma_semaphore, #tpu.memory_space<semaphore_mem>>) src(%dma_wait3A_76 : memref<80x128xf32, #tpu.memory_space<vmem>>) dst(%dma_wait3A_82 : memref<10112x128xf32, #tpu.memory_space<vmem_shared>>)
    %dma_wait3A_85 = arith.constant 2 : i32
    %dma_wait3A_86 = arith.constant 2 : i32
    %dma_wait3A_87 = arith.constant 2 : i32
    %dma_wait3A_88 = arith.constant 0 : i32
    %dma_wait3A_89 = arith.constant 0 : i32
    %dma_wait3A_90 = tpu.memref_slice %arg7[%dma_wait3A_85, %dma_wait3A_88, %dma_wait3A_89] : memref<3x80x128xf32, #tpu.memory_space<vmem>> -> memref<1x80x128xf32, #tpu.memory_space<vmem>>
    %dma_wait3A_91 = tpu.memref_squeeze %dma_wait3A_90 : memref<1x80x128xf32, #tpu.memory_space<vmem>> -> memref<80x128xf32, #tpu.memory_space<vmem>>
    %dma_wait3A_92 = arith.constant 0 : i32
    %dma_wait3A_93 = tpu.memref_slice %arg6[%dma_wait3A_86, %dma_wait3A_92] : memref<3x80xi32, #tpu.memory_space<vmem>> -> memref<1x80xi32, #tpu.memory_space<vmem>>
    %dma_wait3A_94 = tpu.memref_squeeze %dma_wait3A_93 : memref<1x80xi32, #tpu.memory_space<vmem>> -> memref<80xi32, #tpu.memory_space<vmem>>
    %dma_wait3A_95 = arith.constant 0 : i32
    %dma_wait3A_96 = arith.constant 0 : i32
    %dma_wait3A_97 = tpu.memref_slice %arg8[%dma_wait3A_95, %dma_wait3A_96] : memref<10112x128xf32, #tpu.memory_space<vmem_shared>> -> memref<10112x128xf32, #tpu.memory_space<vmem_shared>>
    %dma_wait3A_98 = tpu.memref_slice %arg11[%dma_wait3A_87] : memref<3x!tpu.dma_semaphore, #tpu.memory_space<semaphore_mem>> -> memref<1x!tpu.dma_semaphore, #tpu.memory_space<semaphore_mem>>
    %dma_wait3A_99 = tpu.memref_squeeze %dma_wait3A_98 : memref<1x!tpu.dma_semaphore, #tpu.memory_space<semaphore_mem>> -> memref<!tpu.dma_semaphore, #tpu.memory_space<semaphore_mem>>
    tpu.wait_indirect_dma semaphore(%dma_wait3A_99 : memref<!tpu.dma_semaphore, #tpu.memory_space<semaphore_mem>>) src(%dma_wait3A_91 : memref<80x128xf32, #tpu.memory_space<vmem>>) dst(%dma_wait3A_97 : memref<10112x128xf32, #tpu.memory_space<vmem_shared>>)
    %barrier3A_100 = arith.constant 0 : index
    tpu.barrier barrier_id(%barrier3A_100)
    %mul3A_101 = arith.constant 632 : i32
    %mul3A_102 = arith.muli %arg1, %mul3A_101 : i32
    %mul3A_103 = arith.constant 10112 : i32
    %mul3A_104 = arith.muli %arg0, %mul3A_103 : i32
    %mul3A_105 = arith.constant 632 : i32
    %mul3A_106 = arith.muli %arg1, %mul3A_105 : i32
    %add3A_107 = arith.addi %mul3A_104, %mul3A_106 : i32
    "tpu.region"() ({
      %run_scoped3A = tpu.sem_alloc : memref<!tpu.dma_semaphore, #tpu.memory_space<semaphore_mem>>
      %dma_start3A_108 = arith.constant 0 : i32
      %dma_start3A_109 = tpu.memref_slice %arg5[%add3A_107, %dma_start3A_108] : memref<20224x128xf32, #tpu.memory_space<hbm>> -> memref<632x128xf32, #tpu.memory_space<hbm>>
      %dma_start3A_110 = arith.constant 0 : i32
      %dma_start3A_111 = tpu.memref_slice %arg8[%mul3A_102, %dma_start3A_110] : memref<10112x128xf32, #tpu.memory_space<vmem_shared>> -> memref<632x128xf32, #tpu.memory_space<vmem_shared>>
      tpu.enqueue_dma source(%dma_start3A_111 : memref<632x128xf32, #tpu.memory_space<vmem_shared>>) target(%dma_start3A_109 : memref<632x128xf32, #tpu.memory_space<hbm>>) target_semaphore(%run_scoped3A : memref<!tpu.dma_semaphore, #tpu.memory_space<semaphore_mem>>)
      %dma_wait3A_112 = arith.constant 0 : i32
      %dma_wait3A_113 = tpu.memref_slice %arg5[%add3A_107, %dma_wait3A_112] : memref<20224x128xf32, #tpu.memory_space<hbm>> -> memref<632x128xf32, #tpu.memory_space<hbm>>
      %dma_wait3A_114 = arith.constant 0 : i32
      %dma_wait3A_115 = tpu.memref_slice %arg8[%mul3A_102, %dma_wait3A_114] : memref<10112x128xf32, #tpu.memory_space<vmem_shared>> -> memref<632x128xf32, #tpu.memory_space<vmem_shared>>
      tpu.wait_dma2 semaphore(%run_scoped3A : memref<!tpu.dma_semaphore, #tpu.memory_space<semaphore_mem>>) src(%dma_wait3A_115 : memref<632x128xf32, #tpu.memory_space<vmem_shared>>) dst(%dma_wait3A_113 : memref<632x128xf32, #tpu.memory_space<hbm>>)
      tpu.yield
    }) : () -> ()
    return
  }
}

#map = affine_map<(d0, d1) -> (0, 0)>
#map1 = affine_map<(d0, d1) -> (0, 0, 0)>
module attributes {stable_mosaic.version = 14 : i64} {
  func.func @gather_sum(%arg0: i32, %arg1: i32, %arg2: memref<10000x128xf32, #tpu.memory_space<hbm>>, %arg3: memref<10000x128xf32, #tpu.memory_space<hbm>>, %arg4: memref<32x75x80xi32, #tpu.memory_space<hbm>>, %arg5: memref<32x75x80xi32, #tpu.memory_space<hbm>>, %arg6: memref<192000x128xf32, #tpu.memory_space<hbm>>, %arg7: memref<75x80xi32, #tpu.memory_space<vmem>>, %arg8: memref<75x80xi32, #tpu.memory_space<vmem>>, %arg9: memref<5x80x128xf32, #tpu.memory_space<vmem>>, %arg10: memref<5x!tpu.dma_semaphore, #tpu.memory_space<semaphore_mem>>, %arg11: memref<5x!tpu.dma_semaphore, #tpu.memory_space<semaphore_mem>>, %arg12: memref<5x!tpu.dma_semaphore, #tpu.memory_space<semaphore_mem>>) attributes {dimension_semantics = [#tpu.dimension_semantics<core_parallel>, #tpu.dimension_semantics<subcore_parallel>], iteration_bounds = array<i64: 2, 16>, scalar_prefetch = 0 : i64, scratch_operands = 6 : i64, tpu.core_type = #tpu.core_type<sc_vector_subcore>, window_params = [{transform_indices = #map}, {transform_indices = #map}, {transform_indices = #map1}, {transform_indices = #map1}, {transform_indices = #map}]} {
    %mul3A = arith.constant 2 : i32
    %mul3A_0 = arith.muli %arg1, %mul3A : i32
    %add3A = arith.addi %mul3A_0, %arg0 : i32
    %mul3A_1 = arith.constant 6000 : i32
    %mul3A_2 = arith.muli %add3A, %mul3A_1 : i32
    "tpu.region"() ({
      %run_scoped3A = tpu.sem_alloc : memref<!tpu.dma_semaphore, #tpu.memory_space<semaphore_mem>>
      %dma_start3A_192 = arith.constant 0 : i32
      %dma_start3A_193 = arith.constant 0 : i32
      %dma_start3A_194 = tpu.memref_slice %arg4[%add3A, %dma_start3A_192, %dma_start3A_193] : memref<32x75x80xi32, #tpu.memory_space<hbm>> -> memref<1x75x80xi32, #tpu.memory_space<hbm>>
      %dma_start3A_195 = tpu.memref_squeeze %dma_start3A_194 : memref<1x75x80xi32, #tpu.memory_space<hbm>> -> memref<75x80xi32, #tpu.memory_space<hbm>>
      %dma_start3A_196 = arith.constant 0 : i32
      %dma_start3A_197 = arith.constant 0 : i32
      %dma_start3A_198 = tpu.memref_slice %arg4[%add3A, %dma_start3A_196, %dma_start3A_197] : memref<32x75x80xi32, #tpu.memory_space<hbm>> -> memref<1x75x80xi32, #tpu.memory_space<hbm>>
      %dma_start3A_199 = tpu.memref_squeeze %dma_start3A_198 : memref<1x75x80xi32, #tpu.memory_space<hbm>> -> memref<75x80xi32, #tpu.memory_space<hbm>>
      tpu.enqueue_dma source(%dma_start3A_199 : memref<75x80xi32, #tpu.memory_space<hbm>>) target(%arg7 : memref<75x80xi32, #tpu.memory_space<vmem>>) target_semaphore(%run_scoped3A : memref<!tpu.dma_semaphore, #tpu.memory_space<semaphore_mem>>)
      %dma_wait3A_200 = arith.constant 0 : i32
      %dma_wait3A_201 = arith.constant 0 : i32
      %dma_wait3A_202 = tpu.memref_slice %arg4[%add3A, %dma_wait3A_200, %dma_wait3A_201] : memref<32x75x80xi32, #tpu.memory_space<hbm>> -> memref<1x75x80xi32, #tpu.memory_space<hbm>>
      %dma_wait3A_203 = tpu.memref_squeeze %dma_wait3A_202 : memref<1x75x80xi32, #tpu.memory_space<hbm>> -> memref<75x80xi32, #tpu.memory_space<hbm>>
      %dma_wait3A_204 = arith.constant 0 : i32
      %dma_wait3A_205 = arith.constant 0 : i32
      %dma_wait3A_206 = tpu.memref_slice %arg4[%add3A, %dma_wait3A_204, %dma_wait3A_205] : memref<32x75x80xi32, #tpu.memory_space<hbm>> -> memref<1x75x80xi32, #tpu.memory_space<hbm>>
      %dma_wait3A_207 = tpu.memref_squeeze %dma_wait3A_206 : memref<1x75x80xi32, #tpu.memory_space<hbm>> -> memref<75x80xi32, #tpu.memory_space<hbm>>
      tpu.wait_dma2 semaphore(%run_scoped3A : memref<!tpu.dma_semaphore, #tpu.memory_space<semaphore_mem>>) src(%dma_wait3A_207 : memref<75x80xi32, #tpu.memory_space<hbm>>) dst(%arg7 : memref<75x80xi32, #tpu.memory_space<vmem>>)
      tpu.yield
    }) : () -> ()
    "tpu.region"() ({
      %run_scoped3A = tpu.sem_alloc : memref<!tpu.dma_semaphore, #tpu.memory_space<semaphore_mem>>
      %dma_start3A_192 = arith.constant 0 : i32
      %dma_start3A_193 = arith.constant 0 : i32
      %dma_start3A_194 = tpu.memref_slice %arg5[%add3A, %dma_start3A_192, %dma_start3A_193] : memref<32x75x80xi32, #tpu.memory_space<hbm>> -> memref<1x75x80xi32, #tpu.memory_space<hbm>>
      %dma_start3A_195 = tpu.memref_squeeze %dma_start3A_194 : memref<1x75x80xi32, #tpu.memory_space<hbm>> -> memref<75x80xi32, #tpu.memory_space<hbm>>
      %dma_start3A_196 = arith.constant 0 : i32
      %dma_start3A_197 = arith.constant 0 : i32
      %dma_start3A_198 = tpu.memref_slice %arg5[%add3A, %dma_start3A_196, %dma_start3A_197] : memref<32x75x80xi32, #tpu.memory_space<hbm>> -> memref<1x75x80xi32, #tpu.memory_space<hbm>>
      %dma_start3A_199 = tpu.memref_squeeze %dma_start3A_198 : memref<1x75x80xi32, #tpu.memory_space<hbm>> -> memref<75x80xi32, #tpu.memory_space<hbm>>
      tpu.enqueue_dma source(%dma_start3A_199 : memref<75x80xi32, #tpu.memory_space<hbm>>) target(%arg8 : memref<75x80xi32, #tpu.memory_space<vmem>>) target_semaphore(%run_scoped3A : memref<!tpu.dma_semaphore, #tpu.memory_space<semaphore_mem>>)
      %dma_wait3A_200 = arith.constant 0 : i32
      %dma_wait3A_201 = arith.constant 0 : i32
      %dma_wait3A_202 = tpu.memref_slice %arg5[%add3A, %dma_wait3A_200, %dma_wait3A_201] : memref<32x75x80xi32, #tpu.memory_space<hbm>> -> memref<1x75x80xi32, #tpu.memory_space<hbm>>
      %dma_wait3A_203 = tpu.memref_squeeze %dma_wait3A_202 : memref<1x75x80xi32, #tpu.memory_space<hbm>> -> memref<75x80xi32, #tpu.memory_space<hbm>>
      %dma_wait3A_204 = arith.constant 0 : i32
      %dma_wait3A_205 = arith.constant 0 : i32
      %dma_wait3A_206 = tpu.memref_slice %arg5[%add3A, %dma_wait3A_204, %dma_wait3A_205] : memref<32x75x80xi32, #tpu.memory_space<hbm>> -> memref<1x75x80xi32, #tpu.memory_space<hbm>>
      %dma_wait3A_207 = tpu.memref_squeeze %dma_wait3A_206 : memref<1x75x80xi32, #tpu.memory_space<hbm>> -> memref<75x80xi32, #tpu.memory_space<hbm>>
      tpu.wait_dma2 semaphore(%run_scoped3A : memref<!tpu.dma_semaphore, #tpu.memory_space<semaphore_mem>>) src(%dma_wait3A_207 : memref<75x80xi32, #tpu.memory_space<hbm>>) dst(%arg8 : memref<75x80xi32, #tpu.memory_space<vmem>>)
      tpu.yield
    }) : () -> ()
    %scan3A = arith.constant 0 : i32
    %scan3A_3 = arith.constant 0 : i32
    %scan3A_4 = arith.constant 15 : i32
    %scan3A_5 = arith.addi %scan3A_3, %scan3A_4 : i32
    %scan3A_6 = arith.constant 1 : i32
    scf.for %scan3A_192 = %scan3A_3 to %scan3A_5 step %scan3A_6  : i32 {
      %mul3A_193 = arith.constant 5 : i32
      %mul3A_194 = arith.muli %scan3A_192, %mul3A_193 : i32
      %add3A_195 = arith.constant 0 : i32
      %add3A_196 = arith.addi %mul3A_194, %add3A_195 : i32
      %ge3A = arith.constant 2 : i32
      %ge3A_197 = arith.cmpi sge, %add3A_196, %ge3A : i32
      %convert_element_type3A = arith.extui %ge3A_197 : i1 to i32
      %cond3A = arith.constant 0 : i32
      %cond3A_198 = arith.cmpi ne, %convert_element_type3A, %cond3A : i32
      scf.if %cond3A_198 {
        %sub3A = arith.constant 2 : i32
        %sub3A_355 = arith.subi %add3A_196, %sub3A : i32
        %dma_wait3A_356 = arith.constant 3 : i32
        %dma_wait3A_357 = arith.constant 3 : i32
        %dma_wait3A_358 = arith.constant 0 : i32
        %dma_wait3A_359 = arith.constant 0 : i32
        %dma_wait3A_360 = tpu.memref_slice %arg9[%dma_wait3A_356, %dma_wait3A_358, %dma_wait3A_359] : memref<5x80x128xf32, #tpu.memory_space<vmem>> -> memref<1x80x128xf32, #tpu.memory_space<vmem>>
        %dma_wait3A_361 = tpu.memref_squeeze %dma_wait3A_360 : memref<1x80x128xf32, #tpu.memory_space<vmem>> -> memref<80x128xf32, #tpu.memory_space<vmem>>
        %dma_wait3A_362 = arith.constant 0 : i32
        %dma_wait3A_363 = tpu.memref_slice %arg8[%sub3A_355, %dma_wait3A_362] : memref<75x80xi32, #tpu.memory_space<vmem>> -> memref<1x80xi32, #tpu.memory_space<vmem>>
        %dma_wait3A_364 = tpu.memref_squeeze %dma_wait3A_363 : memref<1x80xi32, #tpu.memory_space<vmem>> -> memref<80xi32, #tpu.memory_space<vmem>>
        %dma_wait3A_365 = arith.constant 0 : i32
        %dma_wait3A_366 = arith.constant 0 : i32
        %dma_wait3A_367 = tpu.memref_slice %arg3[%dma_wait3A_365, %dma_wait3A_366] : memref<10000x128xf32, #tpu.memory_space<hbm>> -> memref<10000x128xf32, #tpu.memory_space<hbm>>
        %dma_wait3A_368 = tpu.memref_slice %arg11[%dma_wait3A_357] : memref<5x!tpu.dma_semaphore, #tpu.memory_space<semaphore_mem>> -> memref<1x!tpu.dma_semaphore, #tpu.memory_space<semaphore_mem>>
        %dma_wait3A_369 = tpu.memref_squeeze %dma_wait3A_368 : memref<1x!tpu.dma_semaphore, #tpu.memory_space<semaphore_mem>> -> memref<!tpu.dma_semaphore, #tpu.memory_space<semaphore_mem>>
        tpu.wait_indirect_dma semaphore(%dma_wait3A_369 : memref<!tpu.dma_semaphore, #tpu.memory_space<semaphore_mem>>) src(%dma_wait3A_367 : memref<10000x128xf32, #tpu.memory_space<hbm>>) dst(%dma_wait3A_361 : memref<80x128xf32, #tpu.memory_space<vmem>>)
        %mul3A_370 = arith.constant 80 : i32
        %mul3A_371 = arith.muli %sub3A_355, %mul3A_370 : i32
        %add3A_372 = arith.addi %mul3A_2, %mul3A_371 : i32
        %dma_start3A_373 = arith.constant 3 : i32
        %dma_start3A_374 = arith.constant 3 : i32
        %dma_start3A_375 = arith.constant 0 : i32
        %dma_start3A_376 = arith.constant 0 : i32
        %dma_start3A_377 = tpu.memref_slice %arg9[%dma_start3A_373, %dma_start3A_375, %dma_start3A_376] : memref<5x80x128xf32, #tpu.memory_space<vmem>> -> memref<1x80x128xf32, #tpu.memory_space<vmem>>
        %dma_start3A_378 = tpu.memref_squeeze %dma_start3A_377 : memref<1x80x128xf32, #tpu.memory_space<vmem>> -> memref<80x128xf32, #tpu.memory_space<vmem>>
        %dma_start3A_379 = arith.constant 0 : i32
        %dma_start3A_380 = tpu.memref_slice %arg6[%add3A_372, %dma_start3A_379] : memref<192000x128xf32, #tpu.memory_space<hbm>> -> memref<80x128xf32, #tpu.memory_space<hbm>>
        %dma_start3A_381 = tpu.memref_slice %arg12[%dma_start3A_374] : memref<5x!tpu.dma_semaphore, #tpu.memory_space<semaphore_mem>> -> memref<1x!tpu.dma_semaphore, #tpu.memory_space<semaphore_mem>>
        %dma_start3A_382 = tpu.memref_squeeze %dma_start3A_381 : memref<1x!tpu.dma_semaphore, #tpu.memory_space<semaphore_mem>> -> memref<!tpu.dma_semaphore, #tpu.memory_space<semaphore_mem>>
        %dma_start3A_383 = arith.constant 0 : i32
        %dma_start3A_384 = tpu.memref_slice %arg6[%add3A_372, %dma_start3A_383] : memref<192000x128xf32, #tpu.memory_space<hbm>> -> memref<80x128xf32, #tpu.memory_space<hbm>>
        %dma_start3A_385 = arith.constant 0 : i32
        %dma_start3A_386 = arith.constant 0 : i32
        %dma_start3A_387 = tpu.memref_slice %arg9[%dma_start3A_373, %dma_start3A_385, %dma_start3A_386] : memref<5x80x128xf32, #tpu.memory_space<vmem>> -> memref<1x80x128xf32, #tpu.memory_space<vmem>>
        %dma_start3A_388 = tpu.memref_squeeze %dma_start3A_387 : memref<1x80x128xf32, #tpu.memory_space<vmem>> -> memref<80x128xf32, #tpu.memory_space<vmem>>
        tpu.enqueue_dma source(%dma_start3A_388 : memref<80x128xf32, #tpu.memory_space<vmem>>) target(%dma_start3A_384 : memref<80x128xf32, #tpu.memory_space<hbm>>) target_semaphore(%dma_start3A_382 : memref<!tpu.dma_semaphore, #tpu.memory_space<semaphore_mem>>)
      } else {
      }
      %ge3A_199 = arith.constant 1 : i32
      %ge3A_200 = arith.cmpi sge, %add3A_196, %ge3A_199 : i32
      %convert_element_type3A_201 = arith.extui %ge3A_200 : i1 to i32
      %cond3A_202 = arith.constant 0 : i32
      %cond3A_203 = arith.cmpi ne, %convert_element_type3A_201, %cond3A_202 : i32
      scf.if %cond3A_203 {
        %sub3A = arith.constant 1 : i32
        %sub3A_355 = arith.subi %add3A_196, %sub3A : i32
        %dma_wait3A_356 = arith.constant 4 : i32
        %dma_wait3A_357 = arith.constant 4 : i32
        %dma_wait3A_358 = arith.constant 0 : i32
        %dma_wait3A_359 = arith.constant 0 : i32
        %dma_wait3A_360 = tpu.memref_slice %arg9[%dma_wait3A_356, %dma_wait3A_358, %dma_wait3A_359] : memref<5x80x128xf32, #tpu.memory_space<vmem>> -> memref<1x80x128xf32, #tpu.memory_space<vmem>>
        %dma_wait3A_361 = tpu.memref_squeeze %dma_wait3A_360 : memref<1x80x128xf32, #tpu.memory_space<vmem>> -> memref<80x128xf32, #tpu.memory_space<vmem>>
        %dma_wait3A_362 = arith.constant 0 : i32
        %dma_wait3A_363 = tpu.memref_slice %arg7[%sub3A_355, %dma_wait3A_362] : memref<75x80xi32, #tpu.memory_space<vmem>> -> memref<1x80xi32, #tpu.memory_space<vmem>>
        %dma_wait3A_364 = tpu.memref_squeeze %dma_wait3A_363 : memref<1x80xi32, #tpu.memory_space<vmem>> -> memref<80xi32, #tpu.memory_space<vmem>>
        %dma_wait3A_365 = arith.constant 0 : i32
        %dma_wait3A_366 = arith.constant 0 : i32
        %dma_wait3A_367 = tpu.memref_slice %arg2[%dma_wait3A_365, %dma_wait3A_366] : memref<10000x128xf32, #tpu.memory_space<hbm>> -> memref<10000x128xf32, #tpu.memory_space<hbm>>
        %dma_wait3A_368 = tpu.memref_slice %arg10[%dma_wait3A_357] : memref<5x!tpu.dma_semaphore, #tpu.memory_space<semaphore_mem>> -> memref<1x!tpu.dma_semaphore, #tpu.memory_space<semaphore_mem>>
        %dma_wait3A_369 = tpu.memref_squeeze %dma_wait3A_368 : memref<1x!tpu.dma_semaphore, #tpu.memory_space<semaphore_mem>> -> memref<!tpu.dma_semaphore, #tpu.memory_space<semaphore_mem>>
        tpu.wait_indirect_dma semaphore(%dma_wait3A_369 : memref<!tpu.dma_semaphore, #tpu.memory_space<semaphore_mem>>) src(%dma_wait3A_367 : memref<10000x128xf32, #tpu.memory_space<hbm>>) dst(%dma_wait3A_361 : memref<80x128xf32, #tpu.memory_space<vmem>>)
        %dma_start3A_370 = arith.constant 4 : i32
        %dma_start3A_371 = arith.constant 4 : i32
        %dma_start3A_372 = arith.constant 0 : i32
        %dma_start3A_373 = arith.constant 0 : i32
        %dma_start3A_374 = tpu.memref_slice %arg9[%dma_start3A_370, %dma_start3A_372, %dma_start3A_373] : memref<5x80x128xf32, #tpu.memory_space<vmem>> -> memref<1x80x128xf32, #tpu.memory_space<vmem>>
        %dma_start3A_375 = tpu.memref_squeeze %dma_start3A_374 : memref<1x80x128xf32, #tpu.memory_space<vmem>> -> memref<80x128xf32, #tpu.memory_space<vmem>>
        %dma_start3A_376 = arith.constant 0 : i32
        %dma_start3A_377 = tpu.memref_slice %arg8[%sub3A_355, %dma_start3A_376] : memref<75x80xi32, #tpu.memory_space<vmem>> -> memref<1x80xi32, #tpu.memory_space<vmem>>
        %dma_start3A_378 = tpu.memref_squeeze %dma_start3A_377 : memref<1x80xi32, #tpu.memory_space<vmem>> -> memref<80xi32, #tpu.memory_space<vmem>>
        %dma_start3A_379 = arith.constant 0 : i32
        %dma_start3A_380 = arith.constant 0 : i32
        %dma_start3A_381 = tpu.memref_slice %arg3[%dma_start3A_379, %dma_start3A_380] : memref<10000x128xf32, #tpu.memory_space<hbm>> -> memref<10000x128xf32, #tpu.memory_space<hbm>>
        %dma_start3A_382 = tpu.memref_slice %arg11[%dma_start3A_371] : memref<5x!tpu.dma_semaphore, #tpu.memory_space<semaphore_mem>> -> memref<1x!tpu.dma_semaphore, #tpu.memory_space<semaphore_mem>>
        %dma_start3A_383 = tpu.memref_squeeze %dma_start3A_382 : memref<1x!tpu.dma_semaphore, #tpu.memory_space<semaphore_mem>> -> memref<!tpu.dma_semaphore, #tpu.memory_space<semaphore_mem>>
        tpu.enqueue_indirect_dma source(%dma_start3A_381 : memref<10000x128xf32, #tpu.memory_space<hbm>>) target(%dma_start3A_375 : memref<80x128xf32, #tpu.memory_space<vmem>>) offsets(%dma_start3A_378 : memref<80xi32, #tpu.memory_space<vmem>>) semaphore(%dma_start3A_383 : memref<!tpu.dma_semaphore, #tpu.memory_space<semaphore_mem>>) {add = true}
      } else {
      }
      %ge3A_204 = arith.constant 5 : i32
      %ge3A_205 = arith.cmpi sge, %add3A_196, %ge3A_204 : i32
      %convert_element_type3A_206 = arith.extui %ge3A_205 : i1 to i32
      %cond3A_207 = arith.constant 0 : i32
      %cond3A_208 = arith.cmpi ne, %convert_element_type3A_206, %cond3A_207 : i32
      scf.if %cond3A_208 {
        %sub3A = arith.constant 5 : i32
        %sub3A_355 = arith.subi %add3A_196, %sub3A : i32
        %mul3A_356 = arith.constant 80 : i32
        %mul3A_357 = arith.muli %sub3A_355, %mul3A_356 : i32
        %add3A_358 = arith.addi %mul3A_2, %mul3A_357 : i32
        %dma_wait3A_359 = arith.constant 0 : i32
        %dma_wait3A_360 = arith.constant 0 : i32
        %dma_wait3A_361 = arith.constant 0 : i32
        %dma_wait3A_362 = arith.constant 0 : i32
        %dma_wait3A_363 = tpu.memref_slice %arg9[%dma_wait3A_359, %dma_wait3A_361, %dma_wait3A_362] : memref<5x80x128xf32, #tpu.memory_space<vmem>> -> memref<1x80x128xf32, #tpu.memory_space<vmem>>
        %dma_wait3A_364 = tpu.memref_squeeze %dma_wait3A_363 : memref<1x80x128xf32, #tpu.memory_space<vmem>> -> memref<80x128xf32, #tpu.memory_space<vmem>>
        %dma_wait3A_365 = arith.constant 0 : i32
        %dma_wait3A_366 = tpu.memref_slice %arg6[%add3A_358, %dma_wait3A_365] : memref<192000x128xf32, #tpu.memory_space<hbm>> -> memref<80x128xf32, #tpu.memory_space<hbm>>
        %dma_wait3A_367 = tpu.memref_slice %arg12[%dma_wait3A_360] : memref<5x!tpu.dma_semaphore, #tpu.memory_space<semaphore_mem>> -> memref<1x!tpu.dma_semaphore, #tpu.memory_space<semaphore_mem>>
        %dma_wait3A_368 = tpu.memref_squeeze %dma_wait3A_367 : memref<1x!tpu.dma_semaphore, #tpu.memory_space<semaphore_mem>> -> memref<!tpu.dma_semaphore, #tpu.memory_space<semaphore_mem>>
        %dma_wait3A_369 = arith.constant 0 : i32
        %dma_wait3A_370 = tpu.memref_slice %arg6[%add3A_358, %dma_wait3A_369] : memref<192000x128xf32, #tpu.memory_space<hbm>> -> memref<80x128xf32, #tpu.memory_space<hbm>>
        %dma_wait3A_371 = arith.constant 0 : i32
        %dma_wait3A_372 = arith.constant 0 : i32
        %dma_wait3A_373 = tpu.memref_slice %arg9[%dma_wait3A_359, %dma_wait3A_371, %dma_wait3A_372] : memref<5x80x128xf32, #tpu.memory_space<vmem>> -> memref<1x80x128xf32, #tpu.memory_space<vmem>>
        %dma_wait3A_374 = tpu.memref_squeeze %dma_wait3A_373 : memref<1x80x128xf32, #tpu.memory_space<vmem>> -> memref<80x128xf32, #tpu.memory_space<vmem>>
        tpu.wait_dma2 semaphore(%dma_wait3A_368 : memref<!tpu.dma_semaphore, #tpu.memory_space<semaphore_mem>>) src(%dma_wait3A_374 : memref<80x128xf32, #tpu.memory_space<vmem>>) dst(%dma_wait3A_370 : memref<80x128xf32, #tpu.memory_space<hbm>>)
      } else {
      }
      %dma_start3A_209 = arith.constant 0 : i32
      %dma_start3A_210 = arith.constant 0 : i32
      %dma_start3A_211 = arith.constant 0 : i32
      %dma_start3A_212 = arith.constant 0 : i32
      %dma_start3A_213 = tpu.memref_slice %arg9[%dma_start3A_209, %dma_start3A_211, %dma_start3A_212] : memref<5x80x128xf32, #tpu.memory_space<vmem>> -> memref<1x80x128xf32, #tpu.memory_space<vmem>>
      %dma_start3A_214 = tpu.memref_squeeze %dma_start3A_213 : memref<1x80x128xf32, #tpu.memory_space<vmem>> -> memref<80x128xf32, #tpu.memory_space<vmem>>
      %dma_start3A_215 = arith.constant 0 : i32
      %dma_start3A_216 = tpu.memref_slice %arg7[%add3A_196, %dma_start3A_215] : memref<75x80xi32, #tpu.memory_space<vmem>> -> memref<1x80xi32, #tpu.memory_space<vmem>>
      %dma_start3A_217 = tpu.memref_squeeze %dma_start3A_216 : memref<1x80xi32, #tpu.memory_space<vmem>> -> memref<80xi32, #tpu.memory_space<vmem>>
      %dma_start3A_218 = arith.constant 0 : i32
      %dma_start3A_219 = arith.constant 0 : i32
      %dma_start3A_220 = tpu.memref_slice %arg2[%dma_start3A_218, %dma_start3A_219] : memref<10000x128xf32, #tpu.memory_space<hbm>> -> memref<10000x128xf32, #tpu.memory_space<hbm>>
      %dma_start3A_221 = tpu.memref_slice %arg10[%dma_start3A_210] : memref<5x!tpu.dma_semaphore, #tpu.memory_space<semaphore_mem>> -> memref<1x!tpu.dma_semaphore, #tpu.memory_space<semaphore_mem>>
      %dma_start3A_222 = tpu.memref_squeeze %dma_start3A_221 : memref<1x!tpu.dma_semaphore, #tpu.memory_space<semaphore_mem>> -> memref<!tpu.dma_semaphore, #tpu.memory_space<semaphore_mem>>
      tpu.enqueue_indirect_dma source(%dma_start3A_220 : memref<10000x128xf32, #tpu.memory_space<hbm>>) target(%dma_start3A_214 : memref<80x128xf32, #tpu.memory_space<vmem>>) offsets(%dma_start3A_217 : memref<80xi32, #tpu.memory_space<vmem>>) semaphore(%dma_start3A_222 : memref<!tpu.dma_semaphore, #tpu.memory_space<semaphore_mem>>)
      %mul3A_223 = arith.constant 5 : i32
      %mul3A_224 = arith.muli %scan3A_192, %mul3A_223 : i32
      %add3A_225 = arith.constant 1 : i32
      %add3A_226 = arith.addi %mul3A_224, %add3A_225 : i32
      %ge3A_227 = arith.constant 2 : i32
      %ge3A_228 = arith.cmpi sge, %add3A_226, %ge3A_227 : i32
      %convert_element_type3A_229 = arith.extui %ge3A_228 : i1 to i32
      %cond3A_230 = arith.constant 0 : i32
      %cond3A_231 = arith.cmpi ne, %convert_element_type3A_229, %cond3A_230 : i32
      scf.if %cond3A_231 {
        %sub3A = arith.constant 2 : i32
        %sub3A_355 = arith.subi %add3A_226, %sub3A : i32
        %dma_wait3A_356 = arith.constant 4 : i32
        %dma_wait3A_357 = arith.constant 4 : i32
        %dma_wait3A_358 = arith.constant 0 : i32
        %dma_wait3A_359 = arith.constant 0 : i32
        %dma_wait3A_360 = tpu.memref_slice %arg9[%dma_wait3A_356, %dma_wait3A_358, %dma_wait3A_359] : memref<5x80x128xf32, #tpu.memory_space<vmem>> -> memref<1x80x128xf32, #tpu.memory_space<vmem>>
        %dma_wait3A_361 = tpu.memref_squeeze %dma_wait3A_360 : memref<1x80x128xf32, #tpu.memory_space<vmem>> -> memref<80x128xf32, #tpu.memory_space<vmem>>
        %dma_wait3A_362 = arith.constant 0 : i32
        %dma_wait3A_363 = tpu.memref_slice %arg8[%sub3A_355, %dma_wait3A_362] : memref<75x80xi32, #tpu.memory_space<vmem>> -> memref<1x80xi32, #tpu.memory_space<vmem>>
        %dma_wait3A_364 = tpu.memref_squeeze %dma_wait3A_363 : memref<1x80xi32, #tpu.memory_space<vmem>> -> memref<80xi32, #tpu.memory_space<vmem>>
        %dma_wait3A_365 = arith.constant 0 : i32
        %dma_wait3A_366 = arith.constant 0 : i32
        %dma_wait3A_367 = tpu.memref_slice %arg3[%dma_wait3A_365, %dma_wait3A_366] : memref<10000x128xf32, #tpu.memory_space<hbm>> -> memref<10000x128xf32, #tpu.memory_space<hbm>>
        %dma_wait3A_368 = tpu.memref_slice %arg11[%dma_wait3A_357] : memref<5x!tpu.dma_semaphore, #tpu.memory_space<semaphore_mem>> -> memref<1x!tpu.dma_semaphore, #tpu.memory_space<semaphore_mem>>
        %dma_wait3A_369 = tpu.memref_squeeze %dma_wait3A_368 : memref<1x!tpu.dma_semaphore, #tpu.memory_space<semaphore_mem>> -> memref<!tpu.dma_semaphore, #tpu.memory_space<semaphore_mem>>
        tpu.wait_indirect_dma semaphore(%dma_wait3A_369 : memref<!tpu.dma_semaphore, #tpu.memory_space<semaphore_mem>>) src(%dma_wait3A_367 : memref<10000x128xf32, #tpu.memory_space<hbm>>) dst(%dma_wait3A_361 : memref<80x128xf32, #tpu.memory_space<vmem>>)
        %mul3A_370 = arith.constant 80 : i32
        %mul3A_371 = arith.muli %sub3A_355, %mul3A_370 : i32
        %add3A_372 = arith.addi %mul3A_2, %mul3A_371 : i32
        %dma_start3A_373 = arith.constant 4 : i32
        %dma_start3A_374 = arith.constant 4 : i32
        %dma_start3A_375 = arith.constant 0 : i32
        %dma_start3A_376 = arith.constant 0 : i32
        %dma_start3A_377 = tpu.memref_slice %arg9[%dma_start3A_373, %dma_start3A_375, %dma_start3A_376] : memref<5x80x128xf32, #tpu.memory_space<vmem>> -> memref<1x80x128xf32, #tpu.memory_space<vmem>>
        %dma_start3A_378 = tpu.memref_squeeze %dma_start3A_377 : memref<1x80x128xf32, #tpu.memory_space<vmem>> -> memref<80x128xf32, #tpu.memory_space<vmem>>
        %dma_start3A_379 = arith.constant 0 : i32
        %dma_start3A_380 = tpu.memref_slice %arg6[%add3A_372, %dma_start3A_379] : memref<192000x128xf32, #tpu.memory_space<hbm>> -> memref<80x128xf32, #tpu.memory_space<hbm>>
        %dma_start3A_381 = tpu.memref_slice %arg12[%dma_start3A_374] : memref<5x!tpu.dma_semaphore, #tpu.memory_space<semaphore_mem>> -> memref<1x!tpu.dma_semaphore, #tpu.memory_space<semaphore_mem>>
        %dma_start3A_382 = tpu.memref_squeeze %dma_start3A_381 : memref<1x!tpu.dma_semaphore, #tpu.memory_space<semaphore_mem>> -> memref<!tpu.dma_semaphore, #tpu.memory_space<semaphore_mem>>
        %dma_start3A_383 = arith.constant 0 : i32
        %dma_start3A_384 = tpu.memref_slice %arg6[%add3A_372, %dma_start3A_383] : memref<192000x128xf32, #tpu.memory_space<hbm>> -> memref<80x128xf32, #tpu.memory_space<hbm>>
        %dma_start3A_385 = arith.constant 0 : i32
        %dma_start3A_386 = arith.constant 0 : i32
        %dma_start3A_387 = tpu.memref_slice %arg9[%dma_start3A_373, %dma_start3A_385, %dma_start3A_386] : memref<5x80x128xf32, #tpu.memory_space<vmem>> -> memref<1x80x128xf32, #tpu.memory_space<vmem>>
        %dma_start3A_388 = tpu.memref_squeeze %dma_start3A_387 : memref<1x80x128xf32, #tpu.memory_space<vmem>> -> memref<80x128xf32, #tpu.memory_space<vmem>>
        tpu.enqueue_dma source(%dma_start3A_388 : memref<80x128xf32, #tpu.memory_space<vmem>>) target(%dma_start3A_384 : memref<80x128xf32, #tpu.memory_space<hbm>>) target_semaphore(%dma_start3A_382 : memref<!tpu.dma_semaphore, #tpu.memory_space<semaphore_mem>>)
      } else {
      }
      %ge3A_232 = arith.constant 1 : i32
      %ge3A_233 = arith.cmpi sge, %add3A_226, %ge3A_232 : i32
      %convert_element_type3A_234 = arith.extui %ge3A_233 : i1 to i32
      %cond3A_235 = arith.constant 0 : i32
      %cond3A_236 = arith.cmpi ne, %convert_element_type3A_234, %cond3A_235 : i32
      scf.if %cond3A_236 {
        %sub3A = arith.constant 1 : i32
        %sub3A_355 = arith.subi %add3A_226, %sub3A : i32
        %dma_wait3A_356 = arith.constant 0 : i32
        %dma_wait3A_357 = arith.constant 0 : i32
        %dma_wait3A_358 = arith.constant 0 : i32
        %dma_wait3A_359 = arith.constant 0 : i32
        %dma_wait3A_360 = tpu.memref_slice %arg9[%dma_wait3A_356, %dma_wait3A_358, %dma_wait3A_359] : memref<5x80x128xf32, #tpu.memory_space<vmem>> -> memref<1x80x128xf32, #tpu.memory_space<vmem>>
        %dma_wait3A_361 = tpu.memref_squeeze %dma_wait3A_360 : memref<1x80x128xf32, #tpu.memory_space<vmem>> -> memref<80x128xf32, #tpu.memory_space<vmem>>
        %dma_wait3A_362 = arith.constant 0 : i32
        %dma_wait3A_363 = tpu.memref_slice %arg7[%sub3A_355, %dma_wait3A_362] : memref<75x80xi32, #tpu.memory_space<vmem>> -> memref<1x80xi32, #tpu.memory_space<vmem>>
        %dma_wait3A_364 = tpu.memref_squeeze %dma_wait3A_363 : memref<1x80xi32, #tpu.memory_space<vmem>> -> memref<80xi32, #tpu.memory_space<vmem>>
        %dma_wait3A_365 = arith.constant 0 : i32
        %dma_wait3A_366 = arith.constant 0 : i32
        %dma_wait3A_367 = tpu.memref_slice %arg2[%dma_wait3A_365, %dma_wait3A_366] : memref<10000x128xf32, #tpu.memory_space<hbm>> -> memref<10000x128xf32, #tpu.memory_space<hbm>>
        %dma_wait3A_368 = tpu.memref_slice %arg10[%dma_wait3A_357] : memref<5x!tpu.dma_semaphore, #tpu.memory_space<semaphore_mem>> -> memref<1x!tpu.dma_semaphore, #tpu.memory_space<semaphore_mem>>
        %dma_wait3A_369 = tpu.memref_squeeze %dma_wait3A_368 : memref<1x!tpu.dma_semaphore, #tpu.memory_space<semaphore_mem>> -> memref<!tpu.dma_semaphore, #tpu.memory_space<semaphore_mem>>
        tpu.wait_indirect_dma semaphore(%dma_wait3A_369 : memref<!tpu.dma_semaphore, #tpu.memory_space<semaphore_mem>>) src(%dma_wait3A_367 : memref<10000x128xf32, #tpu.memory_space<hbm>>) dst(%dma_wait3A_361 : memref<80x128xf32, #tpu.memory_space<vmem>>)
        %dma_start3A_370 = arith.constant 0 : i32
        %dma_start3A_371 = arith.constant 0 : i32
        %dma_start3A_372 = arith.constant 0 : i32
        %dma_start3A_373 = arith.constant 0 : i32
        %dma_start3A_374 = tpu.memref_slice %arg9[%dma_start3A_370, %dma_start3A_372, %dma_start3A_373] : memref<5x80x128xf32, #tpu.memory_space<vmem>> -> memref<1x80x128xf32, #tpu.memory_space<vmem>>
        %dma_start3A_375 = tpu.memref_squeeze %dma_start3A_374 : memref<1x80x128xf32, #tpu.memory_space<vmem>> -> memref<80x128xf32, #tpu.memory_space<vmem>>
        %dma_start3A_376 = arith.constant 0 : i32
        %dma_start3A_377 = tpu.memref_slice %arg8[%sub3A_355, %dma_start3A_376] : memref<75x80xi32, #tpu.memory_space<vmem>> -> memref<1x80xi32, #tpu.memory_space<vmem>>
        %dma_start3A_378 = tpu.memref_squeeze %dma_start3A_377 : memref<1x80xi32, #tpu.memory_space<vmem>> -> memref<80xi32, #tpu.memory_space<vmem>>
        %dma_start3A_379 = arith.constant 0 : i32
        %dma_start3A_380 = arith.constant 0 : i32
        %dma_start3A_381 = tpu.memref_slice %arg3[%dma_start3A_379, %dma_start3A_380] : memref<10000x128xf32, #tpu.memory_space<hbm>> -> memref<10000x128xf32, #tpu.memory_space<hbm>>
        %dma_start3A_382 = tpu.memref_slice %arg11[%dma_start3A_371] : memref<5x!tpu.dma_semaphore, #tpu.memory_space<semaphore_mem>> -> memref<1x!tpu.dma_semaphore, #tpu.memory_space<semaphore_mem>>
        %dma_start3A_383 = tpu.memref_squeeze %dma_start3A_382 : memref<1x!tpu.dma_semaphore, #tpu.memory_space<semaphore_mem>> -> memref<!tpu.dma_semaphore, #tpu.memory_space<semaphore_mem>>
        tpu.enqueue_indirect_dma source(%dma_start3A_381 : memref<10000x128xf32, #tpu.memory_space<hbm>>) target(%dma_start3A_375 : memref<80x128xf32, #tpu.memory_space<vmem>>) offsets(%dma_start3A_378 : memref<80xi32, #tpu.memory_space<vmem>>) semaphore(%dma_start3A_383 : memref<!tpu.dma_semaphore, #tpu.memory_space<semaphore_mem>>) {add = true}
      } else {
      }
      %ge3A_237 = arith.constant 5 : i32
      %ge3A_238 = arith.cmpi sge, %add3A_226, %ge3A_237 : i32
      %convert_element_type3A_239 = arith.extui %ge3A_238 : i1 to i32
      %cond3A_240 = arith.constant 0 : i32
      %cond3A_241 = arith.cmpi ne, %convert_element_type3A_239, %cond3A_240 : i32
      scf.if %cond3A_241 {
        %sub3A = arith.constant 5 : i32
        %sub3A_355 = arith.subi %add3A_226, %sub3A : i32
        %mul3A_356 = arith.constant 80 : i32
        %mul3A_357 = arith.muli %sub3A_355, %mul3A_356 : i32
        %add3A_358 = arith.addi %mul3A_2, %mul3A_357 : i32
        %dma_wait3A_359 = arith.constant 1 : i32
        %dma_wait3A_360 = arith.constant 1 : i32
        %dma_wait3A_361 = arith.constant 0 : i32
        %dma_wait3A_362 = arith.constant 0 : i32
        %dma_wait3A_363 = tpu.memref_slice %arg9[%dma_wait3A_359, %dma_wait3A_361, %dma_wait3A_362] : memref<5x80x128xf32, #tpu.memory_space<vmem>> -> memref<1x80x128xf32, #tpu.memory_space<vmem>>
        %dma_wait3A_364 = tpu.memref_squeeze %dma_wait3A_363 : memref<1x80x128xf32, #tpu.memory_space<vmem>> -> memref<80x128xf32, #tpu.memory_space<vmem>>
        %dma_wait3A_365 = arith.constant 0 : i32
        %dma_wait3A_366 = tpu.memref_slice %arg6[%add3A_358, %dma_wait3A_365] : memref<192000x128xf32, #tpu.memory_space<hbm>> -> memref<80x128xf32, #tpu.memory_space<hbm>>
        %dma_wait3A_367 = tpu.memref_slice %arg12[%dma_wait3A_360] : memref<5x!tpu.dma_semaphore, #tpu.memory_space<semaphore_mem>> -> memref<1x!tpu.dma_semaphore, #tpu.memory_space<semaphore_mem>>
        %dma_wait3A_368 = tpu.memref_squeeze %dma_wait3A_367 : memref<1x!tpu.dma_semaphore, #tpu.memory_space<semaphore_mem>> -> memref<!tpu.dma_semaphore, #tpu.memory_space<semaphore_mem>>
        %dma_wait3A_369 = arith.constant 0 : i32
        %dma_wait3A_370 = tpu.memref_slice %arg6[%add3A_358, %dma_wait3A_369] : memref<192000x128xf32, #tpu.memory_space<hbm>> -> memref<80x128xf32, #tpu.memory_space<hbm>>
        %dma_wait3A_371 = arith.constant 0 : i32
        %dma_wait3A_372 = arith.constant 0 : i32
        %dma_wait3A_373 = tpu.memref_slice %arg9[%dma_wait3A_359, %dma_wait3A_371, %dma_wait3A_372] : memref<5x80x128xf32, #tpu.memory_space<vmem>> -> memref<1x80x128xf32, #tpu.memory_space<vmem>>
        %dma_wait3A_374 = tpu.memref_squeeze %dma_wait3A_373 : memref<1x80x128xf32, #tpu.memory_space<vmem>> -> memref<80x128xf32, #tpu.memory_space<vmem>>
        tpu.wait_dma2 semaphore(%dma_wait3A_368 : memref<!tpu.dma_semaphore, #tpu.memory_space<semaphore_mem>>) src(%dma_wait3A_374 : memref<80x128xf32, #tpu.memory_space<vmem>>) dst(%dma_wait3A_370 : memref<80x128xf32, #tpu.memory_space<hbm>>)
      } else {
      }
      %dma_start3A_242 = arith.constant 1 : i32
      %dma_start3A_243 = arith.constant 1 : i32
      %dma_start3A_244 = arith.constant 0 : i32
      %dma_start3A_245 = arith.constant 0 : i32
      %dma_start3A_246 = tpu.memref_slice %arg9[%dma_start3A_242, %dma_start3A_244, %dma_start3A_245] : memref<5x80x128xf32, #tpu.memory_space<vmem>> -> memref<1x80x128xf32, #tpu.memory_space<vmem>>
      %dma_start3A_247 = tpu.memref_squeeze %dma_start3A_246 : memref<1x80x128xf32, #tpu.memory_space<vmem>> -> memref<80x128xf32, #tpu.memory_space<vmem>>
      %dma_start3A_248 = arith.constant 0 : i32
      %dma_start3A_249 = tpu.memref_slice %arg7[%add3A_226, %dma_start3A_248] : memref<75x80xi32, #tpu.memory_space<vmem>> -> memref<1x80xi32, #tpu.memory_space<vmem>>
      %dma_start3A_250 = tpu.memref_squeeze %dma_start3A_249 : memref<1x80xi32, #tpu.memory_space<vmem>> -> memref<80xi32, #tpu.memory_space<vmem>>
      %dma_start3A_251 = arith.constant 0 : i32
      %dma_start3A_252 = arith.constant 0 : i32
      %dma_start3A_253 = tpu.memref_slice %arg2[%dma_start3A_251, %dma_start3A_252] : memref<10000x128xf32, #tpu.memory_space<hbm>> -> memref<10000x128xf32, #tpu.memory_space<hbm>>
      %dma_start3A_254 = tpu.memref_slice %arg10[%dma_start3A_243] : memref<5x!tpu.dma_semaphore, #tpu.memory_space<semaphore_mem>> -> memref<1x!tpu.dma_semaphore, #tpu.memory_space<semaphore_mem>>
      %dma_start3A_255 = tpu.memref_squeeze %dma_start3A_254 : memref<1x!tpu.dma_semaphore, #tpu.memory_space<semaphore_mem>> -> memref<!tpu.dma_semaphore, #tpu.memory_space<semaphore_mem>>
      tpu.enqueue_indirect_dma source(%dma_start3A_253 : memref<10000x128xf32, #tpu.memory_space<hbm>>) target(%dma_start3A_247 : memref<80x128xf32, #tpu.memory_space<vmem>>) offsets(%dma_start3A_250 : memref<80xi32, #tpu.memory_space<vmem>>) semaphore(%dma_start3A_255 : memref<!tpu.dma_semaphore, #tpu.memory_space<semaphore_mem>>)
      %mul3A_256 = arith.constant 5 : i32
      %mul3A_257 = arith.muli %scan3A_192, %mul3A_256 : i32
      %add3A_258 = arith.constant 2 : i32
      %add3A_259 = arith.addi %mul3A_257, %add3A_258 : i32
      %ge3A_260 = arith.constant 2 : i32
      %ge3A_261 = arith.cmpi sge, %add3A_259, %ge3A_260 : i32
      %convert_element_type3A_262 = arith.extui %ge3A_261 : i1 to i32
      %cond3A_263 = arith.constant 0 : i32
      %cond3A_264 = arith.cmpi ne, %convert_element_type3A_262, %cond3A_263 : i32
      scf.if %cond3A_264 {
        %sub3A = arith.constant 2 : i32
        %sub3A_355 = arith.subi %add3A_259, %sub3A : i32
        %dma_wait3A_356 = arith.constant 0 : i32
        %dma_wait3A_357 = arith.constant 0 : i32
        %dma_wait3A_358 = arith.constant 0 : i32
        %dma_wait3A_359 = arith.constant 0 : i32
        %dma_wait3A_360 = tpu.memref_slice %arg9[%dma_wait3A_356, %dma_wait3A_358, %dma_wait3A_359] : memref<5x80x128xf32, #tpu.memory_space<vmem>> -> memref<1x80x128xf32, #tpu.memory_space<vmem>>
        %dma_wait3A_361 = tpu.memref_squeeze %dma_wait3A_360 : memref<1x80x128xf32, #tpu.memory_space<vmem>> -> memref<80x128xf32, #tpu.memory_space<vmem>>
        %dma_wait3A_362 = arith.constant 0 : i32
        %dma_wait3A_363 = tpu.memref_slice %arg8[%sub3A_355, %dma_wait3A_362] : memref<75x80xi32, #tpu.memory_space<vmem>> -> memref<1x80xi32, #tpu.memory_space<vmem>>
        %dma_wait3A_364 = tpu.memref_squeeze %dma_wait3A_363 : memref<1x80xi32, #tpu.memory_space<vmem>> -> memref<80xi32, #tpu.memory_space<vmem>>
        %dma_wait3A_365 = arith.constant 0 : i32
        %dma_wait3A_366 = arith.constant 0 : i32
        %dma_wait3A_367 = tpu.memref_slice %arg3[%dma_wait3A_365, %dma_wait3A_366] : memref<10000x128xf32, #tpu.memory_space<hbm>> -> memref<10000x128xf32, #tpu.memory_space<hbm>>
        %dma_wait3A_368 = tpu.memref_slice %arg11[%dma_wait3A_357] : memref<5x!tpu.dma_semaphore, #tpu.memory_space<semaphore_mem>> -> memref<1x!tpu.dma_semaphore, #tpu.memory_space<semaphore_mem>>
        %dma_wait3A_369 = tpu.memref_squeeze %dma_wait3A_368 : memref<1x!tpu.dma_semaphore, #tpu.memory_space<semaphore_mem>> -> memref<!tpu.dma_semaphore, #tpu.memory_space<semaphore_mem>>
        tpu.wait_indirect_dma semaphore(%dma_wait3A_369 : memref<!tpu.dma_semaphore, #tpu.memory_space<semaphore_mem>>) src(%dma_wait3A_367 : memref<10000x128xf32, #tpu.memory_space<hbm>>) dst(%dma_wait3A_361 : memref<80x128xf32, #tpu.memory_space<vmem>>)
        %mul3A_370 = arith.constant 80 : i32
        %mul3A_371 = arith.muli %sub3A_355, %mul3A_370 : i32
        %add3A_372 = arith.addi %mul3A_2, %mul3A_371 : i32
        %dma_start3A_373 = arith.constant 0 : i32
        %dma_start3A_374 = arith.constant 0 : i32
        %dma_start3A_375 = arith.constant 0 : i32
        %dma_start3A_376 = arith.constant 0 : i32
        %dma_start3A_377 = tpu.memref_slice %arg9[%dma_start3A_373, %dma_start3A_375, %dma_start3A_376] : memref<5x80x128xf32, #tpu.memory_space<vmem>> -> memref<1x80x128xf32, #tpu.memory_space<vmem>>
        %dma_start3A_378 = tpu.memref_squeeze %dma_start3A_377 : memref<1x80x128xf32, #tpu.memory_space<vmem>> -> memref<80x128xf32, #tpu.memory_space<vmem>>
        %dma_start3A_379 = arith.constant 0 : i32
        %dma_start3A_380 = tpu.memref_slice %arg6[%add3A_372, %dma_start3A_379] : memref<192000x128xf32, #tpu.memory_space<hbm>> -> memref<80x128xf32, #tpu.memory_space<hbm>>
        %dma_start3A_381 = tpu.memref_slice %arg12[%dma_start3A_374] : memref<5x!tpu.dma_semaphore, #tpu.memory_space<semaphore_mem>> -> memref<1x!tpu.dma_semaphore, #tpu.memory_space<semaphore_mem>>
        %dma_start3A_382 = tpu.memref_squeeze %dma_start3A_381 : memref<1x!tpu.dma_semaphore, #tpu.memory_space<semaphore_mem>> -> memref<!tpu.dma_semaphore, #tpu.memory_space<semaphore_mem>>
        %dma_start3A_383 = arith.constant 0 : i32
        %dma_start3A_384 = tpu.memref_slice %arg6[%add3A_372, %dma_start3A_383] : memref<192000x128xf32, #tpu.memory_space<hbm>> -> memref<80x128xf32, #tpu.memory_space<hbm>>
        %dma_start3A_385 = arith.constant 0 : i32
        %dma_start3A_386 = arith.constant 0 : i32
        %dma_start3A_387 = tpu.memref_slice %arg9[%dma_start3A_373, %dma_start3A_385, %dma_start3A_386] : memref<5x80x128xf32, #tpu.memory_space<vmem>> -> memref<1x80x128xf32, #tpu.memory_space<vmem>>
        %dma_start3A_388 = tpu.memref_squeeze %dma_start3A_387 : memref<1x80x128xf32, #tpu.memory_space<vmem>> -> memref<80x128xf32, #tpu.memory_space<vmem>>
        tpu.enqueue_dma source(%dma_start3A_388 : memref<80x128xf32, #tpu.memory_space<vmem>>) target(%dma_start3A_384 : memref<80x128xf32, #tpu.memory_space<hbm>>) target_semaphore(%dma_start3A_382 : memref<!tpu.dma_semaphore, #tpu.memory_space<semaphore_mem>>)
      } else {
      }
      %ge3A_265 = arith.constant 1 : i32
      %ge3A_266 = arith.cmpi sge, %add3A_259, %ge3A_265 : i32
      %convert_element_type3A_267 = arith.extui %ge3A_266 : i1 to i32
      %cond3A_268 = arith.constant 0 : i32
      %cond3A_269 = arith.cmpi ne, %convert_element_type3A_267, %cond3A_268 : i32
      scf.if %cond3A_269 {
        %sub3A = arith.constant 1 : i32
        %sub3A_355 = arith.subi %add3A_259, %sub3A : i32
        %dma_wait3A_356 = arith.constant 1 : i32
        %dma_wait3A_357 = arith.constant 1 : i32
        %dma_wait3A_358 = arith.constant 0 : i32
        %dma_wait3A_359 = arith.constant 0 : i32
        %dma_wait3A_360 = tpu.memref_slice %arg9[%dma_wait3A_356, %dma_wait3A_358, %dma_wait3A_359] : memref<5x80x128xf32, #tpu.memory_space<vmem>> -> memref<1x80x128xf32, #tpu.memory_space<vmem>>
        %dma_wait3A_361 = tpu.memref_squeeze %dma_wait3A_360 : memref<1x80x128xf32, #tpu.memory_space<vmem>> -> memref<80x128xf32, #tpu.memory_space<vmem>>
        %dma_wait3A_362 = arith.constant 0 : i32
        %dma_wait3A_363 = tpu.memref_slice %arg7[%sub3A_355, %dma_wait3A_362] : memref<75x80xi32, #tpu.memory_space<vmem>> -> memref<1x80xi32, #tpu.memory_space<vmem>>
        %dma_wait3A_364 = tpu.memref_squeeze %dma_wait3A_363 : memref<1x80xi32, #tpu.memory_space<vmem>> -> memref<80xi32, #tpu.memory_space<vmem>>
        %dma_wait3A_365 = arith.constant 0 : i32
        %dma_wait3A_366 = arith.constant 0 : i32
        %dma_wait3A_367 = tpu.memref_slice %arg2[%dma_wait3A_365, %dma_wait3A_366] : memref<10000x128xf32, #tpu.memory_space<hbm>> -> memref<10000x128xf32, #tpu.memory_space<hbm>>
        %dma_wait3A_368 = tpu.memref_slice %arg10[%dma_wait3A_357] : memref<5x!tpu.dma_semaphore, #tpu.memory_space<semaphore_mem>> -> memref<1x!tpu.dma_semaphore, #tpu.memory_space<semaphore_mem>>
        %dma_wait3A_369 = tpu.memref_squeeze %dma_wait3A_368 : memref<1x!tpu.dma_semaphore, #tpu.memory_space<semaphore_mem>> -> memref<!tpu.dma_semaphore, #tpu.memory_space<semaphore_mem>>
        tpu.wait_indirect_dma semaphore(%dma_wait3A_369 : memref<!tpu.dma_semaphore, #tpu.memory_space<semaphore_mem>>) src(%dma_wait3A_367 : memref<10000x128xf32, #tpu.memory_space<hbm>>) dst(%dma_wait3A_361 : memref<80x128xf32, #tpu.memory_space<vmem>>)
        %dma_start3A_370 = arith.constant 1 : i32
        %dma_start3A_371 = arith.constant 1 : i32
        %dma_start3A_372 = arith.constant 0 : i32
        %dma_start3A_373 = arith.constant 0 : i32
        %dma_start3A_374 = tpu.memref_slice %arg9[%dma_start3A_370, %dma_start3A_372, %dma_start3A_373] : memref<5x80x128xf32, #tpu.memory_space<vmem>> -> memref<1x80x128xf32, #tpu.memory_space<vmem>>
        %dma_start3A_375 = tpu.memref_squeeze %dma_start3A_374 : memref<1x80x128xf32, #tpu.memory_space<vmem>> -> memref<80x128xf32, #tpu.memory_space<vmem>>
        %dma_start3A_376 = arith.constant 0 : i32
        %dma_start3A_377 = tpu.memref_slice %arg8[%sub3A_355, %dma_start3A_376] : memref<75x80xi32, #tpu.memory_space<vmem>> -> memref<1x80xi32, #tpu.memory_space<vmem>>
        %dma_start3A_378 = tpu.memref_squeeze %dma_start3A_377 : memref<1x80xi32, #tpu.memory_space<vmem>> -> memref<80xi32, #tpu.memory_space<vmem>>
        %dma_start3A_379 = arith.constant 0 : i32
        %dma_start3A_380 = arith.constant 0 : i32
        %dma_start3A_381 = tpu.memref_slice %arg3[%dma_start3A_379, %dma_start3A_380] : memref<10000x128xf32, #tpu.memory_space<hbm>> -> memref<10000x128xf32, #tpu.memory_space<hbm>>
        %dma_start3A_382 = tpu.memref_slice %arg11[%dma_start3A_371] : memref<5x!tpu.dma_semaphore, #tpu.memory_space<semaphore_mem>> -> memref<1x!tpu.dma_semaphore, #tpu.memory_space<semaphore_mem>>
        %dma_start3A_383 = tpu.memref_squeeze %dma_start3A_382 : memref<1x!tpu.dma_semaphore, #tpu.memory_space<semaphore_mem>> -> memref<!tpu.dma_semaphore, #tpu.memory_space<semaphore_mem>>
        tpu.enqueue_indirect_dma source(%dma_start3A_381 : memref<10000x128xf32, #tpu.memory_space<hbm>>) target(%dma_start3A_375 : memref<80x128xf32, #tpu.memory_space<vmem>>) offsets(%dma_start3A_378 : memref<80xi32, #tpu.memory_space<vmem>>) semaphore(%dma_start3A_383 : memref<!tpu.dma_semaphore, #tpu.memory_space<semaphore_mem>>) {add = true}
      } else {
      }
      %ge3A_270 = arith.constant 5 : i32
      %ge3A_271 = arith.cmpi sge, %add3A_259, %ge3A_270 : i32
      %convert_element_type3A_272 = arith.extui %ge3A_271 : i1 to i32
      %cond3A_273 = arith.constant 0 : i32
      %cond3A_274 = arith.cmpi ne, %convert_element_type3A_272, %cond3A_273 : i32
      scf.if %cond3A_274 {
        %sub3A = arith.constant 5 : i32
        %sub3A_355 = arith.subi %add3A_259, %sub3A : i32
        %mul3A_356 = arith.constant 80 : i32
        %mul3A_357 = arith.muli %sub3A_355, %mul3A_356 : i32
        %add3A_358 = arith.addi %mul3A_2, %mul3A_357 : i32
        %dma_wait3A_359 = arith.constant 2 : i32
        %dma_wait3A_360 = arith.constant 2 : i32
        %dma_wait3A_361 = arith.constant 0 : i32
        %dma_wait3A_362 = arith.constant 0 : i32
        %dma_wait3A_363 = tpu.memref_slice %arg9[%dma_wait3A_359, %dma_wait3A_361, %dma_wait3A_362] : memref<5x80x128xf32, #tpu.memory_space<vmem>> -> memref<1x80x128xf32, #tpu.memory_space<vmem>>
        %dma_wait3A_364 = tpu.memref_squeeze %dma_wait3A_363 : memref<1x80x128xf32, #tpu.memory_space<vmem>> -> memref<80x128xf32, #tpu.memory_space<vmem>>
        %dma_wait3A_365 = arith.constant 0 : i32
        %dma_wait3A_366 = tpu.memref_slice %arg6[%add3A_358, %dma_wait3A_365] : memref<192000x128xf32, #tpu.memory_space<hbm>> -> memref<80x128xf32, #tpu.memory_space<hbm>>
        %dma_wait3A_367 = tpu.memref_slice %arg12[%dma_wait3A_360] : memref<5x!tpu.dma_semaphore, #tpu.memory_space<semaphore_mem>> -> memref<1x!tpu.dma_semaphore, #tpu.memory_space<semaphore_mem>>
        %dma_wait3A_368 = tpu.memref_squeeze %dma_wait3A_367 : memref<1x!tpu.dma_semaphore, #tpu.memory_space<semaphore_mem>> -> memref<!tpu.dma_semaphore, #tpu.memory_space<semaphore_mem>>
        %dma_wait3A_369 = arith.constant 0 : i32
        %dma_wait3A_370 = tpu.memref_slice %arg6[%add3A_358, %dma_wait3A_369] : memref<192000x128xf32, #tpu.memory_space<hbm>> -> memref<80x128xf32, #tpu.memory_space<hbm>>
        %dma_wait3A_371 = arith.constant 0 : i32
        %dma_wait3A_372 = arith.constant 0 : i32
        %dma_wait3A_373 = tpu.memref_slice %arg9[%dma_wait3A_359, %dma_wait3A_371, %dma_wait3A_372] : memref<5x80x128xf32, #tpu.memory_space<vmem>> -> memref<1x80x128xf32, #tpu.memory_space<vmem>>
        %dma_wait3A_374 = tpu.memref_squeeze %dma_wait3A_373 : memref<1x80x128xf32, #tpu.memory_space<vmem>> -> memref<80x128xf32, #tpu.memory_space<vmem>>
        tpu.wait_dma2 semaphore(%dma_wait3A_368 : memref<!tpu.dma_semaphore, #tpu.memory_space<semaphore_mem>>) src(%dma_wait3A_374 : memref<80x128xf32, #tpu.memory_space<vmem>>) dst(%dma_wait3A_370 : memref<80x128xf32, #tpu.memory_space<hbm>>)
      } else {
      }
      %dma_start3A_275 = arith.constant 2 : i32
      %dma_start3A_276 = arith.constant 2 : i32
      %dma_start3A_277 = arith.constant 0 : i32
      %dma_start3A_278 = arith.constant 0 : i32
      %dma_start3A_279 = tpu.memref_slice %arg9[%dma_start3A_275, %dma_start3A_277, %dma_start3A_278] : memref<5x80x128xf32, #tpu.memory_space<vmem>> -> memref<1x80x128xf32, #tpu.memory_space<vmem>>
      %dma_start3A_280 = tpu.memref_squeeze %dma_start3A_279 : memref<1x80x128xf32, #tpu.memory_space<vmem>> -> memref<80x128xf32, #tpu.memory_space<vmem>>
      %dma_start3A_281 = arith.constant 0 : i32
      %dma_start3A_282 = tpu.memref_slice %arg7[%add3A_259, %dma_start3A_281] : memref<75x80xi32, #tpu.memory_space<vmem>> -> memref<1x80xi32, #tpu.memory_space<vmem>>
      %dma_start3A_283 = tpu.memref_squeeze %dma_start3A_282 : memref<1x80xi32, #tpu.memory_space<vmem>> -> memref<80xi32, #tpu.memory_space<vmem>>
      %dma_start3A_284 = arith.constant 0 : i32
      %dma_start3A_285 = arith.constant 0 : i32
      %dma_start3A_286 = tpu.memref_slice %arg2[%dma_start3A_284, %dma_start3A_285] : memref<10000x128xf32, #tpu.memory_space<hbm>> -> memref<10000x128xf32, #tpu.memory_space<hbm>>
      %dma_start3A_287 = tpu.memref_slice %arg10[%dma_start3A_276] : memref<5x!tpu.dma_semaphore, #tpu.memory_space<semaphore_mem>> -> memref<1x!tpu.dma_semaphore, #tpu.memory_space<semaphore_mem>>
      %dma_start3A_288 = tpu.memref_squeeze %dma_start3A_287 : memref<1x!tpu.dma_semaphore, #tpu.memory_space<semaphore_mem>> -> memref<!tpu.dma_semaphore, #tpu.memory_space<semaphore_mem>>
      tpu.enqueue_indirect_dma source(%dma_start3A_286 : memref<10000x128xf32, #tpu.memory_space<hbm>>) target(%dma_start3A_280 : memref<80x128xf32, #tpu.memory_space<vmem>>) offsets(%dma_start3A_283 : memref<80xi32, #tpu.memory_space<vmem>>) semaphore(%dma_start3A_288 : memref<!tpu.dma_semaphore, #tpu.memory_space<semaphore_mem>>)
      %mul3A_289 = arith.constant 5 : i32
      %mul3A_290 = arith.muli %scan3A_192, %mul3A_289 : i32
      %add3A_291 = arith.constant 3 : i32
      %add3A_292 = arith.addi %mul3A_290, %add3A_291 : i32
      %ge3A_293 = arith.constant 2 : i32
      %ge3A_294 = arith.cmpi sge, %add3A_292, %ge3A_293 : i32
      %convert_element_type3A_295 = arith.extui %ge3A_294 : i1 to i32
      %cond3A_296 = arith.constant 0 : i32
      %cond3A_297 = arith.cmpi ne, %convert_element_type3A_295, %cond3A_296 : i32
      scf.if %cond3A_297 {
        %sub3A = arith.constant 2 : i32
        %sub3A_355 = arith.subi %add3A_292, %sub3A : i32
        %dma_wait3A_356 = arith.constant 1 : i32
        %dma_wait3A_357 = arith.constant 1 : i32
        %dma_wait3A_358 = arith.constant 0 : i32
        %dma_wait3A_359 = arith.constant 0 : i32
        %dma_wait3A_360 = tpu.memref_slice %arg9[%dma_wait3A_356, %dma_wait3A_358, %dma_wait3A_359] : memref<5x80x128xf32, #tpu.memory_space<vmem>> -> memref<1x80x128xf32, #tpu.memory_space<vmem>>
        %dma_wait3A_361 = tpu.memref_squeeze %dma_wait3A_360 : memref<1x80x128xf32, #tpu.memory_space<vmem>> -> memref<80x128xf32, #tpu.memory_space<vmem>>
        %dma_wait3A_362 = arith.constant 0 : i32
        %dma_wait3A_363 = tpu.memref_slice %arg8[%sub3A_355, %dma_wait3A_362] : memref<75x80xi32, #tpu.memory_space<vmem>> -> memref<1x80xi32, #tpu.memory_space<vmem>>
        %dma_wait3A_364 = tpu.memref_squeeze %dma_wait3A_363 : memref<1x80xi32, #tpu.memory_space<vmem>> -> memref<80xi32, #tpu.memory_space<vmem>>
        %dma_wait3A_365 = arith.constant 0 : i32
        %dma_wait3A_366 = arith.constant 0 : i32
        %dma_wait3A_367 = tpu.memref_slice %arg3[%dma_wait3A_365, %dma_wait3A_366] : memref<10000x128xf32, #tpu.memory_space<hbm>> -> memref<10000x128xf32, #tpu.memory_space<hbm>>
        %dma_wait3A_368 = tpu.memref_slice %arg11[%dma_wait3A_357] : memref<5x!tpu.dma_semaphore, #tpu.memory_space<semaphore_mem>> -> memref<1x!tpu.dma_semaphore, #tpu.memory_space<semaphore_mem>>
        %dma_wait3A_369 = tpu.memref_squeeze %dma_wait3A_368 : memref<1x!tpu.dma_semaphore, #tpu.memory_space<semaphore_mem>> -> memref<!tpu.dma_semaphore, #tpu.memory_space<semaphore_mem>>
        tpu.wait_indirect_dma semaphore(%dma_wait3A_369 : memref<!tpu.dma_semaphore, #tpu.memory_space<semaphore_mem>>) src(%dma_wait3A_367 : memref<10000x128xf32, #tpu.memory_space<hbm>>) dst(%dma_wait3A_361 : memref<80x128xf32, #tpu.memory_space<vmem>>)
        %mul3A_370 = arith.constant 80 : i32
        %mul3A_371 = arith.muli %sub3A_355, %mul3A_370 : i32
        %add3A_372 = arith.addi %mul3A_2, %mul3A_371 : i32
        %dma_start3A_373 = arith.constant 1 : i32
        %dma_start3A_374 = arith.constant 1 : i32
        %dma_start3A_375 = arith.constant 0 : i32
        %dma_start3A_376 = arith.constant 0 : i32
        %dma_start3A_377 = tpu.memref_slice %arg9[%dma_start3A_373, %dma_start3A_375, %dma_start3A_376] : memref<5x80x128xf32, #tpu.memory_space<vmem>> -> memref<1x80x128xf32, #tpu.memory_space<vmem>>
        %dma_start3A_378 = tpu.memref_squeeze %dma_start3A_377 : memref<1x80x128xf32, #tpu.memory_space<vmem>> -> memref<80x128xf32, #tpu.memory_space<vmem>>
        %dma_start3A_379 = arith.constant 0 : i32
        %dma_start3A_380 = tpu.memref_slice %arg6[%add3A_372, %dma_start3A_379] : memref<192000x128xf32, #tpu.memory_space<hbm>> -> memref<80x128xf32, #tpu.memory_space<hbm>>
        %dma_start3A_381 = tpu.memref_slice %arg12[%dma_start3A_374] : memref<5x!tpu.dma_semaphore, #tpu.memory_space<semaphore_mem>> -> memref<1x!tpu.dma_semaphore, #tpu.memory_space<semaphore_mem>>
        %dma_start3A_382 = tpu.memref_squeeze %dma_start3A_381 : memref<1x!tpu.dma_semaphore, #tpu.memory_space<semaphore_mem>> -> memref<!tpu.dma_semaphore, #tpu.memory_space<semaphore_mem>>
        %dma_start3A_383 = arith.constant 0 : i32
        %dma_start3A_384 = tpu.memref_slice %arg6[%add3A_372, %dma_start3A_383] : memref<192000x128xf32, #tpu.memory_space<hbm>> -> memref<80x128xf32, #tpu.memory_space<hbm>>
        %dma_start3A_385 = arith.constant 0 : i32
        %dma_start3A_386 = arith.constant 0 : i32
        %dma_start3A_387 = tpu.memref_slice %arg9[%dma_start3A_373, %dma_start3A_385, %dma_start3A_386] : memref<5x80x128xf32, #tpu.memory_space<vmem>> -> memref<1x80x128xf32, #tpu.memory_space<vmem>>
        %dma_start3A_388 = tpu.memref_squeeze %dma_start3A_387 : memref<1x80x128xf32, #tpu.memory_space<vmem>> -> memref<80x128xf32, #tpu.memory_space<vmem>>
        tpu.enqueue_dma source(%dma_start3A_388 : memref<80x128xf32, #tpu.memory_space<vmem>>) target(%dma_start3A_384 : memref<80x128xf32, #tpu.memory_space<hbm>>) target_semaphore(%dma_start3A_382 : memref<!tpu.dma_semaphore, #tpu.memory_space<semaphore_mem>>)
      } else {
      }
      %ge3A_298 = arith.constant 1 : i32
      %ge3A_299 = arith.cmpi sge, %add3A_292, %ge3A_298 : i32
      %convert_element_type3A_300 = arith.extui %ge3A_299 : i1 to i32
      %cond3A_301 = arith.constant 0 : i32
      %cond3A_302 = arith.cmpi ne, %convert_element_type3A_300, %cond3A_301 : i32
      scf.if %cond3A_302 {
        %sub3A = arith.constant 1 : i32
        %sub3A_355 = arith.subi %add3A_292, %sub3A : i32
        %dma_wait3A_356 = arith.constant 2 : i32
        %dma_wait3A_357 = arith.constant 2 : i32
        %dma_wait3A_358 = arith.constant 0 : i32
        %dma_wait3A_359 = arith.constant 0 : i32
        %dma_wait3A_360 = tpu.memref_slice %arg9[%dma_wait3A_356, %dma_wait3A_358, %dma_wait3A_359] : memref<5x80x128xf32, #tpu.memory_space<vmem>> -> memref<1x80x128xf32, #tpu.memory_space<vmem>>
        %dma_wait3A_361 = tpu.memref_squeeze %dma_wait3A_360 : memref<1x80x128xf32, #tpu.memory_space<vmem>> -> memref<80x128xf32, #tpu.memory_space<vmem>>
        %dma_wait3A_362 = arith.constant 0 : i32
        %dma_wait3A_363 = tpu.memref_slice %arg7[%sub3A_355, %dma_wait3A_362] : memref<75x80xi32, #tpu.memory_space<vmem>> -> memref<1x80xi32, #tpu.memory_space<vmem>>
        %dma_wait3A_364 = tpu.memref_squeeze %dma_wait3A_363 : memref<1x80xi32, #tpu.memory_space<vmem>> -> memref<80xi32, #tpu.memory_space<vmem>>
        %dma_wait3A_365 = arith.constant 0 : i32
        %dma_wait3A_366 = arith.constant 0 : i32
        %dma_wait3A_367 = tpu.memref_slice %arg2[%dma_wait3A_365, %dma_wait3A_366] : memref<10000x128xf32, #tpu.memory_space<hbm>> -> memref<10000x128xf32, #tpu.memory_space<hbm>>
        %dma_wait3A_368 = tpu.memref_slice %arg10[%dma_wait3A_357] : memref<5x!tpu.dma_semaphore, #tpu.memory_space<semaphore_mem>> -> memref<1x!tpu.dma_semaphore, #tpu.memory_space<semaphore_mem>>
        %dma_wait3A_369 = tpu.memref_squeeze %dma_wait3A_368 : memref<1x!tpu.dma_semaphore, #tpu.memory_space<semaphore_mem>> -> memref<!tpu.dma_semaphore, #tpu.memory_space<semaphore_mem>>
        tpu.wait_indirect_dma semaphore(%dma_wait3A_369 : memref<!tpu.dma_semaphore, #tpu.memory_space<semaphore_mem>>) src(%dma_wait3A_367 : memref<10000x128xf32, #tpu.memory_space<hbm>>) dst(%dma_wait3A_361 : memref<80x128xf32, #tpu.memory_space<vmem>>)
        %dma_start3A_370 = arith.constant 2 : i32
        %dma_start3A_371 = arith.constant 2 : i32
        %dma_start3A_372 = arith.constant 0 : i32
        %dma_start3A_373 = arith.constant 0 : i32
        %dma_start3A_374 = tpu.memref_slice %arg9[%dma_start3A_370, %dma_start3A_372, %dma_start3A_373] : memref<5x80x128xf32, #tpu.memory_space<vmem>> -> memref<1x80x128xf32, #tpu.memory_space<vmem>>
        %dma_start3A_375 = tpu.memref_squeeze %dma_start3A_374 : memref<1x80x128xf32, #tpu.memory_space<vmem>> -> memref<80x128xf32, #tpu.memory_space<vmem>>
        %dma_start3A_376 = arith.constant 0 : i32
        %dma_start3A_377 = tpu.memref_slice %arg8[%sub3A_355, %dma_start3A_376] : memref<75x80xi32, #tpu.memory_space<vmem>> -> memref<1x80xi32, #tpu.memory_space<vmem>>
        %dma_start3A_378 = tpu.memref_squeeze %dma_start3A_377 : memref<1x80xi32, #tpu.memory_space<vmem>> -> memref<80xi32, #tpu.memory_space<vmem>>
        %dma_start3A_379 = arith.constant 0 : i32
        %dma_start3A_380 = arith.constant 0 : i32
        %dma_start3A_381 = tpu.memref_slice %arg3[%dma_start3A_379, %dma_start3A_380] : memref<10000x128xf32, #tpu.memory_space<hbm>> -> memref<10000x128xf32, #tpu.memory_space<hbm>>
        %dma_start3A_382 = tpu.memref_slice %arg11[%dma_start3A_371] : memref<5x!tpu.dma_semaphore, #tpu.memory_space<semaphore_mem>> -> memref<1x!tpu.dma_semaphore, #tpu.memory_space<semaphore_mem>>
        %dma_start3A_383 = tpu.memref_squeeze %dma_start3A_382 : memref<1x!tpu.dma_semaphore, #tpu.memory_space<semaphore_mem>> -> memref<!tpu.dma_semaphore, #tpu.memory_space<semaphore_mem>>
        tpu.enqueue_indirect_dma source(%dma_start3A_381 : memref<10000x128xf32, #tpu.memory_space<hbm>>) target(%dma_start3A_375 : memref<80x128xf32, #tpu.memory_space<vmem>>) offsets(%dma_start3A_378 : memref<80xi32, #tpu.memory_space<vmem>>) semaphore(%dma_start3A_383 : memref<!tpu.dma_semaphore, #tpu.memory_space<semaphore_mem>>) {add = true}
      } else {
      }
      %ge3A_303 = arith.constant 5 : i32
      %ge3A_304 = arith.cmpi sge, %add3A_292, %ge3A_303 : i32
      %convert_element_type3A_305 = arith.extui %ge3A_304 : i1 to i32
      %cond3A_306 = arith.constant 0 : i32
      %cond3A_307 = arith.cmpi ne, %convert_element_type3A_305, %cond3A_306 : i32
      scf.if %cond3A_307 {
        %sub3A = arith.constant 5 : i32
        %sub3A_355 = arith.subi %add3A_292, %sub3A : i32
        %mul3A_356 = arith.constant 80 : i32
        %mul3A_357 = arith.muli %sub3A_355, %mul3A_356 : i32
        %add3A_358 = arith.addi %mul3A_2, %mul3A_357 : i32
        %dma_wait3A_359 = arith.constant 3 : i32
        %dma_wait3A_360 = arith.constant 3 : i32
        %dma_wait3A_361 = arith.constant 0 : i32
        %dma_wait3A_362 = arith.constant 0 : i32
        %dma_wait3A_363 = tpu.memref_slice %arg9[%dma_wait3A_359, %dma_wait3A_361, %dma_wait3A_362] : memref<5x80x128xf32, #tpu.memory_space<vmem>> -> memref<1x80x128xf32, #tpu.memory_space<vmem>>
        %dma_wait3A_364 = tpu.memref_squeeze %dma_wait3A_363 : memref<1x80x128xf32, #tpu.memory_space<vmem>> -> memref<80x128xf32, #tpu.memory_space<vmem>>
        %dma_wait3A_365 = arith.constant 0 : i32
        %dma_wait3A_366 = tpu.memref_slice %arg6[%add3A_358, %dma_wait3A_365] : memref<192000x128xf32, #tpu.memory_space<hbm>> -> memref<80x128xf32, #tpu.memory_space<hbm>>
        %dma_wait3A_367 = tpu.memref_slice %arg12[%dma_wait3A_360] : memref<5x!tpu.dma_semaphore, #tpu.memory_space<semaphore_mem>> -> memref<1x!tpu.dma_semaphore, #tpu.memory_space<semaphore_mem>>
        %dma_wait3A_368 = tpu.memref_squeeze %dma_wait3A_367 : memref<1x!tpu.dma_semaphore, #tpu.memory_space<semaphore_mem>> -> memref<!tpu.dma_semaphore, #tpu.memory_space<semaphore_mem>>
        %dma_wait3A_369 = arith.constant 0 : i32
        %dma_wait3A_370 = tpu.memref_slice %arg6[%add3A_358, %dma_wait3A_369] : memref<192000x128xf32, #tpu.memory_space<hbm>> -> memref<80x128xf32, #tpu.memory_space<hbm>>
        %dma_wait3A_371 = arith.constant 0 : i32
        %dma_wait3A_372 = arith.constant 0 : i32
        %dma_wait3A_373 = tpu.memref_slice %arg9[%dma_wait3A_359, %dma_wait3A_371, %dma_wait3A_372] : memref<5x80x128xf32, #tpu.memory_space<vmem>> -> memref<1x80x128xf32, #tpu.memory_space<vmem>>
        %dma_wait3A_374 = tpu.memref_squeeze %dma_wait3A_373 : memref<1x80x128xf32, #tpu.memory_space<vmem>> -> memref<80x128xf32, #tpu.memory_space<vmem>>
        tpu.wait_dma2 semaphore(%dma_wait3A_368 : memref<!tpu.dma_semaphore, #tpu.memory_space<semaphore_mem>>) src(%dma_wait3A_374 : memref<80x128xf32, #tpu.memory_space<vmem>>) dst(%dma_wait3A_370 : memref<80x128xf32, #tpu.memory_space<hbm>>)
      } else {
      }
      %dma_start3A_308 = arith.constant 3 : i32
      %dma_start3A_309 = arith.constant 3 : i32
      %dma_start3A_310 = arith.constant 0 : i32
      %dma_start3A_311 = arith.constant 0 : i32
      %dma_start3A_312 = tpu.memref_slice %arg9[%dma_start3A_308, %dma_start3A_310, %dma_start3A_311] : memref<5x80x128xf32, #tpu.memory_space<vmem>> -> memref<1x80x128xf32, #tpu.memory_space<vmem>>
      %dma_start3A_313 = tpu.memref_squeeze %dma_start3A_312 : memref<1x80x128xf32, #tpu.memory_space<vmem>> -> memref<80x128xf32, #tpu.memory_space<vmem>>
      %dma_start3A_314 = arith.constant 0 : i32
      %dma_start3A_315 = tpu.memref_slice %arg7[%add3A_292, %dma_start3A_314] : memref<75x80xi32, #tpu.memory_space<vmem>> -> memref<1x80xi32, #tpu.memory_space<vmem>>
      %dma_start3A_316 = tpu.memref_squeeze %dma_start3A_315 : memref<1x80xi32, #tpu.memory_space<vmem>> -> memref<80xi32, #tpu.memory_space<vmem>>
      %dma_start3A_317 = arith.constant 0 : i32
      %dma_start3A_318 = arith.constant 0 : i32
      %dma_start3A_319 = tpu.memref_slice %arg2[%dma_start3A_317, %dma_start3A_318] : memref<10000x128xf32, #tpu.memory_space<hbm>> -> memref<10000x128xf32, #tpu.memory_space<hbm>>
      %dma_start3A_320 = tpu.memref_slice %arg10[%dma_start3A_309] : memref<5x!tpu.dma_semaphore, #tpu.memory_space<semaphore_mem>> -> memref<1x!tpu.dma_semaphore, #tpu.memory_space<semaphore_mem>>
      %dma_start3A_321 = tpu.memref_squeeze %dma_start3A_320 : memref<1x!tpu.dma_semaphore, #tpu.memory_space<semaphore_mem>> -> memref<!tpu.dma_semaphore, #tpu.memory_space<semaphore_mem>>
      tpu.enqueue_indirect_dma source(%dma_start3A_319 : memref<10000x128xf32, #tpu.memory_space<hbm>>) target(%dma_start3A_313 : memref<80x128xf32, #tpu.memory_space<vmem>>) offsets(%dma_start3A_316 : memref<80xi32, #tpu.memory_space<vmem>>) semaphore(%dma_start3A_321 : memref<!tpu.dma_semaphore, #tpu.memory_space<semaphore_mem>>)
      %mul3A_322 = arith.constant 5 : i32
      %mul3A_323 = arith.muli %scan3A_192, %mul3A_322 : i32
      %add3A_324 = arith.constant 4 : i32
      %add3A_325 = arith.addi %mul3A_323, %add3A_324 : i32
      %ge3A_326 = arith.constant 2 : i32
      %ge3A_327 = arith.cmpi sge, %add3A_325, %ge3A_326 : i32
      %convert_element_type3A_328 = arith.extui %ge3A_327 : i1 to i32
      %cond3A_329 = arith.constant 0 : i32
      %cond3A_330 = arith.cmpi ne, %convert_element_type3A_328, %cond3A_329 : i32
      scf.if %cond3A_330 {
        %sub3A = arith.constant 2 : i32
        %sub3A_355 = arith.subi %add3A_325, %sub3A : i32
        %dma_wait3A_356 = arith.constant 2 : i32
        %dma_wait3A_357 = arith.constant 2 : i32
        %dma_wait3A_358 = arith.constant 0 : i32
        %dma_wait3A_359 = arith.constant 0 : i32
        %dma_wait3A_360 = tpu.memref_slice %arg9[%dma_wait3A_356, %dma_wait3A_358, %dma_wait3A_359] : memref<5x80x128xf32, #tpu.memory_space<vmem>> -> memref<1x80x128xf32, #tpu.memory_space<vmem>>
        %dma_wait3A_361 = tpu.memref_squeeze %dma_wait3A_360 : memref<1x80x128xf32, #tpu.memory_space<vmem>> -> memref<80x128xf32, #tpu.memory_space<vmem>>
        %dma_wait3A_362 = arith.constant 0 : i32
        %dma_wait3A_363 = tpu.memref_slice %arg8[%sub3A_355, %dma_wait3A_362] : memref<75x80xi32, #tpu.memory_space<vmem>> -> memref<1x80xi32, #tpu.memory_space<vmem>>
        %dma_wait3A_364 = tpu.memref_squeeze %dma_wait3A_363 : memref<1x80xi32, #tpu.memory_space<vmem>> -> memref<80xi32, #tpu.memory_space<vmem>>
        %dma_wait3A_365 = arith.constant 0 : i32
        %dma_wait3A_366 = arith.constant 0 : i32
        %dma_wait3A_367 = tpu.memref_slice %arg3[%dma_wait3A_365, %dma_wait3A_366] : memref<10000x128xf32, #tpu.memory_space<hbm>> -> memref<10000x128xf32, #tpu.memory_space<hbm>>
        %dma_wait3A_368 = tpu.memref_slice %arg11[%dma_wait3A_357] : memref<5x!tpu.dma_semaphore, #tpu.memory_space<semaphore_mem>> -> memref<1x!tpu.dma_semaphore, #tpu.memory_space<semaphore_mem>>
        %dma_wait3A_369 = tpu.memref_squeeze %dma_wait3A_368 : memref<1x!tpu.dma_semaphore, #tpu.memory_space<semaphore_mem>> -> memref<!tpu.dma_semaphore, #tpu.memory_space<semaphore_mem>>
        tpu.wait_indirect_dma semaphore(%dma_wait3A_369 : memref<!tpu.dma_semaphore, #tpu.memory_space<semaphore_mem>>) src(%dma_wait3A_367 : memref<10000x128xf32, #tpu.memory_space<hbm>>) dst(%dma_wait3A_361 : memref<80x128xf32, #tpu.memory_space<vmem>>)
        %mul3A_370 = arith.constant 80 : i32
        %mul3A_371 = arith.muli %sub3A_355, %mul3A_370 : i32
        %add3A_372 = arith.addi %mul3A_2, %mul3A_371 : i32
        %dma_start3A_373 = arith.constant 2 : i32
        %dma_start3A_374 = arith.constant 2 : i32
        %dma_start3A_375 = arith.constant 0 : i32
        %dma_start3A_376 = arith.constant 0 : i32
        %dma_start3A_377 = tpu.memref_slice %arg9[%dma_start3A_373, %dma_start3A_375, %dma_start3A_376] : memref<5x80x128xf32, #tpu.memory_space<vmem>> -> memref<1x80x128xf32, #tpu.memory_space<vmem>>
        %dma_start3A_378 = tpu.memref_squeeze %dma_start3A_377 : memref<1x80x128xf32, #tpu.memory_space<vmem>> -> memref<80x128xf32, #tpu.memory_space<vmem>>
        %dma_start3A_379 = arith.constant 0 : i32
        %dma_start3A_380 = tpu.memref_slice %arg6[%add3A_372, %dma_start3A_379] : memref<192000x128xf32, #tpu.memory_space<hbm>> -> memref<80x128xf32, #tpu.memory_space<hbm>>
        %dma_start3A_381 = tpu.memref_slice %arg12[%dma_start3A_374] : memref<5x!tpu.dma_semaphore, #tpu.memory_space<semaphore_mem>> -> memref<1x!tpu.dma_semaphore, #tpu.memory_space<semaphore_mem>>
        %dma_start3A_382 = tpu.memref_squeeze %dma_start3A_381 : memref<1x!tpu.dma_semaphore, #tpu.memory_space<semaphore_mem>> -> memref<!tpu.dma_semaphore, #tpu.memory_space<semaphore_mem>>
        %dma_start3A_383 = arith.constant 0 : i32
        %dma_start3A_384 = tpu.memref_slice %arg6[%add3A_372, %dma_start3A_383] : memref<192000x128xf32, #tpu.memory_space<hbm>> -> memref<80x128xf32, #tpu.memory_space<hbm>>
        %dma_start3A_385 = arith.constant 0 : i32
        %dma_start3A_386 = arith.constant 0 : i32
        %dma_start3A_387 = tpu.memref_slice %arg9[%dma_start3A_373, %dma_start3A_385, %dma_start3A_386] : memref<5x80x128xf32, #tpu.memory_space<vmem>> -> memref<1x80x128xf32, #tpu.memory_space<vmem>>
        %dma_start3A_388 = tpu.memref_squeeze %dma_start3A_387 : memref<1x80x128xf32, #tpu.memory_space<vmem>> -> memref<80x128xf32, #tpu.memory_space<vmem>>
        tpu.enqueue_dma source(%dma_start3A_388 : memref<80x128xf32, #tpu.memory_space<vmem>>) target(%dma_start3A_384 : memref<80x128xf32, #tpu.memory_space<hbm>>) target_semaphore(%dma_start3A_382 : memref<!tpu.dma_semaphore, #tpu.memory_space<semaphore_mem>>)
      } else {
      }
      %ge3A_331 = arith.constant 1 : i32
      %ge3A_332 = arith.cmpi sge, %add3A_325, %ge3A_331 : i32
      %convert_element_type3A_333 = arith.extui %ge3A_332 : i1 to i32
      %cond3A_334 = arith.constant 0 : i32
      %cond3A_335 = arith.cmpi ne, %convert_element_type3A_333, %cond3A_334 : i32
      scf.if %cond3A_335 {
        %sub3A = arith.constant 1 : i32
        %sub3A_355 = arith.subi %add3A_325, %sub3A : i32
        %dma_wait3A_356 = arith.constant 3 : i32
        %dma_wait3A_357 = arith.constant 3 : i32
        %dma_wait3A_358 = arith.constant 0 : i32
        %dma_wait3A_359 = arith.constant 0 : i32
        %dma_wait3A_360 = tpu.memref_slice %arg9[%dma_wait3A_356, %dma_wait3A_358, %dma_wait3A_359] : memref<5x80x128xf32, #tpu.memory_space<vmem>> -> memref<1x80x128xf32, #tpu.memory_space<vmem>>
        %dma_wait3A_361 = tpu.memref_squeeze %dma_wait3A_360 : memref<1x80x128xf32, #tpu.memory_space<vmem>> -> memref<80x128xf32, #tpu.memory_space<vmem>>
        %dma_wait3A_362 = arith.constant 0 : i32
        %dma_wait3A_363 = tpu.memref_slice %arg7[%sub3A_355, %dma_wait3A_362] : memref<75x80xi32, #tpu.memory_space<vmem>> -> memref<1x80xi32, #tpu.memory_space<vmem>>
        %dma_wait3A_364 = tpu.memref_squeeze %dma_wait3A_363 : memref<1x80xi32, #tpu.memory_space<vmem>> -> memref<80xi32, #tpu.memory_space<vmem>>
        %dma_wait3A_365 = arith.constant 0 : i32
        %dma_wait3A_366 = arith.constant 0 : i32
        %dma_wait3A_367 = tpu.memref_slice %arg2[%dma_wait3A_365, %dma_wait3A_366] : memref<10000x128xf32, #tpu.memory_space<hbm>> -> memref<10000x128xf32, #tpu.memory_space<hbm>>
        %dma_wait3A_368 = tpu.memref_slice %arg10[%dma_wait3A_357] : memref<5x!tpu.dma_semaphore, #tpu.memory_space<semaphore_mem>> -> memref<1x!tpu.dma_semaphore, #tpu.memory_space<semaphore_mem>>
        %dma_wait3A_369 = tpu.memref_squeeze %dma_wait3A_368 : memref<1x!tpu.dma_semaphore, #tpu.memory_space<semaphore_mem>> -> memref<!tpu.dma_semaphore, #tpu.memory_space<semaphore_mem>>
        tpu.wait_indirect_dma semaphore(%dma_wait3A_369 : memref<!tpu.dma_semaphore, #tpu.memory_space<semaphore_mem>>) src(%dma_wait3A_367 : memref<10000x128xf32, #tpu.memory_space<hbm>>) dst(%dma_wait3A_361 : memref<80x128xf32, #tpu.memory_space<vmem>>)
        %dma_start3A_370 = arith.constant 3 : i32
        %dma_start3A_371 = arith.constant 3 : i32
        %dma_start3A_372 = arith.constant 0 : i32
        %dma_start3A_373 = arith.constant 0 : i32
        %dma_start3A_374 = tpu.memref_slice %arg9[%dma_start3A_370, %dma_start3A_372, %dma_start3A_373] : memref<5x80x128xf32, #tpu.memory_space<vmem>> -> memref<1x80x128xf32, #tpu.memory_space<vmem>>
        %dma_start3A_375 = tpu.memref_squeeze %dma_start3A_374 : memref<1x80x128xf32, #tpu.memory_space<vmem>> -> memref<80x128xf32, #tpu.memory_space<vmem>>
        %dma_start3A_376 = arith.constant 0 : i32
        %dma_start3A_377 = tpu.memref_slice %arg8[%sub3A_355, %dma_start3A_376] : memref<75x80xi32, #tpu.memory_space<vmem>> -> memref<1x80xi32, #tpu.memory_space<vmem>>
        %dma_start3A_378 = tpu.memref_squeeze %dma_start3A_377 : memref<1x80xi32, #tpu.memory_space<vmem>> -> memref<80xi32, #tpu.memory_space<vmem>>
        %dma_start3A_379 = arith.constant 0 : i32
        %dma_start3A_380 = arith.constant 0 : i32
        %dma_start3A_381 = tpu.memref_slice %arg3[%dma_start3A_379, %dma_start3A_380] : memref<10000x128xf32, #tpu.memory_space<hbm>> -> memref<10000x128xf32, #tpu.memory_space<hbm>>
        %dma_start3A_382 = tpu.memref_slice %arg11[%dma_start3A_371] : memref<5x!tpu.dma_semaphore, #tpu.memory_space<semaphore_mem>> -> memref<1x!tpu.dma_semaphore, #tpu.memory_space<semaphore_mem>>
        %dma_start3A_383 = tpu.memref_squeeze %dma_start3A_382 : memref<1x!tpu.dma_semaphore, #tpu.memory_space<semaphore_mem>> -> memref<!tpu.dma_semaphore, #tpu.memory_space<semaphore_mem>>
        tpu.enqueue_indirect_dma source(%dma_start3A_381 : memref<10000x128xf32, #tpu.memory_space<hbm>>) target(%dma_start3A_375 : memref<80x128xf32, #tpu.memory_space<vmem>>) offsets(%dma_start3A_378 : memref<80xi32, #tpu.memory_space<vmem>>) semaphore(%dma_start3A_383 : memref<!tpu.dma_semaphore, #tpu.memory_space<semaphore_mem>>) {add = true}
      } else {
      }
      %ge3A_336 = arith.constant 5 : i32
      %ge3A_337 = arith.cmpi sge, %add3A_325, %ge3A_336 : i32
      %convert_element_type3A_338 = arith.extui %ge3A_337 : i1 to i32
      %cond3A_339 = arith.constant 0 : i32
      %cond3A_340 = arith.cmpi ne, %convert_element_type3A_338, %cond3A_339 : i32
      scf.if %cond3A_340 {
        %sub3A = arith.constant 5 : i32
        %sub3A_355 = arith.subi %add3A_325, %sub3A : i32
        %mul3A_356 = arith.constant 80 : i32
        %mul3A_357 = arith.muli %sub3A_355, %mul3A_356 : i32
        %add3A_358 = arith.addi %mul3A_2, %mul3A_357 : i32
        %dma_wait3A_359 = arith.constant 4 : i32
        %dma_wait3A_360 = arith.constant 4 : i32
        %dma_wait3A_361 = arith.constant 0 : i32
        %dma_wait3A_362 = arith.constant 0 : i32
        %dma_wait3A_363 = tpu.memref_slice %arg9[%dma_wait3A_359, %dma_wait3A_361, %dma_wait3A_362] : memref<5x80x128xf32, #tpu.memory_space<vmem>> -> memref<1x80x128xf32, #tpu.memory_space<vmem>>
        %dma_wait3A_364 = tpu.memref_squeeze %dma_wait3A_363 : memref<1x80x128xf32, #tpu.memory_space<vmem>> -> memref<80x128xf32, #tpu.memory_space<vmem>>
        %dma_wait3A_365 = arith.constant 0 : i32
        %dma_wait3A_366 = tpu.memref_slice %arg6[%add3A_358, %dma_wait3A_365] : memref<192000x128xf32, #tpu.memory_space<hbm>> -> memref<80x128xf32, #tpu.memory_space<hbm>>
        %dma_wait3A_367 = tpu.memref_slice %arg12[%dma_wait3A_360] : memref<5x!tpu.dma_semaphore, #tpu.memory_space<semaphore_mem>> -> memref<1x!tpu.dma_semaphore, #tpu.memory_space<semaphore_mem>>
        %dma_wait3A_368 = tpu.memref_squeeze %dma_wait3A_367 : memref<1x!tpu.dma_semaphore, #tpu.memory_space<semaphore_mem>> -> memref<!tpu.dma_semaphore, #tpu.memory_space<semaphore_mem>>
        %dma_wait3A_369 = arith.constant 0 : i32
        %dma_wait3A_370 = tpu.memref_slice %arg6[%add3A_358, %dma_wait3A_369] : memref<192000x128xf32, #tpu.memory_space<hbm>> -> memref<80x128xf32, #tpu.memory_space<hbm>>
        %dma_wait3A_371 = arith.constant 0 : i32
        %dma_wait3A_372 = arith.constant 0 : i32
        %dma_wait3A_373 = tpu.memref_slice %arg9[%dma_wait3A_359, %dma_wait3A_371, %dma_wait3A_372] : memref<5x80x128xf32, #tpu.memory_space<vmem>> -> memref<1x80x128xf32, #tpu.memory_space<vmem>>
        %dma_wait3A_374 = tpu.memref_squeeze %dma_wait3A_373 : memref<1x80x128xf32, #tpu.memory_space<vmem>> -> memref<80x128xf32, #tpu.memory_space<vmem>>
        tpu.wait_dma2 semaphore(%dma_wait3A_368 : memref<!tpu.dma_semaphore, #tpu.memory_space<semaphore_mem>>) src(%dma_wait3A_374 : memref<80x128xf32, #tpu.memory_space<vmem>>) dst(%dma_wait3A_370 : memref<80x128xf32, #tpu.memory_space<hbm>>)
      } else {
      }
      %dma_start3A_341 = arith.constant 4 : i32
      %dma_start3A_342 = arith.constant 4 : i32
      %dma_start3A_343 = arith.constant 0 : i32
      %dma_start3A_344 = arith.constant 0 : i32
      %dma_start3A_345 = tpu.memref_slice %arg9[%dma_start3A_341, %dma_start3A_343, %dma_start3A_344] : memref<5x80x128xf32, #tpu.memory_space<vmem>> -> memref<1x80x128xf32, #tpu.memory_space<vmem>>
      %dma_start3A_346 = tpu.memref_squeeze %dma_start3A_345 : memref<1x80x128xf32, #tpu.memory_space<vmem>> -> memref<80x128xf32, #tpu.memory_space<vmem>>
      %dma_start3A_347 = arith.constant 0 : i32
      %dma_start3A_348 = tpu.memref_slice %arg7[%add3A_325, %dma_start3A_347] : memref<75x80xi32, #tpu.memory_space<vmem>> -> memref<1x80xi32, #tpu.memory_space<vmem>>
      %dma_start3A_349 = tpu.memref_squeeze %dma_start3A_348 : memref<1x80xi32, #tpu.memory_space<vmem>> -> memref<80xi32, #tpu.memory_space<vmem>>
      %dma_start3A_350 = arith.constant 0 : i32
      %dma_start3A_351 = arith.constant 0 : i32
      %dma_start3A_352 = tpu.memref_slice %arg2[%dma_start3A_350, %dma_start3A_351] : memref<10000x128xf32, #tpu.memory_space<hbm>> -> memref<10000x128xf32, #tpu.memory_space<hbm>>
      %dma_start3A_353 = tpu.memref_slice %arg10[%dma_start3A_342] : memref<5x!tpu.dma_semaphore, #tpu.memory_space<semaphore_mem>> -> memref<1x!tpu.dma_semaphore, #tpu.memory_space<semaphore_mem>>
      %dma_start3A_354 = tpu.memref_squeeze %dma_start3A_353 : memref<1x!tpu.dma_semaphore, #tpu.memory_space<semaphore_mem>> -> memref<!tpu.dma_semaphore, #tpu.memory_space<semaphore_mem>>
      tpu.enqueue_indirect_dma source(%dma_start3A_352 : memref<10000x128xf32, #tpu.memory_space<hbm>>) target(%dma_start3A_346 : memref<80x128xf32, #tpu.memory_space<vmem>>) offsets(%dma_start3A_349 : memref<80xi32, #tpu.memory_space<vmem>>) semaphore(%dma_start3A_354 : memref<!tpu.dma_semaphore, #tpu.memory_space<semaphore_mem>>)
    }
    %scan3A_7 = arith.constant 15 : i32
    %dma_wait3A = arith.constant 74 : i32
    %dma_wait3A_8 = arith.constant 4 : i32
    %dma_wait3A_9 = arith.constant 4 : i32
    %dma_wait3A_10 = arith.constant 0 : i32
    %dma_wait3A_11 = arith.constant 0 : i32
    %dma_wait3A_12 = tpu.memref_slice %arg9[%dma_wait3A_8, %dma_wait3A_10, %dma_wait3A_11] : memref<5x80x128xf32, #tpu.memory_space<vmem>> -> memref<1x80x128xf32, #tpu.memory_space<vmem>>
    %dma_wait3A_13 = tpu.memref_squeeze %dma_wait3A_12 : memref<1x80x128xf32, #tpu.memory_space<vmem>> -> memref<80x128xf32, #tpu.memory_space<vmem>>
    %dma_wait3A_14 = arith.constant 0 : i32
    %dma_wait3A_15 = tpu.memref_slice %arg7[%dma_wait3A, %dma_wait3A_14] : memref<75x80xi32, #tpu.memory_space<vmem>> -> memref<1x80xi32, #tpu.memory_space<vmem>>
    %dma_wait3A_16 = tpu.memref_squeeze %dma_wait3A_15 : memref<1x80xi32, #tpu.memory_space<vmem>> -> memref<80xi32, #tpu.memory_space<vmem>>
    %dma_wait3A_17 = arith.constant 0 : i32
    %dma_wait3A_18 = arith.constant 0 : i32
    %dma_wait3A_19 = tpu.memref_slice %arg2[%dma_wait3A_17, %dma_wait3A_18] : memref<10000x128xf32, #tpu.memory_space<hbm>> -> memref<10000x128xf32, #tpu.memory_space<hbm>>
    %dma_wait3A_20 = tpu.memref_slice %arg10[%dma_wait3A_9] : memref<5x!tpu.dma_semaphore, #tpu.memory_space<semaphore_mem>> -> memref<1x!tpu.dma_semaphore, #tpu.memory_space<semaphore_mem>>
    %dma_wait3A_21 = tpu.memref_squeeze %dma_wait3A_20 : memref<1x!tpu.dma_semaphore, #tpu.memory_space<semaphore_mem>> -> memref<!tpu.dma_semaphore, #tpu.memory_space<semaphore_mem>>
    tpu.wait_indirect_dma semaphore(%dma_wait3A_21 : memref<!tpu.dma_semaphore, #tpu.memory_space<semaphore_mem>>) src(%dma_wait3A_19 : memref<10000x128xf32, #tpu.memory_space<hbm>>) dst(%dma_wait3A_13 : memref<80x128xf32, #tpu.memory_space<vmem>>)
    %dma_start3A = arith.constant 74 : i32
    %dma_start3A_22 = arith.constant 4 : i32
    %dma_start3A_23 = arith.constant 4 : i32
    %dma_start3A_24 = arith.constant 0 : i32
    %dma_start3A_25 = arith.constant 0 : i32
    %dma_start3A_26 = tpu.memref_slice %arg9[%dma_start3A_22, %dma_start3A_24, %dma_start3A_25] : memref<5x80x128xf32, #tpu.memory_space<vmem>> -> memref<1x80x128xf32, #tpu.memory_space<vmem>>
    %dma_start3A_27 = tpu.memref_squeeze %dma_start3A_26 : memref<1x80x128xf32, #tpu.memory_space<vmem>> -> memref<80x128xf32, #tpu.memory_space<vmem>>
    %dma_start3A_28 = arith.constant 0 : i32
    %dma_start3A_29 = tpu.memref_slice %arg8[%dma_start3A, %dma_start3A_28] : memref<75x80xi32, #tpu.memory_space<vmem>> -> memref<1x80xi32, #tpu.memory_space<vmem>>
    %dma_start3A_30 = tpu.memref_squeeze %dma_start3A_29 : memref<1x80xi32, #tpu.memory_space<vmem>> -> memref<80xi32, #tpu.memory_space<vmem>>
    %dma_start3A_31 = arith.constant 0 : i32
    %dma_start3A_32 = arith.constant 0 : i32
    %dma_start3A_33 = tpu.memref_slice %arg3[%dma_start3A_31, %dma_start3A_32] : memref<10000x128xf32, #tpu.memory_space<hbm>> -> memref<10000x128xf32, #tpu.memory_space<hbm>>
    %dma_start3A_34 = tpu.memref_slice %arg11[%dma_start3A_23] : memref<5x!tpu.dma_semaphore, #tpu.memory_space<semaphore_mem>> -> memref<1x!tpu.dma_semaphore, #tpu.memory_space<semaphore_mem>>
    %dma_start3A_35 = tpu.memref_squeeze %dma_start3A_34 : memref<1x!tpu.dma_semaphore, #tpu.memory_space<semaphore_mem>> -> memref<!tpu.dma_semaphore, #tpu.memory_space<semaphore_mem>>
    tpu.enqueue_indirect_dma source(%dma_start3A_33 : memref<10000x128xf32, #tpu.memory_space<hbm>>) target(%dma_start3A_27 : memref<80x128xf32, #tpu.memory_space<vmem>>) offsets(%dma_start3A_30 : memref<80xi32, #tpu.memory_space<vmem>>) semaphore(%dma_start3A_35 : memref<!tpu.dma_semaphore, #tpu.memory_space<semaphore_mem>>) {add = true}
    %dma_wait3A_36 = arith.constant 73 : i32
    %dma_wait3A_37 = arith.constant 3 : i32
    %dma_wait3A_38 = arith.constant 3 : i32
    %dma_wait3A_39 = arith.constant 0 : i32
    %dma_wait3A_40 = arith.constant 0 : i32
    %dma_wait3A_41 = tpu.memref_slice %arg9[%dma_wait3A_37, %dma_wait3A_39, %dma_wait3A_40] : memref<5x80x128xf32, #tpu.memory_space<vmem>> -> memref<1x80x128xf32, #tpu.memory_space<vmem>>
    %dma_wait3A_42 = tpu.memref_squeeze %dma_wait3A_41 : memref<1x80x128xf32, #tpu.memory_space<vmem>> -> memref<80x128xf32, #tpu.memory_space<vmem>>
    %dma_wait3A_43 = arith.constant 0 : i32
    %dma_wait3A_44 = tpu.memref_slice %arg8[%dma_wait3A_36, %dma_wait3A_43] : memref<75x80xi32, #tpu.memory_space<vmem>> -> memref<1x80xi32, #tpu.memory_space<vmem>>
    %dma_wait3A_45 = tpu.memref_squeeze %dma_wait3A_44 : memref<1x80xi32, #tpu.memory_space<vmem>> -> memref<80xi32, #tpu.memory_space<vmem>>
    %dma_wait3A_46 = arith.constant 0 : i32
    %dma_wait3A_47 = arith.constant 0 : i32
    %dma_wait3A_48 = tpu.memref_slice %arg3[%dma_wait3A_46, %dma_wait3A_47] : memref<10000x128xf32, #tpu.memory_space<hbm>> -> memref<10000x128xf32, #tpu.memory_space<hbm>>
    %dma_wait3A_49 = tpu.memref_slice %arg11[%dma_wait3A_38] : memref<5x!tpu.dma_semaphore, #tpu.memory_space<semaphore_mem>> -> memref<1x!tpu.dma_semaphore, #tpu.memory_space<semaphore_mem>>
    %dma_wait3A_50 = tpu.memref_squeeze %dma_wait3A_49 : memref<1x!tpu.dma_semaphore, #tpu.memory_space<semaphore_mem>> -> memref<!tpu.dma_semaphore, #tpu.memory_space<semaphore_mem>>
    tpu.wait_indirect_dma semaphore(%dma_wait3A_50 : memref<!tpu.dma_semaphore, #tpu.memory_space<semaphore_mem>>) src(%dma_wait3A_48 : memref<10000x128xf32, #tpu.memory_space<hbm>>) dst(%dma_wait3A_42 : memref<80x128xf32, #tpu.memory_space<vmem>>)
    %add3A_51 = arith.constant 5840 : i32
    %add3A_52 = arith.addi %mul3A_2, %add3A_51 : i32
    %dma_start3A_53 = arith.constant 3 : i32
    %dma_start3A_54 = arith.constant 3 : i32
    %dma_start3A_55 = arith.constant 0 : i32
    %dma_start3A_56 = arith.constant 0 : i32
    %dma_start3A_57 = tpu.memref_slice %arg9[%dma_start3A_53, %dma_start3A_55, %dma_start3A_56] : memref<5x80x128xf32, #tpu.memory_space<vmem>> -> memref<1x80x128xf32, #tpu.memory_space<vmem>>
    %dma_start3A_58 = tpu.memref_squeeze %dma_start3A_57 : memref<1x80x128xf32, #tpu.memory_space<vmem>> -> memref<80x128xf32, #tpu.memory_space<vmem>>
    %dma_start3A_59 = arith.constant 0 : i32
    %dma_start3A_60 = tpu.memref_slice %arg6[%add3A_52, %dma_start3A_59] : memref<192000x128xf32, #tpu.memory_space<hbm>> -> memref<80x128xf32, #tpu.memory_space<hbm>>
    %dma_start3A_61 = tpu.memref_slice %arg12[%dma_start3A_54] : memref<5x!tpu.dma_semaphore, #tpu.memory_space<semaphore_mem>> -> memref<1x!tpu.dma_semaphore, #tpu.memory_space<semaphore_mem>>
    %dma_start3A_62 = tpu.memref_squeeze %dma_start3A_61 : memref<1x!tpu.dma_semaphore, #tpu.memory_space<semaphore_mem>> -> memref<!tpu.dma_semaphore, #tpu.memory_space<semaphore_mem>>
    %dma_start3A_63 = arith.constant 0 : i32
    %dma_start3A_64 = tpu.memref_slice %arg6[%add3A_52, %dma_start3A_63] : memref<192000x128xf32, #tpu.memory_space<hbm>> -> memref<80x128xf32, #tpu.memory_space<hbm>>
    %dma_start3A_65 = arith.constant 0 : i32
    %dma_start3A_66 = arith.constant 0 : i32
    %dma_start3A_67 = tpu.memref_slice %arg9[%dma_start3A_53, %dma_start3A_65, %dma_start3A_66] : memref<5x80x128xf32, #tpu.memory_space<vmem>> -> memref<1x80x128xf32, #tpu.memory_space<vmem>>
    %dma_start3A_68 = tpu.memref_squeeze %dma_start3A_67 : memref<1x80x128xf32, #tpu.memory_space<vmem>> -> memref<80x128xf32, #tpu.memory_space<vmem>>
    tpu.enqueue_dma source(%dma_start3A_68 : memref<80x128xf32, #tpu.memory_space<vmem>>) target(%dma_start3A_64 : memref<80x128xf32, #tpu.memory_space<hbm>>) target_semaphore(%dma_start3A_62 : memref<!tpu.dma_semaphore, #tpu.memory_space<semaphore_mem>>)
    %dma_wait3A_69 = arith.constant 74 : i32
    %dma_wait3A_70 = arith.constant 4 : i32
    %dma_wait3A_71 = arith.constant 4 : i32
    %dma_wait3A_72 = arith.constant 0 : i32
    %dma_wait3A_73 = arith.constant 0 : i32
    %dma_wait3A_74 = tpu.memref_slice %arg9[%dma_wait3A_70, %dma_wait3A_72, %dma_wait3A_73] : memref<5x80x128xf32, #tpu.memory_space<vmem>> -> memref<1x80x128xf32, #tpu.memory_space<vmem>>
    %dma_wait3A_75 = tpu.memref_squeeze %dma_wait3A_74 : memref<1x80x128xf32, #tpu.memory_space<vmem>> -> memref<80x128xf32, #tpu.memory_space<vmem>>
    %dma_wait3A_76 = arith.constant 0 : i32
    %dma_wait3A_77 = tpu.memref_slice %arg8[%dma_wait3A_69, %dma_wait3A_76] : memref<75x80xi32, #tpu.memory_space<vmem>> -> memref<1x80xi32, #tpu.memory_space<vmem>>
    %dma_wait3A_78 = tpu.memref_squeeze %dma_wait3A_77 : memref<1x80xi32, #tpu.memory_space<vmem>> -> memref<80xi32, #tpu.memory_space<vmem>>
    %dma_wait3A_79 = arith.constant 0 : i32
    %dma_wait3A_80 = arith.constant 0 : i32
    %dma_wait3A_81 = tpu.memref_slice %arg3[%dma_wait3A_79, %dma_wait3A_80] : memref<10000x128xf32, #tpu.memory_space<hbm>> -> memref<10000x128xf32, #tpu.memory_space<hbm>>
    %dma_wait3A_82 = tpu.memref_slice %arg11[%dma_wait3A_71] : memref<5x!tpu.dma_semaphore, #tpu.memory_space<semaphore_mem>> -> memref<1x!tpu.dma_semaphore, #tpu.memory_space<semaphore_mem>>
    %dma_wait3A_83 = tpu.memref_squeeze %dma_wait3A_82 : memref<1x!tpu.dma_semaphore, #tpu.memory_space<semaphore_mem>> -> memref<!tpu.dma_semaphore, #tpu.memory_space<semaphore_mem>>
    tpu.wait_indirect_dma semaphore(%dma_wait3A_83 : memref<!tpu.dma_semaphore, #tpu.memory_space<semaphore_mem>>) src(%dma_wait3A_81 : memref<10000x128xf32, #tpu.memory_space<hbm>>) dst(%dma_wait3A_75 : memref<80x128xf32, #tpu.memory_space<vmem>>)
    %add3A_84 = arith.constant 5920 : i32
    %add3A_85 = arith.addi %mul3A_2, %add3A_84 : i32
    %dma_start3A_86 = arith.constant 4 : i32
    %dma_start3A_87 = arith.constant 4 : i32
    %dma_start3A_88 = arith.constant 0 : i32
    %dma_start3A_89 = arith.constant 0 : i32
    %dma_start3A_90 = tpu.memref_slice %arg9[%dma_start3A_86, %dma_start3A_88, %dma_start3A_89] : memref<5x80x128xf32, #tpu.memory_space<vmem>> -> memref<1x80x128xf32, #tpu.memory_space<vmem>>
    %dma_start3A_91 = tpu.memref_squeeze %dma_start3A_90 : memref<1x80x128xf32, #tpu.memory_space<vmem>> -> memref<80x128xf32, #tpu.memory_space<vmem>>
    %dma_start3A_92 = arith.constant 0 : i32
    %dma_start3A_93 = tpu.memref_slice %arg6[%add3A_85, %dma_start3A_92] : memref<192000x128xf32, #tpu.memory_space<hbm>> -> memref<80x128xf32, #tpu.memory_space<hbm>>
    %dma_start3A_94 = tpu.memref_slice %arg12[%dma_start3A_87] : memref<5x!tpu.dma_semaphore, #tpu.memory_space<semaphore_mem>> -> memref<1x!tpu.dma_semaphore, #tpu.memory_space<semaphore_mem>>
    %dma_start3A_95 = tpu.memref_squeeze %dma_start3A_94 : memref<1x!tpu.dma_semaphore, #tpu.memory_space<semaphore_mem>> -> memref<!tpu.dma_semaphore, #tpu.memory_space<semaphore_mem>>
    %dma_start3A_96 = arith.constant 0 : i32
    %dma_start3A_97 = tpu.memref_slice %arg6[%add3A_85, %dma_start3A_96] : memref<192000x128xf32, #tpu.memory_space<hbm>> -> memref<80x128xf32, #tpu.memory_space<hbm>>
    %dma_start3A_98 = arith.constant 0 : i32
    %dma_start3A_99 = arith.constant 0 : i32
    %dma_start3A_100 = tpu.memref_slice %arg9[%dma_start3A_86, %dma_start3A_98, %dma_start3A_99] : memref<5x80x128xf32, #tpu.memory_space<vmem>> -> memref<1x80x128xf32, #tpu.memory_space<vmem>>
    %dma_start3A_101 = tpu.memref_squeeze %dma_start3A_100 : memref<1x80x128xf32, #tpu.memory_space<vmem>> -> memref<80x128xf32, #tpu.memory_space<vmem>>
    tpu.enqueue_dma source(%dma_start3A_101 : memref<80x128xf32, #tpu.memory_space<vmem>>) target(%dma_start3A_97 : memref<80x128xf32, #tpu.memory_space<hbm>>) target_semaphore(%dma_start3A_95 : memref<!tpu.dma_semaphore, #tpu.memory_space<semaphore_mem>>)
    %add3A_102 = arith.constant 5600 : i32
    %add3A_103 = arith.addi %mul3A_2, %add3A_102 : i32
    %dma_wait3A_104 = arith.constant 0 : i32
    %dma_wait3A_105 = arith.constant 0 : i32
    %dma_wait3A_106 = arith.constant 0 : i32
    %dma_wait3A_107 = arith.constant 0 : i32
    %dma_wait3A_108 = tpu.memref_slice %arg9[%dma_wait3A_104, %dma_wait3A_106, %dma_wait3A_107] : memref<5x80x128xf32, #tpu.memory_space<vmem>> -> memref<1x80x128xf32, #tpu.memory_space<vmem>>
    %dma_wait3A_109 = tpu.memref_squeeze %dma_wait3A_108 : memref<1x80x128xf32, #tpu.memory_space<vmem>> -> memref<80x128xf32, #tpu.memory_space<vmem>>
    %dma_wait3A_110 = arith.constant 0 : i32
    %dma_wait3A_111 = tpu.memref_slice %arg6[%add3A_103, %dma_wait3A_110] : memref<192000x128xf32, #tpu.memory_space<hbm>> -> memref<80x128xf32, #tpu.memory_space<hbm>>
    %dma_wait3A_112 = tpu.memref_slice %arg12[%dma_wait3A_105] : memref<5x!tpu.dma_semaphore, #tpu.memory_space<semaphore_mem>> -> memref<1x!tpu.dma_semaphore, #tpu.memory_space<semaphore_mem>>
    %dma_wait3A_113 = tpu.memref_squeeze %dma_wait3A_112 : memref<1x!tpu.dma_semaphore, #tpu.memory_space<semaphore_mem>> -> memref<!tpu.dma_semaphore, #tpu.memory_space<semaphore_mem>>
    %dma_wait3A_114 = arith.constant 0 : i32
    %dma_wait3A_115 = tpu.memref_slice %arg6[%add3A_103, %dma_wait3A_114] : memref<192000x128xf32, #tpu.memory_space<hbm>> -> memref<80x128xf32, #tpu.memory_space<hbm>>
    %dma_wait3A_116 = arith.constant 0 : i32
    %dma_wait3A_117 = arith.constant 0 : i32
    %dma_wait3A_118 = tpu.memref_slice %arg9[%dma_wait3A_104, %dma_wait3A_116, %dma_wait3A_117] : memref<5x80x128xf32, #tpu.memory_space<vmem>> -> memref<1x80x128xf32, #tpu.memory_space<vmem>>
    %dma_wait3A_119 = tpu.memref_squeeze %dma_wait3A_118 : memref<1x80x128xf32, #tpu.memory_space<vmem>> -> memref<80x128xf32, #tpu.memory_space<vmem>>
    tpu.wait_dma2 semaphore(%dma_wait3A_113 : memref<!tpu.dma_semaphore, #tpu.memory_space<semaphore_mem>>) src(%dma_wait3A_119 : memref<80x128xf32, #tpu.memory_space<vmem>>) dst(%dma_wait3A_115 : memref<80x128xf32, #tpu.memory_space<hbm>>)
    %add3A_120 = arith.constant 5680 : i32
    %add3A_121 = arith.addi %mul3A_2, %add3A_120 : i32
    %dma_wait3A_122 = arith.constant 1 : i32
    %dma_wait3A_123 = arith.constant 1 : i32
    %dma_wait3A_124 = arith.constant 0 : i32
    %dma_wait3A_125 = arith.constant 0 : i32
    %dma_wait3A_126 = tpu.memref_slice %arg9[%dma_wait3A_122, %dma_wait3A_124, %dma_wait3A_125] : memref<5x80x128xf32, #tpu.memory_space<vmem>> -> memref<1x80x128xf32, #tpu.memory_space<vmem>>
    %dma_wait3A_127 = tpu.memref_squeeze %dma_wait3A_126 : memref<1x80x128xf32, #tpu.memory_space<vmem>> -> memref<80x128xf32, #tpu.memory_space<vmem>>
    %dma_wait3A_128 = arith.constant 0 : i32
    %dma_wait3A_129 = tpu.memref_slice %arg6[%add3A_121, %dma_wait3A_128] : memref<192000x128xf32, #tpu.memory_space<hbm>> -> memref<80x128xf32, #tpu.memory_space<hbm>>
    %dma_wait3A_130 = tpu.memref_slice %arg12[%dma_wait3A_123] : memref<5x!tpu.dma_semaphore, #tpu.memory_space<semaphore_mem>> -> memref<1x!tpu.dma_semaphore, #tpu.memory_space<semaphore_mem>>
    %dma_wait3A_131 = tpu.memref_squeeze %dma_wait3A_130 : memref<1x!tpu.dma_semaphore, #tpu.memory_space<semaphore_mem>> -> memref<!tpu.dma_semaphore, #tpu.memory_space<semaphore_mem>>
    %dma_wait3A_132 = arith.constant 0 : i32
    %dma_wait3A_133 = tpu.memref_slice %arg6[%add3A_121, %dma_wait3A_132] : memref<192000x128xf32, #tpu.memory_space<hbm>> -> memref<80x128xf32, #tpu.memory_space<hbm>>
    %dma_wait3A_134 = arith.constant 0 : i32
    %dma_wait3A_135 = arith.constant 0 : i32
    %dma_wait3A_136 = tpu.memref_slice %arg9[%dma_wait3A_122, %dma_wait3A_134, %dma_wait3A_135] : memref<5x80x128xf32, #tpu.memory_space<vmem>> -> memref<1x80x128xf32, #tpu.memory_space<vmem>>
    %dma_wait3A_137 = tpu.memref_squeeze %dma_wait3A_136 : memref<1x80x128xf32, #tpu.memory_space<vmem>> -> memref<80x128xf32, #tpu.memory_space<vmem>>
    tpu.wait_dma2 semaphore(%dma_wait3A_131 : memref<!tpu.dma_semaphore, #tpu.memory_space<semaphore_mem>>) src(%dma_wait3A_137 : memref<80x128xf32, #tpu.memory_space<vmem>>) dst(%dma_wait3A_133 : memref<80x128xf32, #tpu.memory_space<hbm>>)
    %add3A_138 = arith.constant 5760 : i32
    %add3A_139 = arith.addi %mul3A_2, %add3A_138 : i32
    %dma_wait3A_140 = arith.constant 2 : i32
    %dma_wait3A_141 = arith.constant 2 : i32
    %dma_wait3A_142 = arith.constant 0 : i32
    %dma_wait3A_143 = arith.constant 0 : i32
    %dma_wait3A_144 = tpu.memref_slice %arg9[%dma_wait3A_140, %dma_wait3A_142, %dma_wait3A_143] : memref<5x80x128xf32, #tpu.memory_space<vmem>> -> memref<1x80x128xf32, #tpu.memory_space<vmem>>
    %dma_wait3A_145 = tpu.memref_squeeze %dma_wait3A_144 : memref<1x80x128xf32, #tpu.memory_space<vmem>> -> memref<80x128xf32, #tpu.memory_space<vmem>>
    %dma_wait3A_146 = arith.constant 0 : i32
    %dma_wait3A_147 = tpu.memref_slice %arg6[%add3A_139, %dma_wait3A_146] : memref<192000x128xf32, #tpu.memory_space<hbm>> -> memref<80x128xf32, #tpu.memory_space<hbm>>
    %dma_wait3A_148 = tpu.memref_slice %arg12[%dma_wait3A_141] : memref<5x!tpu.dma_semaphore, #tpu.memory_space<semaphore_mem>> -> memref<1x!tpu.dma_semaphore, #tpu.memory_space<semaphore_mem>>
    %dma_wait3A_149 = tpu.memref_squeeze %dma_wait3A_148 : memref<1x!tpu.dma_semaphore, #tpu.memory_space<semaphore_mem>> -> memref<!tpu.dma_semaphore, #tpu.memory_space<semaphore_mem>>
    %dma_wait3A_150 = arith.constant 0 : i32
    %dma_wait3A_151 = tpu.memref_slice %arg6[%add3A_139, %dma_wait3A_150] : memref<192000x128xf32, #tpu.memory_space<hbm>> -> memref<80x128xf32, #tpu.memory_space<hbm>>
    %dma_wait3A_152 = arith.constant 0 : i32
    %dma_wait3A_153 = arith.constant 0 : i32
    %dma_wait3A_154 = tpu.memref_slice %arg9[%dma_wait3A_140, %dma_wait3A_152, %dma_wait3A_153] : memref<5x80x128xf32, #tpu.memory_space<vmem>> -> memref<1x80x128xf32, #tpu.memory_space<vmem>>
    %dma_wait3A_155 = tpu.memref_squeeze %dma_wait3A_154 : memref<1x80x128xf32, #tpu.memory_space<vmem>> -> memref<80x128xf32, #tpu.memory_space<vmem>>
    tpu.wait_dma2 semaphore(%dma_wait3A_149 : memref<!tpu.dma_semaphore, #tpu.memory_space<semaphore_mem>>) src(%dma_wait3A_155 : memref<80x128xf32, #tpu.memory_space<vmem>>) dst(%dma_wait3A_151 : memref<80x128xf32, #tpu.memory_space<hbm>>)
    %add3A_156 = arith.constant 5840 : i32
    %add3A_157 = arith.addi %mul3A_2, %add3A_156 : i32
    %dma_wait3A_158 = arith.constant 3 : i32
    %dma_wait3A_159 = arith.constant 3 : i32
    %dma_wait3A_160 = arith.constant 0 : i32
    %dma_wait3A_161 = arith.constant 0 : i32
    %dma_wait3A_162 = tpu.memref_slice %arg9[%dma_wait3A_158, %dma_wait3A_160, %dma_wait3A_161] : memref<5x80x128xf32, #tpu.memory_space<vmem>> -> memref<1x80x128xf32, #tpu.memory_space<vmem>>
    %dma_wait3A_163 = tpu.memref_squeeze %dma_wait3A_162 : memref<1x80x128xf32, #tpu.memory_space<vmem>> -> memref<80x128xf32, #tpu.memory_space<vmem>>
    %dma_wait3A_164 = arith.constant 0 : i32
    %dma_wait3A_165 = tpu.memref_slice %arg6[%add3A_157, %dma_wait3A_164] : memref<192000x128xf32, #tpu.memory_space<hbm>> -> memref<80x128xf32, #tpu.memory_space<hbm>>
    %dma_wait3A_166 = tpu.memref_slice %arg12[%dma_wait3A_159] : memref<5x!tpu.dma_semaphore, #tpu.memory_space<semaphore_mem>> -> memref<1x!tpu.dma_semaphore, #tpu.memory_space<semaphore_mem>>
    %dma_wait3A_167 = tpu.memref_squeeze %dma_wait3A_166 : memref<1x!tpu.dma_semaphore, #tpu.memory_space<semaphore_mem>> -> memref<!tpu.dma_semaphore, #tpu.memory_space<semaphore_mem>>
    %dma_wait3A_168 = arith.constant 0 : i32
    %dma_wait3A_169 = tpu.memref_slice %arg6[%add3A_157, %dma_wait3A_168] : memref<192000x128xf32, #tpu.memory_space<hbm>> -> memref<80x128xf32, #tpu.memory_space<hbm>>
    %dma_wait3A_170 = arith.constant 0 : i32
    %dma_wait3A_171 = arith.constant 0 : i32
    %dma_wait3A_172 = tpu.memref_slice %arg9[%dma_wait3A_158, %dma_wait3A_170, %dma_wait3A_171] : memref<5x80x128xf32, #tpu.memory_space<vmem>> -> memref<1x80x128xf32, #tpu.memory_space<vmem>>
    %dma_wait3A_173 = tpu.memref_squeeze %dma_wait3A_172 : memref<1x80x128xf32, #tpu.memory_space<vmem>> -> memref<80x128xf32, #tpu.memory_space<vmem>>
    tpu.wait_dma2 semaphore(%dma_wait3A_167 : memref<!tpu.dma_semaphore, #tpu.memory_space<semaphore_mem>>) src(%dma_wait3A_173 : memref<80x128xf32, #tpu.memory_space<vmem>>) dst(%dma_wait3A_169 : memref<80x128xf32, #tpu.memory_space<hbm>>)
    %add3A_174 = arith.constant 5920 : i32
    %add3A_175 = arith.addi %mul3A_2, %add3A_174 : i32
    %dma_wait3A_176 = arith.constant 4 : i32
    %dma_wait3A_177 = arith.constant 4 : i32
    %dma_wait3A_178 = arith.constant 0 : i32
    %dma_wait3A_179 = arith.constant 0 : i32
    %dma_wait3A_180 = tpu.memref_slice %arg9[%dma_wait3A_176, %dma_wait3A_178, %dma_wait3A_179] : memref<5x80x128xf32, #tpu.memory_space<vmem>> -> memref<1x80x128xf32, #tpu.memory_space<vmem>>
    %dma_wait3A_181 = tpu.memref_squeeze %dma_wait3A_180 : memref<1x80x128xf32, #tpu.memory_space<vmem>> -> memref<80x128xf32, #tpu.memory_space<vmem>>
    %dma_wait3A_182 = arith.constant 0 : i32
    %dma_wait3A_183 = tpu.memref_slice %arg6[%add3A_175, %dma_wait3A_182] : memref<192000x128xf32, #tpu.memory_space<hbm>> -> memref<80x128xf32, #tpu.memory_space<hbm>>
    %dma_wait3A_184 = tpu.memref_slice %arg12[%dma_wait3A_177] : memref<5x!tpu.dma_semaphore, #tpu.memory_space<semaphore_mem>> -> memref<1x!tpu.dma_semaphore, #tpu.memory_space<semaphore_mem>>
    %dma_wait3A_185 = tpu.memref_squeeze %dma_wait3A_184 : memref<1x!tpu.dma_semaphore, #tpu.memory_space<semaphore_mem>> -> memref<!tpu.dma_semaphore, #tpu.memory_space<semaphore_mem>>
    %dma_wait3A_186 = arith.constant 0 : i32
    %dma_wait3A_187 = tpu.memref_slice %arg6[%add3A_175, %dma_wait3A_186] : memref<192000x128xf32, #tpu.memory_space<hbm>> -> memref<80x128xf32, #tpu.memory_space<hbm>>
    %dma_wait3A_188 = arith.constant 0 : i32
    %dma_wait3A_189 = arith.constant 0 : i32
    %dma_wait3A_190 = tpu.memref_slice %arg9[%dma_wait3A_176, %dma_wait3A_188, %dma_wait3A_189] : memref<5x80x128xf32, #tpu.memory_space<vmem>> -> memref<1x80x128xf32, #tpu.memory_space<vmem>>
    %dma_wait3A_191 = tpu.memref_squeeze %dma_wait3A_190 : memref<1x80x128xf32, #tpu.memory_space<vmem>> -> memref<80x128xf32, #tpu.memory_space<vmem>>
    tpu.wait_dma2 semaphore(%dma_wait3A_185 : memref<!tpu.dma_semaphore, #tpu.memory_space<semaphore_mem>>) src(%dma_wait3A_191 : memref<80x128xf32, #tpu.memory_space<vmem>>) dst(%dma_wait3A_187 : memref<80x128xf32, #tpu.memory_space<hbm>>)
    return
  }
}

#map = affine_map<(d0, d1) -> (0, 0)>
#map1 = affine_map<(d0, d1) -> (0, 0, 0)>
module attributes {stable_mosaic.version = 14 : i64} {
  func.func @gather_sum(%arg0: i32, %arg1: i32, %arg2: memref<10000x128xf32, #tpu.memory_space<hbm>>, %arg3: memref<10000x128xf32, #tpu.memory_space<hbm>>, %arg4: memref<32x50x80xi32, #tpu.memory_space<hbm>>, %arg5: memref<32x50x80xi32, #tpu.memory_space<hbm>>, %arg6: memref<128000x128xf32, #tpu.memory_space<hbm>>, %arg7: memref<50x80xi32, #tpu.memory_space<vmem>>, %arg8: memref<50x80xi32, #tpu.memory_space<vmem>>, %arg9: memref<5x80x128xf32, #tpu.memory_space<vmem>>, %arg10: memref<5x!tpu.dma_semaphore, #tpu.memory_space<semaphore_mem>>, %arg11: memref<5x!tpu.dma_semaphore, #tpu.memory_space<semaphore_mem>>, %arg12: memref<5x!tpu.dma_semaphore, #tpu.memory_space<semaphore_mem>>) attributes {dimension_semantics = [#tpu.dimension_semantics<core_parallel>, #tpu.dimension_semantics<subcore_parallel>], iteration_bounds = array<i64: 2, 16>, scalar_prefetch = 0 : i64, scratch_operands = 6 : i64, tpu.core_type = #tpu.core_type<sc_vector_subcore>, window_params = [{transform_indices = #map}, {transform_indices = #map}, {transform_indices = #map1}, {transform_indices = #map1}, {transform_indices = #map}]} {
    %mul3A = arith.constant 2 : i32
    %mul3A_0 = arith.muli %arg1, %mul3A : i32
    %add3A = arith.addi %mul3A_0, %arg0 : i32
    %mul3A_1 = arith.constant 4000 : i32
    %mul3A_2 = arith.muli %add3A, %mul3A_1 : i32
    "tpu.region"() ({
      %run_scoped3A = tpu.sem_alloc : memref<!tpu.dma_semaphore, #tpu.memory_space<semaphore_mem>>
      %dma_start3A_192 = arith.constant 0 : i32
      %dma_start3A_193 = arith.constant 0 : i32
      %dma_start3A_194 = tpu.memref_slice %arg4[%add3A, %dma_start3A_192, %dma_start3A_193] : memref<32x50x80xi32, #tpu.memory_space<hbm>> -> memref<1x50x80xi32, #tpu.memory_space<hbm>>
      %dma_start3A_195 = tpu.memref_squeeze %dma_start3A_194 : memref<1x50x80xi32, #tpu.memory_space<hbm>> -> memref<50x80xi32, #tpu.memory_space<hbm>>
      %dma_start3A_196 = arith.constant 0 : i32
      %dma_start3A_197 = arith.constant 0 : i32
      %dma_start3A_198 = tpu.memref_slice %arg4[%add3A, %dma_start3A_196, %dma_start3A_197] : memref<32x50x80xi32, #tpu.memory_space<hbm>> -> memref<1x50x80xi32, #tpu.memory_space<hbm>>
      %dma_start3A_199 = tpu.memref_squeeze %dma_start3A_198 : memref<1x50x80xi32, #tpu.memory_space<hbm>> -> memref<50x80xi32, #tpu.memory_space<hbm>>
      tpu.enqueue_dma source(%dma_start3A_199 : memref<50x80xi32, #tpu.memory_space<hbm>>) target(%arg7 : memref<50x80xi32, #tpu.memory_space<vmem>>) target_semaphore(%run_scoped3A : memref<!tpu.dma_semaphore, #tpu.memory_space<semaphore_mem>>)
      %dma_wait3A_200 = arith.constant 0 : i32
      %dma_wait3A_201 = arith.constant 0 : i32
      %dma_wait3A_202 = tpu.memref_slice %arg4[%add3A, %dma_wait3A_200, %dma_wait3A_201] : memref<32x50x80xi32, #tpu.memory_space<hbm>> -> memref<1x50x80xi32, #tpu.memory_space<hbm>>
      %dma_wait3A_203 = tpu.memref_squeeze %dma_wait3A_202 : memref<1x50x80xi32, #tpu.memory_space<hbm>> -> memref<50x80xi32, #tpu.memory_space<hbm>>
      %dma_wait3A_204 = arith.constant 0 : i32
      %dma_wait3A_205 = arith.constant 0 : i32
      %dma_wait3A_206 = tpu.memref_slice %arg4[%add3A, %dma_wait3A_204, %dma_wait3A_205] : memref<32x50x80xi32, #tpu.memory_space<hbm>> -> memref<1x50x80xi32, #tpu.memory_space<hbm>>
      %dma_wait3A_207 = tpu.memref_squeeze %dma_wait3A_206 : memref<1x50x80xi32, #tpu.memory_space<hbm>> -> memref<50x80xi32, #tpu.memory_space<hbm>>
      tpu.wait_dma2 semaphore(%run_scoped3A : memref<!tpu.dma_semaphore, #tpu.memory_space<semaphore_mem>>) src(%dma_wait3A_207 : memref<50x80xi32, #tpu.memory_space<hbm>>) dst(%arg7 : memref<50x80xi32, #tpu.memory_space<vmem>>)
      tpu.yield
    }) : () -> ()
    "tpu.region"() ({
      %run_scoped3A = tpu.sem_alloc : memref<!tpu.dma_semaphore, #tpu.memory_space<semaphore_mem>>
      %dma_start3A_192 = arith.constant 0 : i32
      %dma_start3A_193 = arith.constant 0 : i32
      %dma_start3A_194 = tpu.memref_slice %arg5[%add3A, %dma_start3A_192, %dma_start3A_193] : memref<32x50x80xi32, #tpu.memory_space<hbm>> -> memref<1x50x80xi32, #tpu.memory_space<hbm>>
      %dma_start3A_195 = tpu.memref_squeeze %dma_start3A_194 : memref<1x50x80xi32, #tpu.memory_space<hbm>> -> memref<50x80xi32, #tpu.memory_space<hbm>>
      %dma_start3A_196 = arith.constant 0 : i32
      %dma_start3A_197 = arith.constant 0 : i32
      %dma_start3A_198 = tpu.memref_slice %arg5[%add3A, %dma_start3A_196, %dma_start3A_197] : memref<32x50x80xi32, #tpu.memory_space<hbm>> -> memref<1x50x80xi32, #tpu.memory_space<hbm>>
      %dma_start3A_199 = tpu.memref_squeeze %dma_start3A_198 : memref<1x50x80xi32, #tpu.memory_space<hbm>> -> memref<50x80xi32, #tpu.memory_space<hbm>>
      tpu.enqueue_dma source(%dma_start3A_199 : memref<50x80xi32, #tpu.memory_space<hbm>>) target(%arg8 : memref<50x80xi32, #tpu.memory_space<vmem>>) target_semaphore(%run_scoped3A : memref<!tpu.dma_semaphore, #tpu.memory_space<semaphore_mem>>)
      %dma_wait3A_200 = arith.constant 0 : i32
      %dma_wait3A_201 = arith.constant 0 : i32
      %dma_wait3A_202 = tpu.memref_slice %arg5[%add3A, %dma_wait3A_200, %dma_wait3A_201] : memref<32x50x80xi32, #tpu.memory_space<hbm>> -> memref<1x50x80xi32, #tpu.memory_space<hbm>>
      %dma_wait3A_203 = tpu.memref_squeeze %dma_wait3A_202 : memref<1x50x80xi32, #tpu.memory_space<hbm>> -> memref<50x80xi32, #tpu.memory_space<hbm>>
      %dma_wait3A_204 = arith.constant 0 : i32
      %dma_wait3A_205 = arith.constant 0 : i32
      %dma_wait3A_206 = tpu.memref_slice %arg5[%add3A, %dma_wait3A_204, %dma_wait3A_205] : memref<32x50x80xi32, #tpu.memory_space<hbm>> -> memref<1x50x80xi32, #tpu.memory_space<hbm>>
      %dma_wait3A_207 = tpu.memref_squeeze %dma_wait3A_206 : memref<1x50x80xi32, #tpu.memory_space<hbm>> -> memref<50x80xi32, #tpu.memory_space<hbm>>
      tpu.wait_dma2 semaphore(%run_scoped3A : memref<!tpu.dma_semaphore, #tpu.memory_space<semaphore_mem>>) src(%dma_wait3A_207 : memref<50x80xi32, #tpu.memory_space<hbm>>) dst(%arg8 : memref<50x80xi32, #tpu.memory_space<vmem>>)
      tpu.yield
    }) : () -> ()
    %scan3A = arith.constant 0 : i32
    %scan3A_3 = arith.constant 0 : i32
    %scan3A_4 = arith.constant 10 : i32
    %scan3A_5 = arith.addi %scan3A_3, %scan3A_4 : i32
    %scan3A_6 = arith.constant 1 : i32
    scf.for %scan3A_192 = %scan3A_3 to %scan3A_5 step %scan3A_6  : i32 {
      %mul3A_193 = arith.constant 5 : i32
      %mul3A_194 = arith.muli %scan3A_192, %mul3A_193 : i32
      %add3A_195 = arith.constant 0 : i32
      %add3A_196 = arith.addi %mul3A_194, %add3A_195 : i32
      %ge3A = arith.constant 2 : i32
      %ge3A_197 = arith.cmpi sge, %add3A_196, %ge3A : i32
      %convert_element_type3A = arith.extui %ge3A_197 : i1 to i32
      %cond3A = arith.constant 0 : i32
      %cond3A_198 = arith.cmpi ne, %convert_element_type3A, %cond3A : i32
      scf.if %cond3A_198 {
        %sub3A = arith.constant 2 : i32
        %sub3A_355 = arith.subi %add3A_196, %sub3A : i32
        %dma_wait3A_356 = arith.constant 3 : i32
        %dma_wait3A_357 = arith.constant 3 : i32
        %dma_wait3A_358 = arith.constant 0 : i32
        %dma_wait3A_359 = arith.constant 0 : i32
        %dma_wait3A_360 = tpu.memref_slice %arg9[%dma_wait3A_356, %dma_wait3A_358, %dma_wait3A_359] : memref<5x80x128xf32, #tpu.memory_space<vmem>> -> memref<1x80x128xf32, #tpu.memory_space<vmem>>
        %dma_wait3A_361 = tpu.memref_squeeze %dma_wait3A_360 : memref<1x80x128xf32, #tpu.memory_space<vmem>> -> memref<80x128xf32, #tpu.memory_space<vmem>>
        %dma_wait3A_362 = arith.constant 0 : i32
        %dma_wait3A_363 = tpu.memref_slice %arg8[%sub3A_355, %dma_wait3A_362] : memref<50x80xi32, #tpu.memory_space<vmem>> -> memref<1x80xi32, #tpu.memory_space<vmem>>
        %dma_wait3A_364 = tpu.memref_squeeze %dma_wait3A_363 : memref<1x80xi32, #tpu.memory_space<vmem>> -> memref<80xi32, #tpu.memory_space<vmem>>
        %dma_wait3A_365 = arith.constant 0 : i32
        %dma_wait3A_366 = arith.constant 0 : i32
        %dma_wait3A_367 = tpu.memref_slice %arg3[%dma_wait3A_365, %dma_wait3A_366] : memref<10000x128xf32, #tpu.memory_space<hbm>> -> memref<10000x128xf32, #tpu.memory_space<hbm>>
        %dma_wait3A_368 = tpu.memref_slice %arg11[%dma_wait3A_357] : memref<5x!tpu.dma_semaphore, #tpu.memory_space<semaphore_mem>> -> memref<1x!tpu.dma_semaphore, #tpu.memory_space<semaphore_mem>>
        %dma_wait3A_369 = tpu.memref_squeeze %dma_wait3A_368 : memref<1x!tpu.dma_semaphore, #tpu.memory_space<semaphore_mem>> -> memref<!tpu.dma_semaphore, #tpu.memory_space<semaphore_mem>>
        tpu.wait_indirect_dma semaphore(%dma_wait3A_369 : memref<!tpu.dma_semaphore, #tpu.memory_space<semaphore_mem>>) src(%dma_wait3A_367 : memref<10000x128xf32, #tpu.memory_space<hbm>>) dst(%dma_wait3A_361 : memref<80x128xf32, #tpu.memory_space<vmem>>)
        %mul3A_370 = arith.constant 80 : i32
        %mul3A_371 = arith.muli %sub3A_355, %mul3A_370 : i32
        %add3A_372 = arith.addi %mul3A_2, %mul3A_371 : i32
        %dma_start3A_373 = arith.constant 3 : i32
        %dma_start3A_374 = arith.constant 3 : i32
        %dma_start3A_375 = arith.constant 0 : i32
        %dma_start3A_376 = arith.constant 0 : i32
        %dma_start3A_377 = tpu.memref_slice %arg9[%dma_start3A_373, %dma_start3A_375, %dma_start3A_376] : memref<5x80x128xf32, #tpu.memory_space<vmem>> -> memref<1x80x128xf32, #tpu.memory_space<vmem>>
        %dma_start3A_378 = tpu.memref_squeeze %dma_start3A_377 : memref<1x80x128xf32, #tpu.memory_space<vmem>> -> memref<80x128xf32, #tpu.memory_space<vmem>>
        %dma_start3A_379 = arith.constant 0 : i32
        %dma_start3A_380 = tpu.memref_slice %arg6[%add3A_372, %dma_start3A_379] : memref<128000x128xf32, #tpu.memory_space<hbm>> -> memref<80x128xf32, #tpu.memory_space<hbm>>
        %dma_start3A_381 = tpu.memref_slice %arg12[%dma_start3A_374] : memref<5x!tpu.dma_semaphore, #tpu.memory_space<semaphore_mem>> -> memref<1x!tpu.dma_semaphore, #tpu.memory_space<semaphore_mem>>
        %dma_start3A_382 = tpu.memref_squeeze %dma_start3A_381 : memref<1x!tpu.dma_semaphore, #tpu.memory_space<semaphore_mem>> -> memref<!tpu.dma_semaphore, #tpu.memory_space<semaphore_mem>>
        %dma_start3A_383 = arith.constant 0 : i32
        %dma_start3A_384 = tpu.memref_slice %arg6[%add3A_372, %dma_start3A_383] : memref<128000x128xf32, #tpu.memory_space<hbm>> -> memref<80x128xf32, #tpu.memory_space<hbm>>
        %dma_start3A_385 = arith.constant 0 : i32
        %dma_start3A_386 = arith.constant 0 : i32
        %dma_start3A_387 = tpu.memref_slice %arg9[%dma_start3A_373, %dma_start3A_385, %dma_start3A_386] : memref<5x80x128xf32, #tpu.memory_space<vmem>> -> memref<1x80x128xf32, #tpu.memory_space<vmem>>
        %dma_start3A_388 = tpu.memref_squeeze %dma_start3A_387 : memref<1x80x128xf32, #tpu.memory_space<vmem>> -> memref<80x128xf32, #tpu.memory_space<vmem>>
        tpu.enqueue_dma source(%dma_start3A_388 : memref<80x128xf32, #tpu.memory_space<vmem>>) target(%dma_start3A_384 : memref<80x128xf32, #tpu.memory_space<hbm>>) target_semaphore(%dma_start3A_382 : memref<!tpu.dma_semaphore, #tpu.memory_space<semaphore_mem>>)
      } else {
      }
      %ge3A_199 = arith.constant 1 : i32
      %ge3A_200 = arith.cmpi sge, %add3A_196, %ge3A_199 : i32
      %convert_element_type3A_201 = arith.extui %ge3A_200 : i1 to i32
      %cond3A_202 = arith.constant 0 : i32
      %cond3A_203 = arith.cmpi ne, %convert_element_type3A_201, %cond3A_202 : i32
      scf.if %cond3A_203 {
        %sub3A = arith.constant 1 : i32
        %sub3A_355 = arith.subi %add3A_196, %sub3A : i32
        %dma_wait3A_356 = arith.constant 4 : i32
        %dma_wait3A_357 = arith.constant 4 : i32
        %dma_wait3A_358 = arith.constant 0 : i32
        %dma_wait3A_359 = arith.constant 0 : i32
        %dma_wait3A_360 = tpu.memref_slice %arg9[%dma_wait3A_356, %dma_wait3A_358, %dma_wait3A_359] : memref<5x80x128xf32, #tpu.memory_space<vmem>> -> memref<1x80x128xf32, #tpu.memory_space<vmem>>
        %dma_wait3A_361 = tpu.memref_squeeze %dma_wait3A_360 : memref<1x80x128xf32, #tpu.memory_space<vmem>> -> memref<80x128xf32, #tpu.memory_space<vmem>>
        %dma_wait3A_362 = arith.constant 0 : i32
        %dma_wait3A_363 = tpu.memref_slice %arg7[%sub3A_355, %dma_wait3A_362] : memref<50x80xi32, #tpu.memory_space<vmem>> -> memref<1x80xi32, #tpu.memory_space<vmem>>
        %dma_wait3A_364 = tpu.memref_squeeze %dma_wait3A_363 : memref<1x80xi32, #tpu.memory_space<vmem>> -> memref<80xi32, #tpu.memory_space<vmem>>
        %dma_wait3A_365 = arith.constant 0 : i32
        %dma_wait3A_366 = arith.constant 0 : i32
        %dma_wait3A_367 = tpu.memref_slice %arg2[%dma_wait3A_365, %dma_wait3A_366] : memref<10000x128xf32, #tpu.memory_space<hbm>> -> memref<10000x128xf32, #tpu.memory_space<hbm>>
        %dma_wait3A_368 = tpu.memref_slice %arg10[%dma_wait3A_357] : memref<5x!tpu.dma_semaphore, #tpu.memory_space<semaphore_mem>> -> memref<1x!tpu.dma_semaphore, #tpu.memory_space<semaphore_mem>>
        %dma_wait3A_369 = tpu.memref_squeeze %dma_wait3A_368 : memref<1x!tpu.dma_semaphore, #tpu.memory_space<semaphore_mem>> -> memref<!tpu.dma_semaphore, #tpu.memory_space<semaphore_mem>>
        tpu.wait_indirect_dma semaphore(%dma_wait3A_369 : memref<!tpu.dma_semaphore, #tpu.memory_space<semaphore_mem>>) src(%dma_wait3A_367 : memref<10000x128xf32, #tpu.memory_space<hbm>>) dst(%dma_wait3A_361 : memref<80x128xf32, #tpu.memory_space<vmem>>)
        %dma_start3A_370 = arith.constant 4 : i32
        %dma_start3A_371 = arith.constant 4 : i32
        %dma_start3A_372 = arith.constant 0 : i32
        %dma_start3A_373 = arith.constant 0 : i32
        %dma_start3A_374 = tpu.memref_slice %arg9[%dma_start3A_370, %dma_start3A_372, %dma_start3A_373] : memref<5x80x128xf32, #tpu.memory_space<vmem>> -> memref<1x80x128xf32, #tpu.memory_space<vmem>>
        %dma_start3A_375 = tpu.memref_squeeze %dma_start3A_374 : memref<1x80x128xf32, #tpu.memory_space<vmem>> -> memref<80x128xf32, #tpu.memory_space<vmem>>
        %dma_start3A_376 = arith.constant 0 : i32
        %dma_start3A_377 = tpu.memref_slice %arg8[%sub3A_355, %dma_start3A_376] : memref<50x80xi32, #tpu.memory_space<vmem>> -> memref<1x80xi32, #tpu.memory_space<vmem>>
        %dma_start3A_378 = tpu.memref_squeeze %dma_start3A_377 : memref<1x80xi32, #tpu.memory_space<vmem>> -> memref<80xi32, #tpu.memory_space<vmem>>
        %dma_start3A_379 = arith.constant 0 : i32
        %dma_start3A_380 = arith.constant 0 : i32
        %dma_start3A_381 = tpu.memref_slice %arg3[%dma_start3A_379, %dma_start3A_380] : memref<10000x128xf32, #tpu.memory_space<hbm>> -> memref<10000x128xf32, #tpu.memory_space<hbm>>
        %dma_start3A_382 = tpu.memref_slice %arg11[%dma_start3A_371] : memref<5x!tpu.dma_semaphore, #tpu.memory_space<semaphore_mem>> -> memref<1x!tpu.dma_semaphore, #tpu.memory_space<semaphore_mem>>
        %dma_start3A_383 = tpu.memref_squeeze %dma_start3A_382 : memref<1x!tpu.dma_semaphore, #tpu.memory_space<semaphore_mem>> -> memref<!tpu.dma_semaphore, #tpu.memory_space<semaphore_mem>>
        tpu.enqueue_indirect_dma source(%dma_start3A_381 : memref<10000x128xf32, #tpu.memory_space<hbm>>) target(%dma_start3A_375 : memref<80x128xf32, #tpu.memory_space<vmem>>) offsets(%dma_start3A_378 : memref<80xi32, #tpu.memory_space<vmem>>) semaphore(%dma_start3A_383 : memref<!tpu.dma_semaphore, #tpu.memory_space<semaphore_mem>>) {add = true}
      } else {
      }
      %ge3A_204 = arith.constant 5 : i32
      %ge3A_205 = arith.cmpi sge, %add3A_196, %ge3A_204 : i32
      %convert_element_type3A_206 = arith.extui %ge3A_205 : i1 to i32
      %cond3A_207 = arith.constant 0 : i32
      %cond3A_208 = arith.cmpi ne, %convert_element_type3A_206, %cond3A_207 : i32
      scf.if %cond3A_208 {
        %sub3A = arith.constant 5 : i32
        %sub3A_355 = arith.subi %add3A_196, %sub3A : i32
        %mul3A_356 = arith.constant 80 : i32
        %mul3A_357 = arith.muli %sub3A_355, %mul3A_356 : i32
        %add3A_358 = arith.addi %mul3A_2, %mul3A_357 : i32
        %dma_wait3A_359 = arith.constant 0 : i32
        %dma_wait3A_360 = arith.constant 0 : i32
        %dma_wait3A_361 = arith.constant 0 : i32
        %dma_wait3A_362 = arith.constant 0 : i32
        %dma_wait3A_363 = tpu.memref_slice %arg9[%dma_wait3A_359, %dma_wait3A_361, %dma_wait3A_362] : memref<5x80x128xf32, #tpu.memory_space<vmem>> -> memref<1x80x128xf32, #tpu.memory_space<vmem>>
        %dma_wait3A_364 = tpu.memref_squeeze %dma_wait3A_363 : memref<1x80x128xf32, #tpu.memory_space<vmem>> -> memref<80x128xf32, #tpu.memory_space<vmem>>
        %dma_wait3A_365 = arith.constant 0 : i32
        %dma_wait3A_366 = tpu.memref_slice %arg6[%add3A_358, %dma_wait3A_365] : memref<128000x128xf32, #tpu.memory_space<hbm>> -> memref<80x128xf32, #tpu.memory_space<hbm>>
        %dma_wait3A_367 = tpu.memref_slice %arg12[%dma_wait3A_360] : memref<5x!tpu.dma_semaphore, #tpu.memory_space<semaphore_mem>> -> memref<1x!tpu.dma_semaphore, #tpu.memory_space<semaphore_mem>>
        %dma_wait3A_368 = tpu.memref_squeeze %dma_wait3A_367 : memref<1x!tpu.dma_semaphore, #tpu.memory_space<semaphore_mem>> -> memref<!tpu.dma_semaphore, #tpu.memory_space<semaphore_mem>>
        %dma_wait3A_369 = arith.constant 0 : i32
        %dma_wait3A_370 = tpu.memref_slice %arg6[%add3A_358, %dma_wait3A_369] : memref<128000x128xf32, #tpu.memory_space<hbm>> -> memref<80x128xf32, #tpu.memory_space<hbm>>
        %dma_wait3A_371 = arith.constant 0 : i32
        %dma_wait3A_372 = arith.constant 0 : i32
        %dma_wait3A_373 = tpu.memref_slice %arg9[%dma_wait3A_359, %dma_wait3A_371, %dma_wait3A_372] : memref<5x80x128xf32, #tpu.memory_space<vmem>> -> memref<1x80x128xf32, #tpu.memory_space<vmem>>
        %dma_wait3A_374 = tpu.memref_squeeze %dma_wait3A_373 : memref<1x80x128xf32, #tpu.memory_space<vmem>> -> memref<80x128xf32, #tpu.memory_space<vmem>>
        tpu.wait_dma2 semaphore(%dma_wait3A_368 : memref<!tpu.dma_semaphore, #tpu.memory_space<semaphore_mem>>) src(%dma_wait3A_374 : memref<80x128xf32, #tpu.memory_space<vmem>>) dst(%dma_wait3A_370 : memref<80x128xf32, #tpu.memory_space<hbm>>)
      } else {
      }
      %dma_start3A_209 = arith.constant 0 : i32
      %dma_start3A_210 = arith.constant 0 : i32
      %dma_start3A_211 = arith.constant 0 : i32
      %dma_start3A_212 = arith.constant 0 : i32
      %dma_start3A_213 = tpu.memref_slice %arg9[%dma_start3A_209, %dma_start3A_211, %dma_start3A_212] : memref<5x80x128xf32, #tpu.memory_space<vmem>> -> memref<1x80x128xf32, #tpu.memory_space<vmem>>
      %dma_start3A_214 = tpu.memref_squeeze %dma_start3A_213 : memref<1x80x128xf32, #tpu.memory_space<vmem>> -> memref<80x128xf32, #tpu.memory_space<vmem>>
      %dma_start3A_215 = arith.constant 0 : i32
      %dma_start3A_216 = tpu.memref_slice %arg7[%add3A_196, %dma_start3A_215] : memref<50x80xi32, #tpu.memory_space<vmem>> -> memref<1x80xi32, #tpu.memory_space<vmem>>
      %dma_start3A_217 = tpu.memref_squeeze %dma_start3A_216 : memref<1x80xi32, #tpu.memory_space<vmem>> -> memref<80xi32, #tpu.memory_space<vmem>>
      %dma_start3A_218 = arith.constant 0 : i32
      %dma_start3A_219 = arith.constant 0 : i32
      %dma_start3A_220 = tpu.memref_slice %arg2[%dma_start3A_218, %dma_start3A_219] : memref<10000x128xf32, #tpu.memory_space<hbm>> -> memref<10000x128xf32, #tpu.memory_space<hbm>>
      %dma_start3A_221 = tpu.memref_slice %arg10[%dma_start3A_210] : memref<5x!tpu.dma_semaphore, #tpu.memory_space<semaphore_mem>> -> memref<1x!tpu.dma_semaphore, #tpu.memory_space<semaphore_mem>>
      %dma_start3A_222 = tpu.memref_squeeze %dma_start3A_221 : memref<1x!tpu.dma_semaphore, #tpu.memory_space<semaphore_mem>> -> memref<!tpu.dma_semaphore, #tpu.memory_space<semaphore_mem>>
      tpu.enqueue_indirect_dma source(%dma_start3A_220 : memref<10000x128xf32, #tpu.memory_space<hbm>>) target(%dma_start3A_214 : memref<80x128xf32, #tpu.memory_space<vmem>>) offsets(%dma_start3A_217 : memref<80xi32, #tpu.memory_space<vmem>>) semaphore(%dma_start3A_222 : memref<!tpu.dma_semaphore, #tpu.memory_space<semaphore_mem>>)
      %mul3A_223 = arith.constant 5 : i32
      %mul3A_224 = arith.muli %scan3A_192, %mul3A_223 : i32
      %add3A_225 = arith.constant 1 : i32
      %add3A_226 = arith.addi %mul3A_224, %add3A_225 : i32
      %ge3A_227 = arith.constant 2 : i32
      %ge3A_228 = arith.cmpi sge, %add3A_226, %ge3A_227 : i32
      %convert_element_type3A_229 = arith.extui %ge3A_228 : i1 to i32
      %cond3A_230 = arith.constant 0 : i32
      %cond3A_231 = arith.cmpi ne, %convert_element_type3A_229, %cond3A_230 : i32
      scf.if %cond3A_231 {
        %sub3A = arith.constant 2 : i32
        %sub3A_355 = arith.subi %add3A_226, %sub3A : i32
        %dma_wait3A_356 = arith.constant 4 : i32
        %dma_wait3A_357 = arith.constant 4 : i32
        %dma_wait3A_358 = arith.constant 0 : i32
        %dma_wait3A_359 = arith.constant 0 : i32
        %dma_wait3A_360 = tpu.memref_slice %arg9[%dma_wait3A_356, %dma_wait3A_358, %dma_wait3A_359] : memref<5x80x128xf32, #tpu.memory_space<vmem>> -> memref<1x80x128xf32, #tpu.memory_space<vmem>>
        %dma_wait3A_361 = tpu.memref_squeeze %dma_wait3A_360 : memref<1x80x128xf32, #tpu.memory_space<vmem>> -> memref<80x128xf32, #tpu.memory_space<vmem>>
        %dma_wait3A_362 = arith.constant 0 : i32
        %dma_wait3A_363 = tpu.memref_slice %arg8[%sub3A_355, %dma_wait3A_362] : memref<50x80xi32, #tpu.memory_space<vmem>> -> memref<1x80xi32, #tpu.memory_space<vmem>>
        %dma_wait3A_364 = tpu.memref_squeeze %dma_wait3A_363 : memref<1x80xi32, #tpu.memory_space<vmem>> -> memref<80xi32, #tpu.memory_space<vmem>>
        %dma_wait3A_365 = arith.constant 0 : i32
        %dma_wait3A_366 = arith.constant 0 : i32
        %dma_wait3A_367 = tpu.memref_slice %arg3[%dma_wait3A_365, %dma_wait3A_366] : memref<10000x128xf32, #tpu.memory_space<hbm>> -> memref<10000x128xf32, #tpu.memory_space<hbm>>
        %dma_wait3A_368 = tpu.memref_slice %arg11[%dma_wait3A_357] : memref<5x!tpu.dma_semaphore, #tpu.memory_space<semaphore_mem>> -> memref<1x!tpu.dma_semaphore, #tpu.memory_space<semaphore_mem>>
        %dma_wait3A_369 = tpu.memref_squeeze %dma_wait3A_368 : memref<1x!tpu.dma_semaphore, #tpu.memory_space<semaphore_mem>> -> memref<!tpu.dma_semaphore, #tpu.memory_space<semaphore_mem>>
        tpu.wait_indirect_dma semaphore(%dma_wait3A_369 : memref<!tpu.dma_semaphore, #tpu.memory_space<semaphore_mem>>) src(%dma_wait3A_367 : memref<10000x128xf32, #tpu.memory_space<hbm>>) dst(%dma_wait3A_361 : memref<80x128xf32, #tpu.memory_space<vmem>>)
        %mul3A_370 = arith.constant 80 : i32
        %mul3A_371 = arith.muli %sub3A_355, %mul3A_370 : i32
        %add3A_372 = arith.addi %mul3A_2, %mul3A_371 : i32
        %dma_start3A_373 = arith.constant 4 : i32
        %dma_start3A_374 = arith.constant 4 : i32
        %dma_start3A_375 = arith.constant 0 : i32
        %dma_start3A_376 = arith.constant 0 : i32
        %dma_start3A_377 = tpu.memref_slice %arg9[%dma_start3A_373, %dma_start3A_375, %dma_start3A_376] : memref<5x80x128xf32, #tpu.memory_space<vmem>> -> memref<1x80x128xf32, #tpu.memory_space<vmem>>
        %dma_start3A_378 = tpu.memref_squeeze %dma_start3A_377 : memref<1x80x128xf32, #tpu.memory_space<vmem>> -> memref<80x128xf32, #tpu.memory_space<vmem>>
        %dma_start3A_379 = arith.constant 0 : i32
        %dma_start3A_380 = tpu.memref_slice %arg6[%add3A_372, %dma_start3A_379] : memref<128000x128xf32, #tpu.memory_space<hbm>> -> memref<80x128xf32, #tpu.memory_space<hbm>>
        %dma_start3A_381 = tpu.memref_slice %arg12[%dma_start3A_374] : memref<5x!tpu.dma_semaphore, #tpu.memory_space<semaphore_mem>> -> memref<1x!tpu.dma_semaphore, #tpu.memory_space<semaphore_mem>>
        %dma_start3A_382 = tpu.memref_squeeze %dma_start3A_381 : memref<1x!tpu.dma_semaphore, #tpu.memory_space<semaphore_mem>> -> memref<!tpu.dma_semaphore, #tpu.memory_space<semaphore_mem>>
        %dma_start3A_383 = arith.constant 0 : i32
        %dma_start3A_384 = tpu.memref_slice %arg6[%add3A_372, %dma_start3A_383] : memref<128000x128xf32, #tpu.memory_space<hbm>> -> memref<80x128xf32, #tpu.memory_space<hbm>>
        %dma_start3A_385 = arith.constant 0 : i32
        %dma_start3A_386 = arith.constant 0 : i32
        %dma_start3A_387 = tpu.memref_slice %arg9[%dma_start3A_373, %dma_start3A_385, %dma_start3A_386] : memref<5x80x128xf32, #tpu.memory_space<vmem>> -> memref<1x80x128xf32, #tpu.memory_space<vmem>>
        %dma_start3A_388 = tpu.memref_squeeze %dma_start3A_387 : memref<1x80x128xf32, #tpu.memory_space<vmem>> -> memref<80x128xf32, #tpu.memory_space<vmem>>
        tpu.enqueue_dma source(%dma_start3A_388 : memref<80x128xf32, #tpu.memory_space<vmem>>) target(%dma_start3A_384 : memref<80x128xf32, #tpu.memory_space<hbm>>) target_semaphore(%dma_start3A_382 : memref<!tpu.dma_semaphore, #tpu.memory_space<semaphore_mem>>)
      } else {
      }
      %ge3A_232 = arith.constant 1 : i32
      %ge3A_233 = arith.cmpi sge, %add3A_226, %ge3A_232 : i32
      %convert_element_type3A_234 = arith.extui %ge3A_233 : i1 to i32
      %cond3A_235 = arith.constant 0 : i32
      %cond3A_236 = arith.cmpi ne, %convert_element_type3A_234, %cond3A_235 : i32
      scf.if %cond3A_236 {
        %sub3A = arith.constant 1 : i32
        %sub3A_355 = arith.subi %add3A_226, %sub3A : i32
        %dma_wait3A_356 = arith.constant 0 : i32
        %dma_wait3A_357 = arith.constant 0 : i32
        %dma_wait3A_358 = arith.constant 0 : i32
        %dma_wait3A_359 = arith.constant 0 : i32
        %dma_wait3A_360 = tpu.memref_slice %arg9[%dma_wait3A_356, %dma_wait3A_358, %dma_wait3A_359] : memref<5x80x128xf32, #tpu.memory_space<vmem>> -> memref<1x80x128xf32, #tpu.memory_space<vmem>>
        %dma_wait3A_361 = tpu.memref_squeeze %dma_wait3A_360 : memref<1x80x128xf32, #tpu.memory_space<vmem>> -> memref<80x128xf32, #tpu.memory_space<vmem>>
        %dma_wait3A_362 = arith.constant 0 : i32
        %dma_wait3A_363 = tpu.memref_slice %arg7[%sub3A_355, %dma_wait3A_362] : memref<50x80xi32, #tpu.memory_space<vmem>> -> memref<1x80xi32, #tpu.memory_space<vmem>>
        %dma_wait3A_364 = tpu.memref_squeeze %dma_wait3A_363 : memref<1x80xi32, #tpu.memory_space<vmem>> -> memref<80xi32, #tpu.memory_space<vmem>>
        %dma_wait3A_365 = arith.constant 0 : i32
        %dma_wait3A_366 = arith.constant 0 : i32
        %dma_wait3A_367 = tpu.memref_slice %arg2[%dma_wait3A_365, %dma_wait3A_366] : memref<10000x128xf32, #tpu.memory_space<hbm>> -> memref<10000x128xf32, #tpu.memory_space<hbm>>
        %dma_wait3A_368 = tpu.memref_slice %arg10[%dma_wait3A_357] : memref<5x!tpu.dma_semaphore, #tpu.memory_space<semaphore_mem>> -> memref<1x!tpu.dma_semaphore, #tpu.memory_space<semaphore_mem>>
        %dma_wait3A_369 = tpu.memref_squeeze %dma_wait3A_368 : memref<1x!tpu.dma_semaphore, #tpu.memory_space<semaphore_mem>> -> memref<!tpu.dma_semaphore, #tpu.memory_space<semaphore_mem>>
        tpu.wait_indirect_dma semaphore(%dma_wait3A_369 : memref<!tpu.dma_semaphore, #tpu.memory_space<semaphore_mem>>) src(%dma_wait3A_367 : memref<10000x128xf32, #tpu.memory_space<hbm>>) dst(%dma_wait3A_361 : memref<80x128xf32, #tpu.memory_space<vmem>>)
        %dma_start3A_370 = arith.constant 0 : i32
        %dma_start3A_371 = arith.constant 0 : i32
        %dma_start3A_372 = arith.constant 0 : i32
        %dma_start3A_373 = arith.constant 0 : i32
        %dma_start3A_374 = tpu.memref_slice %arg9[%dma_start3A_370, %dma_start3A_372, %dma_start3A_373] : memref<5x80x128xf32, #tpu.memory_space<vmem>> -> memref<1x80x128xf32, #tpu.memory_space<vmem>>
        %dma_start3A_375 = tpu.memref_squeeze %dma_start3A_374 : memref<1x80x128xf32, #tpu.memory_space<vmem>> -> memref<80x128xf32, #tpu.memory_space<vmem>>
        %dma_start3A_376 = arith.constant 0 : i32
        %dma_start3A_377 = tpu.memref_slice %arg8[%sub3A_355, %dma_start3A_376] : memref<50x80xi32, #tpu.memory_space<vmem>> -> memref<1x80xi32, #tpu.memory_space<vmem>>
        %dma_start3A_378 = tpu.memref_squeeze %dma_start3A_377 : memref<1x80xi32, #tpu.memory_space<vmem>> -> memref<80xi32, #tpu.memory_space<vmem>>
        %dma_start3A_379 = arith.constant 0 : i32
        %dma_start3A_380 = arith.constant 0 : i32
        %dma_start3A_381 = tpu.memref_slice %arg3[%dma_start3A_379, %dma_start3A_380] : memref<10000x128xf32, #tpu.memory_space<hbm>> -> memref<10000x128xf32, #tpu.memory_space<hbm>>
        %dma_start3A_382 = tpu.memref_slice %arg11[%dma_start3A_371] : memref<5x!tpu.dma_semaphore, #tpu.memory_space<semaphore_mem>> -> memref<1x!tpu.dma_semaphore, #tpu.memory_space<semaphore_mem>>
        %dma_start3A_383 = tpu.memref_squeeze %dma_start3A_382 : memref<1x!tpu.dma_semaphore, #tpu.memory_space<semaphore_mem>> -> memref<!tpu.dma_semaphore, #tpu.memory_space<semaphore_mem>>
        tpu.enqueue_indirect_dma source(%dma_start3A_381 : memref<10000x128xf32, #tpu.memory_space<hbm>>) target(%dma_start3A_375 : memref<80x128xf32, #tpu.memory_space<vmem>>) offsets(%dma_start3A_378 : memref<80xi32, #tpu.memory_space<vmem>>) semaphore(%dma_start3A_383 : memref<!tpu.dma_semaphore, #tpu.memory_space<semaphore_mem>>) {add = true}
      } else {
      }
      %ge3A_237 = arith.constant 5 : i32
      %ge3A_238 = arith.cmpi sge, %add3A_226, %ge3A_237 : i32
      %convert_element_type3A_239 = arith.extui %ge3A_238 : i1 to i32
      %cond3A_240 = arith.constant 0 : i32
      %cond3A_241 = arith.cmpi ne, %convert_element_type3A_239, %cond3A_240 : i32
      scf.if %cond3A_241 {
        %sub3A = arith.constant 5 : i32
        %sub3A_355 = arith.subi %add3A_226, %sub3A : i32
        %mul3A_356 = arith.constant 80 : i32
        %mul3A_357 = arith.muli %sub3A_355, %mul3A_356 : i32
        %add3A_358 = arith.addi %mul3A_2, %mul3A_357 : i32
        %dma_wait3A_359 = arith.constant 1 : i32
        %dma_wait3A_360 = arith.constant 1 : i32
        %dma_wait3A_361 = arith.constant 0 : i32
        %dma_wait3A_362 = arith.constant 0 : i32
        %dma_wait3A_363 = tpu.memref_slice %arg9[%dma_wait3A_359, %dma_wait3A_361, %dma_wait3A_362] : memref<5x80x128xf32, #tpu.memory_space<vmem>> -> memref<1x80x128xf32, #tpu.memory_space<vmem>>
        %dma_wait3A_364 = tpu.memref_squeeze %dma_wait3A_363 : memref<1x80x128xf32, #tpu.memory_space<vmem>> -> memref<80x128xf32, #tpu.memory_space<vmem>>
        %dma_wait3A_365 = arith.constant 0 : i32
        %dma_wait3A_366 = tpu.memref_slice %arg6[%add3A_358, %dma_wait3A_365] : memref<128000x128xf32, #tpu.memory_space<hbm>> -> memref<80x128xf32, #tpu.memory_space<hbm>>
        %dma_wait3A_367 = tpu.memref_slice %arg12[%dma_wait3A_360] : memref<5x!tpu.dma_semaphore, #tpu.memory_space<semaphore_mem>> -> memref<1x!tpu.dma_semaphore, #tpu.memory_space<semaphore_mem>>
        %dma_wait3A_368 = tpu.memref_squeeze %dma_wait3A_367 : memref<1x!tpu.dma_semaphore, #tpu.memory_space<semaphore_mem>> -> memref<!tpu.dma_semaphore, #tpu.memory_space<semaphore_mem>>
        %dma_wait3A_369 = arith.constant 0 : i32
        %dma_wait3A_370 = tpu.memref_slice %arg6[%add3A_358, %dma_wait3A_369] : memref<128000x128xf32, #tpu.memory_space<hbm>> -> memref<80x128xf32, #tpu.memory_space<hbm>>
        %dma_wait3A_371 = arith.constant 0 : i32
        %dma_wait3A_372 = arith.constant 0 : i32
        %dma_wait3A_373 = tpu.memref_slice %arg9[%dma_wait3A_359, %dma_wait3A_371, %dma_wait3A_372] : memref<5x80x128xf32, #tpu.memory_space<vmem>> -> memref<1x80x128xf32, #tpu.memory_space<vmem>>
        %dma_wait3A_374 = tpu.memref_squeeze %dma_wait3A_373 : memref<1x80x128xf32, #tpu.memory_space<vmem>> -> memref<80x128xf32, #tpu.memory_space<vmem>>
        tpu.wait_dma2 semaphore(%dma_wait3A_368 : memref<!tpu.dma_semaphore, #tpu.memory_space<semaphore_mem>>) src(%dma_wait3A_374 : memref<80x128xf32, #tpu.memory_space<vmem>>) dst(%dma_wait3A_370 : memref<80x128xf32, #tpu.memory_space<hbm>>)
      } else {
      }
      %dma_start3A_242 = arith.constant 1 : i32
      %dma_start3A_243 = arith.constant 1 : i32
      %dma_start3A_244 = arith.constant 0 : i32
      %dma_start3A_245 = arith.constant 0 : i32
      %dma_start3A_246 = tpu.memref_slice %arg9[%dma_start3A_242, %dma_start3A_244, %dma_start3A_245] : memref<5x80x128xf32, #tpu.memory_space<vmem>> -> memref<1x80x128xf32, #tpu.memory_space<vmem>>
      %dma_start3A_247 = tpu.memref_squeeze %dma_start3A_246 : memref<1x80x128xf32, #tpu.memory_space<vmem>> -> memref<80x128xf32, #tpu.memory_space<vmem>>
      %dma_start3A_248 = arith.constant 0 : i32
      %dma_start3A_249 = tpu.memref_slice %arg7[%add3A_226, %dma_start3A_248] : memref<50x80xi32, #tpu.memory_space<vmem>> -> memref<1x80xi32, #tpu.memory_space<vmem>>
      %dma_start3A_250 = tpu.memref_squeeze %dma_start3A_249 : memref<1x80xi32, #tpu.memory_space<vmem>> -> memref<80xi32, #tpu.memory_space<vmem>>
      %dma_start3A_251 = arith.constant 0 : i32
      %dma_start3A_252 = arith.constant 0 : i32
      %dma_start3A_253 = tpu.memref_slice %arg2[%dma_start3A_251, %dma_start3A_252] : memref<10000x128xf32, #tpu.memory_space<hbm>> -> memref<10000x128xf32, #tpu.memory_space<hbm>>
      %dma_start3A_254 = tpu.memref_slice %arg10[%dma_start3A_243] : memref<5x!tpu.dma_semaphore, #tpu.memory_space<semaphore_mem>> -> memref<1x!tpu.dma_semaphore, #tpu.memory_space<semaphore_mem>>
      %dma_start3A_255 = tpu.memref_squeeze %dma_start3A_254 : memref<1x!tpu.dma_semaphore, #tpu.memory_space<semaphore_mem>> -> memref<!tpu.dma_semaphore, #tpu.memory_space<semaphore_mem>>
      tpu.enqueue_indirect_dma source(%dma_start3A_253 : memref<10000x128xf32, #tpu.memory_space<hbm>>) target(%dma_start3A_247 : memref<80x128xf32, #tpu.memory_space<vmem>>) offsets(%dma_start3A_250 : memref<80xi32, #tpu.memory_space<vmem>>) semaphore(%dma_start3A_255 : memref<!tpu.dma_semaphore, #tpu.memory_space<semaphore_mem>>)
      %mul3A_256 = arith.constant 5 : i32
      %mul3A_257 = arith.muli %scan3A_192, %mul3A_256 : i32
      %add3A_258 = arith.constant 2 : i32
      %add3A_259 = arith.addi %mul3A_257, %add3A_258 : i32
      %ge3A_260 = arith.constant 2 : i32
      %ge3A_261 = arith.cmpi sge, %add3A_259, %ge3A_260 : i32
      %convert_element_type3A_262 = arith.extui %ge3A_261 : i1 to i32
      %cond3A_263 = arith.constant 0 : i32
      %cond3A_264 = arith.cmpi ne, %convert_element_type3A_262, %cond3A_263 : i32
      scf.if %cond3A_264 {
        %sub3A = arith.constant 2 : i32
        %sub3A_355 = arith.subi %add3A_259, %sub3A : i32
        %dma_wait3A_356 = arith.constant 0 : i32
        %dma_wait3A_357 = arith.constant 0 : i32
        %dma_wait3A_358 = arith.constant 0 : i32
        %dma_wait3A_359 = arith.constant 0 : i32
        %dma_wait3A_360 = tpu.memref_slice %arg9[%dma_wait3A_356, %dma_wait3A_358, %dma_wait3A_359] : memref<5x80x128xf32, #tpu.memory_space<vmem>> -> memref<1x80x128xf32, #tpu.memory_space<vmem>>
        %dma_wait3A_361 = tpu.memref_squeeze %dma_wait3A_360 : memref<1x80x128xf32, #tpu.memory_space<vmem>> -> memref<80x128xf32, #tpu.memory_space<vmem>>
        %dma_wait3A_362 = arith.constant 0 : i32
        %dma_wait3A_363 = tpu.memref_slice %arg8[%sub3A_355, %dma_wait3A_362] : memref<50x80xi32, #tpu.memory_space<vmem>> -> memref<1x80xi32, #tpu.memory_space<vmem>>
        %dma_wait3A_364 = tpu.memref_squeeze %dma_wait3A_363 : memref<1x80xi32, #tpu.memory_space<vmem>> -> memref<80xi32, #tpu.memory_space<vmem>>
        %dma_wait3A_365 = arith.constant 0 : i32
        %dma_wait3A_366 = arith.constant 0 : i32
        %dma_wait3A_367 = tpu.memref_slice %arg3[%dma_wait3A_365, %dma_wait3A_366] : memref<10000x128xf32, #tpu.memory_space<hbm>> -> memref<10000x128xf32, #tpu.memory_space<hbm>>
        %dma_wait3A_368 = tpu.memref_slice %arg11[%dma_wait3A_357] : memref<5x!tpu.dma_semaphore, #tpu.memory_space<semaphore_mem>> -> memref<1x!tpu.dma_semaphore, #tpu.memory_space<semaphore_mem>>
        %dma_wait3A_369 = tpu.memref_squeeze %dma_wait3A_368 : memref<1x!tpu.dma_semaphore, #tpu.memory_space<semaphore_mem>> -> memref<!tpu.dma_semaphore, #tpu.memory_space<semaphore_mem>>
        tpu.wait_indirect_dma semaphore(%dma_wait3A_369 : memref<!tpu.dma_semaphore, #tpu.memory_space<semaphore_mem>>) src(%dma_wait3A_367 : memref<10000x128xf32, #tpu.memory_space<hbm>>) dst(%dma_wait3A_361 : memref<80x128xf32, #tpu.memory_space<vmem>>)
        %mul3A_370 = arith.constant 80 : i32
        %mul3A_371 = arith.muli %sub3A_355, %mul3A_370 : i32
        %add3A_372 = arith.addi %mul3A_2, %mul3A_371 : i32
        %dma_start3A_373 = arith.constant 0 : i32
        %dma_start3A_374 = arith.constant 0 : i32
        %dma_start3A_375 = arith.constant 0 : i32
        %dma_start3A_376 = arith.constant 0 : i32
        %dma_start3A_377 = tpu.memref_slice %arg9[%dma_start3A_373, %dma_start3A_375, %dma_start3A_376] : memref<5x80x128xf32, #tpu.memory_space<vmem>> -> memref<1x80x128xf32, #tpu.memory_space<vmem>>
        %dma_start3A_378 = tpu.memref_squeeze %dma_start3A_377 : memref<1x80x128xf32, #tpu.memory_space<vmem>> -> memref<80x128xf32, #tpu.memory_space<vmem>>
        %dma_start3A_379 = arith.constant 0 : i32
        %dma_start3A_380 = tpu.memref_slice %arg6[%add3A_372, %dma_start3A_379] : memref<128000x128xf32, #tpu.memory_space<hbm>> -> memref<80x128xf32, #tpu.memory_space<hbm>>
        %dma_start3A_381 = tpu.memref_slice %arg12[%dma_start3A_374] : memref<5x!tpu.dma_semaphore, #tpu.memory_space<semaphore_mem>> -> memref<1x!tpu.dma_semaphore, #tpu.memory_space<semaphore_mem>>
        %dma_start3A_382 = tpu.memref_squeeze %dma_start3A_381 : memref<1x!tpu.dma_semaphore, #tpu.memory_space<semaphore_mem>> -> memref<!tpu.dma_semaphore, #tpu.memory_space<semaphore_mem>>
        %dma_start3A_383 = arith.constant 0 : i32
        %dma_start3A_384 = tpu.memref_slice %arg6[%add3A_372, %dma_start3A_383] : memref<128000x128xf32, #tpu.memory_space<hbm>> -> memref<80x128xf32, #tpu.memory_space<hbm>>
        %dma_start3A_385 = arith.constant 0 : i32
        %dma_start3A_386 = arith.constant 0 : i32
        %dma_start3A_387 = tpu.memref_slice %arg9[%dma_start3A_373, %dma_start3A_385, %dma_start3A_386] : memref<5x80x128xf32, #tpu.memory_space<vmem>> -> memref<1x80x128xf32, #tpu.memory_space<vmem>>
        %dma_start3A_388 = tpu.memref_squeeze %dma_start3A_387 : memref<1x80x128xf32, #tpu.memory_space<vmem>> -> memref<80x128xf32, #tpu.memory_space<vmem>>
        tpu.enqueue_dma source(%dma_start3A_388 : memref<80x128xf32, #tpu.memory_space<vmem>>) target(%dma_start3A_384 : memref<80x128xf32, #tpu.memory_space<hbm>>) target_semaphore(%dma_start3A_382 : memref<!tpu.dma_semaphore, #tpu.memory_space<semaphore_mem>>)
      } else {
      }
      %ge3A_265 = arith.constant 1 : i32
      %ge3A_266 = arith.cmpi sge, %add3A_259, %ge3A_265 : i32
      %convert_element_type3A_267 = arith.extui %ge3A_266 : i1 to i32
      %cond3A_268 = arith.constant 0 : i32
      %cond3A_269 = arith.cmpi ne, %convert_element_type3A_267, %cond3A_268 : i32
      scf.if %cond3A_269 {
        %sub3A = arith.constant 1 : i32
        %sub3A_355 = arith.subi %add3A_259, %sub3A : i32
        %dma_wait3A_356 = arith.constant 1 : i32
        %dma_wait3A_357 = arith.constant 1 : i32
        %dma_wait3A_358 = arith.constant 0 : i32
        %dma_wait3A_359 = arith.constant 0 : i32
        %dma_wait3A_360 = tpu.memref_slice %arg9[%dma_wait3A_356, %dma_wait3A_358, %dma_wait3A_359] : memref<5x80x128xf32, #tpu.memory_space<vmem>> -> memref<1x80x128xf32, #tpu.memory_space<vmem>>
        %dma_wait3A_361 = tpu.memref_squeeze %dma_wait3A_360 : memref<1x80x128xf32, #tpu.memory_space<vmem>> -> memref<80x128xf32, #tpu.memory_space<vmem>>
        %dma_wait3A_362 = arith.constant 0 : i32
        %dma_wait3A_363 = tpu.memref_slice %arg7[%sub3A_355, %dma_wait3A_362] : memref<50x80xi32, #tpu.memory_space<vmem>> -> memref<1x80xi32, #tpu.memory_space<vmem>>
        %dma_wait3A_364 = tpu.memref_squeeze %dma_wait3A_363 : memref<1x80xi32, #tpu.memory_space<vmem>> -> memref<80xi32, #tpu.memory_space<vmem>>
        %dma_wait3A_365 = arith.constant 0 : i32
        %dma_wait3A_366 = arith.constant 0 : i32
        %dma_wait3A_367 = tpu.memref_slice %arg2[%dma_wait3A_365, %dma_wait3A_366] : memref<10000x128xf32, #tpu.memory_space<hbm>> -> memref<10000x128xf32, #tpu.memory_space<hbm>>
        %dma_wait3A_368 = tpu.memref_slice %arg10[%dma_wait3A_357] : memref<5x!tpu.dma_semaphore, #tpu.memory_space<semaphore_mem>> -> memref<1x!tpu.dma_semaphore, #tpu.memory_space<semaphore_mem>>
        %dma_wait3A_369 = tpu.memref_squeeze %dma_wait3A_368 : memref<1x!tpu.dma_semaphore, #tpu.memory_space<semaphore_mem>> -> memref<!tpu.dma_semaphore, #tpu.memory_space<semaphore_mem>>
        tpu.wait_indirect_dma semaphore(%dma_wait3A_369 : memref<!tpu.dma_semaphore, #tpu.memory_space<semaphore_mem>>) src(%dma_wait3A_367 : memref<10000x128xf32, #tpu.memory_space<hbm>>) dst(%dma_wait3A_361 : memref<80x128xf32, #tpu.memory_space<vmem>>)
        %dma_start3A_370 = arith.constant 1 : i32
        %dma_start3A_371 = arith.constant 1 : i32
        %dma_start3A_372 = arith.constant 0 : i32
        %dma_start3A_373 = arith.constant 0 : i32
        %dma_start3A_374 = tpu.memref_slice %arg9[%dma_start3A_370, %dma_start3A_372, %dma_start3A_373] : memref<5x80x128xf32, #tpu.memory_space<vmem>> -> memref<1x80x128xf32, #tpu.memory_space<vmem>>
        %dma_start3A_375 = tpu.memref_squeeze %dma_start3A_374 : memref<1x80x128xf32, #tpu.memory_space<vmem>> -> memref<80x128xf32, #tpu.memory_space<vmem>>
        %dma_start3A_376 = arith.constant 0 : i32
        %dma_start3A_377 = tpu.memref_slice %arg8[%sub3A_355, %dma_start3A_376] : memref<50x80xi32, #tpu.memory_space<vmem>> -> memref<1x80xi32, #tpu.memory_space<vmem>>
        %dma_start3A_378 = tpu.memref_squeeze %dma_start3A_377 : memref<1x80xi32, #tpu.memory_space<vmem>> -> memref<80xi32, #tpu.memory_space<vmem>>
        %dma_start3A_379 = arith.constant 0 : i32
        %dma_start3A_380 = arith.constant 0 : i32
        %dma_start3A_381 = tpu.memref_slice %arg3[%dma_start3A_379, %dma_start3A_380] : memref<10000x128xf32, #tpu.memory_space<hbm>> -> memref<10000x128xf32, #tpu.memory_space<hbm>>
        %dma_start3A_382 = tpu.memref_slice %arg11[%dma_start3A_371] : memref<5x!tpu.dma_semaphore, #tpu.memory_space<semaphore_mem>> -> memref<1x!tpu.dma_semaphore, #tpu.memory_space<semaphore_mem>>
        %dma_start3A_383 = tpu.memref_squeeze %dma_start3A_382 : memref<1x!tpu.dma_semaphore, #tpu.memory_space<semaphore_mem>> -> memref<!tpu.dma_semaphore, #tpu.memory_space<semaphore_mem>>
        tpu.enqueue_indirect_dma source(%dma_start3A_381 : memref<10000x128xf32, #tpu.memory_space<hbm>>) target(%dma_start3A_375 : memref<80x128xf32, #tpu.memory_space<vmem>>) offsets(%dma_start3A_378 : memref<80xi32, #tpu.memory_space<vmem>>) semaphore(%dma_start3A_383 : memref<!tpu.dma_semaphore, #tpu.memory_space<semaphore_mem>>) {add = true}
      } else {
      }
      %ge3A_270 = arith.constant 5 : i32
      %ge3A_271 = arith.cmpi sge, %add3A_259, %ge3A_270 : i32
      %convert_element_type3A_272 = arith.extui %ge3A_271 : i1 to i32
      %cond3A_273 = arith.constant 0 : i32
      %cond3A_274 = arith.cmpi ne, %convert_element_type3A_272, %cond3A_273 : i32
      scf.if %cond3A_274 {
        %sub3A = arith.constant 5 : i32
        %sub3A_355 = arith.subi %add3A_259, %sub3A : i32
        %mul3A_356 = arith.constant 80 : i32
        %mul3A_357 = arith.muli %sub3A_355, %mul3A_356 : i32
        %add3A_358 = arith.addi %mul3A_2, %mul3A_357 : i32
        %dma_wait3A_359 = arith.constant 2 : i32
        %dma_wait3A_360 = arith.constant 2 : i32
        %dma_wait3A_361 = arith.constant 0 : i32
        %dma_wait3A_362 = arith.constant 0 : i32
        %dma_wait3A_363 = tpu.memref_slice %arg9[%dma_wait3A_359, %dma_wait3A_361, %dma_wait3A_362] : memref<5x80x128xf32, #tpu.memory_space<vmem>> -> memref<1x80x128xf32, #tpu.memory_space<vmem>>
        %dma_wait3A_364 = tpu.memref_squeeze %dma_wait3A_363 : memref<1x80x128xf32, #tpu.memory_space<vmem>> -> memref<80x128xf32, #tpu.memory_space<vmem>>
        %dma_wait3A_365 = arith.constant 0 : i32
        %dma_wait3A_366 = tpu.memref_slice %arg6[%add3A_358, %dma_wait3A_365] : memref<128000x128xf32, #tpu.memory_space<hbm>> -> memref<80x128xf32, #tpu.memory_space<hbm>>
        %dma_wait3A_367 = tpu.memref_slice %arg12[%dma_wait3A_360] : memref<5x!tpu.dma_semaphore, #tpu.memory_space<semaphore_mem>> -> memref<1x!tpu.dma_semaphore, #tpu.memory_space<semaphore_mem>>
        %dma_wait3A_368 = tpu.memref_squeeze %dma_wait3A_367 : memref<1x!tpu.dma_semaphore, #tpu.memory_space<semaphore_mem>> -> memref<!tpu.dma_semaphore, #tpu.memory_space<semaphore_mem>>
        %dma_wait3A_369 = arith.constant 0 : i32
        %dma_wait3A_370 = tpu.memref_slice %arg6[%add3A_358, %dma_wait3A_369] : memref<128000x128xf32, #tpu.memory_space<hbm>> -> memref<80x128xf32, #tpu.memory_space<hbm>>
        %dma_wait3A_371 = arith.constant 0 : i32
        %dma_wait3A_372 = arith.constant 0 : i32
        %dma_wait3A_373 = tpu.memref_slice %arg9[%dma_wait3A_359, %dma_wait3A_371, %dma_wait3A_372] : memref<5x80x128xf32, #tpu.memory_space<vmem>> -> memref<1x80x128xf32, #tpu.memory_space<vmem>>
        %dma_wait3A_374 = tpu.memref_squeeze %dma_wait3A_373 : memref<1x80x128xf32, #tpu.memory_space<vmem>> -> memref<80x128xf32, #tpu.memory_space<vmem>>
        tpu.wait_dma2 semaphore(%dma_wait3A_368 : memref<!tpu.dma_semaphore, #tpu.memory_space<semaphore_mem>>) src(%dma_wait3A_374 : memref<80x128xf32, #tpu.memory_space<vmem>>) dst(%dma_wait3A_370 : memref<80x128xf32, #tpu.memory_space<hbm>>)
      } else {
      }
      %dma_start3A_275 = arith.constant 2 : i32
      %dma_start3A_276 = arith.constant 2 : i32
      %dma_start3A_277 = arith.constant 0 : i32
      %dma_start3A_278 = arith.constant 0 : i32
      %dma_start3A_279 = tpu.memref_slice %arg9[%dma_start3A_275, %dma_start3A_277, %dma_start3A_278] : memref<5x80x128xf32, #tpu.memory_space<vmem>> -> memref<1x80x128xf32, #tpu.memory_space<vmem>>
      %dma_start3A_280 = tpu.memref_squeeze %dma_start3A_279 : memref<1x80x128xf32, #tpu.memory_space<vmem>> -> memref<80x128xf32, #tpu.memory_space<vmem>>
      %dma_start3A_281 = arith.constant 0 : i32
      %dma_start3A_282 = tpu.memref_slice %arg7[%add3A_259, %dma_start3A_281] : memref<50x80xi32, #tpu.memory_space<vmem>> -> memref<1x80xi32, #tpu.memory_space<vmem>>
      %dma_start3A_283 = tpu.memref_squeeze %dma_start3A_282 : memref<1x80xi32, #tpu.memory_space<vmem>> -> memref<80xi32, #tpu.memory_space<vmem>>
      %dma_start3A_284 = arith.constant 0 : i32
      %dma_start3A_285 = arith.constant 0 : i32
      %dma_start3A_286 = tpu.memref_slice %arg2[%dma_start3A_284, %dma_start3A_285] : memref<10000x128xf32, #tpu.memory_space<hbm>> -> memref<10000x128xf32, #tpu.memory_space<hbm>>
      %dma_start3A_287 = tpu.memref_slice %arg10[%dma_start3A_276] : memref<5x!tpu.dma_semaphore, #tpu.memory_space<semaphore_mem>> -> memref<1x!tpu.dma_semaphore, #tpu.memory_space<semaphore_mem>>
      %dma_start3A_288 = tpu.memref_squeeze %dma_start3A_287 : memref<1x!tpu.dma_semaphore, #tpu.memory_space<semaphore_mem>> -> memref<!tpu.dma_semaphore, #tpu.memory_space<semaphore_mem>>
      tpu.enqueue_indirect_dma source(%dma_start3A_286 : memref<10000x128xf32, #tpu.memory_space<hbm>>) target(%dma_start3A_280 : memref<80x128xf32, #tpu.memory_space<vmem>>) offsets(%dma_start3A_283 : memref<80xi32, #tpu.memory_space<vmem>>) semaphore(%dma_start3A_288 : memref<!tpu.dma_semaphore, #tpu.memory_space<semaphore_mem>>)
      %mul3A_289 = arith.constant 5 : i32
      %mul3A_290 = arith.muli %scan3A_192, %mul3A_289 : i32
      %add3A_291 = arith.constant 3 : i32
      %add3A_292 = arith.addi %mul3A_290, %add3A_291 : i32
      %ge3A_293 = arith.constant 2 : i32
      %ge3A_294 = arith.cmpi sge, %add3A_292, %ge3A_293 : i32
      %convert_element_type3A_295 = arith.extui %ge3A_294 : i1 to i32
      %cond3A_296 = arith.constant 0 : i32
      %cond3A_297 = arith.cmpi ne, %convert_element_type3A_295, %cond3A_296 : i32
      scf.if %cond3A_297 {
        %sub3A = arith.constant 2 : i32
        %sub3A_355 = arith.subi %add3A_292, %sub3A : i32
        %dma_wait3A_356 = arith.constant 1 : i32
        %dma_wait3A_357 = arith.constant 1 : i32
        %dma_wait3A_358 = arith.constant 0 : i32
        %dma_wait3A_359 = arith.constant 0 : i32
        %dma_wait3A_360 = tpu.memref_slice %arg9[%dma_wait3A_356, %dma_wait3A_358, %dma_wait3A_359] : memref<5x80x128xf32, #tpu.memory_space<vmem>> -> memref<1x80x128xf32, #tpu.memory_space<vmem>>
        %dma_wait3A_361 = tpu.memref_squeeze %dma_wait3A_360 : memref<1x80x128xf32, #tpu.memory_space<vmem>> -> memref<80x128xf32, #tpu.memory_space<vmem>>
        %dma_wait3A_362 = arith.constant 0 : i32
        %dma_wait3A_363 = tpu.memref_slice %arg8[%sub3A_355, %dma_wait3A_362] : memref<50x80xi32, #tpu.memory_space<vmem>> -> memref<1x80xi32, #tpu.memory_space<vmem>>
        %dma_wait3A_364 = tpu.memref_squeeze %dma_wait3A_363 : memref<1x80xi32, #tpu.memory_space<vmem>> -> memref<80xi32, #tpu.memory_space<vmem>>
        %dma_wait3A_365 = arith.constant 0 : i32
        %dma_wait3A_366 = arith.constant 0 : i32
        %dma_wait3A_367 = tpu.memref_slice %arg3[%dma_wait3A_365, %dma_wait3A_366] : memref<10000x128xf32, #tpu.memory_space<hbm>> -> memref<10000x128xf32, #tpu.memory_space<hbm>>
        %dma_wait3A_368 = tpu.memref_slice %arg11[%dma_wait3A_357] : memref<5x!tpu.dma_semaphore, #tpu.memory_space<semaphore_mem>> -> memref<1x!tpu.dma_semaphore, #tpu.memory_space<semaphore_mem>>
        %dma_wait3A_369 = tpu.memref_squeeze %dma_wait3A_368 : memref<1x!tpu.dma_semaphore, #tpu.memory_space<semaphore_mem>> -> memref<!tpu.dma_semaphore, #tpu.memory_space<semaphore_mem>>
        tpu.wait_indirect_dma semaphore(%dma_wait3A_369 : memref<!tpu.dma_semaphore, #tpu.memory_space<semaphore_mem>>) src(%dma_wait3A_367 : memref<10000x128xf32, #tpu.memory_space<hbm>>) dst(%dma_wait3A_361 : memref<80x128xf32, #tpu.memory_space<vmem>>)
        %mul3A_370 = arith.constant 80 : i32
        %mul3A_371 = arith.muli %sub3A_355, %mul3A_370 : i32
        %add3A_372 = arith.addi %mul3A_2, %mul3A_371 : i32
        %dma_start3A_373 = arith.constant 1 : i32
        %dma_start3A_374 = arith.constant 1 : i32
        %dma_start3A_375 = arith.constant 0 : i32
        %dma_start3A_376 = arith.constant 0 : i32
        %dma_start3A_377 = tpu.memref_slice %arg9[%dma_start3A_373, %dma_start3A_375, %dma_start3A_376] : memref<5x80x128xf32, #tpu.memory_space<vmem>> -> memref<1x80x128xf32, #tpu.memory_space<vmem>>
        %dma_start3A_378 = tpu.memref_squeeze %dma_start3A_377 : memref<1x80x128xf32, #tpu.memory_space<vmem>> -> memref<80x128xf32, #tpu.memory_space<vmem>>
        %dma_start3A_379 = arith.constant 0 : i32
        %dma_start3A_380 = tpu.memref_slice %arg6[%add3A_372, %dma_start3A_379] : memref<128000x128xf32, #tpu.memory_space<hbm>> -> memref<80x128xf32, #tpu.memory_space<hbm>>
        %dma_start3A_381 = tpu.memref_slice %arg12[%dma_start3A_374] : memref<5x!tpu.dma_semaphore, #tpu.memory_space<semaphore_mem>> -> memref<1x!tpu.dma_semaphore, #tpu.memory_space<semaphore_mem>>
        %dma_start3A_382 = tpu.memref_squeeze %dma_start3A_381 : memref<1x!tpu.dma_semaphore, #tpu.memory_space<semaphore_mem>> -> memref<!tpu.dma_semaphore, #tpu.memory_space<semaphore_mem>>
        %dma_start3A_383 = arith.constant 0 : i32
        %dma_start3A_384 = tpu.memref_slice %arg6[%add3A_372, %dma_start3A_383] : memref<128000x128xf32, #tpu.memory_space<hbm>> -> memref<80x128xf32, #tpu.memory_space<hbm>>
        %dma_start3A_385 = arith.constant 0 : i32
        %dma_start3A_386 = arith.constant 0 : i32
        %dma_start3A_387 = tpu.memref_slice %arg9[%dma_start3A_373, %dma_start3A_385, %dma_start3A_386] : memref<5x80x128xf32, #tpu.memory_space<vmem>> -> memref<1x80x128xf32, #tpu.memory_space<vmem>>
        %dma_start3A_388 = tpu.memref_squeeze %dma_start3A_387 : memref<1x80x128xf32, #tpu.memory_space<vmem>> -> memref<80x128xf32, #tpu.memory_space<vmem>>
        tpu.enqueue_dma source(%dma_start3A_388 : memref<80x128xf32, #tpu.memory_space<vmem>>) target(%dma_start3A_384 : memref<80x128xf32, #tpu.memory_space<hbm>>) target_semaphore(%dma_start3A_382 : memref<!tpu.dma_semaphore, #tpu.memory_space<semaphore_mem>>)
      } else {
      }
      %ge3A_298 = arith.constant 1 : i32
      %ge3A_299 = arith.cmpi sge, %add3A_292, %ge3A_298 : i32
      %convert_element_type3A_300 = arith.extui %ge3A_299 : i1 to i32
      %cond3A_301 = arith.constant 0 : i32
      %cond3A_302 = arith.cmpi ne, %convert_element_type3A_300, %cond3A_301 : i32
      scf.if %cond3A_302 {
        %sub3A = arith.constant 1 : i32
        %sub3A_355 = arith.subi %add3A_292, %sub3A : i32
        %dma_wait3A_356 = arith.constant 2 : i32
        %dma_wait3A_357 = arith.constant 2 : i32
        %dma_wait3A_358 = arith.constant 0 : i32
        %dma_wait3A_359 = arith.constant 0 : i32
        %dma_wait3A_360 = tpu.memref_slice %arg9[%dma_wait3A_356, %dma_wait3A_358, %dma_wait3A_359] : memref<5x80x128xf32, #tpu.memory_space<vmem>> -> memref<1x80x128xf32, #tpu.memory_space<vmem>>
        %dma_wait3A_361 = tpu.memref_squeeze %dma_wait3A_360 : memref<1x80x128xf32, #tpu.memory_space<vmem>> -> memref<80x128xf32, #tpu.memory_space<vmem>>
        %dma_wait3A_362 = arith.constant 0 : i32
        %dma_wait3A_363 = tpu.memref_slice %arg7[%sub3A_355, %dma_wait3A_362] : memref<50x80xi32, #tpu.memory_space<vmem>> -> memref<1x80xi32, #tpu.memory_space<vmem>>
        %dma_wait3A_364 = tpu.memref_squeeze %dma_wait3A_363 : memref<1x80xi32, #tpu.memory_space<vmem>> -> memref<80xi32, #tpu.memory_space<vmem>>
        %dma_wait3A_365 = arith.constant 0 : i32
        %dma_wait3A_366 = arith.constant 0 : i32
        %dma_wait3A_367 = tpu.memref_slice %arg2[%dma_wait3A_365, %dma_wait3A_366] : memref<10000x128xf32, #tpu.memory_space<hbm>> -> memref<10000x128xf32, #tpu.memory_space<hbm>>
        %dma_wait3A_368 = tpu.memref_slice %arg10[%dma_wait3A_357] : memref<5x!tpu.dma_semaphore, #tpu.memory_space<semaphore_mem>> -> memref<1x!tpu.dma_semaphore, #tpu.memory_space<semaphore_mem>>
        %dma_wait3A_369 = tpu.memref_squeeze %dma_wait3A_368 : memref<1x!tpu.dma_semaphore, #tpu.memory_space<semaphore_mem>> -> memref<!tpu.dma_semaphore, #tpu.memory_space<semaphore_mem>>
        tpu.wait_indirect_dma semaphore(%dma_wait3A_369 : memref<!tpu.dma_semaphore, #tpu.memory_space<semaphore_mem>>) src(%dma_wait3A_367 : memref<10000x128xf32, #tpu.memory_space<hbm>>) dst(%dma_wait3A_361 : memref<80x128xf32, #tpu.memory_space<vmem>>)
        %dma_start3A_370 = arith.constant 2 : i32
        %dma_start3A_371 = arith.constant 2 : i32
        %dma_start3A_372 = arith.constant 0 : i32
        %dma_start3A_373 = arith.constant 0 : i32
        %dma_start3A_374 = tpu.memref_slice %arg9[%dma_start3A_370, %dma_start3A_372, %dma_start3A_373] : memref<5x80x128xf32, #tpu.memory_space<vmem>> -> memref<1x80x128xf32, #tpu.memory_space<vmem>>
        %dma_start3A_375 = tpu.memref_squeeze %dma_start3A_374 : memref<1x80x128xf32, #tpu.memory_space<vmem>> -> memref<80x128xf32, #tpu.memory_space<vmem>>
        %dma_start3A_376 = arith.constant 0 : i32
        %dma_start3A_377 = tpu.memref_slice %arg8[%sub3A_355, %dma_start3A_376] : memref<50x80xi32, #tpu.memory_space<vmem>> -> memref<1x80xi32, #tpu.memory_space<vmem>>
        %dma_start3A_378 = tpu.memref_squeeze %dma_start3A_377 : memref<1x80xi32, #tpu.memory_space<vmem>> -> memref<80xi32, #tpu.memory_space<vmem>>
        %dma_start3A_379 = arith.constant 0 : i32
        %dma_start3A_380 = arith.constant 0 : i32
        %dma_start3A_381 = tpu.memref_slice %arg3[%dma_start3A_379, %dma_start3A_380] : memref<10000x128xf32, #tpu.memory_space<hbm>> -> memref<10000x128xf32, #tpu.memory_space<hbm>>
        %dma_start3A_382 = tpu.memref_slice %arg11[%dma_start3A_371] : memref<5x!tpu.dma_semaphore, #tpu.memory_space<semaphore_mem>> -> memref<1x!tpu.dma_semaphore, #tpu.memory_space<semaphore_mem>>
        %dma_start3A_383 = tpu.memref_squeeze %dma_start3A_382 : memref<1x!tpu.dma_semaphore, #tpu.memory_space<semaphore_mem>> -> memref<!tpu.dma_semaphore, #tpu.memory_space<semaphore_mem>>
        tpu.enqueue_indirect_dma source(%dma_start3A_381 : memref<10000x128xf32, #tpu.memory_space<hbm>>) target(%dma_start3A_375 : memref<80x128xf32, #tpu.memory_space<vmem>>) offsets(%dma_start3A_378 : memref<80xi32, #tpu.memory_space<vmem>>) semaphore(%dma_start3A_383 : memref<!tpu.dma_semaphore, #tpu.memory_space<semaphore_mem>>) {add = true}
      } else {
      }
      %ge3A_303 = arith.constant 5 : i32
      %ge3A_304 = arith.cmpi sge, %add3A_292, %ge3A_303 : i32
      %convert_element_type3A_305 = arith.extui %ge3A_304 : i1 to i32
      %cond3A_306 = arith.constant 0 : i32
      %cond3A_307 = arith.cmpi ne, %convert_element_type3A_305, %cond3A_306 : i32
      scf.if %cond3A_307 {
        %sub3A = arith.constant 5 : i32
        %sub3A_355 = arith.subi %add3A_292, %sub3A : i32
        %mul3A_356 = arith.constant 80 : i32
        %mul3A_357 = arith.muli %sub3A_355, %mul3A_356 : i32
        %add3A_358 = arith.addi %mul3A_2, %mul3A_357 : i32
        %dma_wait3A_359 = arith.constant 3 : i32
        %dma_wait3A_360 = arith.constant 3 : i32
        %dma_wait3A_361 = arith.constant 0 : i32
        %dma_wait3A_362 = arith.constant 0 : i32
        %dma_wait3A_363 = tpu.memref_slice %arg9[%dma_wait3A_359, %dma_wait3A_361, %dma_wait3A_362] : memref<5x80x128xf32, #tpu.memory_space<vmem>> -> memref<1x80x128xf32, #tpu.memory_space<vmem>>
        %dma_wait3A_364 = tpu.memref_squeeze %dma_wait3A_363 : memref<1x80x128xf32, #tpu.memory_space<vmem>> -> memref<80x128xf32, #tpu.memory_space<vmem>>
        %dma_wait3A_365 = arith.constant 0 : i32
        %dma_wait3A_366 = tpu.memref_slice %arg6[%add3A_358, %dma_wait3A_365] : memref<128000x128xf32, #tpu.memory_space<hbm>> -> memref<80x128xf32, #tpu.memory_space<hbm>>
        %dma_wait3A_367 = tpu.memref_slice %arg12[%dma_wait3A_360] : memref<5x!tpu.dma_semaphore, #tpu.memory_space<semaphore_mem>> -> memref<1x!tpu.dma_semaphore, #tpu.memory_space<semaphore_mem>>
        %dma_wait3A_368 = tpu.memref_squeeze %dma_wait3A_367 : memref<1x!tpu.dma_semaphore, #tpu.memory_space<semaphore_mem>> -> memref<!tpu.dma_semaphore, #tpu.memory_space<semaphore_mem>>
        %dma_wait3A_369 = arith.constant 0 : i32
        %dma_wait3A_370 = tpu.memref_slice %arg6[%add3A_358, %dma_wait3A_369] : memref<128000x128xf32, #tpu.memory_space<hbm>> -> memref<80x128xf32, #tpu.memory_space<hbm>>
        %dma_wait3A_371 = arith.constant 0 : i32
        %dma_wait3A_372 = arith.constant 0 : i32
        %dma_wait3A_373 = tpu.memref_slice %arg9[%dma_wait3A_359, %dma_wait3A_371, %dma_wait3A_372] : memref<5x80x128xf32, #tpu.memory_space<vmem>> -> memref<1x80x128xf32, #tpu.memory_space<vmem>>
        %dma_wait3A_374 = tpu.memref_squeeze %dma_wait3A_373 : memref<1x80x128xf32, #tpu.memory_space<vmem>> -> memref<80x128xf32, #tpu.memory_space<vmem>>
        tpu.wait_dma2 semaphore(%dma_wait3A_368 : memref<!tpu.dma_semaphore, #tpu.memory_space<semaphore_mem>>) src(%dma_wait3A_374 : memref<80x128xf32, #tpu.memory_space<vmem>>) dst(%dma_wait3A_370 : memref<80x128xf32, #tpu.memory_space<hbm>>)
      } else {
      }
      %dma_start3A_308 = arith.constant 3 : i32
      %dma_start3A_309 = arith.constant 3 : i32
      %dma_start3A_310 = arith.constant 0 : i32
      %dma_start3A_311 = arith.constant 0 : i32
      %dma_start3A_312 = tpu.memref_slice %arg9[%dma_start3A_308, %dma_start3A_310, %dma_start3A_311] : memref<5x80x128xf32, #tpu.memory_space<vmem>> -> memref<1x80x128xf32, #tpu.memory_space<vmem>>
      %dma_start3A_313 = tpu.memref_squeeze %dma_start3A_312 : memref<1x80x128xf32, #tpu.memory_space<vmem>> -> memref<80x128xf32, #tpu.memory_space<vmem>>
      %dma_start3A_314 = arith.constant 0 : i32
      %dma_start3A_315 = tpu.memref_slice %arg7[%add3A_292, %dma_start3A_314] : memref<50x80xi32, #tpu.memory_space<vmem>> -> memref<1x80xi32, #tpu.memory_space<vmem>>
      %dma_start3A_316 = tpu.memref_squeeze %dma_start3A_315 : memref<1x80xi32, #tpu.memory_space<vmem>> -> memref<80xi32, #tpu.memory_space<vmem>>
      %dma_start3A_317 = arith.constant 0 : i32
      %dma_start3A_318 = arith.constant 0 : i32
      %dma_start3A_319 = tpu.memref_slice %arg2[%dma_start3A_317, %dma_start3A_318] : memref<10000x128xf32, #tpu.memory_space<hbm>> -> memref<10000x128xf32, #tpu.memory_space<hbm>>
      %dma_start3A_320 = tpu.memref_slice %arg10[%dma_start3A_309] : memref<5x!tpu.dma_semaphore, #tpu.memory_space<semaphore_mem>> -> memref<1x!tpu.dma_semaphore, #tpu.memory_space<semaphore_mem>>
      %dma_start3A_321 = tpu.memref_squeeze %dma_start3A_320 : memref<1x!tpu.dma_semaphore, #tpu.memory_space<semaphore_mem>> -> memref<!tpu.dma_semaphore, #tpu.memory_space<semaphore_mem>>
      tpu.enqueue_indirect_dma source(%dma_start3A_319 : memref<10000x128xf32, #tpu.memory_space<hbm>>) target(%dma_start3A_313 : memref<80x128xf32, #tpu.memory_space<vmem>>) offsets(%dma_start3A_316 : memref<80xi32, #tpu.memory_space<vmem>>) semaphore(%dma_start3A_321 : memref<!tpu.dma_semaphore, #tpu.memory_space<semaphore_mem>>)
      %mul3A_322 = arith.constant 5 : i32
      %mul3A_323 = arith.muli %scan3A_192, %mul3A_322 : i32
      %add3A_324 = arith.constant 4 : i32
      %add3A_325 = arith.addi %mul3A_323, %add3A_324 : i32
      %ge3A_326 = arith.constant 2 : i32
      %ge3A_327 = arith.cmpi sge, %add3A_325, %ge3A_326 : i32
      %convert_element_type3A_328 = arith.extui %ge3A_327 : i1 to i32
      %cond3A_329 = arith.constant 0 : i32
      %cond3A_330 = arith.cmpi ne, %convert_element_type3A_328, %cond3A_329 : i32
      scf.if %cond3A_330 {
        %sub3A = arith.constant 2 : i32
        %sub3A_355 = arith.subi %add3A_325, %sub3A : i32
        %dma_wait3A_356 = arith.constant 2 : i32
        %dma_wait3A_357 = arith.constant 2 : i32
        %dma_wait3A_358 = arith.constant 0 : i32
        %dma_wait3A_359 = arith.constant 0 : i32
        %dma_wait3A_360 = tpu.memref_slice %arg9[%dma_wait3A_356, %dma_wait3A_358, %dma_wait3A_359] : memref<5x80x128xf32, #tpu.memory_space<vmem>> -> memref<1x80x128xf32, #tpu.memory_space<vmem>>
        %dma_wait3A_361 = tpu.memref_squeeze %dma_wait3A_360 : memref<1x80x128xf32, #tpu.memory_space<vmem>> -> memref<80x128xf32, #tpu.memory_space<vmem>>
        %dma_wait3A_362 = arith.constant 0 : i32
        %dma_wait3A_363 = tpu.memref_slice %arg8[%sub3A_355, %dma_wait3A_362] : memref<50x80xi32, #tpu.memory_space<vmem>> -> memref<1x80xi32, #tpu.memory_space<vmem>>
        %dma_wait3A_364 = tpu.memref_squeeze %dma_wait3A_363 : memref<1x80xi32, #tpu.memory_space<vmem>> -> memref<80xi32, #tpu.memory_space<vmem>>
        %dma_wait3A_365 = arith.constant 0 : i32
        %dma_wait3A_366 = arith.constant 0 : i32
        %dma_wait3A_367 = tpu.memref_slice %arg3[%dma_wait3A_365, %dma_wait3A_366] : memref<10000x128xf32, #tpu.memory_space<hbm>> -> memref<10000x128xf32, #tpu.memory_space<hbm>>
        %dma_wait3A_368 = tpu.memref_slice %arg11[%dma_wait3A_357] : memref<5x!tpu.dma_semaphore, #tpu.memory_space<semaphore_mem>> -> memref<1x!tpu.dma_semaphore, #tpu.memory_space<semaphore_mem>>
        %dma_wait3A_369 = tpu.memref_squeeze %dma_wait3A_368 : memref<1x!tpu.dma_semaphore, #tpu.memory_space<semaphore_mem>> -> memref<!tpu.dma_semaphore, #tpu.memory_space<semaphore_mem>>
        tpu.wait_indirect_dma semaphore(%dma_wait3A_369 : memref<!tpu.dma_semaphore, #tpu.memory_space<semaphore_mem>>) src(%dma_wait3A_367 : memref<10000x128xf32, #tpu.memory_space<hbm>>) dst(%dma_wait3A_361 : memref<80x128xf32, #tpu.memory_space<vmem>>)
        %mul3A_370 = arith.constant 80 : i32
        %mul3A_371 = arith.muli %sub3A_355, %mul3A_370 : i32
        %add3A_372 = arith.addi %mul3A_2, %mul3A_371 : i32
        %dma_start3A_373 = arith.constant 2 : i32
        %dma_start3A_374 = arith.constant 2 : i32
        %dma_start3A_375 = arith.constant 0 : i32
        %dma_start3A_376 = arith.constant 0 : i32
        %dma_start3A_377 = tpu.memref_slice %arg9[%dma_start3A_373, %dma_start3A_375, %dma_start3A_376] : memref<5x80x128xf32, #tpu.memory_space<vmem>> -> memref<1x80x128xf32, #tpu.memory_space<vmem>>
        %dma_start3A_378 = tpu.memref_squeeze %dma_start3A_377 : memref<1x80x128xf32, #tpu.memory_space<vmem>> -> memref<80x128xf32, #tpu.memory_space<vmem>>
        %dma_start3A_379 = arith.constant 0 : i32
        %dma_start3A_380 = tpu.memref_slice %arg6[%add3A_372, %dma_start3A_379] : memref<128000x128xf32, #tpu.memory_space<hbm>> -> memref<80x128xf32, #tpu.memory_space<hbm>>
        %dma_start3A_381 = tpu.memref_slice %arg12[%dma_start3A_374] : memref<5x!tpu.dma_semaphore, #tpu.memory_space<semaphore_mem>> -> memref<1x!tpu.dma_semaphore, #tpu.memory_space<semaphore_mem>>
        %dma_start3A_382 = tpu.memref_squeeze %dma_start3A_381 : memref<1x!tpu.dma_semaphore, #tpu.memory_space<semaphore_mem>> -> memref<!tpu.dma_semaphore, #tpu.memory_space<semaphore_mem>>
        %dma_start3A_383 = arith.constant 0 : i32
        %dma_start3A_384 = tpu.memref_slice %arg6[%add3A_372, %dma_start3A_383] : memref<128000x128xf32, #tpu.memory_space<hbm>> -> memref<80x128xf32, #tpu.memory_space<hbm>>
        %dma_start3A_385 = arith.constant 0 : i32
        %dma_start3A_386 = arith.constant 0 : i32
        %dma_start3A_387 = tpu.memref_slice %arg9[%dma_start3A_373, %dma_start3A_385, %dma_start3A_386] : memref<5x80x128xf32, #tpu.memory_space<vmem>> -> memref<1x80x128xf32, #tpu.memory_space<vmem>>
        %dma_start3A_388 = tpu.memref_squeeze %dma_start3A_387 : memref<1x80x128xf32, #tpu.memory_space<vmem>> -> memref<80x128xf32, #tpu.memory_space<vmem>>
        tpu.enqueue_dma source(%dma_start3A_388 : memref<80x128xf32, #tpu.memory_space<vmem>>) target(%dma_start3A_384 : memref<80x128xf32, #tpu.memory_space<hbm>>) target_semaphore(%dma_start3A_382 : memref<!tpu.dma_semaphore, #tpu.memory_space<semaphore_mem>>)
      } else {
      }
      %ge3A_331 = arith.constant 1 : i32
      %ge3A_332 = arith.cmpi sge, %add3A_325, %ge3A_331 : i32
      %convert_element_type3A_333 = arith.extui %ge3A_332 : i1 to i32
      %cond3A_334 = arith.constant 0 : i32
      %cond3A_335 = arith.cmpi ne, %convert_element_type3A_333, %cond3A_334 : i32
      scf.if %cond3A_335 {
        %sub3A = arith.constant 1 : i32
        %sub3A_355 = arith.subi %add3A_325, %sub3A : i32
        %dma_wait3A_356 = arith.constant 3 : i32
        %dma_wait3A_357 = arith.constant 3 : i32
        %dma_wait3A_358 = arith.constant 0 : i32
        %dma_wait3A_359 = arith.constant 0 : i32
        %dma_wait3A_360 = tpu.memref_slice %arg9[%dma_wait3A_356, %dma_wait3A_358, %dma_wait3A_359] : memref<5x80x128xf32, #tpu.memory_space<vmem>> -> memref<1x80x128xf32, #tpu.memory_space<vmem>>
        %dma_wait3A_361 = tpu.memref_squeeze %dma_wait3A_360 : memref<1x80x128xf32, #tpu.memory_space<vmem>> -> memref<80x128xf32, #tpu.memory_space<vmem>>
        %dma_wait3A_362 = arith.constant 0 : i32
        %dma_wait3A_363 = tpu.memref_slice %arg7[%sub3A_355, %dma_wait3A_362] : memref<50x80xi32, #tpu.memory_space<vmem>> -> memref<1x80xi32, #tpu.memory_space<vmem>>
        %dma_wait3A_364 = tpu.memref_squeeze %dma_wait3A_363 : memref<1x80xi32, #tpu.memory_space<vmem>> -> memref<80xi32, #tpu.memory_space<vmem>>
        %dma_wait3A_365 = arith.constant 0 : i32
        %dma_wait3A_366 = arith.constant 0 : i32
        %dma_wait3A_367 = tpu.memref_slice %arg2[%dma_wait3A_365, %dma_wait3A_366] : memref<10000x128xf32, #tpu.memory_space<hbm>> -> memref<10000x128xf32, #tpu.memory_space<hbm>>
        %dma_wait3A_368 = tpu.memref_slice %arg10[%dma_wait3A_357] : memref<5x!tpu.dma_semaphore, #tpu.memory_space<semaphore_mem>> -> memref<1x!tpu.dma_semaphore, #tpu.memory_space<semaphore_mem>>
        %dma_wait3A_369 = tpu.memref_squeeze %dma_wait3A_368 : memref<1x!tpu.dma_semaphore, #tpu.memory_space<semaphore_mem>> -> memref<!tpu.dma_semaphore, #tpu.memory_space<semaphore_mem>>
        tpu.wait_indirect_dma semaphore(%dma_wait3A_369 : memref<!tpu.dma_semaphore, #tpu.memory_space<semaphore_mem>>) src(%dma_wait3A_367 : memref<10000x128xf32, #tpu.memory_space<hbm>>) dst(%dma_wait3A_361 : memref<80x128xf32, #tpu.memory_space<vmem>>)
        %dma_start3A_370 = arith.constant 3 : i32
        %dma_start3A_371 = arith.constant 3 : i32
        %dma_start3A_372 = arith.constant 0 : i32
        %dma_start3A_373 = arith.constant 0 : i32
        %dma_start3A_374 = tpu.memref_slice %arg9[%dma_start3A_370, %dma_start3A_372, %dma_start3A_373] : memref<5x80x128xf32, #tpu.memory_space<vmem>> -> memref<1x80x128xf32, #tpu.memory_space<vmem>>
        %dma_start3A_375 = tpu.memref_squeeze %dma_start3A_374 : memref<1x80x128xf32, #tpu.memory_space<vmem>> -> memref<80x128xf32, #tpu.memory_space<vmem>>
        %dma_start3A_376 = arith.constant 0 : i32
        %dma_start3A_377 = tpu.memref_slice %arg8[%sub3A_355, %dma_start3A_376] : memref<50x80xi32, #tpu.memory_space<vmem>> -> memref<1x80xi32, #tpu.memory_space<vmem>>
        %dma_start3A_378 = tpu.memref_squeeze %dma_start3A_377 : memref<1x80xi32, #tpu.memory_space<vmem>> -> memref<80xi32, #tpu.memory_space<vmem>>
        %dma_start3A_379 = arith.constant 0 : i32
        %dma_start3A_380 = arith.constant 0 : i32
        %dma_start3A_381 = tpu.memref_slice %arg3[%dma_start3A_379, %dma_start3A_380] : memref<10000x128xf32, #tpu.memory_space<hbm>> -> memref<10000x128xf32, #tpu.memory_space<hbm>>
        %dma_start3A_382 = tpu.memref_slice %arg11[%dma_start3A_371] : memref<5x!tpu.dma_semaphore, #tpu.memory_space<semaphore_mem>> -> memref<1x!tpu.dma_semaphore, #tpu.memory_space<semaphore_mem>>
        %dma_start3A_383 = tpu.memref_squeeze %dma_start3A_382 : memref<1x!tpu.dma_semaphore, #tpu.memory_space<semaphore_mem>> -> memref<!tpu.dma_semaphore, #tpu.memory_space<semaphore_mem>>
        tpu.enqueue_indirect_dma source(%dma_start3A_381 : memref<10000x128xf32, #tpu.memory_space<hbm>>) target(%dma_start3A_375 : memref<80x128xf32, #tpu.memory_space<vmem>>) offsets(%dma_start3A_378 : memref<80xi32, #tpu.memory_space<vmem>>) semaphore(%dma_start3A_383 : memref<!tpu.dma_semaphore, #tpu.memory_space<semaphore_mem>>) {add = true}
      } else {
      }
      %ge3A_336 = arith.constant 5 : i32
      %ge3A_337 = arith.cmpi sge, %add3A_325, %ge3A_336 : i32
      %convert_element_type3A_338 = arith.extui %ge3A_337 : i1 to i32
      %cond3A_339 = arith.constant 0 : i32
      %cond3A_340 = arith.cmpi ne, %convert_element_type3A_338, %cond3A_339 : i32
      scf.if %cond3A_340 {
        %sub3A = arith.constant 5 : i32
        %sub3A_355 = arith.subi %add3A_325, %sub3A : i32
        %mul3A_356 = arith.constant 80 : i32
        %mul3A_357 = arith.muli %sub3A_355, %mul3A_356 : i32
        %add3A_358 = arith.addi %mul3A_2, %mul3A_357 : i32
        %dma_wait3A_359 = arith.constant 4 : i32
        %dma_wait3A_360 = arith.constant 4 : i32
        %dma_wait3A_361 = arith.constant 0 : i32
        %dma_wait3A_362 = arith.constant 0 : i32
        %dma_wait3A_363 = tpu.memref_slice %arg9[%dma_wait3A_359, %dma_wait3A_361, %dma_wait3A_362] : memref<5x80x128xf32, #tpu.memory_space<vmem>> -> memref<1x80x128xf32, #tpu.memory_space<vmem>>
        %dma_wait3A_364 = tpu.memref_squeeze %dma_wait3A_363 : memref<1x80x128xf32, #tpu.memory_space<vmem>> -> memref<80x128xf32, #tpu.memory_space<vmem>>
        %dma_wait3A_365 = arith.constant 0 : i32
        %dma_wait3A_366 = tpu.memref_slice %arg6[%add3A_358, %dma_wait3A_365] : memref<128000x128xf32, #tpu.memory_space<hbm>> -> memref<80x128xf32, #tpu.memory_space<hbm>>
        %dma_wait3A_367 = tpu.memref_slice %arg12[%dma_wait3A_360] : memref<5x!tpu.dma_semaphore, #tpu.memory_space<semaphore_mem>> -> memref<1x!tpu.dma_semaphore, #tpu.memory_space<semaphore_mem>>
        %dma_wait3A_368 = tpu.memref_squeeze %dma_wait3A_367 : memref<1x!tpu.dma_semaphore, #tpu.memory_space<semaphore_mem>> -> memref<!tpu.dma_semaphore, #tpu.memory_space<semaphore_mem>>
        %dma_wait3A_369 = arith.constant 0 : i32
        %dma_wait3A_370 = tpu.memref_slice %arg6[%add3A_358, %dma_wait3A_369] : memref<128000x128xf32, #tpu.memory_space<hbm>> -> memref<80x128xf32, #tpu.memory_space<hbm>>
        %dma_wait3A_371 = arith.constant 0 : i32
        %dma_wait3A_372 = arith.constant 0 : i32
        %dma_wait3A_373 = tpu.memref_slice %arg9[%dma_wait3A_359, %dma_wait3A_371, %dma_wait3A_372] : memref<5x80x128xf32, #tpu.memory_space<vmem>> -> memref<1x80x128xf32, #tpu.memory_space<vmem>>
        %dma_wait3A_374 = tpu.memref_squeeze %dma_wait3A_373 : memref<1x80x128xf32, #tpu.memory_space<vmem>> -> memref<80x128xf32, #tpu.memory_space<vmem>>
        tpu.wait_dma2 semaphore(%dma_wait3A_368 : memref<!tpu.dma_semaphore, #tpu.memory_space<semaphore_mem>>) src(%dma_wait3A_374 : memref<80x128xf32, #tpu.memory_space<vmem>>) dst(%dma_wait3A_370 : memref<80x128xf32, #tpu.memory_space<hbm>>)
      } else {
      }
      %dma_start3A_341 = arith.constant 4 : i32
      %dma_start3A_342 = arith.constant 4 : i32
      %dma_start3A_343 = arith.constant 0 : i32
      %dma_start3A_344 = arith.constant 0 : i32
      %dma_start3A_345 = tpu.memref_slice %arg9[%dma_start3A_341, %dma_start3A_343, %dma_start3A_344] : memref<5x80x128xf32, #tpu.memory_space<vmem>> -> memref<1x80x128xf32, #tpu.memory_space<vmem>>
      %dma_start3A_346 = tpu.memref_squeeze %dma_start3A_345 : memref<1x80x128xf32, #tpu.memory_space<vmem>> -> memref<80x128xf32, #tpu.memory_space<vmem>>
      %dma_start3A_347 = arith.constant 0 : i32
      %dma_start3A_348 = tpu.memref_slice %arg7[%add3A_325, %dma_start3A_347] : memref<50x80xi32, #tpu.memory_space<vmem>> -> memref<1x80xi32, #tpu.memory_space<vmem>>
      %dma_start3A_349 = tpu.memref_squeeze %dma_start3A_348 : memref<1x80xi32, #tpu.memory_space<vmem>> -> memref<80xi32, #tpu.memory_space<vmem>>
      %dma_start3A_350 = arith.constant 0 : i32
      %dma_start3A_351 = arith.constant 0 : i32
      %dma_start3A_352 = tpu.memref_slice %arg2[%dma_start3A_350, %dma_start3A_351] : memref<10000x128xf32, #tpu.memory_space<hbm>> -> memref<10000x128xf32, #tpu.memory_space<hbm>>
      %dma_start3A_353 = tpu.memref_slice %arg10[%dma_start3A_342] : memref<5x!tpu.dma_semaphore, #tpu.memory_space<semaphore_mem>> -> memref<1x!tpu.dma_semaphore, #tpu.memory_space<semaphore_mem>>
      %dma_start3A_354 = tpu.memref_squeeze %dma_start3A_353 : memref<1x!tpu.dma_semaphore, #tpu.memory_space<semaphore_mem>> -> memref<!tpu.dma_semaphore, #tpu.memory_space<semaphore_mem>>
      tpu.enqueue_indirect_dma source(%dma_start3A_352 : memref<10000x128xf32, #tpu.memory_space<hbm>>) target(%dma_start3A_346 : memref<80x128xf32, #tpu.memory_space<vmem>>) offsets(%dma_start3A_349 : memref<80xi32, #tpu.memory_space<vmem>>) semaphore(%dma_start3A_354 : memref<!tpu.dma_semaphore, #tpu.memory_space<semaphore_mem>>)
    }
    %scan3A_7 = arith.constant 10 : i32
    %dma_wait3A = arith.constant 49 : i32
    %dma_wait3A_8 = arith.constant 4 : i32
    %dma_wait3A_9 = arith.constant 4 : i32
    %dma_wait3A_10 = arith.constant 0 : i32
    %dma_wait3A_11 = arith.constant 0 : i32
    %dma_wait3A_12 = tpu.memref_slice %arg9[%dma_wait3A_8, %dma_wait3A_10, %dma_wait3A_11] : memref<5x80x128xf32, #tpu.memory_space<vmem>> -> memref<1x80x128xf32, #tpu.memory_space<vmem>>
    %dma_wait3A_13 = tpu.memref_squeeze %dma_wait3A_12 : memref<1x80x128xf32, #tpu.memory_space<vmem>> -> memref<80x128xf32, #tpu.memory_space<vmem>>
    %dma_wait3A_14 = arith.constant 0 : i32
    %dma_wait3A_15 = tpu.memref_slice %arg7[%dma_wait3A, %dma_wait3A_14] : memref<50x80xi32, #tpu.memory_space<vmem>> -> memref<1x80xi32, #tpu.memory_space<vmem>>
    %dma_wait3A_16 = tpu.memref_squeeze %dma_wait3A_15 : memref<1x80xi32, #tpu.memory_space<vmem>> -> memref<80xi32, #tpu.memory_space<vmem>>
    %dma_wait3A_17 = arith.constant 0 : i32
    %dma_wait3A_18 = arith.constant 0 : i32
    %dma_wait3A_19 = tpu.memref_slice %arg2[%dma_wait3A_17, %dma_wait3A_18] : memref<10000x128xf32, #tpu.memory_space<hbm>> -> memref<10000x128xf32, #tpu.memory_space<hbm>>
    %dma_wait3A_20 = tpu.memref_slice %arg10[%dma_wait3A_9] : memref<5x!tpu.dma_semaphore, #tpu.memory_space<semaphore_mem>> -> memref<1x!tpu.dma_semaphore, #tpu.memory_space<semaphore_mem>>
    %dma_wait3A_21 = tpu.memref_squeeze %dma_wait3A_20 : memref<1x!tpu.dma_semaphore, #tpu.memory_space<semaphore_mem>> -> memref<!tpu.dma_semaphore, #tpu.memory_space<semaphore_mem>>
    tpu.wait_indirect_dma semaphore(%dma_wait3A_21 : memref<!tpu.dma_semaphore, #tpu.memory_space<semaphore_mem>>) src(%dma_wait3A_19 : memref<10000x128xf32, #tpu.memory_space<hbm>>) dst(%dma_wait3A_13 : memref<80x128xf32, #tpu.memory_space<vmem>>)
    %dma_start3A = arith.constant 49 : i32
    %dma_start3A_22 = arith.constant 4 : i32
    %dma_start3A_23 = arith.constant 4 : i32
    %dma_start3A_24 = arith.constant 0 : i32
    %dma_start3A_25 = arith.constant 0 : i32
    %dma_start3A_26 = tpu.memref_slice %arg9[%dma_start3A_22, %dma_start3A_24, %dma_start3A_25] : memref<5x80x128xf32, #tpu.memory_space<vmem>> -> memref<1x80x128xf32, #tpu.memory_space<vmem>>
    %dma_start3A_27 = tpu.memref_squeeze %dma_start3A_26 : memref<1x80x128xf32, #tpu.memory_space<vmem>> -> memref<80x128xf32, #tpu.memory_space<vmem>>
    %dma_start3A_28 = arith.constant 0 : i32
    %dma_start3A_29 = tpu.memref_slice %arg8[%dma_start3A, %dma_start3A_28] : memref<50x80xi32, #tpu.memory_space<vmem>> -> memref<1x80xi32, #tpu.memory_space<vmem>>
    %dma_start3A_30 = tpu.memref_squeeze %dma_start3A_29 : memref<1x80xi32, #tpu.memory_space<vmem>> -> memref<80xi32, #tpu.memory_space<vmem>>
    %dma_start3A_31 = arith.constant 0 : i32
    %dma_start3A_32 = arith.constant 0 : i32
    %dma_start3A_33 = tpu.memref_slice %arg3[%dma_start3A_31, %dma_start3A_32] : memref<10000x128xf32, #tpu.memory_space<hbm>> -> memref<10000x128xf32, #tpu.memory_space<hbm>>
    %dma_start3A_34 = tpu.memref_slice %arg11[%dma_start3A_23] : memref<5x!tpu.dma_semaphore, #tpu.memory_space<semaphore_mem>> -> memref<1x!tpu.dma_semaphore, #tpu.memory_space<semaphore_mem>>
    %dma_start3A_35 = tpu.memref_squeeze %dma_start3A_34 : memref<1x!tpu.dma_semaphore, #tpu.memory_space<semaphore_mem>> -> memref<!tpu.dma_semaphore, #tpu.memory_space<semaphore_mem>>
    tpu.enqueue_indirect_dma source(%dma_start3A_33 : memref<10000x128xf32, #tpu.memory_space<hbm>>) target(%dma_start3A_27 : memref<80x128xf32, #tpu.memory_space<vmem>>) offsets(%dma_start3A_30 : memref<80xi32, #tpu.memory_space<vmem>>) semaphore(%dma_start3A_35 : memref<!tpu.dma_semaphore, #tpu.memory_space<semaphore_mem>>) {add = true}
    %dma_wait3A_36 = arith.constant 48 : i32
    %dma_wait3A_37 = arith.constant 3 : i32
    %dma_wait3A_38 = arith.constant 3 : i32
    %dma_wait3A_39 = arith.constant 0 : i32
    %dma_wait3A_40 = arith.constant 0 : i32
    %dma_wait3A_41 = tpu.memref_slice %arg9[%dma_wait3A_37, %dma_wait3A_39, %dma_wait3A_40] : memref<5x80x128xf32, #tpu.memory_space<vmem>> -> memref<1x80x128xf32, #tpu.memory_space<vmem>>
    %dma_wait3A_42 = tpu.memref_squeeze %dma_wait3A_41 : memref<1x80x128xf32, #tpu.memory_space<vmem>> -> memref<80x128xf32, #tpu.memory_space<vmem>>
    %dma_wait3A_43 = arith.constant 0 : i32
    %dma_wait3A_44 = tpu.memref_slice %arg8[%dma_wait3A_36, %dma_wait3A_43] : memref<50x80xi32, #tpu.memory_space<vmem>> -> memref<1x80xi32, #tpu.memory_space<vmem>>
    %dma_wait3A_45 = tpu.memref_squeeze %dma_wait3A_44 : memref<1x80xi32, #tpu.memory_space<vmem>> -> memref<80xi32, #tpu.memory_space<vmem>>
    %dma_wait3A_46 = arith.constant 0 : i32
    %dma_wait3A_47 = arith.constant 0 : i32
    %dma_wait3A_48 = tpu.memref_slice %arg3[%dma_wait3A_46, %dma_wait3A_47] : memref<10000x128xf32, #tpu.memory_space<hbm>> -> memref<10000x128xf32, #tpu.memory_space<hbm>>
    %dma_wait3A_49 = tpu.memref_slice %arg11[%dma_wait3A_38] : memref<5x!tpu.dma_semaphore, #tpu.memory_space<semaphore_mem>> -> memref<1x!tpu.dma_semaphore, #tpu.memory_space<semaphore_mem>>
    %dma_wait3A_50 = tpu.memref_squeeze %dma_wait3A_49 : memref<1x!tpu.dma_semaphore, #tpu.memory_space<semaphore_mem>> -> memref<!tpu.dma_semaphore, #tpu.memory_space<semaphore_mem>>
    tpu.wait_indirect_dma semaphore(%dma_wait3A_50 : memref<!tpu.dma_semaphore, #tpu.memory_space<semaphore_mem>>) src(%dma_wait3A_48 : memref<10000x128xf32, #tpu.memory_space<hbm>>) dst(%dma_wait3A_42 : memref<80x128xf32, #tpu.memory_space<vmem>>)
    %add3A_51 = arith.constant 3840 : i32
    %add3A_52 = arith.addi %mul3A_2, %add3A_51 : i32
    %dma_start3A_53 = arith.constant 3 : i32
    %dma_start3A_54 = arith.constant 3 : i32
    %dma_start3A_55 = arith.constant 0 : i32
    %dma_start3A_56 = arith.constant 0 : i32
    %dma_start3A_57 = tpu.memref_slice %arg9[%dma_start3A_53, %dma_start3A_55, %dma_start3A_56] : memref<5x80x128xf32, #tpu.memory_space<vmem>> -> memref<1x80x128xf32, #tpu.memory_space<vmem>>
    %dma_start3A_58 = tpu.memref_squeeze %dma_start3A_57 : memref<1x80x128xf32, #tpu.memory_space<vmem>> -> memref<80x128xf32, #tpu.memory_space<vmem>>
    %dma_start3A_59 = arith.constant 0 : i32
    %dma_start3A_60 = tpu.memref_slice %arg6[%add3A_52, %dma_start3A_59] : memref<128000x128xf32, #tpu.memory_space<hbm>> -> memref<80x128xf32, #tpu.memory_space<hbm>>
    %dma_start3A_61 = tpu.memref_slice %arg12[%dma_start3A_54] : memref<5x!tpu.dma_semaphore, #tpu.memory_space<semaphore_mem>> -> memref<1x!tpu.dma_semaphore, #tpu.memory_space<semaphore_mem>>
    %dma_start3A_62 = tpu.memref_squeeze %dma_start3A_61 : memref<1x!tpu.dma_semaphore, #tpu.memory_space<semaphore_mem>> -> memref<!tpu.dma_semaphore, #tpu.memory_space<semaphore_mem>>
    %dma_start3A_63 = arith.constant 0 : i32
    %dma_start3A_64 = tpu.memref_slice %arg6[%add3A_52, %dma_start3A_63] : memref<128000x128xf32, #tpu.memory_space<hbm>> -> memref<80x128xf32, #tpu.memory_space<hbm>>
    %dma_start3A_65 = arith.constant 0 : i32
    %dma_start3A_66 = arith.constant 0 : i32
    %dma_start3A_67 = tpu.memref_slice %arg9[%dma_start3A_53, %dma_start3A_65, %dma_start3A_66] : memref<5x80x128xf32, #tpu.memory_space<vmem>> -> memref<1x80x128xf32, #tpu.memory_space<vmem>>
    %dma_start3A_68 = tpu.memref_squeeze %dma_start3A_67 : memref<1x80x128xf32, #tpu.memory_space<vmem>> -> memref<80x128xf32, #tpu.memory_space<vmem>>
    tpu.enqueue_dma source(%dma_start3A_68 : memref<80x128xf32, #tpu.memory_space<vmem>>) target(%dma_start3A_64 : memref<80x128xf32, #tpu.memory_space<hbm>>) target_semaphore(%dma_start3A_62 : memref<!tpu.dma_semaphore, #tpu.memory_space<semaphore_mem>>)
    %dma_wait3A_69 = arith.constant 49 : i32
    %dma_wait3A_70 = arith.constant 4 : i32
    %dma_wait3A_71 = arith.constant 4 : i32
    %dma_wait3A_72 = arith.constant 0 : i32
    %dma_wait3A_73 = arith.constant 0 : i32
    %dma_wait3A_74 = tpu.memref_slice %arg9[%dma_wait3A_70, %dma_wait3A_72, %dma_wait3A_73] : memref<5x80x128xf32, #tpu.memory_space<vmem>> -> memref<1x80x128xf32, #tpu.memory_space<vmem>>
    %dma_wait3A_75 = tpu.memref_squeeze %dma_wait3A_74 : memref<1x80x128xf32, #tpu.memory_space<vmem>> -> memref<80x128xf32, #tpu.memory_space<vmem>>
    %dma_wait3A_76 = arith.constant 0 : i32
    %dma_wait3A_77 = tpu.memref_slice %arg8[%dma_wait3A_69, %dma_wait3A_76] : memref<50x80xi32, #tpu.memory_space<vmem>> -> memref<1x80xi32, #tpu.memory_space<vmem>>
    %dma_wait3A_78 = tpu.memref_squeeze %dma_wait3A_77 : memref<1x80xi32, #tpu.memory_space<vmem>> -> memref<80xi32, #tpu.memory_space<vmem>>
    %dma_wait3A_79 = arith.constant 0 : i32
    %dma_wait3A_80 = arith.constant 0 : i32
    %dma_wait3A_81 = tpu.memref_slice %arg3[%dma_wait3A_79, %dma_wait3A_80] : memref<10000x128xf32, #tpu.memory_space<hbm>> -> memref<10000x128xf32, #tpu.memory_space<hbm>>
    %dma_wait3A_82 = tpu.memref_slice %arg11[%dma_wait3A_71] : memref<5x!tpu.dma_semaphore, #tpu.memory_space<semaphore_mem>> -> memref<1x!tpu.dma_semaphore, #tpu.memory_space<semaphore_mem>>
    %dma_wait3A_83 = tpu.memref_squeeze %dma_wait3A_82 : memref<1x!tpu.dma_semaphore, #tpu.memory_space<semaphore_mem>> -> memref<!tpu.dma_semaphore, #tpu.memory_space<semaphore_mem>>
    tpu.wait_indirect_dma semaphore(%dma_wait3A_83 : memref<!tpu.dma_semaphore, #tpu.memory_space<semaphore_mem>>) src(%dma_wait3A_81 : memref<10000x128xf32, #tpu.memory_space<hbm>>) dst(%dma_wait3A_75 : memref<80x128xf32, #tpu.memory_space<vmem>>)
    %add3A_84 = arith.constant 3920 : i32
    %add3A_85 = arith.addi %mul3A_2, %add3A_84 : i32
    %dma_start3A_86 = arith.constant 4 : i32
    %dma_start3A_87 = arith.constant 4 : i32
    %dma_start3A_88 = arith.constant 0 : i32
    %dma_start3A_89 = arith.constant 0 : i32
    %dma_start3A_90 = tpu.memref_slice %arg9[%dma_start3A_86, %dma_start3A_88, %dma_start3A_89] : memref<5x80x128xf32, #tpu.memory_space<vmem>> -> memref<1x80x128xf32, #tpu.memory_space<vmem>>
    %dma_start3A_91 = tpu.memref_squeeze %dma_start3A_90 : memref<1x80x128xf32, #tpu.memory_space<vmem>> -> memref<80x128xf32, #tpu.memory_space<vmem>>
    %dma_start3A_92 = arith.constant 0 : i32
    %dma_start3A_93 = tpu.memref_slice %arg6[%add3A_85, %dma_start3A_92] : memref<128000x128xf32, #tpu.memory_space<hbm>> -> memref<80x128xf32, #tpu.memory_space<hbm>>
    %dma_start3A_94 = tpu.memref_slice %arg12[%dma_start3A_87] : memref<5x!tpu.dma_semaphore, #tpu.memory_space<semaphore_mem>> -> memref<1x!tpu.dma_semaphore, #tpu.memory_space<semaphore_mem>>
    %dma_start3A_95 = tpu.memref_squeeze %dma_start3A_94 : memref<1x!tpu.dma_semaphore, #tpu.memory_space<semaphore_mem>> -> memref<!tpu.dma_semaphore, #tpu.memory_space<semaphore_mem>>
    %dma_start3A_96 = arith.constant 0 : i32
    %dma_start3A_97 = tpu.memref_slice %arg6[%add3A_85, %dma_start3A_96] : memref<128000x128xf32, #tpu.memory_space<hbm>> -> memref<80x128xf32, #tpu.memory_space<hbm>>
    %dma_start3A_98 = arith.constant 0 : i32
    %dma_start3A_99 = arith.constant 0 : i32
    %dma_start3A_100 = tpu.memref_slice %arg9[%dma_start3A_86, %dma_start3A_98, %dma_start3A_99] : memref<5x80x128xf32, #tpu.memory_space<vmem>> -> memref<1x80x128xf32, #tpu.memory_space<vmem>>
    %dma_start3A_101 = tpu.memref_squeeze %dma_start3A_100 : memref<1x80x128xf32, #tpu.memory_space<vmem>> -> memref<80x128xf32, #tpu.memory_space<vmem>>
    tpu.enqueue_dma source(%dma_start3A_101 : memref<80x128xf32, #tpu.memory_space<vmem>>) target(%dma_start3A_97 : memref<80x128xf32, #tpu.memory_space<hbm>>) target_semaphore(%dma_start3A_95 : memref<!tpu.dma_semaphore, #tpu.memory_space<semaphore_mem>>)
    %add3A_102 = arith.constant 3600 : i32
    %add3A_103 = arith.addi %mul3A_2, %add3A_102 : i32
    %dma_wait3A_104 = arith.constant 0 : i32
    %dma_wait3A_105 = arith.constant 0 : i32
    %dma_wait3A_106 = arith.constant 0 : i32
    %dma_wait3A_107 = arith.constant 0 : i32
    %dma_wait3A_108 = tpu.memref_slice %arg9[%dma_wait3A_104, %dma_wait3A_106, %dma_wait3A_107] : memref<5x80x128xf32, #tpu.memory_space<vmem>> -> memref<1x80x128xf32, #tpu.memory_space<vmem>>
    %dma_wait3A_109 = tpu.memref_squeeze %dma_wait3A_108 : memref<1x80x128xf32, #tpu.memory_space<vmem>> -> memref<80x128xf32, #tpu.memory_space<vmem>>
    %dma_wait3A_110 = arith.constant 0 : i32
    %dma_wait3A_111 = tpu.memref_slice %arg6[%add3A_103, %dma_wait3A_110] : memref<128000x128xf32, #tpu.memory_space<hbm>> -> memref<80x128xf32, #tpu.memory_space<hbm>>
    %dma_wait3A_112 = tpu.memref_slice %arg12[%dma_wait3A_105] : memref<5x!tpu.dma_semaphore, #tpu.memory_space<semaphore_mem>> -> memref<1x!tpu.dma_semaphore, #tpu.memory_space<semaphore_mem>>
    %dma_wait3A_113 = tpu.memref_squeeze %dma_wait3A_112 : memref<1x!tpu.dma_semaphore, #tpu.memory_space<semaphore_mem>> -> memref<!tpu.dma_semaphore, #tpu.memory_space<semaphore_mem>>
    %dma_wait3A_114 = arith.constant 0 : i32
    %dma_wait3A_115 = tpu.memref_slice %arg6[%add3A_103, %dma_wait3A_114] : memref<128000x128xf32, #tpu.memory_space<hbm>> -> memref<80x128xf32, #tpu.memory_space<hbm>>
    %dma_wait3A_116 = arith.constant 0 : i32
    %dma_wait3A_117 = arith.constant 0 : i32
    %dma_wait3A_118 = tpu.memref_slice %arg9[%dma_wait3A_104, %dma_wait3A_116, %dma_wait3A_117] : memref<5x80x128xf32, #tpu.memory_space<vmem>> -> memref<1x80x128xf32, #tpu.memory_space<vmem>>
    %dma_wait3A_119 = tpu.memref_squeeze %dma_wait3A_118 : memref<1x80x128xf32, #tpu.memory_space<vmem>> -> memref<80x128xf32, #tpu.memory_space<vmem>>
    tpu.wait_dma2 semaphore(%dma_wait3A_113 : memref<!tpu.dma_semaphore, #tpu.memory_space<semaphore_mem>>) src(%dma_wait3A_119 : memref<80x128xf32, #tpu.memory_space<vmem>>) dst(%dma_wait3A_115 : memref<80x128xf32, #tpu.memory_space<hbm>>)
    %add3A_120 = arith.constant 3680 : i32
    %add3A_121 = arith.addi %mul3A_2, %add3A_120 : i32
    %dma_wait3A_122 = arith.constant 1 : i32
    %dma_wait3A_123 = arith.constant 1 : i32
    %dma_wait3A_124 = arith.constant 0 : i32
    %dma_wait3A_125 = arith.constant 0 : i32
    %dma_wait3A_126 = tpu.memref_slice %arg9[%dma_wait3A_122, %dma_wait3A_124, %dma_wait3A_125] : memref<5x80x128xf32, #tpu.memory_space<vmem>> -> memref<1x80x128xf32, #tpu.memory_space<vmem>>
    %dma_wait3A_127 = tpu.memref_squeeze %dma_wait3A_126 : memref<1x80x128xf32, #tpu.memory_space<vmem>> -> memref<80x128xf32, #tpu.memory_space<vmem>>
    %dma_wait3A_128 = arith.constant 0 : i32
    %dma_wait3A_129 = tpu.memref_slice %arg6[%add3A_121, %dma_wait3A_128] : memref<128000x128xf32, #tpu.memory_space<hbm>> -> memref<80x128xf32, #tpu.memory_space<hbm>>
    %dma_wait3A_130 = tpu.memref_slice %arg12[%dma_wait3A_123] : memref<5x!tpu.dma_semaphore, #tpu.memory_space<semaphore_mem>> -> memref<1x!tpu.dma_semaphore, #tpu.memory_space<semaphore_mem>>
    %dma_wait3A_131 = tpu.memref_squeeze %dma_wait3A_130 : memref<1x!tpu.dma_semaphore, #tpu.memory_space<semaphore_mem>> -> memref<!tpu.dma_semaphore, #tpu.memory_space<semaphore_mem>>
    %dma_wait3A_132 = arith.constant 0 : i32
    %dma_wait3A_133 = tpu.memref_slice %arg6[%add3A_121, %dma_wait3A_132] : memref<128000x128xf32, #tpu.memory_space<hbm>> -> memref<80x128xf32, #tpu.memory_space<hbm>>
    %dma_wait3A_134 = arith.constant 0 : i32
    %dma_wait3A_135 = arith.constant 0 : i32
    %dma_wait3A_136 = tpu.memref_slice %arg9[%dma_wait3A_122, %dma_wait3A_134, %dma_wait3A_135] : memref<5x80x128xf32, #tpu.memory_space<vmem>> -> memref<1x80x128xf32, #tpu.memory_space<vmem>>
    %dma_wait3A_137 = tpu.memref_squeeze %dma_wait3A_136 : memref<1x80x128xf32, #tpu.memory_space<vmem>> -> memref<80x128xf32, #tpu.memory_space<vmem>>
    tpu.wait_dma2 semaphore(%dma_wait3A_131 : memref<!tpu.dma_semaphore, #tpu.memory_space<semaphore_mem>>) src(%dma_wait3A_137 : memref<80x128xf32, #tpu.memory_space<vmem>>) dst(%dma_wait3A_133 : memref<80x128xf32, #tpu.memory_space<hbm>>)
    %add3A_138 = arith.constant 3760 : i32
    %add3A_139 = arith.addi %mul3A_2, %add3A_138 : i32
    %dma_wait3A_140 = arith.constant 2 : i32
    %dma_wait3A_141 = arith.constant 2 : i32
    %dma_wait3A_142 = arith.constant 0 : i32
    %dma_wait3A_143 = arith.constant 0 : i32
    %dma_wait3A_144 = tpu.memref_slice %arg9[%dma_wait3A_140, %dma_wait3A_142, %dma_wait3A_143] : memref<5x80x128xf32, #tpu.memory_space<vmem>> -> memref<1x80x128xf32, #tpu.memory_space<vmem>>
    %dma_wait3A_145 = tpu.memref_squeeze %dma_wait3A_144 : memref<1x80x128xf32, #tpu.memory_space<vmem>> -> memref<80x128xf32, #tpu.memory_space<vmem>>
    %dma_wait3A_146 = arith.constant 0 : i32
    %dma_wait3A_147 = tpu.memref_slice %arg6[%add3A_139, %dma_wait3A_146] : memref<128000x128xf32, #tpu.memory_space<hbm>> -> memref<80x128xf32, #tpu.memory_space<hbm>>
    %dma_wait3A_148 = tpu.memref_slice %arg12[%dma_wait3A_141] : memref<5x!tpu.dma_semaphore, #tpu.memory_space<semaphore_mem>> -> memref<1x!tpu.dma_semaphore, #tpu.memory_space<semaphore_mem>>
    %dma_wait3A_149 = tpu.memref_squeeze %dma_wait3A_148 : memref<1x!tpu.dma_semaphore, #tpu.memory_space<semaphore_mem>> -> memref<!tpu.dma_semaphore, #tpu.memory_space<semaphore_mem>>
    %dma_wait3A_150 = arith.constant 0 : i32
    %dma_wait3A_151 = tpu.memref_slice %arg6[%add3A_139, %dma_wait3A_150] : memref<128000x128xf32, #tpu.memory_space<hbm>> -> memref<80x128xf32, #tpu.memory_space<hbm>>
    %dma_wait3A_152 = arith.constant 0 : i32
    %dma_wait3A_153 = arith.constant 0 : i32
    %dma_wait3A_154 = tpu.memref_slice %arg9[%dma_wait3A_140, %dma_wait3A_152, %dma_wait3A_153] : memref<5x80x128xf32, #tpu.memory_space<vmem>> -> memref<1x80x128xf32, #tpu.memory_space<vmem>>
    %dma_wait3A_155 = tpu.memref_squeeze %dma_wait3A_154 : memref<1x80x128xf32, #tpu.memory_space<vmem>> -> memref<80x128xf32, #tpu.memory_space<vmem>>
    tpu.wait_dma2 semaphore(%dma_wait3A_149 : memref<!tpu.dma_semaphore, #tpu.memory_space<semaphore_mem>>) src(%dma_wait3A_155 : memref<80x128xf32, #tpu.memory_space<vmem>>) dst(%dma_wait3A_151 : memref<80x128xf32, #tpu.memory_space<hbm>>)
    %add3A_156 = arith.constant 3840 : i32
    %add3A_157 = arith.addi %mul3A_2, %add3A_156 : i32
    %dma_wait3A_158 = arith.constant 3 : i32
    %dma_wait3A_159 = arith.constant 3 : i32
    %dma_wait3A_160 = arith.constant 0 : i32
    %dma_wait3A_161 = arith.constant 0 : i32
    %dma_wait3A_162 = tpu.memref_slice %arg9[%dma_wait3A_158, %dma_wait3A_160, %dma_wait3A_161] : memref<5x80x128xf32, #tpu.memory_space<vmem>> -> memref<1x80x128xf32, #tpu.memory_space<vmem>>
    %dma_wait3A_163 = tpu.memref_squeeze %dma_wait3A_162 : memref<1x80x128xf32, #tpu.memory_space<vmem>> -> memref<80x128xf32, #tpu.memory_space<vmem>>
    %dma_wait3A_164 = arith.constant 0 : i32
    %dma_wait3A_165 = tpu.memref_slice %arg6[%add3A_157, %dma_wait3A_164] : memref<128000x128xf32, #tpu.memory_space<hbm>> -> memref<80x128xf32, #tpu.memory_space<hbm>>
    %dma_wait3A_166 = tpu.memref_slice %arg12[%dma_wait3A_159] : memref<5x!tpu.dma_semaphore, #tpu.memory_space<semaphore_mem>> -> memref<1x!tpu.dma_semaphore, #tpu.memory_space<semaphore_mem>>
    %dma_wait3A_167 = tpu.memref_squeeze %dma_wait3A_166 : memref<1x!tpu.dma_semaphore, #tpu.memory_space<semaphore_mem>> -> memref<!tpu.dma_semaphore, #tpu.memory_space<semaphore_mem>>
    %dma_wait3A_168 = arith.constant 0 : i32
    %dma_wait3A_169 = tpu.memref_slice %arg6[%add3A_157, %dma_wait3A_168] : memref<128000x128xf32, #tpu.memory_space<hbm>> -> memref<80x128xf32, #tpu.memory_space<hbm>>
    %dma_wait3A_170 = arith.constant 0 : i32
    %dma_wait3A_171 = arith.constant 0 : i32
    %dma_wait3A_172 = tpu.memref_slice %arg9[%dma_wait3A_158, %dma_wait3A_170, %dma_wait3A_171] : memref<5x80x128xf32, #tpu.memory_space<vmem>> -> memref<1x80x128xf32, #tpu.memory_space<vmem>>
    %dma_wait3A_173 = tpu.memref_squeeze %dma_wait3A_172 : memref<1x80x128xf32, #tpu.memory_space<vmem>> -> memref<80x128xf32, #tpu.memory_space<vmem>>
    tpu.wait_dma2 semaphore(%dma_wait3A_167 : memref<!tpu.dma_semaphore, #tpu.memory_space<semaphore_mem>>) src(%dma_wait3A_173 : memref<80x128xf32, #tpu.memory_space<vmem>>) dst(%dma_wait3A_169 : memref<80x128xf32, #tpu.memory_space<hbm>>)
    %add3A_174 = arith.constant 3920 : i32
    %add3A_175 = arith.addi %mul3A_2, %add3A_174 : i32
    %dma_wait3A_176 = arith.constant 4 : i32
    %dma_wait3A_177 = arith.constant 4 : i32
    %dma_wait3A_178 = arith.constant 0 : i32
    %dma_wait3A_179 = arith.constant 0 : i32
    %dma_wait3A_180 = tpu.memref_slice %arg9[%dma_wait3A_176, %dma_wait3A_178, %dma_wait3A_179] : memref<5x80x128xf32, #tpu.memory_space<vmem>> -> memref<1x80x128xf32, #tpu.memory_space<vmem>>
    %dma_wait3A_181 = tpu.memref_squeeze %dma_wait3A_180 : memref<1x80x128xf32, #tpu.memory_space<vmem>> -> memref<80x128xf32, #tpu.memory_space<vmem>>
    %dma_wait3A_182 = arith.constant 0 : i32
    %dma_wait3A_183 = tpu.memref_slice %arg6[%add3A_175, %dma_wait3A_182] : memref<128000x128xf32, #tpu.memory_space<hbm>> -> memref<80x128xf32, #tpu.memory_space<hbm>>
    %dma_wait3A_184 = tpu.memref_slice %arg12[%dma_wait3A_177] : memref<5x!tpu.dma_semaphore, #tpu.memory_space<semaphore_mem>> -> memref<1x!tpu.dma_semaphore, #tpu.memory_space<semaphore_mem>>
    %dma_wait3A_185 = tpu.memref_squeeze %dma_wait3A_184 : memref<1x!tpu.dma_semaphore, #tpu.memory_space<semaphore_mem>> -> memref<!tpu.dma_semaphore, #tpu.memory_space<semaphore_mem>>
    %dma_wait3A_186 = arith.constant 0 : i32
    %dma_wait3A_187 = tpu.memref_slice %arg6[%add3A_175, %dma_wait3A_186] : memref<128000x128xf32, #tpu.memory_space<hbm>> -> memref<80x128xf32, #tpu.memory_space<hbm>>
    %dma_wait3A_188 = arith.constant 0 : i32
    %dma_wait3A_189 = arith.constant 0 : i32
    %dma_wait3A_190 = tpu.memref_slice %arg9[%dma_wait3A_176, %dma_wait3A_188, %dma_wait3A_189] : memref<5x80x128xf32, #tpu.memory_space<vmem>> -> memref<1x80x128xf32, #tpu.memory_space<vmem>>
    %dma_wait3A_191 = tpu.memref_squeeze %dma_wait3A_190 : memref<1x80x128xf32, #tpu.memory_space<vmem>> -> memref<80x128xf32, #tpu.memory_space<vmem>>
    tpu.wait_dma2 semaphore(%dma_wait3A_185 : memref<!tpu.dma_semaphore, #tpu.memory_space<semaphore_mem>>) src(%dma_wait3A_191 : memref<80x128xf32, #tpu.memory_space<vmem>>) dst(%dma_wait3A_187 : memref<80x128xf32, #tpu.memory_space<hbm>>)
    return
  }
}

module attributes {stable_mosaic.version = 14 : i64} {
  func.func @_proj_body(%arg0: i32, %arg1: memref<2000x128xf32, #tpu.memory_space<vmem>>, %arg2: memref<128x128xf32, #tpu.memory_space<vmem>>, %arg3: memref<128x128xf32, #tpu.memory_space<vmem>>, %arg4: memref<2000x128xf32, #tpu.memory_space<vmem>>, %arg5: memref<2000x128xf32, #tpu.memory_space<vmem>>) attributes {dimension_semantics = [#tpu.dimension_semantics<arbitrary>], iteration_bounds = array<i64: 5>, scalar_prefetch = 0 : i64, scratch_operands = 0 : i64, tpu.core_type = #tpu.core_type<tc>, window_params = [{transform_indices = @transform_0, window_bounds = array<i64: 2000, 128>}, {pipeline_mode = #tpu.pipeline_mode<synchronous>, transform_indices = @transform_1, window_bounds = array<i64: 128, 128>}, {pipeline_mode = #tpu.pipeline_mode<synchronous>, transform_indices = @transform_2, window_bounds = array<i64: 128, 128>}, {transform_indices = @transform_3, window_bounds = array<i64: 2000, 128>}, {transform_indices = @transform_4, window_bounds = array<i64: 2000, 128>}]} {
    %get3A = arith.constant 0 : index
    %get3A_0 = arith.constant 0 : index
    %get3A_1 = vector.load %arg1[%get3A, %get3A_0] : memref<2000x128xf32, #tpu.memory_space<vmem>>, vector<2000x128xf32>
    %get3A_2 = arith.constant 0 : index
    %get3A_3 = arith.constant 0 : index
    %get3A_4 = vector.load %arg2[%get3A_2, %get3A_3] : memref<128x128xf32, #tpu.memory_space<vmem>>, vector<128x128xf32>
    %dot_general3A = arith.constant dense<0.000000e+00> : vector<2000x128xf32>
    %dot_general3A_5 = tpu.matmul %get3A_1, %get3A_4, %dot_general3A {dimension_numbers = #tpu.dot_dimension_numbers<[1], [0], [0], [1], [0, 0, 1, 1], [], []>, transpose_lhs_hint = false} : vector<2000x128xf32>, vector<128x128xf32>, vector<2000x128xf32> -> vector<2000x128xf32>
    %swap3A = arith.constant 0 : index
    %swap3A_6 = arith.constant 0 : index
    %swap3A_7 = vector.load %arg4[%swap3A, %swap3A_6] : memref<2000x128xf32, #tpu.memory_space<vmem>>, vector<2000x128xf32>
    tpu.vector_store %arg4[%swap3A, %swap3A_6], %dot_general3A_5 {strides = array<i32>} : memref<2000x128xf32, #tpu.memory_space<vmem>>, vector<2000x128xf32>,
    %get3A_8 = arith.constant 0 : index
    %get3A_9 = arith.constant 0 : index
    %get3A_10 = vector.load %arg3[%get3A_8, %get3A_9] : memref<128x128xf32, #tpu.memory_space<vmem>>, vector<128x128xf32>
    %dot_general3A_11 = arith.constant dense<0.000000e+00> : vector<2000x128xf32>
    %dot_general3A_12 = tpu.matmul %get3A_1, %get3A_10, %dot_general3A_11 {dimension_numbers = #tpu.dot_dimension_numbers<[1], [0], [0], [1], [0, 0, 1, 1], [], []>, transpose_lhs_hint = false} : vector<2000x128xf32>, vector<128x128xf32>, vector<2000x128xf32> -> vector<2000x128xf32>
    %swap3A_13 = arith.constant 0 : index
    %swap3A_14 = arith.constant 0 : index
    %swap3A_15 = vector.load %arg5[%swap3A_13, %swap3A_14] : memref<2000x128xf32, #tpu.memory_space<vmem>>, vector<2000x128xf32>
    tpu.vector_store %arg5[%swap3A_13, %swap3A_14], %dot_general3A_12 {strides = array<i32>} : memref<2000x128xf32, #tpu.memory_space<vmem>>, vector<2000x128xf32>,
    return
  }
  func.func @transform_0(%arg0: i32) -> (i32, i32) {
    %c0_i32 = arith.constant 0 : i32
    %c0_i32_0 = arith.constant 0 : i32
    return %arg0, %c0_i32 : i32, i32
  }
  func.func @transform_1(%arg0: i32) -> (i32, i32) {
    %c0_i32 = arith.constant 0 : i32
    %c0_i32_0 = arith.constant 0 : i32
    %c0_i32_1 = arith.constant 0 : i32
    return %c0_i32, %c0_i32_0 : i32, i32
  }
  func.func @transform_2(%arg0: i32) -> (i32, i32) {
    %c0_i32 = arith.constant 0 : i32
    %c0_i32_0 = arith.constant 0 : i32
    %c0_i32_1 = arith.constant 0 : i32
    return %c0_i32, %c0_i32_0 : i32, i32
  }
  func.func @transform_3(%arg0: i32) -> (i32, i32) {
    %c0_i32 = arith.constant 0 : i32
    %c0_i32_0 = arith.constant 0 : i32
    return %arg0, %c0_i32 : i32, i32
  }
  func.func @transform_4(%arg0: i32) -> (i32, i32) {
    %c0_i32 = arith.constant 0 : i32
    %c0_i32_0 = arith.constant 0 : i32
    return %arg0, %c0_i32 : i32, i32
  }
}

module attributes {stable_mosaic.version = 14 : i64} {
  func.func @_edge_mlp_body0(%arg0: i32, %arg1: memref<2000x128xf32, #tpu.memory_space<vmem>>, %arg2: memref<2000x128xf32, #tpu.memory_space<vmem>>, %arg3: memref<128x128xf32, #tpu.memory_space<vmem>>, %arg4: memref<1x128xf32, #tpu.memory_space<vmem>>, %arg5: memref<128x128xf32, #tpu.memory_space<vmem>>, %arg6: memref<1x128xf32, #tpu.memory_space<vmem>>, %arg7: memref<1x128xf32, #tpu.memory_space<vmem>>, %arg8: memref<1x128xf32, #tpu.memory_space<vmem>>, %arg9: memref<2000x128xf32, #tpu.memory_space<vmem>>, %arg10: memref<2000x128xf32, #tpu.memory_space<vmem>>) attributes {dimension_semantics = [#tpu.dimension_semantics<arbitrary>], iteration_bounds = array<i64: 64>, scalar_prefetch = 0 : i64, scratch_operands = 0 : i64, tpu.core_type = #tpu.core_type<tc>, window_params = [{transform_indices = @transform_0, window_bounds = array<i64: 2000, 128>}, {transform_indices = @transform_1, window_bounds = array<i64: 2000, 128>}, {pipeline_mode = #tpu.pipeline_mode<synchronous>, transform_indices = @transform_2, window_bounds = array<i64: 128, 128>}, {pipeline_mode = #tpu.pipeline_mode<synchronous>, transform_indices = @transform_3, window_bounds = array<i64: 1, 128>}, {pipeline_mode = #tpu.pipeline_mode<synchronous>, transform_indices = @transform_4, window_bounds = array<i64: 128, 128>}, {pipeline_mode = #tpu.pipeline_mode<synchronous>, transform_indices = @transform_5, window_bounds = array<i64: 1, 128>}, {pipeline_mode = #tpu.pipeline_mode<synchronous>, transform_indices = @transform_6, window_bounds = array<i64: 1, 128>}, {pipeline_mode = #tpu.pipeline_mode<synchronous>, transform_indices = @transform_7, window_bounds = array<i64: 1, 128>}, {transform_indices = @transform_8, window_bounds = array<i64: 2000, 128>}, {transform_indices = @transform_9, window_bounds = array<i64: 2000, 128>}]} {
    %get3A = arith.constant 0 : index
    %get3A_0 = arith.constant 0 : index
    %get3A_1 = vector.load %arg2[%get3A, %get3A_0] : memref<2000x128xf32, #tpu.memory_space<vmem>>, vector<2000x128xf32>
    %get3A_2 = arith.constant 0 : index
    %get3A_3 = arith.constant 0 : index
    %get3A_4 = vector.load %arg1[%get3A_2, %get3A_3] : memref<2000x128xf32, #tpu.memory_space<vmem>>, vector<2000x128xf32>
    %get3A_5 = arith.constant 0 : index
    %get3A_6 = arith.constant 0 : index
    %get3A_7 = vector.load %arg3[%get3A_5, %get3A_6] : memref<128x128xf32, #tpu.memory_space<vmem>>, vector<128x128xf32>
    %dot_general3A = arith.constant dense<0.000000e+00> : vector<2000x128xf32>
    %dot_general3A_8 = tpu.matmul %get3A_1, %get3A_7, %dot_general3A {dimension_numbers = #tpu.dot_dimension_numbers<[1], [0], [0], [1], [0, 0, 1, 1], [], []>, transpose_lhs_hint = false} : vector<2000x128xf32>, vector<128x128xf32>, vector<2000x128xf32> -> vector<2000x128xf32>
    %add3A = arith.addf %get3A_4, %dot_general3A_8 : vector<2000x128xf32>
    %get3A_9 = arith.constant 0 : index
    %get3A_10 = arith.constant 0 : index
    %get3A_11 = vector.load %arg4[%get3A_9, %get3A_10] : memref<1x128xf32, #tpu.memory_space<vmem>>, vector<1x128xf32>
    %add3A_12 = vector.broadcast %get3A_11 : vector<1x128xf32> to vector<2000x128xf32>
    %add3A_13 = arith.addf %add3A, %add3A_12 : vector<2000x128xf32>
    %max3A = arith.constant 0.000000e+00 : f32
    %max3A_14 = vector.broadcast %max3A : f32 to vector<2000x128xf32>
    %max3A_15 = arith.maximumf %add3A_13, %max3A_14 : vector<2000x128xf32>
    %get3A_16 = arith.constant 0 : index
    %get3A_17 = arith.constant 0 : index
    %get3A_18 = vector.load %arg5[%get3A_16, %get3A_17] : memref<128x128xf32, #tpu.memory_space<vmem>>, vector<128x128xf32>
    %dot_general3A_19 = arith.constant dense<0.000000e+00> : vector<2000x128xf32>
    %dot_general3A_20 = tpu.matmul %max3A_15, %get3A_18, %dot_general3A_19 {dimension_numbers = #tpu.dot_dimension_numbers<[1], [0], [0], [1], [0, 0, 1, 1], [], []>, transpose_lhs_hint = false} : vector<2000x128xf32>, vector<128x128xf32>, vector<2000x128xf32> -> vector<2000x128xf32>
    %get3A_21 = arith.constant 0 : index
    %get3A_22 = arith.constant 0 : index
    %get3A_23 = vector.load %arg6[%get3A_21, %get3A_22] : memref<1x128xf32, #tpu.memory_space<vmem>>, vector<1x128xf32>
    %add3A_24 = vector.broadcast %get3A_23 : vector<1x128xf32> to vector<2000x128xf32>
    %add3A_25 = arith.addf %dot_general3A_20, %add3A_24 : vector<2000x128xf32>
    %get3A_26 = arith.constant 0 : index
    %get3A_27 = arith.constant 0 : index
    %get3A_28 = vector.load %arg7[%get3A_26, %get3A_27] : memref<1x128xf32, #tpu.memory_space<vmem>>, vector<1x128xf32>
    %get3A_29 = arith.constant 0 : index
    %get3A_30 = arith.constant 0 : index
    %get3A_31 = vector.load %arg8[%get3A_29, %get3A_30] : memref<1x128xf32, #tpu.memory_space<vmem>>, vector<1x128xf32>
    %reduce_sum3A = arith.constant dense<0.000000e+00> : vector<2000xf32>
    %reduce_sum3A_32 = vector.multi_reduction <add>, %add3A_25, %reduce_sum3A [1] : vector<2000x128xf32> to vector<2000xf32>
    %broadcast_in_dim3A = vector.shape_cast %reduce_sum3A_32 : vector<2000xf32> to vector<2000x1xf32>
    %div3A = arith.constant 1.280000e+02 : f32
    %div3A_33 = vector.broadcast %div3A : f32 to vector<2000x1xf32>
    %div3A_34 = arith.divf %broadcast_in_dim3A, %div3A_33 : vector<2000x1xf32>
    %sub3A = vector.broadcast %div3A_34 : vector<2000x1xf32> to vector<2000x128xf32>
    %sub3A_35 = arith.subf %add3A_25, %sub3A : vector<2000x128xf32>
    %mul3A = arith.mulf %sub3A_35, %sub3A_35 : vector<2000x128xf32>
    %reduce_sum3A_36 = arith.constant dense<0.000000e+00> : vector<2000xf32>
    %reduce_sum3A_37 = vector.multi_reduction <add>, %mul3A, %reduce_sum3A_36 [1] : vector<2000x128xf32> to vector<2000xf32>
    %broadcast_in_dim3A_38 = vector.shape_cast %reduce_sum3A_37 : vector<2000xf32> to vector<2000x1xf32>
    %div3A_39 = arith.constant 1.280000e+02 : f32
    %div3A_40 = vector.broadcast %div3A_39 : f32 to vector<2000x1xf32>
    %div3A_41 = arith.divf %broadcast_in_dim3A_38, %div3A_40 : vector<2000x1xf32>
    %add3A_42 = arith.constant 9.99999974E-6 : f32
    %add3A_43 = vector.broadcast %add3A_42 : f32 to vector<2000x1xf32>
    %add3A_44 = arith.addf %div3A_41, %add3A_43 : vector<2000x1xf32>
    %rsqrt3A = math.rsqrt %add3A_44 : vector<2000x1xf32>
    %mul3A_45 = vector.broadcast %rsqrt3A : vector<2000x1xf32> to vector<2000x128xf32>
    %mul3A_46 = arith.mulf %sub3A_35, %mul3A_45 : vector<2000x128xf32>
    %mul3A_47 = vector.broadcast %get3A_28 : vector<1x128xf32> to vector<2000x128xf32>
    %mul3A_48 = arith.mulf %mul3A_46, %mul3A_47 : vector<2000x128xf32>
    %add3A_49 = vector.broadcast %get3A_31 : vector<1x128xf32> to vector<2000x128xf32>
    %add3A_50 = arith.addf %mul3A_48, %add3A_49 : vector<2000x128xf32>
    %swap3A = arith.constant 0 : index
    %swap3A_51 = arith.constant 0 : index
    %swap3A_52 = vector.load %arg9[%swap3A, %swap3A_51] : memref<2000x128xf32, #tpu.memory_space<vmem>>, vector<2000x128xf32>
    tpu.vector_store %arg9[%swap3A, %swap3A_51], %add3A_50 {strides = array<i32>} : memref<2000x128xf32, #tpu.memory_space<vmem>>, vector<2000x128xf32>,
    %add3A_53 = arith.addf %add3A_50, %get3A_1 : vector<2000x128xf32>
    %swap3A_54 = arith.constant 0 : index
    %swap3A_55 = arith.constant 0 : index
    %swap3A_56 = vector.load %arg10[%swap3A_54, %swap3A_55] : memref<2000x128xf32, #tpu.memory_space<vmem>>, vector<2000x128xf32>
    tpu.vector_store %arg10[%swap3A_54, %swap3A_55], %add3A_53 {strides = array<i32>} : memref<2000x128xf32, #tpu.memory_space<vmem>>, vector<2000x128xf32>,
    return
  }
  func.func @transform_0(%arg0: i32) -> (i32, i32) {
    %c0_i32 = arith.constant 0 : i32
    %c0_i32_0 = arith.constant 0 : i32
    return %arg0, %c0_i32 : i32, i32
  }
  func.func @transform_1(%arg0: i32) -> (i32, i32) {
    %add3A = arith.constant 0 : i32
    %add3A_0 = arith.addi %arg0, %add3A : i32
    %c0_i32 = arith.constant 0 : i32
    %c0_i32_1 = arith.constant 0 : i32
    return %add3A_0, %c0_i32 : i32, i32
  }
  func.func @transform_2(%arg0: i32) -> (i32, i32) {
    %c0_i32 = arith.constant 0 : i32
    %c0_i32_0 = arith.constant 0 : i32
    %c0_i32_1 = arith.constant 0 : i32
    return %c0_i32, %c0_i32_0 : i32, i32
  }
  func.func @transform_3(%arg0: i32) -> (i32, i32) {
    %c0_i32 = arith.constant 0 : i32
    %c0_i32_0 = arith.constant 0 : i32
    %c0_i32_1 = arith.constant 0 : i32
    return %c0_i32, %c0_i32_0 : i32, i32
  }
  func.func @transform_4(%arg0: i32) -> (i32, i32) {
    %c0_i32 = arith.constant 0 : i32
    %c0_i32_0 = arith.constant 0 : i32
    %c0_i32_1 = arith.constant 0 : i32
    return %c0_i32, %c0_i32_0 : i32, i32
  }
  func.func @transform_5(%arg0: i32) -> (i32, i32) {
    %c0_i32 = arith.constant 0 : i32
    %c0_i32_0 = arith.constant 0 : i32
    %c0_i32_1 = arith.constant 0 : i32
    return %c0_i32, %c0_i32_0 : i32, i32
  }
  func.func @transform_6(%arg0: i32) -> (i32, i32) {
    %c0_i32 = arith.constant 0 : i32
    %c0_i32_0 = arith.constant 0 : i32
    %c0_i32_1 = arith.constant 0 : i32
    return %c0_i32, %c0_i32_0 : i32, i32
  }
  func.func @transform_7(%arg0: i32) -> (i32, i32) {
    %c0_i32 = arith.constant 0 : i32
    %c0_i32_0 = arith.constant 0 : i32
    %c0_i32_1 = arith.constant 0 : i32
    return %c0_i32, %c0_i32_0 : i32, i32
  }
  func.func @transform_8(%arg0: i32) -> (i32, i32) {
    %c0_i32 = arith.constant 0 : i32
    %c0_i32_0 = arith.constant 0 : i32
    return %arg0, %c0_i32 : i32, i32
  }
  func.func @transform_9(%arg0: i32) -> (i32, i32) {
    %add3A = arith.constant 0 : i32
    %add3A_0 = arith.addi %arg0, %add3A : i32
    %c0_i32 = arith.constant 0 : i32
    %c0_i32_1 = arith.constant 0 : i32
    return %add3A_0, %c0_i32 : i32, i32
  }
}

module attributes {stable_mosaic.version = 14 : i64} {
  func.func @_edge_mlp_body1(%arg0: i32, %arg1: memref<2000x128xf32, #tpu.memory_space<vmem>>, %arg2: memref<2000x128xf32, #tpu.memory_space<vmem>>, %arg3: memref<128x128xf32, #tpu.memory_space<vmem>>, %arg4: memref<1x128xf32, #tpu.memory_space<vmem>>, %arg5: memref<128x128xf32, #tpu.memory_space<vmem>>, %arg6: memref<1x128xf32, #tpu.memory_space<vmem>>, %arg7: memref<1x128xf32, #tpu.memory_space<vmem>>, %arg8: memref<1x128xf32, #tpu.memory_space<vmem>>, %arg9: memref<320000x128xf32, #tpu.memory_space<any>>, %arg10: memref<2000x128xf32, #tpu.memory_space<vmem>>, %arg11: memref<2000x128xf32, #tpu.memory_space<vmem>>) attributes {dimension_semantics = [#tpu.dimension_semantics<arbitrary>], iteration_bounds = array<i64: 96>, scalar_prefetch = 0 : i64, scratch_operands = 0 : i64, tpu.core_type = #tpu.core_type<tc>, window_params = [{transform_indices = @transform_0, window_bounds = array<i64: 2000, 128>}, {transform_indices = @transform_1, window_bounds = array<i64: 2000, 128>}, {pipeline_mode = #tpu.pipeline_mode<synchronous>, transform_indices = @transform_2, window_bounds = array<i64: 128, 128>}, {pipeline_mode = #tpu.pipeline_mode<synchronous>, transform_indices = @transform_3, window_bounds = array<i64: 1, 128>}, {pipeline_mode = #tpu.pipeline_mode<synchronous>, transform_indices = @transform_4, window_bounds = array<i64: 128, 128>}, {pipeline_mode = #tpu.pipeline_mode<synchronous>, transform_indices = @transform_5, window_bounds = array<i64: 1, 128>}, {pipeline_mode = #tpu.pipeline_mode<synchronous>, transform_indices = @transform_6, window_bounds = array<i64: 1, 128>}, {pipeline_mode = #tpu.pipeline_mode<synchronous>, transform_indices = @transform_7, window_bounds = array<i64: 1, 128>}, {}, {transform_indices = @transform_9, window_bounds = array<i64: 2000, 128>}, {transform_indices = @transform_10, window_bounds = array<i64: 2000, 128>}]} {
    %get3A = arith.constant 0 : index
    %get3A_0 = arith.constant 0 : index
    %get3A_1 = vector.load %arg2[%get3A, %get3A_0] : memref<2000x128xf32, #tpu.memory_space<vmem>>, vector<2000x128xf32>
    %get3A_2 = arith.constant 0 : index
    %get3A_3 = arith.constant 0 : index
    %get3A_4 = vector.load %arg1[%get3A_2, %get3A_3] : memref<2000x128xf32, #tpu.memory_space<vmem>>, vector<2000x128xf32>
    %get3A_5 = arith.constant 0 : index
    %get3A_6 = arith.constant 0 : index
    %get3A_7 = vector.load %arg3[%get3A_5, %get3A_6] : memref<128x128xf32, #tpu.memory_space<vmem>>, vector<128x128xf32>
    %dot_general3A = arith.constant dense<0.000000e+00> : vector<2000x128xf32>
    %dot_general3A_8 = tpu.matmul %get3A_1, %get3A_7, %dot_general3A {dimension_numbers = #tpu.dot_dimension_numbers<[1], [0], [0], [1], [0, 0, 1, 1], [], []>, transpose_lhs_hint = false} : vector<2000x128xf32>, vector<128x128xf32>, vector<2000x128xf32> -> vector<2000x128xf32>
    %add3A = arith.addf %get3A_4, %dot_general3A_8 : vector<2000x128xf32>
    %get3A_9 = arith.constant 0 : index
    %get3A_10 = arith.constant 0 : index
    %get3A_11 = vector.load %arg4[%get3A_9, %get3A_10] : memref<1x128xf32, #tpu.memory_space<vmem>>, vector<1x128xf32>
    %add3A_12 = vector.broadcast %get3A_11 : vector<1x128xf32> to vector<2000x128xf32>
    %add3A_13 = arith.addf %add3A, %add3A_12 : vector<2000x128xf32>
    %max3A = arith.constant 0.000000e+00 : f32
    %max3A_14 = vector.broadcast %max3A : f32 to vector<2000x128xf32>
    %max3A_15 = arith.maximumf %add3A_13, %max3A_14 : vector<2000x128xf32>
    %get3A_16 = arith.constant 0 : index
    %get3A_17 = arith.constant 0 : index
    %get3A_18 = vector.load %arg5[%get3A_16, %get3A_17] : memref<128x128xf32, #tpu.memory_space<vmem>>, vector<128x128xf32>
    %dot_general3A_19 = arith.constant dense<0.000000e+00> : vector<2000x128xf32>
    %dot_general3A_20 = tpu.matmul %max3A_15, %get3A_18, %dot_general3A_19 {dimension_numbers = #tpu.dot_dimension_numbers<[1], [0], [0], [1], [0, 0, 1, 1], [], []>, transpose_lhs_hint = false} : vector<2000x128xf32>, vector<128x128xf32>, vector<2000x128xf32> -> vector<2000x128xf32>
    %get3A_21 = arith.constant 0 : index
    %get3A_22 = arith.constant 0 : index
    %get3A_23 = vector.load %arg6[%get3A_21, %get3A_22] : memref<1x128xf32, #tpu.memory_space<vmem>>, vector<1x128xf32>
    %add3A_24 = vector.broadcast %get3A_23 : vector<1x128xf32> to vector<2000x128xf32>
    %add3A_25 = arith.addf %dot_general3A_20, %add3A_24 : vector<2000x128xf32>
    %get3A_26 = arith.constant 0 : index
    %get3A_27 = arith.constant 0 : index
    %get3A_28 = vector.load %arg7[%get3A_26, %get3A_27] : memref<1x128xf32, #tpu.memory_space<vmem>>, vector<1x128xf32>
    %get3A_29 = arith.constant 0 : index
    %get3A_30 = arith.constant 0 : index
    %get3A_31 = vector.load %arg8[%get3A_29, %get3A_30] : memref<1x128xf32, #tpu.memory_space<vmem>>, vector<1x128xf32>
    %reduce_sum3A = arith.constant dense<0.000000e+00> : vector<2000xf32>
    %reduce_sum3A_32 = vector.multi_reduction <add>, %add3A_25, %reduce_sum3A [1] : vector<2000x128xf32> to vector<2000xf32>
    %broadcast_in_dim3A = vector.shape_cast %reduce_sum3A_32 : vector<2000xf32> to vector<2000x1xf32>
    %div3A = arith.constant 1.280000e+02 : f32
    %div3A_33 = vector.broadcast %div3A : f32 to vector<2000x1xf32>
    %div3A_34 = arith.divf %broadcast_in_dim3A, %div3A_33 : vector<2000x1xf32>
    %sub3A = vector.broadcast %div3A_34 : vector<2000x1xf32> to vector<2000x128xf32>
    %sub3A_35 = arith.subf %add3A_25, %sub3A : vector<2000x128xf32>
    %mul3A = arith.mulf %sub3A_35, %sub3A_35 : vector<2000x128xf32>
    %reduce_sum3A_36 = arith.constant dense<0.000000e+00> : vector<2000xf32>
    %reduce_sum3A_37 = vector.multi_reduction <add>, %mul3A, %reduce_sum3A_36 [1] : vector<2000x128xf32> to vector<2000xf32>
    %broadcast_in_dim3A_38 = vector.shape_cast %reduce_sum3A_37 : vector<2000xf32> to vector<2000x1xf32>
    %div3A_39 = arith.constant 1.280000e+02 : f32
    %div3A_40 = vector.broadcast %div3A_39 : f32 to vector<2000x1xf32>
    %div3A_41 = arith.divf %broadcast_in_dim3A_38, %div3A_40 : vector<2000x1xf32>
    %add3A_42 = arith.constant 9.99999974E-6 : f32
    %add3A_43 = vector.broadcast %add3A_42 : f32 to vector<2000x1xf32>
    %add3A_44 = arith.addf %div3A_41, %add3A_43 : vector<2000x1xf32>
    %rsqrt3A = math.rsqrt %add3A_44 : vector<2000x1xf32>
    %mul3A_45 = vector.broadcast %rsqrt3A : vector<2000x1xf32> to vector<2000x128xf32>
    %mul3A_46 = arith.mulf %sub3A_35, %mul3A_45 : vector<2000x128xf32>
    %mul3A_47 = vector.broadcast %get3A_28 : vector<1x128xf32> to vector<2000x128xf32>
    %mul3A_48 = arith.mulf %mul3A_46, %mul3A_47 : vector<2000x128xf32>
    %add3A_49 = vector.broadcast %get3A_31 : vector<1x128xf32> to vector<2000x128xf32>
    %add3A_50 = arith.addf %mul3A_48, %add3A_49 : vector<2000x128xf32>
    %swap3A = arith.constant 0 : index
    %swap3A_51 = arith.constant 0 : index
    %swap3A_52 = vector.load %arg10[%swap3A, %swap3A_51] : memref<2000x128xf32, #tpu.memory_space<vmem>>, vector<2000x128xf32>
    tpu.vector_store %arg10[%swap3A, %swap3A_51], %add3A_50 {strides = array<i32>} : memref<2000x128xf32, #tpu.memory_space<vmem>>, vector<2000x128xf32>,
    %add3A_53 = arith.addf %add3A_50, %get3A_1 : vector<2000x128xf32>
    %swap3A_54 = arith.constant 0 : index
    %swap3A_55 = arith.constant 0 : index
    %swap3A_56 = vector.load %arg11[%swap3A_54, %swap3A_55] : memref<2000x128xf32, #tpu.memory_space<vmem>>, vector<2000x128xf32>
    tpu.vector_store %arg11[%swap3A_54, %swap3A_55], %add3A_53 {strides = array<i32>} : memref<2000x128xf32, #tpu.memory_space<vmem>>, vector<2000x128xf32>,
    return
  }
  func.func @transform_0(%arg0: i32) -> (i32, i32) {
    %c0_i32 = arith.constant 0 : i32
    %c0_i32_0 = arith.constant 0 : i32
    return %arg0, %c0_i32 : i32, i32
  }
  func.func @transform_1(%arg0: i32) -> (i32, i32) {
    %add3A = arith.constant 64 : i32
    %add3A_0 = arith.addi %arg0, %add3A : i32
    %c0_i32 = arith.constant 0 : i32
    %c0_i32_1 = arith.constant 0 : i32
    return %add3A_0, %c0_i32 : i32, i32
  }
  func.func @transform_2(%arg0: i32) -> (i32, i32) {
    %c0_i32 = arith.constant 0 : i32
    %c0_i32_0 = arith.constant 0 : i32
    %c0_i32_1 = arith.constant 0 : i32
    return %c0_i32, %c0_i32_0 : i32, i32
  }
  func.func @transform_3(%arg0: i32) -> (i32, i32) {
    %c0_i32 = arith.constant 0 : i32
    %c0_i32_0 = arith.constant 0 : i32
    %c0_i32_1 = arith.constant 0 : i32
    return %c0_i32, %c0_i32_0 : i32, i32
  }
  func.func @transform_4(%arg0: i32) -> (i32, i32) {
    %c0_i32 = arith.constant 0 : i32
    %c0_i32_0 = arith.constant 0 : i32
    %c0_i32_1 = arith.constant 0 : i32
    return %c0_i32, %c0_i32_0 : i32, i32
  }
  func.func @transform_5(%arg0: i32) -> (i32, i32) {
    %c0_i32 = arith.constant 0 : i32
    %c0_i32_0 = arith.constant 0 : i32
    %c0_i32_1 = arith.constant 0 : i32
    return %c0_i32, %c0_i32_0 : i32, i32
  }
  func.func @transform_6(%arg0: i32) -> (i32, i32) {
    %c0_i32 = arith.constant 0 : i32
    %c0_i32_0 = arith.constant 0 : i32
    %c0_i32_1 = arith.constant 0 : i32
    return %c0_i32, %c0_i32_0 : i32, i32
  }
  func.func @transform_7(%arg0: i32) -> (i32, i32) {
    %c0_i32 = arith.constant 0 : i32
    %c0_i32_0 = arith.constant 0 : i32
    %c0_i32_1 = arith.constant 0 : i32
    return %c0_i32, %c0_i32_0 : i32, i32
  }
  func.func @transform_9(%arg0: i32) -> (i32, i32) {
    %c0_i32 = arith.constant 0 : i32
    %c0_i32_0 = arith.constant 0 : i32
    return %arg0, %c0_i32 : i32, i32
  }
  func.func @transform_10(%arg0: i32) -> (i32, i32) {
    %add3A = arith.constant 64 : i32
    %add3A_0 = arith.addi %arg0, %add3A : i32
    %c0_i32 = arith.constant 0 : i32
    %c0_i32_1 = arith.constant 0 : i32
    return %add3A_0, %c0_i32 : i32, i32
  }
}

module attributes {stable_mosaic.version = 14 : i64} {
  func.func @_node_mlp_body(%arg0: i32, %arg1: memref<2000x128xf32, #tpu.memory_space<vmem>>, %arg2: memref<2000x128xf32, #tpu.memory_space<vmem>>, %arg3: memref<2000x128xf32, #tpu.memory_space<vmem>>, %arg4: memref<2000x128xf32, #tpu.memory_space<vmem>>, %arg5: memref<2000x128xf32, #tpu.memory_space<vmem>>, %arg6: memref<128x128xf32, #tpu.memory_space<vmem>>, %arg7: memref<128x128xf32, #tpu.memory_space<vmem>>, %arg8: memref<1x128xf32, #tpu.memory_space<vmem>>, %arg9: memref<128x128xf32, #tpu.memory_space<vmem>>, %arg10: memref<1x128xf32, #tpu.memory_space<vmem>>, %arg11: memref<1x128xf32, #tpu.memory_space<vmem>>, %arg12: memref<1x128xf32, #tpu.memory_space<vmem>>, %arg13: memref<2000x128xf32, #tpu.memory_space<vmem>>) attributes {dimension_semantics = [#tpu.dimension_semantics<arbitrary>], iteration_bounds = array<i64: 5>, scalar_prefetch = 0 : i64, scratch_operands = 0 : i64, tpu.core_type = #tpu.core_type<tc>, window_params = [{transform_indices = @transform_0, window_bounds = array<i64: 2000, 128>}, {transform_indices = @transform_1, window_bounds = array<i64: 2000, 128>}, {transform_indices = @transform_2, window_bounds = array<i64: 2000, 128>}, {transform_indices = @transform_3, window_bounds = array<i64: 2000, 128>}, {transform_indices = @transform_4, window_bounds = array<i64: 2000, 128>}, {pipeline_mode = #tpu.pipeline_mode<synchronous>, transform_indices = @transform_5, window_bounds = array<i64: 128, 128>}, {pipeline_mode = #tpu.pipeline_mode<synchronous>, transform_indices = @transform_6, window_bounds = array<i64: 128, 128>}, {pipeline_mode = #tpu.pipeline_mode<synchronous>, transform_indices = @transform_7, window_bounds = array<i64: 1, 128>}, {pipeline_mode = #tpu.pipeline_mode<synchronous>, transform_indices = @transform_8, window_bounds = array<i64: 128, 128>}, {pipeline_mode = #tpu.pipeline_mode<synchronous>, transform_indices = @transform_9, window_bounds = array<i64: 1, 128>}, {pipeline_mode = #tpu.pipeline_mode<synchronous>, transform_indices = @transform_10, window_bounds = array<i64: 1, 128>}, {pipeline_mode = #tpu.pipeline_mode<synchronous>, transform_indices = @transform_11, window_bounds = array<i64: 1, 128>}, {transform_indices = @transform_12, window_bounds = array<i64: 2000, 128>}]} {
    %get3A = arith.constant 0 : index
    %get3A_0 = arith.constant 0 : index
    %get3A_1 = vector.load %arg1[%get3A, %get3A_0] : memref<2000x128xf32, #tpu.memory_space<vmem>>, vector<2000x128xf32>
    %get3A_2 = arith.constant 0 : index
    %get3A_3 = arith.constant 0 : index
    %get3A_4 = vector.load %arg2[%get3A_2, %get3A_3] : memref<2000x128xf32, #tpu.memory_space<vmem>>, vector<2000x128xf32>
    %get3A_5 = arith.constant 0 : index
    %get3A_6 = arith.constant 0 : index
    %get3A_7 = vector.load %arg3[%get3A_5, %get3A_6] : memref<2000x128xf32, #tpu.memory_space<vmem>>, vector<2000x128xf32>
    %add3A = arith.addf %get3A_4, %get3A_7 : vector<2000x128xf32>
    %get3A_8 = arith.constant 0 : index
    %get3A_9 = arith.constant 0 : index
    %get3A_10 = vector.load %arg4[%get3A_8, %get3A_9] : memref<2000x128xf32, #tpu.memory_space<vmem>>, vector<2000x128xf32>
    %add3A_11 = arith.addf %add3A, %get3A_10 : vector<2000x128xf32>
    %get3A_12 = arith.constant 0 : index
    %get3A_13 = arith.constant 0 : index
    %get3A_14 = vector.load %arg5[%get3A_12, %get3A_13] : memref<2000x128xf32, #tpu.memory_space<vmem>>, vector<2000x128xf32>
    %add3A_15 = arith.addf %add3A_11, %get3A_14 : vector<2000x128xf32>
    %get3A_16 = arith.constant 0 : index
    %get3A_17 = arith.constant 0 : index
    %get3A_18 = vector.load %arg6[%get3A_16, %get3A_17] : memref<128x128xf32, #tpu.memory_space<vmem>>, vector<128x128xf32>
    %dot_general3A = arith.constant dense<0.000000e+00> : vector<2000x128xf32>
    %dot_general3A_19 = tpu.matmul %get3A_1, %get3A_18, %dot_general3A {dimension_numbers = #tpu.dot_dimension_numbers<[1], [0], [0], [1], [0, 0, 1, 1], [], []>, transpose_lhs_hint = false} : vector<2000x128xf32>, vector<128x128xf32>, vector<2000x128xf32> -> vector<2000x128xf32>
    %get3A_20 = arith.constant 0 : index
    %get3A_21 = arith.constant 0 : index
    %get3A_22 = vector.load %arg7[%get3A_20, %get3A_21] : memref<128x128xf32, #tpu.memory_space<vmem>>, vector<128x128xf32>
    %dot_general3A_23 = arith.constant dense<0.000000e+00> : vector<2000x128xf32>
    %dot_general3A_24 = tpu.matmul %add3A_15, %get3A_22, %dot_general3A_23 {dimension_numbers = #tpu.dot_dimension_numbers<[1], [0], [0], [1], [0, 0, 1, 1], [], []>, transpose_lhs_hint = false} : vector<2000x128xf32>, vector<128x128xf32>, vector<2000x128xf32> -> vector<2000x128xf32>
    %add3A_25 = arith.addf %dot_general3A_19, %dot_general3A_24 : vector<2000x128xf32>
    %get3A_26 = arith.constant 0 : index
    %get3A_27 = arith.constant 0 : index
    %get3A_28 = vector.load %arg8[%get3A_26, %get3A_27] : memref<1x128xf32, #tpu.memory_space<vmem>>, vector<1x128xf32>
    %add3A_29 = vector.broadcast %get3A_28 : vector<1x128xf32> to vector<2000x128xf32>
    %add3A_30 = arith.addf %add3A_25, %add3A_29 : vector<2000x128xf32>
    %max3A = arith.constant 0.000000e+00 : f32
    %max3A_31 = vector.broadcast %max3A : f32 to vector<2000x128xf32>
    %max3A_32 = arith.maximumf %add3A_30, %max3A_31 : vector<2000x128xf32>
    %get3A_33 = arith.constant 0 : index
    %get3A_34 = arith.constant 0 : index
    %get3A_35 = vector.load %arg9[%get3A_33, %get3A_34] : memref<128x128xf32, #tpu.memory_space<vmem>>, vector<128x128xf32>
    %dot_general3A_36 = arith.constant dense<0.000000e+00> : vector<2000x128xf32>
    %dot_general3A_37 = tpu.matmul %max3A_32, %get3A_35, %dot_general3A_36 {dimension_numbers = #tpu.dot_dimension_numbers<[1], [0], [0], [1], [0, 0, 1, 1], [], []>, transpose_lhs_hint = false} : vector<2000x128xf32>, vector<128x128xf32>, vector<2000x128xf32> -> vector<2000x128xf32>
    %get3A_38 = arith.constant 0 : index
    %get3A_39 = arith.constant 0 : index
    %get3A_40 = vector.load %arg10[%get3A_38, %get3A_39] : memref<1x128xf32, #tpu.memory_space<vmem>>, vector<1x128xf32>
    %add3A_41 = vector.broadcast %get3A_40 : vector<1x128xf32> to vector<2000x128xf32>
    %add3A_42 = arith.addf %dot_general3A_37, %add3A_41 : vector<2000x128xf32>
    %get3A_43 = arith.constant 0 : index
    %get3A_44 = arith.constant 0 : index
    %get3A_45 = vector.load %arg11[%get3A_43, %get3A_44] : memref<1x128xf32, #tpu.memory_space<vmem>>, vector<1x128xf32>
    %get3A_46 = arith.constant 0 : index
    %get3A_47 = arith.constant 0 : index
    %get3A_48 = vector.load %arg12[%get3A_46, %get3A_47] : memref<1x128xf32, #tpu.memory_space<vmem>>, vector<1x128xf32>
    %reduce_sum3A = arith.constant dense<0.000000e+00> : vector<2000xf32>
    %reduce_sum3A_49 = vector.multi_reduction <add>, %add3A_42, %reduce_sum3A [1] : vector<2000x128xf32> to vector<2000xf32>
    %broadcast_in_dim3A = vector.shape_cast %reduce_sum3A_49 : vector<2000xf32> to vector<2000x1xf32>
    %div3A = arith.constant 1.280000e+02 : f32
    %div3A_50 = vector.broadcast %div3A : f32 to vector<2000x1xf32>
    %div3A_51 = arith.divf %broadcast_in_dim3A, %div3A_50 : vector<2000x1xf32>
    %sub3A = vector.broadcast %div3A_51 : vector<2000x1xf32> to vector<2000x128xf32>
    %sub3A_52 = arith.subf %add3A_42, %sub3A : vector<2000x128xf32>
    %mul3A = arith.mulf %sub3A_52, %sub3A_52 : vector<2000x128xf32>
    %reduce_sum3A_53 = arith.constant dense<0.000000e+00> : vector<2000xf32>
    %reduce_sum3A_54 = vector.multi_reduction <add>, %mul3A, %reduce_sum3A_53 [1] : vector<2000x128xf32> to vector<2000xf32>
    %broadcast_in_dim3A_55 = vector.shape_cast %reduce_sum3A_54 : vector<2000xf32> to vector<2000x1xf32>
    %div3A_56 = arith.constant 1.280000e+02 : f32
    %div3A_57 = vector.broadcast %div3A_56 : f32 to vector<2000x1xf32>
    %div3A_58 = arith.divf %broadcast_in_dim3A_55, %div3A_57 : vector<2000x1xf32>
    %add3A_59 = arith.constant 9.99999974E-6 : f32
    %add3A_60 = vector.broadcast %add3A_59 : f32 to vector<2000x1xf32>
    %add3A_61 = arith.addf %div3A_58, %add3A_60 : vector<2000x1xf32>
    %rsqrt3A = math.rsqrt %add3A_61 : vector<2000x1xf32>
    %mul3A_62 = vector.broadcast %rsqrt3A : vector<2000x1xf32> to vector<2000x128xf32>
    %mul3A_63 = arith.mulf %sub3A_52, %mul3A_62 : vector<2000x128xf32>
    %mul3A_64 = vector.broadcast %get3A_45 : vector<1x128xf32> to vector<2000x128xf32>
    %mul3A_65 = arith.mulf %mul3A_63, %mul3A_64 : vector<2000x128xf32>
    %add3A_66 = vector.broadcast %get3A_48 : vector<1x128xf32> to vector<2000x128xf32>
    %add3A_67 = arith.addf %mul3A_65, %add3A_66 : vector<2000x128xf32>
    %add3A_68 = arith.addf %add3A_67, %get3A_1 : vector<2000x128xf32>
    %swap3A = arith.constant 0 : index
    %swap3A_69 = arith.constant 0 : index
    %swap3A_70 = vector.load %arg13[%swap3A, %swap3A_69] : memref<2000x128xf32, #tpu.memory_space<vmem>>, vector<2000x128xf32>
    tpu.vector_store %arg13[%swap3A, %swap3A_69], %add3A_68 {strides = array<i32>} : memref<2000x128xf32, #tpu.memory_space<vmem>>, vector<2000x128xf32>,
    return
  }
  func.func @transform_0(%arg0: i32) -> (i32, i32) {
    %c0_i32 = arith.constant 0 : i32
    %c0_i32_0 = arith.constant 0 : i32
    return %arg0, %c0_i32 : i32, i32
  }
  func.func @transform_1(%arg0: i32) -> (i32, i32) {
    %c0_i32 = arith.constant 0 : i32
    %c0_i32_0 = arith.constant 0 : i32
    return %arg0, %c0_i32 : i32, i32
  }
  func.func @transform_2(%arg0: i32) -> (i32, i32) {
    %c0_i32 = arith.constant 0 : i32
    %c0_i32_0 = arith.constant 0 : i32
    return %arg0, %c0_i32 : i32, i32
  }
  func.func @transform_3(%arg0: i32) -> (i32, i32) {
    %c0_i32 = arith.constant 0 : i32
    %c0_i32_0 = arith.constant 0 : i32
    return %arg0, %c0_i32 : i32, i32
  }
  func.func @transform_4(%arg0: i32) -> (i32, i32) {
    %c0_i32 = arith.constant 0 : i32
    %c0_i32_0 = arith.constant 0 : i32
    return %arg0, %c0_i32 : i32, i32
  }
  func.func @transform_5(%arg0: i32) -> (i32, i32) {
    %c0_i32 = arith.constant 0 : i32
    %c0_i32_0 = arith.constant 0 : i32
    %c0_i32_1 = arith.constant 0 : i32
    return %c0_i32, %c0_i32_0 : i32, i32
  }
  func.func @transform_6(%arg0: i32) -> (i32, i32) {
    %c0_i32 = arith.constant 0 : i32
    %c0_i32_0 = arith.constant 0 : i32
    %c0_i32_1 = arith.constant 0 : i32
    return %c0_i32, %c0_i32_0 : i32, i32
  }
  func.func @transform_7(%arg0: i32) -> (i32, i32) {
    %c0_i32 = arith.constant 0 : i32
    %c0_i32_0 = arith.constant 0 : i32
    %c0_i32_1 = arith.constant 0 : i32
    return %c0_i32, %c0_i32_0 : i32, i32
  }
  func.func @transform_8(%arg0: i32) -> (i32, i32) {
    %c0_i32 = arith.constant 0 : i32
    %c0_i32_0 = arith.constant 0 : i32
    %c0_i32_1 = arith.constant 0 : i32
    return %c0_i32, %c0_i32_0 : i32, i32
  }
  func.func @transform_9(%arg0: i32) -> (i32, i32) {
    %c0_i32 = arith.constant 0 : i32
    %c0_i32_0 = arith.constant 0 : i32
    %c0_i32_1 = arith.constant 0 : i32
    return %c0_i32, %c0_i32_0 : i32, i32
  }
  func.func @transform_10(%arg0: i32) -> (i32, i32) {
    %c0_i32 = arith.constant 0 : i32
    %c0_i32_0 = arith.constant 0 : i32
    %c0_i32_1 = arith.constant 0 : i32
    return %c0_i32, %c0_i32_0 : i32, i32
  }
  func.func @transform_11(%arg0: i32) -> (i32, i32) {
    %c0_i32 = arith.constant 0 : i32
    %c0_i32_0 = arith.constant 0 : i32
    %c0_i32_1 = arith.constant 0 : i32
    return %c0_i32, %c0_i32_0 : i32, i32
  }
  func.func @transform_12(%arg0: i32) -> (i32, i32) {
    %c0_i32 = arith.constant 0 : i32
    %c0_i32_0 = arith.constant 0 : i32
    return %arg0, %c0_i32 : i32, i32
  }
}

</mosaic_0001>

<sc_bundles>
// kernel: kernel.10.cloned.1.call-start
scs
__scs_entry_jumppad:
0x0: {  	(pc) =	sbr.rel $0x88, $3  }
0x1: {  	(tag) =	ssettag $0x0;
	lr =	simm.s32 $0x1  }
0x2: {  	[smem:$0x3F91] =	sst lr;
	_ =	strace $0xD0000000  }
0x3: {  	_ = 	snop  }
0x4: {  	_ = 	snop  }
0x5: {  	_ = 	snop  }
0x6: {  	_ = 	snop  }
0x7: {  	_ = 	snop  }
__scs_overlays_trampoline_lowered:
0x8: {  	[smem:$0x3FA0] =	sst s0  }
0x9: {  	[smem:$0x3FA1] =	sst s1  }
0xa: {  	[smem:$0x3FA2] =	sst s2  }
0xb: {  	[smem:$0x3FA3] =	sst s3  }
0xc: {  	[smem:$0x3FA4] =	sst s4  }
0xd: {  	[smem:$0x3FA5] =	sst s5  }
0xe: {  	[smem:$0x3FA6] =	sst s6  }
0xf: {  	[smem:$0x3FA7] =	sst s7  }
0x10: {  	[smem:$0x3FA8] =	sst s8  }
0x11: {  	[smem:$0x3FA9] =	sst s9;
	s0 =	simm.s32 @!p0 $0x0  }
0x12: {  	s1 =	sld [smem:$0x3F8F];
	s0 =	simm.s32 @p0 $0x1  }
0x13: {  	[smem:$0x3FAA] =	sst s0;
	s0 =	simm.s32 @!p1 $0x0  }
0x14: {  	s2 =	sld [smem:$0x3F8E];
	s0 =	simm.s32 @p1 $0x1  }
0x15: {  	[smem:$0x3FAB] =	sst s0;
	s0 =	simm.s32 @!p2 $0x0  }
0x16: {  	s3 =	sld [smem:$0x3FDB];
	s0 =	simm.s32 @p2 $0x1  }
0x17: {  	s4 =	simm.s32 $0x1BF5;
	[smem:$0x3FAD] =	sst s0  }
0x18: {  	s0 =	sld [smem:$0x3F90];
	_ =	swait.ge [sflag:s4], $0x0  }
0x19: {  	s7 =	sld [smem:$0x3F91]  }
0x1a: {  	s8 =	sadd.s32 $0xFFFFE003, lr  }
0x1b: {  	s9 =	sadd.s32 $0xFFFFFEF7, lr;
	s5 =	simm.s32 $0xFFFFFFFF;
	p2 =	slt.u32 s8, $0xFFFFF086  }
0x1c: {  	p1 =	slt.u32 s9, $0xF7A;
	s5 =	simm.s32 @!p2 $0x0  }
0x1d: {  	s5 =	simm.s32 @p1 $0x1;
	p0 =	seq.s32 s7, s2  }
0x1e: {  	s7 =	smul.u32 @!p0 $0xF7A, s2;
	p2 =	seq.s32 @!p0 s5, $0x0  }
0x1f: {  	s9 =	smul.u32 $0xF7A, s1;
	s8 =	simm.s32 @!p0 $0x1BF5;
	p2 =	por !p2, p0  }
0x20: {  	[sflag:s8] =	ssyncset.s32 @!p0 $0xFFFFF086;
	s6 =	sadd.s32 @!p0 s3, s7;
	s7 =	simm.s32 @!p0 $0x108  }
0x21: {  	s3 =	sadd.s32 s3, s9;
	s6 =	sadd.s32 @!p0 $0x88, s6;
	s7 =	simm.s32 @p2 $0x1082  }
0x22: {  	[simem:s7], [sflag:s8] =	dma.local @!p0 [hbm:s6], $0xF7A  }
0x23: {  	s9 =	sor.u32 $0xD0000000, s2;
	s6 =	simm.s32 $0x108;
	_ =	swait.ge @!p0 [sflag:s8], $0x0  }
0x24: {  	s3 =	sadd.s32 $0x88, s3;
	s6 =	simm.s32 @!p1 $0x1082;
	[sflag:s4] =	ssyncset.s32 $0xFFFFF086  }
0x25: {  	[simem:s6], [sflag:s4] =	dma.local [hbm:s3], $0xF7A  }
0x26: {  	[smem:$0x3F91] =	sst s1;
	(tag) =	ssettag s2;
	_ =	strace s9  }
0x27: {  	s1 =	sld [smem:$0x3FA1]  }
0x28: {  	s2 =	sld [smem:$0x3FA2]  }
0x29: {  	s4 =	sld [smem:$0x3FA4]  }
0x2a: {  	p0 =	seq.s32 s5, $0x0;
	s5 =	sld [smem:$0x3FA5]  }
0x2b: {  	s6 =	sld [smem:$0x3FA6]  }
0x2c: {  	s7 =	sld [smem:$0x3FA7]  }
0x2d: {  	s3 =	simm.s32 $0x108;
	s8 =	sld [smem:$0x3FA8]  }
0x2e: {  	s3 =	simm.s32 @!p0 $0x1082;
	s9 =	sld [smem:$0x3FA9]  }
0x2f: {  	lr =	sadd.s32 s0, s3;
	s0 =	sld [smem:$0x3FA0]  }
0x30: {  	s3 =	sld [smem:$0x3FA3]  }
0x31: {  	[smem:$0x3FAC] =	sst s10  }
0x32: {  	s10 =	sld [smem:$0x3FAA];
	_ =	sdelay $0x3  }
0x33: {  	p0 =	seq.s32 s10, $0x1;
	s10 =	sld [smem:$0x3FAC];
	_ =	sdelay $0x3  }
0x34: {  	[smem:$0x3FAC] =	sst s10  }
0x35: {  	s10 =	sld [smem:$0x3FAB];
	_ =	sdelay $0x3  }
0x36: {  	p1 =	seq.s32 s10, $0x1;
	s10 =	sld [smem:$0x3FAC];
	_ =	sdelay $0x3  }
0x37: {  	[smem:$0x3FAC] =	sst s10  }
0x38: {  	s10 =	sld [smem:$0x3FAD]  }
0x39: {  	_ = 	snop;
	(pc) =	sbr.ind lr, $3  }
0x3a: {  	_ = 	snop  }
0x3b: {  	_ = 	snop  }
0x3c: {  	p2 =	seq.s32 s10, $0x1;
	s10 =	sld [smem:$0x3FAC]  }
0x3d: {  	_ =	shalt  }
0x3e: {  	_ =	shalt  }
0x3f: {  	_ =	shalt  }
0x40: {  	_ =	shalt  }
0x41: {  	_ =	shalt  }
0x42: {  	_ =	shalt  }
0x43: {  	_ =	shalt  }
0x44: {  	_ =	shalt  }
0x45: {  	_ =	shalt  }
0x46: {  	_ =	shalt  }
0x47: {  	_ =	shalt  }
0x48: {  	_ =	shalt  }
0x49: {  	_ =	shalt  }
0x4a: {  	_ =	shalt  }
0x4b: {  	_ =	shalt  }
0x4c: {  	_ =	shalt  }
0x4d: {  	_ =	shalt  }
0x4e: {  	_ =	shalt  }
0x4f: {  	_ =	shalt  }
0x50: {  	_ =	shalt  }
0x51: {  	_ =	shalt  }
0x52: {  	_ =	shalt  }
0x53: {  	_ =	shalt  }
0x54: {  	_ =	shalt  }
0x55: {  	_ =	shalt  }
0x56: {  	_ =	shalt  }
0x57: {  	_ =	shalt  }
0x58: {  	_ =	shalt  }
0x59: {  	_ =	shalt  }
0x5a: {  	_ =	shalt  }
0x5b: {  	_ =	shalt  }
0x5c: {  	_ =	shalt  }
0x5d: {  	_ =	shalt  }
0x5e: {  	_ =	shalt  }
0x5f: {  	_ =	shalt  }
0x60: {  	_ =	shalt  }
0x61: {  	_ =	shalt  }
0x62: {  	_ =	shalt  }
0x63: {  	_ =	shalt  }
0x64: {  	_ =	shalt  }
0x65: {  	_ =	shalt  }
0x66: {  	_ =	shalt  }
0x67: {  	_ =	shalt  }
0x68: {  	_ =	shalt  }
0x69: {  	_ =	shalt  }
0x6a: {  	_ =	shalt  }
0x6b: {  	_ =	shalt  }
0x6c: {  	_ =	shalt  }
0x6d: {  	_ =	shalt  }
0x6e: {  	_ =	shalt  }
0x6f: {  	_ =	shalt  }
0x70: {  	_ =	shalt  }
0x71: {  	_ =	shalt  }
0x72: {  	_ =	shalt  }
0x73: {  	_ =	shalt  }
0x74: {  	_ =	shalt  }
0x75: {  	_ =	shalt  }
0x76: {  	_ =	shalt  }
0x77: {  	_ =	shalt  }
0x78: {  	_ =	shalt  }
0x79: {  	_ =	shalt  }
0x7a: {  	_ =	shalt  }
0x7b: {  	_ =	shalt  }
0x7c: {  	_ =	shalt  }
0x7d: {  	_ =	shalt  }
0x7e: {  	_ =	shalt  }
0x7f: {  	_ =	shalt  }
0x80: {  	_ =	shalt  }
0x81: {  	_ =	shalt  }
0x82: {  	_ =	shalt  }
0x83: {  	_ =	shalt  }
0x84: {  	_ =	shalt  }
0x85: {  	_ =	shalt  }
0x86: {  	_ =	shalt  }
0x87: {  	_ =	shalt  }
.Lfunc_end0:
.L_simem_size_0:
called_computation_lowered:
.L_overlay_start_0:
0x88: {  	s2 =	sld [smem:$0x3FD9]  }
0x89: {  	s3 =	sld [smem:$0x3FFE];
	_ =	sdelay $0x1  }
0x8a: {  	s1 =	srdreg.scid  }
0x8b: {  	s0 =	sand.u32 $0x1, s1  }
0x8c: {  	s14 =	sshll.u32 s0, $0xA;
	s2 =	sadd.s32 s3, s2  }
0x8d: {  	s2 =	sadd.s32 s2, s14  }
0x8e: {  	[smem:$0x3FB8] =	sst s2  }
0x8f: {  	_ = 	snop  }
0x90: {  	s2 =	sld [smem:$0x3FD0];
	_ =	sdelay $0x2  }
0x91: {  	s15 =	simm.s32 $0xB;
	s4 =	simm.s32 $0x10  }
0x92: {  	[smem:s4], [sflag:s15] =	dma.local [hbm:s2], $0x1  }
0x93: {  	_ =	swait.eq [sflag:s15], $0x1  }
0x94: {  	[sflag:s15] =	ssyncset.done $0x0  }
0x95: {  	s16 =	sld [smem:$0x10];
	[sflag:s15] =	ssyncadd.s32 $0xFFFFFFFF  }
0x96: {  	s17 =	sld [smem:$0x11];
	(tm) =	ssettm $0x1  }
0x97: {  	s18 =	sld [smem:$0x3FFB];
	_ =	sdelay $0x3  }
0x98: {  	_ =	strace s18  }
0x99: {  	s4 =	sld [smem:$0x3FFC];
	_ =	sdelay $0x3  }
0x9a: {  	_ =	strace s4  }
0x9b: {  	s4 =	sld [smem:$0x3FFD];
	_ =	sdelay $0x3  }
0x9c: {  	_ =	strace s4  }
0x9d: {  	_ =	strace $0x8FFFFFFF  }
0x9e: {  	s19 =	sld [smem:$0x3FDB];
	_ =	sdelay $0x1  }
0x9f: {  	s5 =	simm.s32 $_scs_section_size  }
0xa0: {  	s6 =	simm.s32 $_size__tile_overlayer_lowered;
	s7 =	simm.s32 $_tile_overlayer_lowered  }
0xa1: {  	s22 =	simm.s32 $0x1BFF;
	s21 =	sshll.u32 s7, $0x1;
	s4 =	sadd.s32 s5, s19  }
0xa2: {  	s8 =	simm.s32 $0x0;
	s20 =	sshll.u32 s6, $0x1;
	s6 =	sadd.s32 s21, s4  }
0xa3: {  	[timem:s8], [sflag:s22] =	dma.local [hbm:s6], s20  }
0xa4: {  	_ =	swait.ge [sflag:s22], s20  }
0xa5: {  	s5 =	ssub.s32 $0x0, s20;
	[sflag:s22] =	ssyncset.done $0x0  }
0xa6: {  	[sflag:s22] =	ssyncadd.s32 s5;
	_ =	sdelay $0x1  }
0xa7: {  	s23 =	simm.s32 $0x1B8B  }
0xa8: {  	_ =	swait.ge [sflag:s23], $0x1  }
0xa9: {  	[sflag:s23] =	ssyncset.done $0x0  }
0xaa: {  	s25 =	simm.s32 $0x1B8E;
	s24 =	sld [smem:$0x3FFE];
	[sflag:s23] =	ssyncadd.s32 $0xFFFFFFFF  }
0xab: {  	s26 =	simm.s32 $execute0_lowered;
	[smem:$0x3FD2] =	sst s25  }
0xac: {  	s6 =	sshll.u32 s26, $0x1;
	_ =	strace $0x80000046;
	[dreg:$0x1] =	wrdreg $0xFFFFFFFF  }
0xad: {  	s28 =	simm.s32 $_size_execute0_lowered;
	s4 =	sadd.s32 s4, s6;
	[dreg:$0x0] =	wrdreg $0x0  }
0xae: {  	s6 =	sshll.u32 s28, $0x1;
	[dreg:$0x2] =	wrdreg s4  }
0xaf: {  	[dreg:$0x3] =	wrdreg s6  }
0xb0: {  	[dreg:$0x4] =	wrdreg $0xC0  }
0xb1: {  	_ =	task [dreg:s8], $0x5FFFF  }
0xb2: {  	[dreg:$0x1] =	wrdreg $0xFFFFFFFF  }
0xb3: {  	[dreg:$0x0] =	wrdreg $0x60  }
0xb4: {  	[dreg:$0x2] =	wrdreg s16  }
0xb5: {  	[dreg:$0x3] =	wrdreg s24  }
0xb6: {  	[dreg:$0x4] =	wrdreg s17  }
0xb7: {  	[dreg:$0x5] =	wrdreg $0xA  }
0xb8: {  	_ =	task.clear_ibuf [dreg:s8], $0x6FFFF;
	_ =	strace $0x90000046  }
0xb9: {  	s29 =	simm.s32 $0xA;
	_ =	strace $0x80000048  }
0xba: {  	_ =	swait.ge [sflag:s29], $0x1  }
0xbb: {  	[sflag:s29] =	ssyncadd.s32 $0xFFFFFFFF  }
0xbc: {  	_ =	strace $0x90000048  }
0xbd: {  	_ =	sfence  }
0xbe: {  	s30 =	sld [smem:$0x0];
	_ =	sdelay $0x2  }
0xbf: {  	s31 =	sshll.u32 s1, $0xD;
	s1 =	sshrl.u32 s1, $0x2  }
0xc0: {  	s3 =	sand.u32 $0x4000, s31;
	s1 =	sadd.s32 s1, s30  }
0xc1: {  	s0 =	sor.u32 s3, s0;
	s1 =	sshll.u32 s1, $0x11  }
0xc2: {  	s0 =	sor.u32 s1, s0  }
0xc3: {  	s0 =	sadd.s32 $0x8F2B, s0  }
0xc4: {  	[sflag:s0] =	ssyncadd.remote.s32 $0x1  }
0xc5: {  	_ =	sfence.sel $0xFFFF  }
0xc6: {  	[dreg:$0x0] =	wrdreg $0xFFFFFFFF;
	(pc) =	sbr.abs _section_cstart, $3  }
0xc7: {  	[dreg:$0x1] =	wrdreg $0xFFFFFFFF  }
0xc8: {  	_ =	task.clear_ibuf [dreg:s8], $0x2FFFF;
	_ =	strace $0x9FFFFFFF  }
0xc9: {  	(tm) =	ssettm $0x7FFFFFFF  }
tec
execute0_lowered:
.L_overlay_start_1:
0x0: {  	(tag) =	ssettag $0x1  }
0x1: {  	s1 =	rddreg [dreg:$0x0]  }
0x2: {  	s0 =	rddreg [dreg:$0x1];
	s2 =	srdreg.scid  }
0x3: {  	s12 =	stileid.u32;
	s6 =	rddreg [dreg:$0x2]  }
0x4: {  	s3 =	simm.s32 $0x0;
	s14 =	simm.s32 $0x1;
	s15 =	simm.s32 $0x50  }
0x5: {  	s16 =	simm.s32 $0x3800;
	s17 =	simm.s32 $0x6000;
	s18 =	simm.s32 $0x6  }
0x6: {  	s19 =	simm.s32 $0x2;
	s20 =	simm.s32 $0x8800;
	s21 =	simm.s32 $0x7  }
0x7: {  	s22 =	simm.s32 $0x3;
	s23 =	simm.s32 $0xB000;
	s2 =	sand.u32 $0x1, s2  }
0x8: {  	s4 =	sshll.u32 s12, $0x1;
	[smem:$0x7FF] =	sst s3;
	s25 =	smul.u32 $0x1F400, s12  }
0x9: {  	s7 =	sor.u32 s2, s4;
	s10 =	ssub.s32 $0x2, s2;
	s2 =	smul.u32 $0xFA00, s2  }
0xa: {  	s5 =	sadd.s32 $0x37600, s0;
	_ =	strace $0x80000047;
	s8 =	smul.u32 $0x380, s7  }
0xb: {  	s4 =	sadd.s32 $0x10400, s0;
	s11 =	smul.u32 $0xFA0, s7;
	s29 =	sadd.s32 s25, s5  }
0xc: {  	s24 =	sshrl.u32 s10, $0x1;
	s7 =	smul.u32 $0x7D000, s7;
	s2 =	sadd.s32 s2, s29  }
0xd: {  	s9 =	sadd.s32 s8, s0;
	[dreg:$0x4] =	wrdreg s11;
	s6 =	sadd.s32 s6, s8  }
0xe: {  	s0 =	ssub.s32 s10, s24;
	s31 =	sadd.s32 $0xFFFFF600, s2;
	[dreg:$0x5] =	wrdreg s6  }
0xf: {  	s26 =	sshrl.u32 s7, $0x3;
	s28 =	sadd.s32 $0x9400, s9;
	[dreg:$0xa] =	wrdreg s31  }
0x10: {  	s6 =	sadd.s32 s5, s26;
	s0 =	smax.u32 s0, $0x1;
	[dreg:$0x6] =	wrdreg s28  }
0x11: {  	s25 =	simm.s32 $0x4;
	s30 =	sadd.s32 $0xF000, s6;
	[dreg:$0x9] =	wrdreg s0  }
0x12: {  	s24 =	simm.s32 $0x8;
	s6 =	sadd.s32 $0xF500, s6;
	[dreg:$0x7] =	wrdreg s30  }
0x13: {  	s7 =	simm.s32 $0x0;
	s26 =	simm.s32 $0xD800;
	[dreg:$0x8] =	wrdreg s6  }
.LBB2_1:
0x14: {  	s0 =	rddreg [dreg:$0x5];
	s2 =	simm.s32 $0x10  }
0x15: {  	[tilespmem:s3], [sflag:$0x10] =	stream.linear.gather [hbm4b:s0+s3], $0x1900, $0x38;
	[tilespmem:$0x10000] =	vst v63  }
0x16: {  	_ =	swait.ge [sflag:s2], $0x1900  }
0x17: {  	[sflag:s2] =	ssyncset.done $0x0  }
0x18: {  	s6 =	simm.s32 $0x1C00;
	s10 =	rddreg [dreg:$0x6];
	[sflag:s2] =	ssyncadd.s32 $0xFFFFE700  }
0x19: {  	[tilespmem:s6], [sflag:$0x10] =	stream.linear.gather [hbm4b:s10+s3], $0x1900, $0x38;
	[tilespmem:$0x10000] =	vst v63  }
0x1a: {  	_ =	swait.ge [sflag:s2], $0x1900  }
0x1b: {  	p1 =	por $0x0, $0x0;
	[sflag:s2] =	ssyncset.done $0x0  }
0x1c: {  	s0 =	simm.s32 @p1 $0x9;
	[sflag:s2] =	ssyncadd.s32 $0xFFFFE700  }
0x1d: {  	_ =	swait.ge @p1 [sflag:s0], $0x2800  }
0x1e: {  	s8 =	simm.s32 @p1 $0x0;
	s9 =	simm.s32 @p1 $0xB000;
	[sflag:s0] =	ssyncset.done @p1 $0x0  }
0x1f: {  	s2 =	simm.s32 @p1 $0x5;
	s6 =	rddreg [dreg:$0xa];
	[sflag:s0] =	ssyncadd.s32 @p1 $0xFFFFD800  }
0x20: {  	[hbm4b:s6+s8] =	stream.linear.scatter @p1 [tilespmem:s9], [sflag:$0xE], $0x2800, $0x38;
	[tilespmem:$0x10000] =	vst v63  }
0x21: {  	_ =	swait.ge @p1 [sflag:s2], $0x2800  }
0x22: {  	s10 =	simm.s32 @p1 $0x50;
	s0 =	simm.s32 @p1 $0xD800;
	[sflag:s2] =	ssyncset.done @p1 $0x0  }
0x23: {  	s9 =	simm.s32 @p1 $0x1B80;
	[sflag:s2] =	ssyncadd.s32 @p1 $0xFFFFD800;
	s2 =	simm.s32 @p1 $0xB  }
0x24: {  	[tilespmem:s0], [sflag:$0xA] =	stream.indirect.gather.add.f32 @p1 [hbm:s4], $0x80, s9, s10, $0xb8;
	[tilespmem:$0x10000] =	vst v63  }
0x25: {  	_ =	swait.ge @p1 [sflag:s2], $0x2800  }
0x26: {  	s28 =	simm.s32 @p1 $0x3800;
	[sflag:s2] =	ssyncset.done @p1 $0x0  }
0x27: {  	s30 =	simm.s32 @p1 $0xA;
	s9 =	simm.s32 @p1 $0x0;
	[sflag:s2] =	ssyncadd.s32 @p1 $0xFFFFD800  }
0x28: {  	[tilespmem:s28], [sflag:$0x1] =	stream.indirect.gather @p1 [hbm4b:s1+s10], $0x80, s9, s10, $0xb8;
	[tilespmem:$0x10000] =	vst v63  }
0x29: {  	_ =	swait.ge @p1 [sflag:s30], $0x2800  }
0x2a: {  	[sflag:s30] =	ssyncset.done @p1 $0x0  }
0x2b: {  	s2 =	sadd.s32 @p1 $0x500, s6;
	[sflag:s30] =	ssyncadd.s32 @p1 $0xFFFFD800  }
0x2c: {  	[hbm4b:s2+s8] =	stream.linear.scatter @p1 [tilespmem:s0], [sflag:$0xF], $0x2800, $0x38;
	[tilespmem:$0x10000] =	vst v63  }
0x2d: {  	s0 =	simm.s32 @!p1 $0x50;
	s2 =	simm.s32 @!p1 $0x0;
	s8 =	simm.s32 @!p1 $0x3800  }
0x2e: {  	[tilespmem:s8], [sflag:$0x1] =	stream.indirect.gather @!p1 [hbm4b:s1+s0], $0x80, s2, s0, $0xb8;
	[tilespmem:$0x10000] =	vst v63  }
0x2f: {  	s2 =	simm.s32 $0x0;
	_ =	swait.ge [sflag:s14], $0x2800  }
0x30: {  	p0 =	por $0x1, $0x1;
	s2 =	simm.s32 @!p1 $0x0;
	[sflag:s14] =	ssyncset.done $0x0  }
0x31: {  	s8 =	simm.s32 @!p0 $0xC;
	s11 =	sadd.s32 $0x1C00, s2;
	[sflag:s14] =	ssyncadd.s32 $0xFFFFD800  }
0x32: {  	[tilespmem:s16], [sflag:$0x6] =	stream.indirect.gather.add.f32 [hbm:s4], $0x80, s11, s15, $0xb8;
	[tilespmem:$0x10000] =	vst v63  }
0x33: {  	s0 =	simm.s32 $0x1;
	_ =	swait.ge @!p0 [sflag:s8], $0x2800  }
0x34: {  	s0 =	simm.s32 @!p1 $0x1;
	[sflag:s8] =	ssyncset.done @!p0 $0x0  }
0x35: {  	s12 =	sshll.u32 s0, $0x7;
	[sflag:s8] =	ssyncadd.s32 @!p0 $0xFFFFD800  }
0x36: {  	[tilespmem:s17], [sflag:$0x2] =	stream.indirect.gather [hbm4b:s1+s15], $0x80, s12, s15, $0xb8;
	[tilespmem:$0x10000] =	vst v63  }
0x37: {  	_ =	swait.ge [sflag:s18], $0x2800  }
0x38: {  	[sflag:s18] =	ssyncset.done $0x0  }
0x39: {  	s13 =	sadd.s32 $0xA00, s6;
	[sflag:s18] =	ssyncadd.s32 $0xFFFFD800  }
0x3a: {  	[hbm4b:s13+s3] =	stream.linear.scatter [tilespmem:s16], [sflag:$0xB], $0x2800, $0x38;
	[tilespmem:$0x10000] =	vst v63  }
0x3b: {  	_ =	swait.ge [sflag:s19], $0x2800  }
0x3c: {  	[sflag:s19] =	ssyncset.done $0x0  }
0x3d: {  	s9 =	simm.s32 @!p0 $0xD;
	s29 =	sadd.s32 $0x1C00, s12;
	[sflag:s19] =	ssyncadd.s32 $0xFFFFD800  }
0x3e: {  	[tilespmem:s17], [sflag:$0x7] =	stream.indirect.gather.add.f32 [hbm:s4], $0x80, s29, s15, $0xb8;
	[tilespmem:$0x10000] =	vst v63  }
0x3f: {  	_ =	swait.ge @!p0 [sflag:s9], $0x2800  }
0x40: {  	[sflag:s9] =	ssyncset.done @!p0 $0x0  }
0x41: {  	s10 =	simm.s32 $0x100;
	[sflag:s9] =	ssyncadd.s32 @!p0 $0xFFFFD800  }
0x42: {  	[tilespmem:s20], [sflag:$0x3] =	stream.indirect.gather [hbm4b:s1+s15], $0x80, s10, s15, $0xb8;
	[tilespmem:$0x10000] =	vst v63  }
0x43: {  	s0 =	smul.u32 $0x50, s0;
	_ =	swait.ge [sflag:s21], $0x2800  }
0x44: {  	s11 =	rddreg [dreg:$0x4]  }
0x45: {  	s0 =	sadd.s32 s11, s0  }
0x46: {  	[sflag:s21] =	ssyncset.done $0x0;
	s0 =	sshll.u32 s0, $0x4  }
0x47: {  	[sflag:s21] =	ssyncadd.s32 $0xFFFFD800;
	s0 =	sadd.s32 s5, s0  }
0x48: {  	[hbm4b:s0+s3] =	stream.linear.scatter [tilespmem:s17], [sflag:$0xC], $0x2800, $0x38;
	[tilespmem:$0x10000] =	vst v63  }
0x49: {  	_ =	swait.ge [sflag:s22], $0x2800  }
0x4a: {  	[sflag:s22] =	ssyncset.done $0x0  }
0x4b: {  	s8 =	simm.s32 @!p0 $0xE;
	s12 =	simm.s32 $0x1D00;
	[sflag:s22] =	ssyncadd.s32 $0xFFFFD800  }
0x4c: {  	[tilespmem:s20], [sflag:$0x8] =	stream.indirect.gather.add.f32 [hbm:s4], $0x80, s12, s15, $0xb8;
	[tilespmem:$0x10000] =	vst v63  }
0x4d: {  	_ =	swait.ge @!p0 [sflag:s8], $0x2800  }
0x4e: {  	[sflag:s8] =	ssyncset.done @!p0 $0x0  }
0x4f: {  	s13 =	sadd.s32 $0x180, s2;
	[sflag:s8] =	ssyncadd.s32 @!p0 $0xFFFFD800  }
0x50: {  	[tilespmem:s23], [sflag:$0x4] =	stream.indirect.gather [hbm4b:s1+s15], $0x80, s13, s15, $0xb8;
	[tilespmem:$0x10000] =	vst v63  }
0x51: {  	_ =	swait.ge [sflag:s24], $0x2800  }
0x52: {  	[sflag:s24] =	ssyncset.done $0x0  }
0x53: {  	s31 =	simm.s32 $0x280;
	s29 =	sadd.s32 $0x1400, s6;
	[sflag:s24] =	ssyncadd.s32 $0xFFFFD800  }
0x54: {  	[hbm4b:s29+s3] =	stream.linear.scatter [tilespmem:s20], [sflag:$0xD], $0x2800, $0x38;
	[tilespmem:$0x10000] =	vst v63  }
0x55: {  	p2 =	por $0x1, $0x1;
	s28 =	simm.s32 $0xA00;
	_ =	swait.ge [sflag:s25], $0x2800  }
0x56: {  	s30 =	simm.s32 $0x1400;
	s2 =	sadd.s32 $0x1D80, s2;
	[sflag:s25] =	ssyncset.done $0x0  }
0x57: {  	s9 =	sadd.s32 $0x1900, s6;
	s8 =	simm.s32 @!p0 $0xF;
	[sflag:s25] =	ssyncadd.s32 $0xFFFFD800  }
0x58: {  	[tilespmem:s23], [sflag:$0x9] =	stream.indirect.gather.add.f32 [hbm:s4], $0x80, s2, s15, $0xb8;
	[tilespmem:$0x10000] =	vst v63  }
0x59: {  	s10 =	simm.s32 $0x6;
	s0 =	simm.s32 $0x200;
	_ =	swait.ge @!p0 [sflag:s8], $0x2800  }
.LBB2_2:
0x5a: {  	[sflag:s8] =	ssyncset.done @!p0 $0x0  }
0x5b: {  	s13 =	simm.s32 @p2 $0x9;
	[sflag:s8] =	ssyncadd.s32 @!p0 $0xFFFFD800  }
0x5c: {  	[tilespmem:s26], [sflag:$0x5] =	stream.indirect.gather [hbm4b:s1+s15], $0x80, s0, s15, $0xb8;
	[tilespmem:$0x10000] =	vst v63  }
0x5d: {  	_ =	swait.ge @p2 [sflag:s13], $0x2800  }
0x5e: {  	s29 =	simm.s32 @p2 $0xB000;
	[sflag:s13] =	ssyncset.done @p2 $0x0  }
0x5f: {  	s8 =	simm.s32 @p2 $0x0;
	s0 =	simm.s32 @p2 $0x5;
	[sflag:s13] =	ssyncadd.s32 @p2 $0xFFFFD800  }
0x60: {  	[hbm4b:s9+s8] =	stream.linear.scatter @p2 [tilespmem:s29], [sflag:$0xE], $0x2800, $0x38;
	[tilespmem:$0x10000] =	vst v63  }
0x61: {  	s12 =	simm.s32 @p2 $0x50;
	_ =	swait.ge @p2 [sflag:s0], $0x2800  }
0x62: {  	s13 =	sshra.s32 @p2 s28, $0x2;
	s29 =	simm.s32 @p2 $0xD800;
	[sflag:s0] =	ssyncset.done @p2 $0x0  }
0x63: {  	s6 =	sadd.s32 @p2 $0x1B80, s13;
	[sflag:s0] =	ssyncadd.s32 @p2 $0xFFFFD800;
	s0 =	simm.s32 @p2 $0xB  }
0x64: {  	[tilespmem:s29], [sflag:$0xA] =	stream.indirect.gather.add.f32 @p2 [hbm:s4], $0x80, s6, s12, $0xb8;
	[tilespmem:$0x10000] =	vst v63  }
0x65: {  	_ =	swait.ge @p2 [sflag:s0], $0x2800  }
0x66: {  	[sflag:s0] =	ssyncset.done @p2 $0x0  }
0x67: {  	s11 =	simm.s32 @p2 $0xA;
	s6 =	simm.s32 @p2 $0x3800;
	[sflag:s0] =	ssyncadd.s32 @p2 $0xFFFFD800  }
0x68: {  	[tilespmem:s6], [sflag:$0x1] =	stream.indirect.gather @p2 [hbm4b:s1+s12], $0x80, s13, s12, $0xb8;
	[tilespmem:$0x10000] =	vst v63  }
0x69: {  	_ =	swait.ge @p2 [sflag:s11], $0x2800  }
0x6a: {  	[sflag:s11] =	ssyncset.done @p2 $0x0  }
0x6b: {  	s0 =	sadd.s32 @p2 $0x500, s9;
	[sflag:s11] =	ssyncadd.s32 @p2 $0xFFFFD800  }
0x6c: {  	[hbm4b:s0+s8] =	stream.linear.scatter @p2 [tilespmem:s29], [sflag:$0xF], $0x2800, $0x38;
	[tilespmem:$0x10000] =	vst v63  }
0x6d: {  	s6 =	simm.s32 @!p2 $0x0;
	s0 =	simm.s32 @!p2 $0x50;
	s8 =	simm.s32 @!p2 $0x3800  }
0x6e: {  	[tilespmem:s8], [sflag:$0x1] =	stream.indirect.gather @!p2 [hbm4b:s1+s0], $0x80, s6, s0, $0xb8;
	[tilespmem:$0x10000] =	vst v63  }
0x6f: {  	s8 =	smov.u32 s31;
	_ =	swait.ge [sflag:s14], $0x2800  }
0x70: {  	p0 =	seq.s32 s28, $0x0;
	s8 =	simm.s32 @!p2 $0x0;
	[sflag:s14] =	ssyncset.done $0x0  }
0x71: {  	s6 =	simm.s32 @!p0 $0xC;
	s11 =	sadd.s32 $0x1C00, s8;
	[sflag:s14] =	ssyncadd.s32 $0xFFFFD800  }
0x72: {  	[tilespmem:s16], [sflag:$0x6] =	stream.indirect.gather.add.f32 [hbm:s4], $0x80, s11, s15, $0xb8;
	[tilespmem:$0x10000] =	vst v63  }
0x73: {  	s11 =	smov.u32 s10;
	_ =	swait.ge @!p0 [sflag:s6], $0x2800  }
0x74: {  	s11 =	simm.s32 @!p2 $0x1;
	[sflag:s6] =	ssyncset.done @!p0 $0x0  }
0x75: {  	s12 =	sshll.u32 s11, $0x7;
	[sflag:s6] =	ssyncadd.s32 @!p0 $0xFFFFD800  }
0x76: {  	[tilespmem:s17], [sflag:$0x2] =	stream.indirect.gather [hbm4b:s1+s15], $0x80, s12, s15, $0xb8;
	[tilespmem:$0x10000] =	vst v63  }
0x77: {  	_ =	swait.ge [sflag:s18], $0x2800  }
0x78: {  	[sflag:s18] =	ssyncset.done $0x0  }
0x79: {  	s13 =	sadd.s32 $0xA00, s9;
	[sflag:s18] =	ssyncadd.s32 $0xFFFFD800  }
0x7a: {  	[hbm4b:s13+s3] =	stream.linear.scatter [tilespmem:s16], [sflag:$0xB], $0x2800, $0x38;
	[tilespmem:$0x10000] =	vst v63  }
0x7b: {  	_ =	swait.ge [sflag:s19], $0x2800  }
0x7c: {  	[sflag:s19] =	ssyncset.done $0x0  }
0x7d: {  	s0 =	sadd.s32 $0x1C00, s12;
	s6 =	simm.s32 @!p0 $0xD;
	[sflag:s19] =	ssyncadd.s32 $0xFFFFD800  }
0x7e: {  	[tilespmem:s17], [sflag:$0x7] =	stream.indirect.gather.add.f32 [hbm:s4], $0x80, s0, s15, $0xb8;
	[tilespmem:$0x10000] =	vst v63  }
0x7f: {  	_ =	swait.ge @!p0 [sflag:s6], $0x2800  }
0x80: {  	s12 =	sshra.s32 s28, $0x2;
	[sflag:s6] =	ssyncset.done @!p0 $0x0  }
0x81: {  	s29 =	sadd.s32 $0x100, s12;
	[sflag:s6] =	ssyncadd.s32 @!p0 $0xFFFFD800  }
0x82: {  	[tilespmem:s20], [sflag:$0x3] =	stream.indirect.gather [hbm4b:s1+s15], $0x80, s29, s15, $0xb8;
	[tilespmem:$0x10000] =	vst v63  }
0x83: {  	s13 =	smul.u32 $0x50, s11;
	_ =	swait.ge [sflag:s21], $0x2800  }
0x84: {  	s2 =	smov.u32 s30;
	s29 =	rddreg [dreg:$0x4]  }
0x85: {  	s28 =	smov.u32 s2;
	s2 =	sadd.s32 s29, s13  }
0x86: {  	[sflag:s21] =	ssyncset.done $0x0;
	s2 =	sshll.u32 s2, $0x4  }
0x87: {  	[sflag:s21] =	ssyncadd.s32 $0xFFFFD800;
	s2 =	sadd.s32 s5, s2  }
0x88: {  	[hbm4b:s2+s3] =	stream.linear.scatter [tilespmem:s17], [sflag:$0xC], $0x2800, $0x38;
	[tilespmem:$0x10000] =	vst v63  }
0x89: {  	_ =	swait.ge [sflag:s22], $0x2800  }
0x8a: {  	[sflag:s22] =	ssyncset.done $0x0  }
0x8b: {  	s11 =	sadd.s32 $0x1D00, s12;
	s6 =	simm.s32 @!p0 $0xE;
	[sflag:s22] =	ssyncadd.s32 $0xFFFFD800  }
0x8c: {  	[tilespmem:s20], [sflag:$0x8] =	stream.indirect.gather.add.f32 [hbm:s4], $0x80, s11, s15, $0xb8;
	[tilespmem:$0x10000] =	vst v63  }
0x8d: {  	_ =	swait.ge @!p0 [sflag:s6], $0x2800  }
0x8e: {  	[sflag:s6] =	ssyncset.done @!p0 $0x0  }
0x8f: {  	s0 =	sadd.s32 $0x200, s12;
	s12 =	sadd.s32 $0x180, s8;
	[sflag:s6] =	ssyncadd.s32 @!p0 $0xFFFFD800  }
0x90: {  	[tilespmem:s23], [sflag:$0x4] =	stream.indirect.gather [hbm4b:s1+s15], $0x80, s12, s15, $0xb8;
	[tilespmem:$0x10000] =	vst v63  }
0x91: {  	_ =	swait.ge [sflag:s24], $0x2800  }
0x92: {  	s30 =	sadd.s32 $0xA00, s30;
	[sflag:s24] =	ssyncset.done $0x0  }
0x93: {  	p1 =	sne.s32 s30, $0x6400;
	s13 =	sadd.s32 $0x1400, s9;
	[sflag:s24] =	ssyncadd.s32 $0xFFFFD800  }
0x94: {  	[hbm4b:s13+s3] =	stream.linear.scatter [tilespmem:s20], [sflag:$0xD], $0x2800, $0x38;
	[tilespmem:$0x10000] =	vst v63  }
.Ltmp0:
0x95: {  	_ =	swait.ge [sflag:s25], $0x2800;
	(pc) =	sbr.rel @p1 .LBB2_2-.Ltmp0, $4  }
0x96: {  	s31 =	sadd.s32 $0x280, s31;
	s10 =	sadd.s32 $0x5, s10;
	[sflag:s25] =	ssyncset.done $0x0  }
0x97: {  	s29 =	sadd.s32 $0x1D80, s8;
	s8 =	simm.s32 @!p0 $0xF;
	[sflag:s25] =	ssyncadd.s32 $0xFFFFD800  }
0x98: {  	[tilespmem:s23], [sflag:$0x9] =	stream.indirect.gather.add.f32 [hbm:s4], $0x80, s29, s15, $0xb8;
	[tilespmem:$0x10000] =	vst v63  }
0x99: {  	p2 =	sne.s32 s28, $0x0;
	s9 =	sadd.s32 $0x1900, s9;
	_ =	swait.ge @!p0 [sflag:s8], $0x2800  }
0x9a: {  	[sflag:s8] =	ssyncset.done @!p0 $0x0  }
0x9b: {  	s2 =	simm.s32 @p2 $0x9;
	[sflag:s8] =	ssyncadd.s32 @!p0 $0xFFFFD800  }
0x9c: {  	[tilespmem:s26], [sflag:$0x5] =	stream.indirect.gather [hbm4b:s1+s15], $0x80, s0, s15, $0xb8;
	[tilespmem:$0x10000] =	vst v63  }
0x9d: {  	_ =	swait.ge @p2 [sflag:s2], $0x2800  }
0x9e: {  	s6 =	simm.s32 @p2 $0x0;
	[sflag:s2] =	ssyncset.done @p2 $0x0  }
0x9f: {  	s8 =	simm.s32 @p2 $0xB000;
	s0 =	simm.s32 @p2 $0x5;
	[sflag:s2] =	ssyncadd.s32 @p2 $0xFFFFD800  }
0xa0: {  	[hbm4b:s9+s6] =	stream.linear.scatter @p2 [tilespmem:s8], [sflag:$0xE], $0x2800, $0x38;
	[tilespmem:$0x10000] =	vst v63  }
0xa1: {  	_ =	swait.ge @p2 [sflag:s0], $0x2800  }
0xa2: {  	s2 =	sshra.s32 @p2 s28, $0x2;
	s8 =	simm.s32 @p2 $0xD800;
	[sflag:s0] =	ssyncset.done @p2 $0x0  }
0xa3: {  	s11 =	sadd.s32 @p2 $0x1B80, s2;
	[sflag:s0] =	ssyncadd.s32 @p2 $0xFFFFD800;
	s0 =	simm.s32 @p2 $0x50  }
0xa4: {  	[tilespmem:s8], [sflag:$0xA] =	stream.indirect.gather.add.f32 @p2 [hbm:s4], $0x80, s11, s0, $0xb8;
	[tilespmem:$0x10000] =	vst v63  }
0xa5: {  	s11 =	simm.s32 @p2 $0xB  }
0xa6: {  	_ =	swait.ge @p2 [sflag:s11], $0x2800  }
0xa7: {  	[sflag:s11] =	ssyncset.done @p2 $0x0  }
0xa8: {  	[sflag:s11] =	ssyncadd.s32 @p2 $0xFFFFD800;
	s11 =	simm.s32 @p2 $0x3800  }
0xa9: {  	[tilespmem:s11], [sflag:$0x1] =	stream.indirect.gather @p2 [hbm4b:s1+s0], $0x80, s2, s0, $0xb8;
	[tilespmem:$0x10000] =	vst v63  }
0xaa: {  	s0 =	simm.s32 @p2 $0xA  }
0xab: {  	_ =	swait.ge @p2 [sflag:s0], $0x2800  }
0xac: {  	[sflag:s0] =	ssyncset.done @p2 $0x0  }
0xad: {  	[sflag:s0] =	ssyncadd.s32 @p2 $0xFFFFD800;
	s0 =	sadd.s32 @p2 $0x500, s9  }
0xae: {  	[hbm4b:s0+s6] =	stream.linear.scatter @p2 [tilespmem:s8], [sflag:$0xF], $0x2800, $0x38;
	[tilespmem:$0x10000] =	vst v63  }
0xaf: {  	s2 =	simm.s32 @!p2 $0x0;
	s0 =	simm.s32 @!p2 $0x50;
	s6 =	simm.s32 @!p2 $0x3800  }
0xb0: {  	[tilespmem:s6], [sflag:$0x1] =	stream.indirect.gather @!p2 [hbm4b:s1+s0], $0x80, s2, s0, $0xb8;
	[tilespmem:$0x10000] =	vst v63  }
0xb1: {  	_ =	swait.ge [sflag:s14], $0x2800  }
0xb2: {  	s31 =	simm.s32 @!p2 $0x0;
	p0 =	seq.s32 s28, $0x0;
	[sflag:s14] =	ssyncset.done $0x0  }
0xb3: {  	s29 =	sadd.s32 $0x1C00, s31;
	s2 =	simm.s32 @!p0 $0xC;
	[sflag:s14] =	ssyncadd.s32 $0xFFFFD800  }
0xb4: {  	[tilespmem:s16], [sflag:$0x6] =	stream.indirect.gather.add.f32 [hbm:s4], $0x80, s29, s15, $0xb8;
	[tilespmem:$0x10000] =	vst v63  }
0xb5: {  	_ =	swait.ge @!p0 [sflag:s2], $0x2800  }
0xb6: {  	s10 =	simm.s32 @!p2 $0x1;
	[sflag:s2] =	ssyncset.done @!p0 $0x0  }
0xb7: {  	s30 =	sshll.u32 s10, $0x7;
	[sflag:s2] =	ssyncadd.s32 @!p0 $0xFFFFD800  }
0xb8: {  	[tilespmem:s17], [sflag:$0x2] =	stream.indirect.gather [hbm4b:s1+s15], $0x80, s30, s15, $0xb8;
	[tilespmem:$0x10000] =	vst v63  }
0xb9: {  	_ =	swait.ge [sflag:s18], $0x2800  }
0xba: {  	[sflag:s18] =	ssyncset.done $0x0  }
0xbb: {  	s6 =	sadd.s32 $0xA00, s9;
	[sflag:s18] =	ssyncadd.s32 $0xFFFFD800  }
0xbc: {  	[hbm4b:s6+s3] =	stream.linear.scatter [tilespmem:s16], [sflag:$0xB], $0x2800, $0x38;
	[tilespmem:$0x10000] =	vst v63  }
0xbd: {  	_ =	swait.ge [sflag:s19], $0x2800  }
0xbe: {  	[sflag:s19] =	ssyncset.done $0x0  }
0xbf: {  	s0 =	sadd.s32 $0x1C00, s30;
	[sflag:s19] =	ssyncadd.s32 $0xFFFFD800  }
0xc0: {  	[tilespmem:s17], [sflag:$0x7] =	stream.indirect.gather.add.f32 [hbm:s4], $0x80, s0, s15, $0xb8;
	[tilespmem:$0x10000] =	vst v63  }
0xc1: {  	s0 =	simm.s32 @!p0 $0xD  }
0xc2: {  	_ =	swait.ge @!p0 [sflag:s0], $0x2800  }
0xc3: {  	s2 =	sshra.s32 s28, $0x2;
	[sflag:s0] =	ssyncset.done @!p0 $0x0  }
0xc4: {  	s8 =	sadd.s32 $0x100, s2;
	[sflag:s0] =	ssyncadd.s32 @!p0 $0xFFFFD800  }
0xc5: {  	[tilespmem:s20], [sflag:$0x3] =	stream.indirect.gather [hbm4b:s1+s15], $0x80, s8, s15, $0xb8;
	[tilespmem:$0x10000] =	vst v63  }
0xc6: {  	s12 =	smul.u32 $0x50, s10;
	_ =	swait.ge [sflag:s21], $0x2800  }
0xc7: {  	s11 =	rddreg [dreg:$0x4]  }
0xc8: {  	s0 =	sadd.s32 s11, s12  }
0xc9: {  	[sflag:s21] =	ssyncset.done $0x0;
	s0 =	sshll.u32 s0, $0x4  }
0xca: {  	[sflag:s21] =	ssyncadd.s32 $0xFFFFD800;
	s0 =	sadd.s32 s5, s0  }
0xcb: {  	[hbm4b:s0+s3] =	stream.linear.scatter [tilespmem:s17], [sflag:$0xC], $0x2800, $0x38;
	[tilespmem:$0x10000] =	vst v63  }
0xcc: {  	_ =	swait.ge [sflag:s22], $0x2800  }
0xcd: {  	[sflag:s22] =	ssyncset.done $0x0  }
0xce: {  	s13 =	sadd.s32 $0x1D00, s2;
	s0 =	simm.s32 @!p0 $0xE;
	[sflag:s22] =	ssyncadd.s32 $0xFFFFD800  }
0xcf: {  	[tilespmem:s20], [sflag:$0x8] =	stream.indirect.gather.add.f32 [hbm:s4], $0x80, s13, s15, $0xb8;
	[tilespmem:$0x10000] =	vst v63  }
0xd0: {  	_ =	swait.ge @!p0 [sflag:s0], $0x2800  }
0xd1: {  	[sflag:s0] =	ssyncset.done @!p0 $0x0  }
0xd2: {  	s28 =	sadd.s32 $0x180, s31;
	[sflag:s0] =	ssyncadd.s32 @!p0 $0xFFFFD800  }
0xd3: {  	[tilespmem:s23], [sflag:$0x4] =	stream.indirect.gather [hbm4b:s1+s15], $0x80, s28, s15, $0xb8;
	[tilespmem:$0x10000] =	vst v63  }
0xd4: {  	_ =	swait.ge [sflag:s24], $0x2800  }
0xd5: {  	[sflag:s24] =	ssyncset.done $0x0  }
0xd6: {  	s29 =	sadd.s32 $0x1400, s9;
	[sflag:s24] =	ssyncadd.s32 $0xFFFFD800  }
0xd7: {  	[hbm4b:s29+s3] =	stream.linear.scatter [tilespmem:s20], [sflag:$0xD], $0x2800, $0x38;
	[tilespmem:$0x10000] =	vst v63  }
0xd8: {  	_ =	swait.ge [sflag:s25], $0x2800  }
0xd9: {  	[sflag:s25] =	ssyncset.done $0x0  }
0xda: {  	s30 =	sadd.s32 $0x1D80, s31;
	s0 =	simm.s32 @!p0 $0xF;
	[sflag:s25] =	ssyncadd.s32 $0xFFFFD800  }
0xdb: {  	[tilespmem:s23], [sflag:$0x9] =	stream.indirect.gather.add.f32 [hbm:s4], $0x80, s30, s15, $0xb8;
	[tilespmem:$0x10000] =	vst v63  }
0xdc: {  	_ =	swait.ge @!p0 [sflag:s0], $0x2800  }
0xdd: {  	[sflag:s0] =	ssyncset.done @!p0 $0x0  }
0xde: {  	s31 =	sadd.s32 $0x200, s2;
	s2 =	simm.s32 $0x5;
	[sflag:s0] =	ssyncadd.s32 @!p0 $0xFFFFD800  }
0xdf: {  	[tilespmem:s26], [sflag:$0x5] =	stream.indirect.gather [hbm4b:s1+s15], $0x80, s31, s15, $0xb8;
	[tilespmem:$0x10000] =	vst v63  }
0xe0: {  	_ =	swait.ge [sflag:s2], $0x2800  }
0xe1: {  	[sflag:s2] =	ssyncset.done $0x0  }
0xe2: {  	s6 =	simm.s32 $0x3480;
	s8 =	simm.s32 $0x9;
	[sflag:s2] =	ssyncadd.s32 $0xFFFFD800  }
0xe3: {  	[tilespmem:s26], [sflag:$0xA] =	stream.indirect.gather.add.f32 [hbm:s4], $0x80, s6, s15, $0xb8;
	[tilespmem:$0x10000] =	vst v63  }
0xe4: {  	_ =	swait.ge [sflag:s8], $0x2800  }
0xe5: {  	[sflag:s8] =	ssyncset.done $0x0  }
0xe6: {  	s10 =	simm.s32 $0xA;
	s9 =	rddreg [dreg:$0x7];
	[sflag:s8] =	ssyncadd.s32 $0xFFFFD800  }
0xe7: {  	[hbm4b:s9+s3] =	stream.linear.scatter [tilespmem:s23], [sflag:$0xE], $0x2800, $0x38;
	[tilespmem:$0x10000] =	vst v63  }
0xe8: {  	_ =	swait.ge [sflag:s10], $0x2800  }
0xe9: {  	[sflag:s10] =	ssyncset.done $0x0  }
0xea: {  	s12 =	simm.s32 $0xB;
	s11 =	rddreg [dreg:$0x8];
	[sflag:s10] =	ssyncadd.s32 $0xFFFFD800  }
0xeb: {  	[hbm4b:s11+s3] =	stream.linear.scatter [tilespmem:s26], [sflag:$0xF], $0x2800, $0x38;
	[tilespmem:$0x10000] =	vst v63  }
0xec: {  	_ =	swait.ge [sflag:s12], $0x2800  }
0xed: {  	[sflag:s12] =	ssyncset.done $0x0  }
0xee: {  	s13 =	simm.s32 $0xC;
	[sflag:s12] =	ssyncadd.s32 $0xFFFFD800  }
0xef: {  	_ =	swait.ge [sflag:s13], $0x2800  }
0xf0: {  	[sflag:s13] =	ssyncset.done $0x0  }
0xf1: {  	s28 =	simm.s32 $0xD;
	[sflag:s13] =	ssyncadd.s32 $0xFFFFD800  }
0xf2: {  	_ =	swait.ge [sflag:s28], $0x2800  }
0xf3: {  	[sflag:s28] =	ssyncset.done $0x0  }
0xf4: {  	s29 =	simm.s32 $0xE;
	[sflag:s28] =	ssyncadd.s32 $0xFFFFD800  }
0xf5: {  	_ =	swait.ge [sflag:s29], $0x2800  }
0xf6: {  	[sflag:s29] =	ssyncset.done $0x0  }
0xf7: {  	s30 =	simm.s32 $0xF;
	[sflag:s29] =	ssyncadd.s32 $0xFFFFD800  }
0xf8: {  	_ =	swait.ge [sflag:s30], $0x2800  }
0xf9: {  	s7 =	sadd.s32 $0x1, s7;
	s31 =	rddreg [dreg:$0x9]  }
0xfa: {  	p0 =	sne.s32 s7, s31  }
.Ltmp1:
0xfb: {  	_ = 	snop;
	(pc) =	sbr.rel @p0 .LBB2_1-.Ltmp1, $3  }
0xfc: {  	_ =	sdelay $0x1  }
0xfd: {  	[sflag:s30] =	ssyncset.done $0x0  }
0xfe: {  	[sflag:s30] =	ssyncadd.s32 $0xFFFFD800  }
0xff: {  	_ =	sfence.sel $0x180000  }
0x100: {  	[bflag:$0x0] =	sbarrier.arrive $0xFFFF  }
0x101: {  	_ =	strace $0x90000047  }
0x102: {  	s0 =	stileid.u32;
	[bflag:$0x2] =	sbarrier.arrive $0xFFFF  }
0x103: {  	p0 =	sne.s32 s0, $0x0;
	s0 =	rddreg [dreg:$0x3]  }
0x104: {  	s0 =	sadd.s32 @!p0 $0x100000, s0  }
0x105: {  	[sflag:s0] =	ssyncadd.tile.s32 @!p0 $0x1;
	_ =	shalt  }
.Lfunc_end2:
_tile_overlayer_lowered:
.L_overlay_start_2:
0x106: {  	(tag) =	ssettag $0x2  }
0x107: {  	s0 =	rddreg [dreg:$0x0];
	s2 =	stileid.u32  }
0x108: {  	s1 =	rddreg [dreg:$0x1];
	p0 =	sne.s32 s2, $0x0  }
0x109: {  	s3 =	rddreg [dreg:$0x2];
	[bflag:$0x3] =	sbarrier.arrive $0xFFFF;
	s2 =	simm.s32 @!p0 $0x1C10  }
0x10a: {  	[timem:s3], [sflag:s2] =	dma.local @!p0 [hbm:s0], s1  }
0x10b: {  	s0 =	simm.s32 @!p0 $0x10  }
0x10c: {  	_ =	swait.ge @!p0 [sflag:s0], s1  }
0x10d: {  	s1 =	ssub.s32 @!p0 $0x0, s1;
	[sflag:s0] =	ssyncset.done @!p0 $0x0  }
0x10e: {  	[sflag:s0] =	ssyncadd.s32 @!p0 s1  }
0x10f: {  	[bflag:$0x3] =	sbarrier.arrive $0xFFFF  }
0x110: {  	_ =	shalt  }

// kernel: kernel.13.cloned.1.call-start
scs
__scs_entry_jumppad:
0x0: {  	(pc) =	sbr.rel $0x88, $3  }
0x1: {  	(tag) =	ssettag $0x0;
	lr =	simm.s32 $0x1  }
0x2: {  	[smem:$0x3F91] =	sst lr;
	_ =	strace $0xD0000000  }
0x3: {  	_ = 	snop  }
0x4: {  	_ = 	snop  }
0x5: {  	_ = 	snop  }
0x6: {  	_ = 	snop  }
0x7: {  	_ = 	snop  }
__scs_overlays_trampoline_lowered:
0x8: {  	[smem:$0x3FA0] =	sst s0  }
0x9: {  	[smem:$0x3FA1] =	sst s1  }
0xa: {  	[smem:$0x3FA2] =	sst s2  }
0xb: {  	[smem:$0x3FA3] =	sst s3  }
0xc: {  	[smem:$0x3FA4] =	sst s4  }
0xd: {  	[smem:$0x3FA5] =	sst s5  }
0xe: {  	[smem:$0x3FA6] =	sst s6  }
0xf: {  	[smem:$0x3FA7] =	sst s7  }
0x10: {  	[smem:$0x3FA8] =	sst s8  }
0x11: {  	[smem:$0x3FA9] =	sst s9;
	s0 =	simm.s32 @!p0 $0x0  }
0x12: {  	s1 =	sld [smem:$0x3F8F];
	s0 =	simm.s32 @p0 $0x1  }
0x13: {  	[smem:$0x3FAA] =	sst s0;
	s0 =	simm.s32 @!p1 $0x0  }
0x14: {  	s2 =	sld [smem:$0x3F8E];
	s0 =	simm.s32 @p1 $0x1  }
0x15: {  	[smem:$0x3FAB] =	sst s0;
	s0 =	simm.s32 @!p2 $0x0  }
0x16: {  	s3 =	sld [smem:$0x3FDB];
	s0 =	simm.s32 @p2 $0x1  }
0x17: {  	s4 =	simm.s32 $0x1BF5;
	[smem:$0x3FAD] =	sst s0  }
0x18: {  	s0 =	sld [smem:$0x3F90];
	_ =	swait.ge [sflag:s4], $0x0  }
0x19: {  	s7 =	sld [smem:$0x3F91]  }
0x1a: {  	s8 =	sadd.s32 $0xFFFFE003, lr  }
0x1b: {  	s9 =	sadd.s32 $0xFFFFFEF7, lr;
	s5 =	simm.s32 $0xFFFFFFFF;
	p2 =	slt.u32 s8, $0xFFFFF086  }
0x1c: {  	p1 =	slt.u32 s9, $0xF7A;
	s5 =	simm.s32 @!p2 $0x0  }
0x1d: {  	s5 =	simm.s32 @p1 $0x1;
	p0 =	seq.s32 s7, s2  }
0x1e: {  	s7 =	smul.u32 @!p0 $0xF7A, s2;
	p2 =	seq.s32 @!p0 s5, $0x0  }
0x1f: {  	s9 =	smul.u32 $0xF7A, s1;
	s8 =	simm.s32 @!p0 $0x1BF5;
	p2 =	por !p2, p0  }
0x20: {  	[sflag:s8] =	ssyncset.s32 @!p0 $0xFFFFF086;
	s6 =	sadd.s32 @!p0 s3, s7;
	s7 =	simm.s32 @!p0 $0x108  }
0x21: {  	s3 =	sadd.s32 s3, s9;
	s6 =	sadd.s32 @!p0 $0x88, s6;
	s7 =	simm.s32 @p2 $0x1082  }
0x22: {  	[simem:s7], [sflag:s8] =	dma.local @!p0 [hbm:s6], $0xF7A  }
0x23: {  	s9 =	sor.u32 $0xD0000000, s2;
	s6 =	simm.s32 $0x108;
	_ =	swait.ge @!p0 [sflag:s8], $0x0  }
0x24: {  	s3 =	sadd.s32 $0x88, s3;
	s6 =	simm.s32 @!p1 $0x1082;
	[sflag:s4] =	ssyncset.s32 $0xFFFFF086  }
0x25: {  	[simem:s6], [sflag:s4] =	dma.local [hbm:s3], $0xF7A  }
0x26: {  	[smem:$0x3F91] =	sst s1;
	(tag) =	ssettag s2;
	_ =	strace s9  }
0x27: {  	s1 =	sld [smem:$0x3FA1]  }
0x28: {  	s2 =	sld [smem:$0x3FA2]  }
0x29: {  	s4 =	sld [smem:$0x3FA4]  }
0x2a: {  	p0 =	seq.s32 s5, $0x0;
	s5 =	sld [smem:$0x3FA5]  }
0x2b: {  	s6 =	sld [smem:$0x3FA6]  }
0x2c: {  	s7 =	sld [smem:$0x3FA7]  }
0x2d: {  	s3 =	simm.s32 $0x108;
	s8 =	sld [smem:$0x3FA8]  }
0x2e: {  	s3 =	simm.s32 @!p0 $0x1082;
	s9 =	sld [smem:$0x3FA9]  }
0x2f: {  	lr =	sadd.s32 s0, s3;
	s0 =	sld [smem:$0x3FA0]  }
0x30: {  	s3 =	sld [smem:$0x3FA3]  }
0x31: {  	[smem:$0x3FAC] =	sst s10  }
0x32: {  	s10 =	sld [smem:$0x3FAA];
	_ =	sdelay $0x3  }
0x33: {  	p0 =	seq.s32 s10, $0x1;
	s10 =	sld [smem:$0x3FAC];
	_ =	sdelay $0x3  }
0x34: {  	[smem:$0x3FAC] =	sst s10  }
0x35: {  	s10 =	sld [smem:$0x3FAB];
	_ =	sdelay $0x3  }
0x36: {  	p1 =	seq.s32 s10, $0x1;
	s10 =	sld [smem:$0x3FAC];
	_ =	sdelay $0x3  }
0x37: {  	[smem:$0x3FAC] =	sst s10  }
0x38: {  	s10 =	sld [smem:$0x3FAD]  }
0x39: {  	_ = 	snop;
	(pc) =	sbr.ind lr, $3  }
0x3a: {  	_ = 	snop  }
0x3b: {  	_ = 	snop  }
0x3c: {  	p2 =	seq.s32 s10, $0x1;
	s10 =	sld [smem:$0x3FAC]  }
0x3d: {  	_ =	shalt  }
0x3e: {  	_ =	shalt  }
0x3f: {  	_ =	shalt  }
0x40: {  	_ =	shalt  }
0x41: {  	_ =	shalt  }
0x42: {  	_ =	shalt  }
0x43: {  	_ =	shalt  }
0x44: {  	_ =	shalt  }
0x45: {  	_ =	shalt  }
0x46: {  	_ =	shalt  }
0x47: {  	_ =	shalt  }
0x48: {  	_ =	shalt  }
0x49: {  	_ =	shalt  }
0x4a: {  	_ =	shalt  }
0x4b: {  	_ =	shalt  }
0x4c: {  	_ =	shalt  }
0x4d: {  	_ =	shalt  }
0x4e: {  	_ =	shalt  }
0x4f: {  	_ =	shalt  }
0x50: {  	_ =	shalt  }
0x51: {  	_ =	shalt  }
0x52: {  	_ =	shalt  }
0x53: {  	_ =	shalt  }
0x54: {  	_ =	shalt  }
0x55: {  	_ =	shalt  }
0x56: {  	_ =	shalt  }
0x57: {  	_ =	shalt  }
0x58: {  	_ =	shalt  }
0x59: {  	_ =	shalt  }
0x5a: {  	_ =	shalt  }
0x5b: {  	_ =	shalt  }
0x5c: {  	_ =	shalt  }
0x5d: {  	_ =	shalt  }
0x5e: {  	_ =	shalt  }
0x5f: {  	_ =	shalt  }
0x60: {  	_ =	shalt  }
0x61: {  	_ =	shalt  }
0x62: {  	_ =	shalt  }
0x63: {  	_ =	shalt  }
0x64: {  	_ =	shalt  }
0x65: {  	_ =	shalt  }
0x66: {  	_ =	shalt  }
0x67: {  	_ =	shalt  }
0x68: {  	_ =	shalt  }
0x69: {  	_ =	shalt  }
0x6a: {  	_ =	shalt  }
0x6b: {  	_ =	shalt  }
0x6c: {  	_ =	shalt  }
0x6d: {  	_ =	shalt  }
0x6e: {  	_ =	shalt  }
0x6f: {  	_ =	shalt  }
0x70: {  	_ =	shalt  }
0x71: {  	_ =	shalt  }
0x72: {  	_ =	shalt  }
0x73: {  	_ =	shalt  }
0x74: {  	_ =	shalt  }
0x75: {  	_ =	shalt  }
0x76: {  	_ =	shalt  }
0x77: {  	_ =	shalt  }
0x78: {  	_ =	shalt  }
0x79: {  	_ =	shalt  }
0x7a: {  	_ =	shalt  }
0x7b: {  	_ =	shalt  }
0x7c: {  	_ =	shalt  }
0x7d: {  	_ =	shalt  }
0x7e: {  	_ =	shalt  }
0x7f: {  	_ =	shalt  }
0x80: {  	_ =	shalt  }
0x81: {  	_ =	shalt  }
0x82: {  	_ =	shalt  }
0x83: {  	_ =	shalt  }
0x84: {  	_ =	shalt  }
0x85: {  	_ =	shalt  }
0x86: {  	_ =	shalt  }
0x87: {  	_ =	shalt  }
.Lfunc_end0:
.L_simem_size_0:
called_computation.1_lowered:
.L_overlay_start_0:
0x88: {  	s2 =	sld [smem:$0x3FD9]  }
0x89: {  	s3 =	sld [smem:$0x3FFE];
	_ =	sdelay $0x1  }
0x8a: {  	s1 =	srdreg.scid  }
0x8b: {  	s0 =	sand.u32 $0x1, s1  }
0x8c: {  	s15 =	sshll.u32 s0, $0xA;
	s2 =	sadd.s32 s3, s2  }
0x8d: {  	s2 =	sadd.s32 s2, s15  }
0x8e: {  	[smem:$0x3FB8] =	sst s2  }
0x8f: {  	_ = 	snop  }
0x90: {  	s2 =	sld [smem:$0x3FD0];
	_ =	sdelay $0x2  }
0x91: {  	s16 =	simm.s32 $0xB;
	s4 =	simm.s32 $0x10  }
0x92: {  	[smem:s4], [sflag:s16] =	dma.local [hbm:s2], $0x1  }
0x93: {  	_ =	swait.eq [sflag:s16], $0x1  }
0x94: {  	[sflag:s16] =	ssyncset.done $0x0  }
0x95: {  	[sflag:s16] =	ssyncadd.s32 $0xFFFFFFFF  }
0x96: {  	s17 =	sld [smem:$0x10];
	(tm) =	ssettm $0x1  }
0x97: {  	s18 =	sld [smem:$0x3FFB];
	_ =	sdelay $0x3  }
0x98: {  	_ =	strace s18  }
0x99: {  	s2 =	sld [smem:$0x3FFC];
	_ =	sdelay $0x3  }
0x9a: {  	_ =	strace s2  }
0x9b: {  	s2 =	sld [smem:$0x3FFD];
	_ =	sdelay $0x3  }
0x9c: {  	_ =	strace s2  }
0x9d: {  	_ =	strace $0x8FFFFFFF  }
0x9e: {  	s19 =	sld [smem:$0x3FDB];
	_ =	sdelay $0x1  }
0x9f: {  	s20 =	simm.s32 $_scs_section_size  }
0xa0: {  	s5 =	simm.s32 $_size__tile_overlayer_lowered;
	s6 =	simm.s32 $_tile_overlayer_lowered  }
0xa1: {  	s7 =	simm.s32 $0x1BFF;
	s21 =	sshll.u32 s6, $0x1;
	s4 =	sadd.s32 s20, s19  }
0xa2: {  	s22 =	simm.s32 $0x0;
	s5 =	sshll.u32 s5, $0x1;
	s6 =	sadd.s32 s21, s4  }
0xa3: {  	[timem:s22], [sflag:s7] =	dma.local [hbm:s6], s5  }
0xa4: {  	_ =	swait.ge [sflag:s7], s5  }
0xa5: {  	s5 =	ssub.s32 $0x0, s5;
	[sflag:s7] =	ssyncset.done $0x0  }
0xa6: {  	[sflag:s7] =	ssyncadd.s32 s5;
	_ =	sdelay $0x1  }
0xa7: {  	s23 =	simm.s32 $0x1B8B  }
0xa8: {  	_ =	swait.ge [sflag:s23], $0x1  }
0xa9: {  	[sflag:s23] =	ssyncset.done $0x0  }
0xaa: {  	[sflag:s23] =	ssyncadd.s32 $0xFFFFFFFF  }
0xab: {  	s5 =	sld [smem:$0x0]  }
0xac: {  	s6 =	sand.u32 $0xFFFFFFFE, s1  }
0xad: {  	p0 =	sne.s32 s1, s6  }
0xae: {  	s6 =	sshll.u32 @p0 s6, $0xE  }
0xaf: {  	s6 =	sadd.s32 @p0 $0x11B8D, s6;
	s7 =	sshll.u32 @p0 s5, $0x11  }
0xb0: {  	s6 =	sor.u32 @p0 s7, s6  }
0xb1: {  	[sflag:s6] =	ssyncadd.remote.s32 @p0 $0x1;
	_ =	sdelay $0x1  }
0xb2: {  	s6 =	simm.s32 @p0 $0x1B8D  }
0xb3: {  	_ =	swait.eq @p0 [sflag:s6], $0x1  }
0xb4: {  	[sflag:s6] =	ssyncadd.s32 @p0 $0xFFFFFFFF  }
0xb5: {  	s7 =	sshll.u32 @!p0 s1, $0xE  }
0xb6: {  	s7 =	sor.u32 @!p0 $0x4000, s7;
	s6 =	simm.s32 @!p0 $0x1B8D  }
0xb7: {  	s5 =	sshll.u32 @!p0 s5, $0x11;
	s7 =	sadd.s32 @!p0 $0x11B8D, s7;
	_ =	swait.eq @!p0 [sflag:s6], $0x1  }
0xb8: {  	s5 =	sor.u32 @!p0 s5, s7;
	[sflag:s6] =	ssyncadd.s32 @!p0 $0xFFFFFFFF  }
0xb9: {  	s25 =	simm.s32 $0x1B8E;
	s24 =	sld [smem:$0x3FFE];
	[sflag:s5] =	ssyncadd.remote.s32 @!p0 $0x1  }
0xba: {  	s26 =	simm.s32 $execute0_lowered;
	[smem:$0x3FD2] =	sst s25  }
0xbb: {  	s6 =	sshll.u32 s26, $0x1;
	_ =	strace $0x80000049;
	[dreg:$0x1] =	wrdreg $0xFFFFFFFF  }
0xbc: {  	s28 =	simm.s32 $_size_execute0_lowered;
	s4 =	sadd.s32 s4, s6;
	[dreg:$0x0] =	wrdreg $0x0  }
0xbd: {  	s6 =	sshll.u32 s28, $0x1;
	[dreg:$0x2] =	wrdreg s4  }
0xbe: {  	[dreg:$0x3] =	wrdreg s6  }
0xbf: {  	[dreg:$0x4] =	wrdreg $0xC0  }
0xc0: {  	_ =	task [dreg:s22], $0x5FFFF  }
0xc1: {  	[dreg:$0x1] =	wrdreg $0xFFFFFFFF  }
0xc2: {  	[dreg:$0x0] =	wrdreg $0x60  }
0xc3: {  	[dreg:$0x2] =	wrdreg s17  }
0xc4: {  	[dreg:$0x3] =	wrdreg s24  }
0xc5: {  	[dreg:$0x4] =	wrdreg $0x9  }
0xc6: {  	_ =	task.clear_ibuf [dreg:s22], $0x5FFFF;
	_ =	strace $0x90000049  }
0xc7: {  	s29 =	simm.s32 $0x9;
	_ =	strace $0x8000004B  }
0xc8: {  	_ =	swait.ge [sflag:s29], $0x1  }
0xc9: {  	[sflag:s29] =	ssyncadd.s32 $0xFFFFFFFF  }
0xca: {  	_ =	strace $0x9000004B  }
0xcb: {  	_ =	sfence  }
0xcc: {  	s30 =	sld [smem:$0x0];
	_ =	sdelay $0x2  }
0xcd: {  	s31 =	sshll.u32 s1, $0xD;
	s1 =	sshrl.u32 s1, $0x2  }
0xce: {  	s4 =	sand.u32 $0x4000, s31;
	s1 =	sadd.s32 s1, s30  }
0xcf: {  	s0 =	sor.u32 s4, s0;
	s1 =	sshll.u32 s1, $0x11  }
0xd0: {  	s0 =	sor.u32 s1, s0  }
0xd1: {  	s0 =	sadd.s32 $0x8F2B, s0  }
0xd2: {  	[sflag:s0] =	ssyncadd.remote.s32 $0x1  }
0xd3: {  	_ =	sfence.sel $0xFFFF  }
0xd4: {  	[dreg:$0x0] =	wrdreg $0xFFFFFFFF;
	(pc) =	sbr.abs _section_cstart, $3  }
0xd5: {  	[dreg:$0x1] =	wrdreg $0xFFFFFFFF  }
0xd6: {  	_ =	task.clear_ibuf [dreg:s22], $0x2FFFF;
	_ =	strace $0x9FFFFFFF  }
0xd7: {  	(tm) =	ssettm $0x7FFFFFFF  }
tec
execute0_lowered:
.L_overlay_start_1:
0x0: {  	(tag) =	ssettag $0x1  }
0x1: {  	s2 =	rddreg [dreg:$0x0];
	s0 =	srdreg.scid  }
0x2: {  	s10 =	stileid.u32;
	s1 =	rddreg [dreg:$0x1]  }
0x3: {  	s3 =	simm.s32 $0x0;
	s14 =	simm.s32 $0x1;
	s15 =	simm.s32 $0x50  }
0x4: {  	s16 =	simm.s32 $0x5000;
	s17 =	simm.s32 $0x7800;
	s18 =	simm.s32 $0x6  }
0x5: {  	s19 =	simm.s32 $0x2;
	s20 =	simm.s32 $0xA000;
	s21 =	simm.s32 $0x7  }
0x6: {  	s22 =	simm.s32 $0x3;
	s23 =	simm.s32 $0xC800;
	s0 =	sand.u32 $0x1, s0  }
0x7: {  	s4 =	sshll.u32 s10, $0x1;
	[smem:$0x7FF] =	sst s3;
	s28 =	smul.u32 $0x2EE00, s10  }
0x8: {  	s6 =	sor.u32 s0, s4;
	s8 =	ssub.s32 $0x2, s0;
	s0 =	smul.u32 $0x17700, s0  }
0x9: {  	s24 =	simm.s32 $0x8;
	_ =	strace $0x8000004A;
	s5 =	smul.u32 $0x500, s6  }
0xa: {  	s4 =	sadd.s32 $0x10400, s1;
	s9 =	smul.u32 $0x1770, s6;
	s26 =	sshrl.u32 s8, $0x1  }
0xb: {  	s6 =	smul.u32 $0xBB800, s6;
	s7 =	sadd.s32 s5, s1;
	s5 =	sadd.s32 $0x245400, s1  }
0xc: {  	s1 =	ssub.s32 s8, s26;
	[dreg:$0x3] =	wrdreg s9;
	s29 =	sadd.s32 $0x231400, s7  }
0xd: {  	s6 =	sshrl.u32 s6, $0x3;
	s7 =	sadd.s32 $0x23B400, s7;
	[dreg:$0x4] =	wrdreg s29  }
0xe: {  	s6 =	sadd.s32 s5, s6;
	s1 =	smax.u32 s1, $0x1;
	[dreg:$0x5] =	wrdreg s7  }
0xf: {  	s30 =	sadd.s32 s28, s5;
	s31 =	sadd.s32 $0x16D00, s6;
	[dreg:$0x8] =	wrdreg s1  }
0x10: {  	s6 =	sadd.s32 $0x17200, s6;
	s0 =	sadd.s32 s0, s30;
	[dreg:$0x6] =	wrdreg s31  }
0x11: {  	s25 =	simm.s32 $0x4;
	[dreg:$0x7] =	wrdreg s6;
	s0 =	sadd.s32 $0xFFFFF600, s0  }
0x12: {  	s26 =	simm.s32 $0xF000;
	s7 =	simm.s32 $0x0;
	[dreg:$0x9] =	wrdreg s0  }
.LBB2_1:
0x13: {  	s0 =	rddreg [dreg:$0x4];
	s1 =	simm.s32 $0x10  }
0x14: {  	[tilespmem:s3], [sflag:$0x10] =	stream.linear.gather [hbm4b:s0+s3], $0x2580, $0x38;
	[tilespmem:$0x11800] =	vst v63  }
0x15: {  	_ =	swait.ge [sflag:s1], $0x2580  }
0x16: {  	[sflag:s1] =	ssyncset.done $0x0  }
0x17: {  	s6 =	simm.s32 $0x2800;
	s10 =	rddreg [dreg:$0x5];
	[sflag:s1] =	ssyncadd.s32 $0xFFFFDA80  }
0x18: {  	[tilespmem:s6], [sflag:$0x10] =	stream.linear.gather [hbm4b:s10+s3], $0x2580, $0x38;
	[tilespmem:$0x11800] =	vst v63  }
0x19: {  	_ =	swait.ge [sflag:s1], $0x2580  }
0x1a: {  	p1 =	por $0x0, $0x0;
	[sflag:s1] =	ssyncset.done $0x0  }
0x1b: {  	s0 =	simm.s32 @p1 $0x9;
	[sflag:s1] =	ssyncadd.s32 $0xFFFFDA80  }
0x1c: {  	_ =	swait.ge @p1 [sflag:s0], $0x2800  }
0x1d: {  	s8 =	simm.s32 @p1 $0x0;
	s9 =	simm.s32 @p1 $0xC800;
	[sflag:s0] =	ssyncset.done @p1 $0x0  }
0x1e: {  	s1 =	simm.s32 @p1 $0x5;
	s6 =	rddreg [dreg:$0x9];
	[sflag:s0] =	ssyncadd.s32 @p1 $0xFFFFD800  }
0x1f: {  	[hbm4b:s6+s8] =	stream.linear.scatter @p1 [tilespmem:s9], [sflag:$0xE], $0x2800, $0x38;
	[tilespmem:$0x11800] =	vst v63  }
0x20: {  	_ =	swait.ge @p1 [sflag:s1], $0x2800  }
0x21: {  	s10 =	simm.s32 @p1 $0x50;
	s0 =	simm.s32 @p1 $0xF000;
	[sflag:s1] =	ssyncset.done @p1 $0x0  }
0x22: {  	s9 =	simm.s32 @p1 $0x2780;
	[sflag:s1] =	ssyncadd.s32 @p1 $0xFFFFD800;
	s1 =	simm.s32 @p1 $0xB  }
0x23: {  	[tilespmem:s0], [sflag:$0xA] =	stream.indirect.gather.add.f32 @p1 [hbm:s4], $0x80, s9, s10, $0xb8;
	[tilespmem:$0x11800] =	vst v63  }
0x24: {  	_ =	swait.ge @p1 [sflag:s1], $0x2800  }
0x25: {  	s28 =	simm.s32 @p1 $0x5000;
	[sflag:s1] =	ssyncset.done @p1 $0x0  }
0x26: {  	s30 =	simm.s32 @p1 $0xA;
	s9 =	simm.s32 @p1 $0x0;
	[sflag:s1] =	ssyncadd.s32 @p1 $0xFFFFD800  }
0x27: {  	[tilespmem:s28], [sflag:$0x1] =	stream.indirect.gather @p1 [hbm4b:s2+s10], $0x80, s9, s10, $0xb8;
	[tilespmem:$0x11800] =	vst v63  }
0x28: {  	_ =	swait.ge @p1 [sflag:s30], $0x2800  }
0x29: {  	[sflag:s30] =	ssyncset.done @p1 $0x0  }
0x2a: {  	s1 =	sadd.s32 @p1 $0x500, s6;
	[sflag:s30] =	ssyncadd.s32 @p1 $0xFFFFD800  }
0x2b: {  	[hbm4b:s1+s8] =	stream.linear.scatter @p1 [tilespmem:s0], [sflag:$0xF], $0x2800, $0x38;
	[tilespmem:$0x11800] =	vst v63  }
0x2c: {  	s0 =	simm.s32 @!p1 $0x50;
	s1 =	simm.s32 @!p1 $0x0;
	s8 =	simm.s32 @!p1 $0x5000  }
0x2d: {  	[tilespmem:s8], [sflag:$0x1] =	stream.indirect.gather @!p1 [hbm4b:s2+s0], $0x80, s1, s0, $0xb8;
	[tilespmem:$0x11800] =	vst v63  }
0x2e: {  	s1 =	simm.s32 $0x0;
	_ =	swait.ge [sflag:s14], $0x2800  }
0x2f: {  	p0 =	por $0x1, $0x1;
	s1 =	simm.s32 @!p1 $0x0;
	[sflag:s14] =	ssyncset.done $0x0  }
0x30: {  	s8 =	simm.s32 @!p0 $0xC;
	s11 =	sadd.s32 $0x2800, s1;
	[sflag:s14] =	ssyncadd.s32 $0xFFFFD800  }
0x31: {  	[tilespmem:s16], [sflag:$0x6] =	stream.indirect.gather.add.f32 [hbm:s4], $0x80, s11, s15, $0xb8;
	[tilespmem:$0x11800] =	vst v63  }
0x32: {  	s0 =	simm.s32 $0x1;
	_ =	swait.ge @!p0 [sflag:s8], $0x2800  }
0x33: {  	s0 =	simm.s32 @!p1 $0x1;
	[sflag:s8] =	ssyncset.done @!p0 $0x0  }
0x34: {  	s12 =	sshll.u32 s0, $0x7;
	[sflag:s8] =	ssyncadd.s32 @!p0 $0xFFFFD800  }
0x35: {  	[tilespmem:s17], [sflag:$0x2] =	stream.indirect.gather [hbm4b:s2+s15], $0x80, s12, s15, $0xb8;
	[tilespmem:$0x11800] =	vst v63  }
0x36: {  	_ =	swait.ge [sflag:s18], $0x2800  }
0x37: {  	[sflag:s18] =	ssyncset.done $0x0  }
0x38: {  	s13 =	sadd.s32 $0xA00, s6;
	[sflag:s18] =	ssyncadd.s32 $0xFFFFD800  }
0x39: {  	[hbm4b:s13+s3] =	stream.linear.scatter [tilespmem:s16], [sflag:$0xB], $0x2800, $0x38;
	[tilespmem:$0x11800] =	vst v63  }
0x3a: {  	_ =	swait.ge [sflag:s19], $0x2800  }
0x3b: {  	[sflag:s19] =	ssyncset.done $0x0  }
0x3c: {  	s9 =	simm.s32 @!p0 $0xD;
	s29 =	sadd.s32 $0x2800, s12;
	[sflag:s19] =	ssyncadd.s32 $0xFFFFD800  }
0x3d: {  	[tilespmem:s17], [sflag:$0x7] =	stream.indirect.gather.add.f32 [hbm:s4], $0x80, s29, s15, $0xb8;
	[tilespmem:$0x11800] =	vst v63  }
0x3e: {  	_ =	swait.ge @!p0 [sflag:s9], $0x2800  }
0x3f: {  	[sflag:s9] =	ssyncset.done @!p0 $0x0  }
0x40: {  	s10 =	simm.s32 $0x100;
	[sflag:s9] =	ssyncadd.s32 @!p0 $0xFFFFD800  }
0x41: {  	[tilespmem:s20], [sflag:$0x3] =	stream.indirect.gather [hbm4b:s2+s15], $0x80, s10, s15, $0xb8;
	[tilespmem:$0x11800] =	vst v63  }
0x42: {  	s0 =	smul.u32 $0x50, s0;
	_ =	swait.ge [sflag:s21], $0x2800  }
0x43: {  	s11 =	rddreg [dreg:$0x3]  }
0x44: {  	s0 =	sadd.s32 s11, s0  }
0x45: {  	[sflag:s21] =	ssyncset.done $0x0;
	s0 =	sshll.u32 s0, $0x4  }
0x46: {  	[sflag:s21] =	ssyncadd.s32 $0xFFFFD800;
	s0 =	sadd.s32 s5, s0  }
0x47: {  	[hbm4b:s0+s3] =	stream.linear.scatter [tilespmem:s17], [sflag:$0xC], $0x2800, $0x38;
	[tilespmem:$0x11800] =	vst v63  }
0x48: {  	_ =	swait.ge [sflag:s22], $0x2800  }
0x49: {  	[sflag:s22] =	ssyncset.done $0x0  }
0x4a: {  	s8 =	simm.s32 @!p0 $0xE;
	s12 =	simm.s32 $0x2900;
	[sflag:s22] =	ssyncadd.s32 $0xFFFFD800  }
0x4b: {  	[tilespmem:s20], [sflag:$0x8] =	stream.indirect.gather.add.f32 [hbm:s4], $0x80, s12, s15, $0xb8;
	[tilespmem:$0x11800] =	vst v63  }
0x4c: {  	_ =	swait.ge @!p0 [sflag:s8], $0x2800  }
0x4d: {  	[sflag:s8] =	ssyncset.done @!p0 $0x0  }
0x4e: {  	s13 =	sadd.s32 $0x180, s1;
	[sflag:s8] =	ssyncadd.s32 @!p0 $0xFFFFD800  }
0x4f: {  	[tilespmem:s23], [sflag:$0x4] =	stream.indirect.gather [hbm4b:s2+s15], $0x80, s13, s15, $0xb8;
	[tilespmem:$0x11800] =	vst v63  }
0x50: {  	_ =	swait.ge [sflag:s24], $0x2800  }
0x51: {  	[sflag:s24] =	ssyncset.done $0x0  }
0x52: {  	s31 =	simm.s32 $0x280;
	s29 =	sadd.s32 $0x1400, s6;
	[sflag:s24] =	ssyncadd.s32 $0xFFFFD800  }
0x53: {  	[hbm4b:s29+s3] =	stream.linear.scatter [tilespmem:s20], [sflag:$0xD], $0x2800, $0x38;
	[tilespmem:$0x11800] =	vst v63  }
0x54: {  	p2 =	por $0x1, $0x1;
	s28 =	simm.s32 $0xA00;
	_ =	swait.ge [sflag:s25], $0x2800  }
0x55: {  	s30 =	simm.s32 $0x1400;
	s1 =	sadd.s32 $0x2980, s1;
	[sflag:s25] =	ssyncset.done $0x0  }
0x56: {  	s9 =	sadd.s32 $0x1900, s6;
	s8 =	simm.s32 @!p0 $0xF;
	[sflag:s25] =	ssyncadd.s32 $0xFFFFD800  }
0x57: {  	[tilespmem:s23], [sflag:$0x9] =	stream.indirect.gather.add.f32 [hbm:s4], $0x80, s1, s15, $0xb8;
	[tilespmem:$0x11800] =	vst v63  }
0x58: {  	s10 =	simm.s32 $0x6;
	s0 =	simm.s32 $0x200;
	_ =	swait.ge @!p0 [sflag:s8], $0x2800  }
.LBB2_2:
0x59: {  	[sflag:s8] =	ssyncset.done @!p0 $0x0  }
0x5a: {  	s13 =	simm.s32 @p2 $0x9;
	[sflag:s8] =	ssyncadd.s32 @!p0 $0xFFFFD800  }
0x5b: {  	[tilespmem:s26], [sflag:$0x5] =	stream.indirect.gather [hbm4b:s2+s15], $0x80, s0, s15, $0xb8;
	[tilespmem:$0x11800] =	vst v63  }
0x5c: {  	_ =	swait.ge @p2 [sflag:s13], $0x2800  }
0x5d: {  	s29 =	simm.s32 @p2 $0xC800;
	[sflag:s13] =	ssyncset.done @p2 $0x0  }
0x5e: {  	s8 =	simm.s32 @p2 $0x0;
	s0 =	simm.s32 @p2 $0x5;
	[sflag:s13] =	ssyncadd.s32 @p2 $0xFFFFD800  }
0x5f: {  	[hbm4b:s9+s8] =	stream.linear.scatter @p2 [tilespmem:s29], [sflag:$0xE], $0x2800, $0x38;
	[tilespmem:$0x11800] =	vst v63  }
0x60: {  	s12 =	simm.s32 @p2 $0x50;
	_ =	swait.ge @p2 [sflag:s0], $0x2800  }
0x61: {  	s13 =	sshra.s32 @p2 s28, $0x2;
	s29 =	simm.s32 @p2 $0xF000;
	[sflag:s0] =	ssyncset.done @p2 $0x0  }
0x62: {  	s6 =	sadd.s32 @p2 $0x2780, s13;
	[sflag:s0] =	ssyncadd.s32 @p2 $0xFFFFD800;
	s0 =	simm.s32 @p2 $0xB  }
0x63: {  	[tilespmem:s29], [sflag:$0xA] =	stream.indirect.gather.add.f32 @p2 [hbm:s4], $0x80, s6, s12, $0xb8;
	[tilespmem:$0x11800] =	vst v63  }
0x64: {  	_ =	swait.ge @p2 [sflag:s0], $0x2800  }
0x65: {  	[sflag:s0] =	ssyncset.done @p2 $0x0  }
0x66: {  	s11 =	simm.s32 @p2 $0xA;
	s6 =	simm.s32 @p2 $0x5000;
	[sflag:s0] =	ssyncadd.s32 @p2 $0xFFFFD800  }
0x67: {  	[tilespmem:s6], [sflag:$0x1] =	stream.indirect.gather @p2 [hbm4b:s2+s12], $0x80, s13, s12, $0xb8;
	[tilespmem:$0x11800] =	vst v63  }
0x68: {  	_ =	swait.ge @p2 [sflag:s11], $0x2800  }
0x69: {  	[sflag:s11] =	ssyncset.done @p2 $0x0  }
0x6a: {  	s0 =	sadd.s32 @p2 $0x500, s9;
	[sflag:s11] =	ssyncadd.s32 @p2 $0xFFFFD800  }
0x6b: {  	[hbm4b:s0+s8] =	stream.linear.scatter @p2 [tilespmem:s29], [sflag:$0xF], $0x2800, $0x38;
	[tilespmem:$0x11800] =	vst v63  }
0x6c: {  	s6 =	simm.s32 @!p2 $0x0;
	s0 =	simm.s32 @!p2 $0x50;
	s8 =	simm.s32 @!p2 $0x5000  }
0x6d: {  	[tilespmem:s8], [sflag:$0x1] =	stream.indirect.gather @!p2 [hbm4b:s2+s0], $0x80, s6, s0, $0xb8;
	[tilespmem:$0x11800] =	vst v63  }
0x6e: {  	s8 =	smov.u32 s31;
	_ =	swait.ge [sflag:s14], $0x2800  }
0x6f: {  	p0 =	seq.s32 s28, $0x0;
	s8 =	simm.s32 @!p2 $0x0;
	[sflag:s14] =	ssyncset.done $0x0  }
0x70: {  	s6 =	simm.s32 @!p0 $0xC;
	s11 =	sadd.s32 $0x2800, s8;
	[sflag:s14] =	ssyncadd.s32 $0xFFFFD800  }
0x71: {  	[tilespmem:s16], [sflag:$0x6] =	stream.indirect.gather.add.f32 [hbm:s4], $0x80, s11, s15, $0xb8;
	[tilespmem:$0x11800] =	vst v63  }
0x72: {  	s11 =	smov.u32 s10;
	_ =	swait.ge @!p0 [sflag:s6], $0x2800  }
0x73: {  	s11 =	simm.s32 @!p2 $0x1;
	[sflag:s6] =	ssyncset.done @!p0 $0x0  }
0x74: {  	s12 =	sshll.u32 s11, $0x7;
	[sflag:s6] =	ssyncadd.s32 @!p0 $0xFFFFD800  }
0x75: {  	[tilespmem:s17], [sflag:$0x2] =	stream.indirect.gather [hbm4b:s2+s15], $0x80, s12, s15, $0xb8;
	[tilespmem:$0x11800] =	vst v63  }
0x76: {  	_ =	swait.ge [sflag:s18], $0x2800  }
0x77: {  	[sflag:s18] =	ssyncset.done $0x0  }
0x78: {  	s13 =	sadd.s32 $0xA00, s9;
	[sflag:s18] =	ssyncadd.s32 $0xFFFFD800  }
0x79: {  	[hbm4b:s13+s3] =	stream.linear.scatter [tilespmem:s16], [sflag:$0xB], $0x2800, $0x38;
	[tilespmem:$0x11800] =	vst v63  }
0x7a: {  	_ =	swait.ge [sflag:s19], $0x2800  }
0x7b: {  	[sflag:s19] =	ssyncset.done $0x0  }
0x7c: {  	s0 =	sadd.s32 $0x2800, s12;
	s6 =	simm.s32 @!p0 $0xD;
	[sflag:s19] =	ssyncadd.s32 $0xFFFFD800  }
0x7d: {  	[tilespmem:s17], [sflag:$0x7] =	stream.indirect.gather.add.f32 [hbm:s4], $0x80, s0, s15, $0xb8;
	[tilespmem:$0x11800] =	vst v63  }
0x7e: {  	_ =	swait.ge @!p0 [sflag:s6], $0x2800  }
0x7f: {  	s12 =	sshra.s32 s28, $0x2;
	[sflag:s6] =	ssyncset.done @!p0 $0x0  }
0x80: {  	s29 =	sadd.s32 $0x100, s12;
	[sflag:s6] =	ssyncadd.s32 @!p0 $0xFFFFD800  }
0x81: {  	[tilespmem:s20], [sflag:$0x3] =	stream.indirect.gather [hbm4b:s2+s15], $0x80, s29, s15, $0xb8;
	[tilespmem:$0x11800] =	vst v63  }
0x82: {  	s13 =	smul.u32 $0x50, s11;
	_ =	swait.ge [sflag:s21], $0x2800  }
0x83: {  	s1 =	smov.u32 s30;
	s29 =	rddreg [dreg:$0x3]  }
0x84: {  	s28 =	smov.u32 s1;
	s1 =	sadd.s32 s29, s13  }
0x85: {  	[sflag:s21] =	ssyncset.done $0x0;
	s1 =	sshll.u32 s1, $0x4  }
0x86: {  	[sflag:s21] =	ssyncadd.s32 $0xFFFFD800;
	s1 =	sadd.s32 s5, s1  }
0x87: {  	[hbm4b:s1+s3] =	stream.linear.scatter [tilespmem:s17], [sflag:$0xC], $0x2800, $0x38;
	[tilespmem:$0x11800] =	vst v63  }
0x88: {  	_ =	swait.ge [sflag:s22], $0x2800  }
0x89: {  	[sflag:s22] =	ssyncset.done $0x0  }
0x8a: {  	s11 =	sadd.s32 $0x2900, s12;
	s6 =	simm.s32 @!p0 $0xE;
	[sflag:s22] =	ssyncadd.s32 $0xFFFFD800  }
0x8b: {  	[tilespmem:s20], [sflag:$0x8] =	stream.indirect.gather.add.f32 [hbm:s4], $0x80, s11, s15, $0xb8;
	[tilespmem:$0x11800] =	vst v63  }
0x8c: {  	_ =	swait.ge @!p0 [sflag:s6], $0x2800  }
0x8d: {  	[sflag:s6] =	ssyncset.done @!p0 $0x0  }
0x8e: {  	s0 =	sadd.s32 $0x200, s12;
	s12 =	sadd.s32 $0x180, s8;
	[sflag:s6] =	ssyncadd.s32 @!p0 $0xFFFFD800  }
0x8f: {  	[tilespmem:s23], [sflag:$0x4] =	stream.indirect.gather [hbm4b:s2+s15], $0x80, s12, s15, $0xb8;
	[tilespmem:$0x11800] =	vst v63  }
0x90: {  	_ =	swait.ge [sflag:s24], $0x2800  }
0x91: {  	s30 =	sadd.s32 $0xA00, s30;
	[sflag:s24] =	ssyncset.done $0x0  }
0x92: {  	p1 =	sne.s32 s30, $0x9600;
	s13 =	sadd.s32 $0x1400, s9;
	[sflag:s24] =	ssyncadd.s32 $0xFFFFD800  }
0x93: {  	[hbm4b:s13+s3] =	stream.linear.scatter [tilespmem:s20], [sflag:$0xD], $0x2800, $0x38;
	[tilespmem:$0x11800] =	vst v63  }
.Ltmp0:
0x94: {  	_ =	swait.ge [sflag:s25], $0x2800;
	(pc) =	sbr.rel @p1 .LBB2_2-.Ltmp0, $4  }
0x95: {  	s31 =	sadd.s32 $0x280, s31;
	s10 =	sadd.s32 $0x5, s10;
	[sflag:s25] =	ssyncset.done $0x0  }
0x96: {  	s29 =	sadd.s32 $0x2980, s8;
	s8 =	simm.s32 @!p0 $0xF;
	[sflag:s25] =	ssyncadd.s32 $0xFFFFD800  }
0x97: {  	[tilespmem:s23], [sflag:$0x9] =	stream.indirect.gather.add.f32 [hbm:s4], $0x80, s29, s15, $0xb8;
	[tilespmem:$0x11800] =	vst v63  }
0x98: {  	p2 =	sne.s32 s28, $0x0;
	s9 =	sadd.s32 $0x1900, s9;
	_ =	swait.ge @!p0 [sflag:s8], $0x2800  }
0x99: {  	[sflag:s8] =	ssyncset.done @!p0 $0x0  }
0x9a: {  	s1 =	simm.s32 @p2 $0x9;
	[sflag:s8] =	ssyncadd.s32 @!p0 $0xFFFFD800  }
0x9b: {  	[tilespmem:s26], [sflag:$0x5] =	stream.indirect.gather [hbm4b:s2+s15], $0x80, s0, s15, $0xb8;
	[tilespmem:$0x11800] =	vst v63  }
0x9c: {  	_ =	swait.ge @p2 [sflag:s1], $0x2800  }
0x9d: {  	s6 =	simm.s32 @p2 $0x0;
	[sflag:s1] =	ssyncset.done @p2 $0x0  }
0x9e: {  	s8 =	simm.s32 @p2 $0xC800;
	s0 =	simm.s32 @p2 $0x5;
	[sflag:s1] =	ssyncadd.s32 @p2 $0xFFFFD800  }
0x9f: {  	[hbm4b:s9+s6] =	stream.linear.scatter @p2 [tilespmem:s8], [sflag:$0xE], $0x2800, $0x38;
	[tilespmem:$0x11800] =	vst v63  }
0xa0: {  	_ =	swait.ge @p2 [sflag:s0], $0x2800  }
0xa1: {  	s1 =	sshra.s32 @p2 s28, $0x2;
	s8 =	simm.s32 @p2 $0xF000;
	[sflag:s0] =	ssyncset.done @p2 $0x0  }
0xa2: {  	s11 =	sadd.s32 @p2 $0x2780, s1;
	[sflag:s0] =	ssyncadd.s32 @p2 $0xFFFFD800;
	s0 =	simm.s32 @p2 $0x50  }
0xa3: {  	[tilespmem:s8], [sflag:$0xA] =	stream.indirect.gather.add.f32 @p2 [hbm:s4], $0x80, s11, s0, $0xb8;
	[tilespmem:$0x11800] =	vst v63  }
0xa4: {  	s11 =	simm.s32 @p2 $0xB  }
0xa5: {  	_ =	swait.ge @p2 [sflag:s11], $0x2800  }
0xa6: {  	[sflag:s11] =	ssyncset.done @p2 $0x0  }
0xa7: {  	[sflag:s11] =	ssyncadd.s32 @p2 $0xFFFFD800;
	s11 =	simm.s32 @p2 $0x5000  }
0xa8: {  	[tilespmem:s11], [sflag:$0x1] =	stream.indirect.gather @p2 [hbm4b:s2+s0], $0x80, s1, s0, $0xb8;
	[tilespmem:$0x11800] =	vst v63  }
0xa9: {  	s0 =	simm.s32 @p2 $0xA  }
0xaa: {  	_ =	swait.ge @p2 [sflag:s0], $0x2800  }
0xab: {  	[sflag:s0] =	ssyncset.done @p2 $0x0  }
0xac: {  	[sflag:s0] =	ssyncadd.s32 @p2 $0xFFFFD800;
	s0 =	sadd.s32 @p2 $0x500, s9  }
0xad: {  	[hbm4b:s0+s6] =	stream.linear.scatter @p2 [tilespmem:s8], [sflag:$0xF], $0x2800, $0x38;
	[tilespmem:$0x11800] =	vst v63  }
0xae: {  	s1 =	simm.s32 @!p2 $0x0;
	s0 =	simm.s32 @!p2 $0x50;
	s6 =	simm.s32 @!p2 $0x5000  }
0xaf: {  	[tilespmem:s6], [sflag:$0x1] =	stream.indirect.gather @!p2 [hbm4b:s2+s0], $0x80, s1, s0, $0xb8;
	[tilespmem:$0x11800] =	vst v63  }
0xb0: {  	_ =	swait.ge [sflag:s14], $0x2800  }
0xb1: {  	s31 =	simm.s32 @!p2 $0x0;
	p0 =	seq.s32 s28, $0x0;
	[sflag:s14] =	ssyncset.done $0x0  }
0xb2: {  	s29 =	sadd.s32 $0x2800, s31;
	s1 =	simm.s32 @!p0 $0xC;
	[sflag:s14] =	ssyncadd.s32 $0xFFFFD800  }
0xb3: {  	[tilespmem:s16], [sflag:$0x6] =	stream.indirect.gather.add.f32 [hbm:s4], $0x80, s29, s15, $0xb8;
	[tilespmem:$0x11800] =	vst v63  }
0xb4: {  	_ =	swait.ge @!p0 [sflag:s1], $0x2800  }
0xb5: {  	s10 =	simm.s32 @!p2 $0x1;
	[sflag:s1] =	ssyncset.done @!p0 $0x0  }
0xb6: {  	s30 =	sshll.u32 s10, $0x7;
	[sflag:s1] =	ssyncadd.s32 @!p0 $0xFFFFD800  }
0xb7: {  	[tilespmem:s17], [sflag:$0x2] =	stream.indirect.gather [hbm4b:s2+s15], $0x80, s30, s15, $0xb8;
	[tilespmem:$0x11800] =	vst v63  }
0xb8: {  	_ =	swait.ge [sflag:s18], $0x2800  }
0xb9: {  	[sflag:s18] =	ssyncset.done $0x0  }
0xba: {  	s6 =	sadd.s32 $0xA00, s9;
	[sflag:s18] =	ssyncadd.s32 $0xFFFFD800  }
0xbb: {  	[hbm4b:s6+s3] =	stream.linear.scatter [tilespmem:s16], [sflag:$0xB], $0x2800, $0x38;
	[tilespmem:$0x11800] =	vst v63  }
0xbc: {  	_ =	swait.ge [sflag:s19], $0x2800  }
0xbd: {  	[sflag:s19] =	ssyncset.done $0x0  }
0xbe: {  	s0 =	sadd.s32 $0x2800, s30;
	[sflag:s19] =	ssyncadd.s32 $0xFFFFD800  }
0xbf: {  	[tilespmem:s17], [sflag:$0x7] =	stream.indirect.gather.add.f32 [hbm:s4], $0x80, s0, s15, $0xb8;
	[tilespmem:$0x11800] =	vst v63  }
0xc0: {  	s0 =	simm.s32 @!p0 $0xD  }
0xc1: {  	_ =	swait.ge @!p0 [sflag:s0], $0x2800  }
0xc2: {  	s1 =	sshra.s32 s28, $0x2;
	[sflag:s0] =	ssyncset.done @!p0 $0x0  }
0xc3: {  	s8 =	sadd.s32 $0x100, s1;
	[sflag:s0] =	ssyncadd.s32 @!p0 $0xFFFFD800  }
0xc4: {  	[tilespmem:s20], [sflag:$0x3] =	stream.indirect.gather [hbm4b:s2+s15], $0x80, s8, s15, $0xb8;
	[tilespmem:$0x11800] =	vst v63  }
0xc5: {  	s12 =	smul.u32 $0x50, s10;
	_ =	swait.ge [sflag:s21], $0x2800  }
0xc6: {  	s11 =	rddreg [dreg:$0x3]  }
0xc7: {  	s0 =	sadd.s32 s11, s12  }
0xc8: {  	[sflag:s21] =	ssyncset.done $0x0;
	s0 =	sshll.u32 s0, $0x4  }
0xc9: {  	[sflag:s21] =	ssyncadd.s32 $0xFFFFD800;
	s0 =	sadd.s32 s5, s0  }
0xca: {  	[hbm4b:s0+s3] =	stream.linear.scatter [tilespmem:s17], [sflag:$0xC], $0x2800, $0x38;
	[tilespmem:$0x11800] =	vst v63  }
0xcb: {  	_ =	swait.ge [sflag:s22], $0x2800  }
0xcc: {  	[sflag:s22] =	ssyncset.done $0x0  }
0xcd: {  	s13 =	sadd.s32 $0x2900, s1;
	s0 =	simm.s32 @!p0 $0xE;
	[sflag:s22] =	ssyncadd.s32 $0xFFFFD800  }
0xce: {  	[tilespmem:s20], [sflag:$0x8] =	stream.indirect.gather.add.f32 [hbm:s4], $0x80, s13, s15, $0xb8;
	[tilespmem:$0x11800] =	vst v63  }
0xcf: {  	_ =	swait.ge @!p0 [sflag:s0], $0x2800  }
0xd0: {  	[sflag:s0] =	ssyncset.done @!p0 $0x0  }
0xd1: {  	s28 =	sadd.s32 $0x180, s31;
	[sflag:s0] =	ssyncadd.s32 @!p0 $0xFFFFD800  }
0xd2: {  	[tilespmem:s23], [sflag:$0x4] =	stream.indirect.gather [hbm4b:s2+s15], $0x80, s28, s15, $0xb8;
	[tilespmem:$0x11800] =	vst v63  }
0xd3: {  	_ =	swait.ge [sflag:s24], $0x2800  }
0xd4: {  	[sflag:s24] =	ssyncset.done $0x0  }
0xd5: {  	s29 =	sadd.s32 $0x1400, s9;
	[sflag:s24] =	ssyncadd.s32 $0xFFFFD800  }
0xd6: {  	[hbm4b:s29+s3] =	stream.linear.scatter [tilespmem:s20], [sflag:$0xD], $0x2800, $0x38;
	[tilespmem:$0x11800] =	vst v63  }
0xd7: {  	_ =	swait.ge [sflag:s25], $0x2800  }
0xd8: {  	[sflag:s25] =	ssyncset.done $0x0  }
0xd9: {  	s30 =	sadd.s32 $0x2980, s31;
	s0 =	simm.s32 @!p0 $0xF;
	[sflag:s25] =	ssyncadd.s32 $0xFFFFD800  }
0xda: {  	[tilespmem:s23], [sflag:$0x9] =	stream.indirect.gather.add.f32 [hbm:s4], $0x80, s30, s15, $0xb8;
	[tilespmem:$0x11800] =	vst v63  }
0xdb: {  	_ =	swait.ge @!p0 [sflag:s0], $0x2800  }
0xdc: {  	[sflag:s0] =	ssyncset.done @!p0 $0x0  }
0xdd: {  	s31 =	sadd.s32 $0x200, s1;
	s1 =	simm.s32 $0x5;
	[sflag:s0] =	ssyncadd.s32 @!p0 $0xFFFFD800  }
0xde: {  	[tilespmem:s26], [sflag:$0x5] =	stream.indirect.gather [hbm4b:s2+s15], $0x80, s31, s15, $0xb8;
	[tilespmem:$0x11800] =	vst v63  }
0xdf: {  	_ =	swait.ge [sflag:s1], $0x2800  }
0xe0: {  	[sflag:s1] =	ssyncset.done $0x0  }
0xe1: {  	s6 =	simm.s32 $0x4D00;
	s8 =	simm.s32 $0x9;
	[sflag:s1] =	ssyncadd.s32 $0xFFFFD800  }
0xe2: {  	[tilespmem:s26], [sflag:$0xA] =	stream.indirect.gather.add.f32 [hbm:s4], $0x80, s6, s15, $0xb8;
	[tilespmem:$0x11800] =	vst v63  }
0xe3: {  	_ =	swait.ge [sflag:s8], $0x2800  }
0xe4: {  	[sflag:s8] =	ssyncset.done $0x0  }
0xe5: {  	s10 =	simm.s32 $0xA;
	s9 =	rddreg [dreg:$0x6];
	[sflag:s8] =	ssyncadd.s32 $0xFFFFD800  }
0xe6: {  	[hbm4b:s9+s3] =	stream.linear.scatter [tilespmem:s23], [sflag:$0xE], $0x2800, $0x38;
	[tilespmem:$0x11800] =	vst v63  }
0xe7: {  	_ =	swait.ge [sflag:s10], $0x2800  }
0xe8: {  	[sflag:s10] =	ssyncset.done $0x0  }
0xe9: {  	s12 =	simm.s32 $0xB;
	s11 =	rddreg [dreg:$0x7];
	[sflag:s10] =	ssyncadd.s32 $0xFFFFD800  }
0xea: {  	[hbm4b:s11+s3] =	stream.linear.scatter [tilespmem:s26], [sflag:$0xF], $0x2800, $0x38;
	[tilespmem:$0x11800] =	vst v63  }
0xeb: {  	_ =	swait.ge [sflag:s12], $0x2800  }
0xec: {  	[sflag:s12] =	ssyncset.done $0x0  }
0xed: {  	s13 =	simm.s32 $0xC;
	[sflag:s12] =	ssyncadd.s32 $0xFFFFD800  }
0xee: {  	_ =	swait.ge [sflag:s13], $0x2800  }
0xef: {  	[sflag:s13] =	ssyncset.done $0x0  }
0xf0: {  	s28 =	simm.s32 $0xD;
	[sflag:s13] =	ssyncadd.s32 $0xFFFFD800  }
0xf1: {  	_ =	swait.ge [sflag:s28], $0x2800  }
0xf2: {  	[sflag:s28] =	ssyncset.done $0x0  }
0xf3: {  	s29 =	simm.s32 $0xE;
	[sflag:s28] =	ssyncadd.s32 $0xFFFFD800  }
0xf4: {  	_ =	swait.ge [sflag:s29], $0x2800  }
0xf5: {  	[sflag:s29] =	ssyncset.done $0x0  }
0xf6: {  	s30 =	simm.s32 $0xF;
	[sflag:s29] =	ssyncadd.s32 $0xFFFFD800  }
0xf7: {  	_ =	swait.ge [sflag:s30], $0x2800  }
0xf8: {  	s7 =	sadd.s32 $0x1, s7;
	s31 =	rddreg [dreg:$0x8]  }
0xf9: {  	p0 =	sne.s32 s7, s31  }
.Ltmp1:
0xfa: {  	_ = 	snop;
	(pc) =	sbr.rel @p0 .LBB2_1-.Ltmp1, $3  }
0xfb: {  	_ =	sdelay $0x1  }
0xfc: {  	[sflag:s30] =	ssyncset.done $0x0  }
0xfd: {  	[sflag:s30] =	ssyncadd.s32 $0xFFFFD800  }
0xfe: {  	_ =	sfence.sel $0x180000  }
0xff: {  	[bflag:$0x0] =	sbarrier.arrive $0xFFFF  }
0x100: {  	_ =	strace $0x9000004A  }
0x101: {  	s0 =	stileid.u32;
	[bflag:$0x2] =	sbarrier.arrive $0xFFFF  }
0x102: {  	p0 =	sne.s32 s0, $0x0;
	s0 =	rddreg [dreg:$0x2]  }
0x103: {  	s0 =	sadd.s32 @!p0 $0x100000, s0  }
0x104: {  	[sflag:s0] =	ssyncadd.tile.s32 @!p0 $0x1;
	_ =	shalt  }
.Lfunc_end2:
_tile_overlayer_lowered:
.L_overlay_start_2:
0x105: {  	(tag) =	ssettag $0x2  }
0x106: {  	s0 =	rddreg [dreg:$0x0];
	s2 =	stileid.u32  }
0x107: {  	s1 =	rddreg [dreg:$0x1];
	p0 =	sne.s32 s2, $0x0  }
0x108: {  	s3 =	rddreg [dreg:$0x2];
	[bflag:$0x3] =	sbarrier.arrive $0xFFFF;
	s2 =	simm.s32 @!p0 $0x1C10  }
0x109: {  	[timem:s3], [sflag:s2] =	dma.local @!p0 [hbm:s0], s1  }
0x10a: {  	s0 =	simm.s32 @!p0 $0x10  }
0x10b: {  	_ =	swait.ge @!p0 [sflag:s0], s1  }
0x10c: {  	s1 =	ssub.s32 @!p0 $0x0, s1;
	[sflag:s0] =	ssyncset.done @!p0 $0x0  }
0x10d: {  	[sflag:s0] =	ssyncadd.s32 @!p0 s1  }
0x10e: {  	[bflag:$0x3] =	sbarrier.arrive $0xFFFF  }
0x10f: {  	_ =	shalt  }

// kernel: kernel.16.cloned.1.call-start
scs
__scs_entry_jumppad:
0x0: {  	(pc) =	sbr.rel $0x88, $3  }
0x1: {  	(tag) =	ssettag $0x0;
	lr =	simm.s32 $0x1  }
0x2: {  	[smem:$0x3F91] =	sst lr;
	_ =	strace $0xD0000000  }
0x3: {  	_ = 	snop  }
0x4: {  	_ = 	snop  }
0x5: {  	_ = 	snop  }
0x6: {  	_ = 	snop  }
0x7: {  	_ = 	snop  }
__scs_overlays_trampoline_lowered:
0x8: {  	[smem:$0x3FA0] =	sst s0  }
0x9: {  	[smem:$0x3FA1] =	sst s1  }
0xa: {  	[smem:$0x3FA2] =	sst s2  }
0xb: {  	[smem:$0x3FA3] =	sst s3  }
0xc: {  	[smem:$0x3FA4] =	sst s4  }
0xd: {  	[smem:$0x3FA5] =	sst s5  }
0xe: {  	[smem:$0x3FA6] =	sst s6  }
0xf: {  	[smem:$0x3FA7] =	sst s7  }
0x10: {  	[smem:$0x3FA8] =	sst s8  }
0x11: {  	[smem:$0x3FA9] =	sst s9;
	s0 =	simm.s32 @!p0 $0x0  }
0x12: {  	s1 =	sld [smem:$0x3F8F];
	s0 =	simm.s32 @p0 $0x1  }
0x13: {  	[smem:$0x3FAA] =	sst s0;
	s0 =	simm.s32 @!p1 $0x0  }
0x14: {  	s2 =	sld [smem:$0x3F8E];
	s0 =	simm.s32 @p1 $0x1  }
0x15: {  	[smem:$0x3FAB] =	sst s0;
	s0 =	simm.s32 @!p2 $0x0  }
0x16: {  	s3 =	sld [smem:$0x3FDB];
	s0 =	simm.s32 @p2 $0x1  }
0x17: {  	s4 =	simm.s32 $0x1BF5;
	[smem:$0x3FAD] =	sst s0  }
0x18: {  	s0 =	sld [smem:$0x3F90];
	_ =	swait.ge [sflag:s4], $0x0  }
0x19: {  	s7 =	sld [smem:$0x3F91]  }
0x1a: {  	s8 =	sadd.s32 $0xFFFFE003, lr  }
0x1b: {  	s9 =	sadd.s32 $0xFFFFFEF7, lr;
	s5 =	simm.s32 $0xFFFFFFFF;
	p2 =	slt.u32 s8, $0xFFFFF086  }
0x1c: {  	p1 =	slt.u32 s9, $0xF7A;
	s5 =	simm.s32 @!p2 $0x0  }
0x1d: {  	s5 =	simm.s32 @p1 $0x1;
	p0 =	seq.s32 s7, s2  }
0x1e: {  	s7 =	smul.u32 @!p0 $0xF7A, s2;
	p2 =	seq.s32 @!p0 s5, $0x0  }
0x1f: {  	s9 =	smul.u32 $0xF7A, s1;
	s8 =	simm.s32 @!p0 $0x1BF5;
	p2 =	por !p2, p0  }
0x20: {  	[sflag:s8] =	ssyncset.s32 @!p0 $0xFFFFF086;
	s6 =	sadd.s32 @!p0 s3, s7;
	s7 =	simm.s32 @!p0 $0x108  }
0x21: {  	s3 =	sadd.s32 s3, s9;
	s6 =	sadd.s32 @!p0 $0x88, s6;
	s7 =	simm.s32 @p2 $0x1082  }
0x22: {  	[simem:s7], [sflag:s8] =	dma.local @!p0 [hbm:s6], $0xF7A  }
0x23: {  	s9 =	sor.u32 $0xD0000000, s2;
	s6 =	simm.s32 $0x108;
	_ =	swait.ge @!p0 [sflag:s8], $0x0  }
0x24: {  	s3 =	sadd.s32 $0x88, s3;
	s6 =	simm.s32 @!p1 $0x1082;
	[sflag:s4] =	ssyncset.s32 $0xFFFFF086  }
0x25: {  	[simem:s6], [sflag:s4] =	dma.local [hbm:s3], $0xF7A  }
0x26: {  	[smem:$0x3F91] =	sst s1;
	(tag) =	ssettag s2;
	_ =	strace s9  }
0x27: {  	s1 =	sld [smem:$0x3FA1]  }
0x28: {  	s2 =	sld [smem:$0x3FA2]  }
0x29: {  	s4 =	sld [smem:$0x3FA4]  }
0x2a: {  	p0 =	seq.s32 s5, $0x0;
	s5 =	sld [smem:$0x3FA5]  }
0x2b: {  	s6 =	sld [smem:$0x3FA6]  }
0x2c: {  	s7 =	sld [smem:$0x3FA7]  }
0x2d: {  	s3 =	simm.s32 $0x108;
	s8 =	sld [smem:$0x3FA8]  }
0x2e: {  	s3 =	simm.s32 @!p0 $0x1082;
	s9 =	sld [smem:$0x3FA9]  }
0x2f: {  	lr =	sadd.s32 s0, s3;
	s0 =	sld [smem:$0x3FA0]  }
0x30: {  	s3 =	sld [smem:$0x3FA3]  }
0x31: {  	[smem:$0x3FAC] =	sst s10  }
0x32: {  	s10 =	sld [smem:$0x3FAA];
	_ =	sdelay $0x3  }
0x33: {  	p0 =	seq.s32 s10, $0x1;
	s10 =	sld [smem:$0x3FAC];
	_ =	sdelay $0x3  }
0x34: {  	[smem:$0x3FAC] =	sst s10  }
0x35: {  	s10 =	sld [smem:$0x3FAB];
	_ =	sdelay $0x3  }
0x36: {  	p1 =	seq.s32 s10, $0x1;
	s10 =	sld [smem:$0x3FAC];
	_ =	sdelay $0x3  }
0x37: {  	[smem:$0x3FAC] =	sst s10  }
0x38: {  	s10 =	sld [smem:$0x3FAD]  }
0x39: {  	_ = 	snop;
	(pc) =	sbr.ind lr, $3  }
0x3a: {  	_ = 	snop  }
0x3b: {  	_ = 	snop  }
0x3c: {  	p2 =	seq.s32 s10, $0x1;
	s10 =	sld [smem:$0x3FAC]  }
0x3d: {  	_ =	shalt  }
0x3e: {  	_ =	shalt  }
0x3f: {  	_ =	shalt  }
0x40: {  	_ =	shalt  }
0x41: {  	_ =	shalt  }
0x42: {  	_ =	shalt  }
0x43: {  	_ =	shalt  }
0x44: {  	_ =	shalt  }
0x45: {  	_ =	shalt  }
0x46: {  	_ =	shalt  }
0x47: {  	_ =	shalt  }
0x48: {  	_ =	shalt  }
0x49: {  	_ =	shalt  }
0x4a: {  	_ =	shalt  }
0x4b: {  	_ =	shalt  }
0x4c: {  	_ =	shalt  }
0x4d: {  	_ =	shalt  }
0x4e: {  	_ =	shalt  }
0x4f: {  	_ =	shalt  }
0x50: {  	_ =	shalt  }
0x51: {  	_ =	shalt  }
0x52: {  	_ =	shalt  }
0x53: {  	_ =	shalt  }
0x54: {  	_ =	shalt  }
0x55: {  	_ =	shalt  }
0x56: {  	_ =	shalt  }
0x57: {  	_ =	shalt  }
0x58: {  	_ =	shalt  }
0x59: {  	_ =	shalt  }
0x5a: {  	_ =	shalt  }
0x5b: {  	_ =	shalt  }
0x5c: {  	_ =	shalt  }
0x5d: {  	_ =	shalt  }
0x5e: {  	_ =	shalt  }
0x5f: {  	_ =	shalt  }
0x60: {  	_ =	shalt  }
0x61: {  	_ =	shalt  }
0x62: {  	_ =	shalt  }
0x63: {  	_ =	shalt  }
0x64: {  	_ =	shalt  }
0x65: {  	_ =	shalt  }
0x66: {  	_ =	shalt  }
0x67: {  	_ =	shalt  }
0x68: {  	_ =	shalt  }
0x69: {  	_ =	shalt  }
0x6a: {  	_ =	shalt  }
0x6b: {  	_ =	shalt  }
0x6c: {  	_ =	shalt  }
0x6d: {  	_ =	shalt  }
0x6e: {  	_ =	shalt  }
0x6f: {  	_ =	shalt  }
0x70: {  	_ =	shalt  }
0x71: {  	_ =	shalt  }
0x72: {  	_ =	shalt  }
0x73: {  	_ =	shalt  }
0x74: {  	_ =	shalt  }
0x75: {  	_ =	shalt  }
0x76: {  	_ =	shalt  }
0x77: {  	_ =	shalt  }
0x78: {  	_ =	shalt  }
0x79: {  	_ =	shalt  }
0x7a: {  	_ =	shalt  }
0x7b: {  	_ =	shalt  }
0x7c: {  	_ =	shalt  }
0x7d: {  	_ =	shalt  }
0x7e: {  	_ =	shalt  }
0x7f: {  	_ =	shalt  }
0x80: {  	_ =	shalt  }
0x81: {  	_ =	shalt  }
0x82: {  	_ =	shalt  }
0x83: {  	_ =	shalt  }
0x84: {  	_ =	shalt  }
0x85: {  	_ =	shalt  }
0x86: {  	_ =	shalt  }
0x87: {  	_ =	shalt  }
.Lfunc_end0:
.L_simem_size_0:
called_computation.2_lowered:
.L_overlay_start_0:
0x88: {  	s2 =	sld [smem:$0x3FD9]  }
0x89: {  	s3 =	sld [smem:$0x3FFE];
	_ =	sdelay $0x1  }
0x8a: {  	s1 =	srdreg.scid  }
0x8b: {  	s0 =	sand.u32 $0x1, s1  }
0x8c: {  	s17 =	sshll.u32 s0, $0xA;
	s2 =	sadd.s32 s3, s2  }
0x8d: {  	s2 =	sadd.s32 s2, s17  }
0x8e: {  	[smem:$0x3FB8] =	sst s2  }
0x8f: {  	_ = 	snop  }
0x90: {  	(tm) =	ssettm $0x1  }
0x91: {  	s18 =	sld [smem:$0x3FFB];
	_ =	sdelay $0x3  }
0x92: {  	_ =	strace s18  }
0x93: {  	s2 =	sld [smem:$0x3FFC];
	_ =	sdelay $0x3  }
0x94: {  	_ =	strace s2  }
0x95: {  	s2 =	sld [smem:$0x3FFD];
	_ =	sdelay $0x3  }
0x96: {  	_ =	strace s2  }
0x97: {  	_ =	strace $0x8FFFFFFF  }
0x98: {  	s19 =	sld [smem:$0x3FDB];
	_ =	sdelay $0x1  }
0x99: {  	s20 =	simm.s32 $_scs_section_size  }
0x9a: {  	s4 =	simm.s32 $_size__tile_overlayer_lowered;
	s5 =	simm.s32 $_tile_overlayer_lowered  }
0x9b: {  	s6 =	simm.s32 $0x1BFF;
	s21 =	sshll.u32 s5, $0x1;
	s3 =	sadd.s32 s20, s19  }
0x9c: {  	s22 =	simm.s32 $0x0;
	s4 =	sshll.u32 s4, $0x1;
	s5 =	sadd.s32 s21, s3  }
0x9d: {  	[timem:s22], [sflag:s6] =	dma.local [hbm:s5], s4  }
0x9e: {  	_ =	swait.ge [sflag:s6], s4  }
0x9f: {  	s4 =	ssub.s32 $0x0, s4;
	[sflag:s6] =	ssyncset.done $0x0  }
0xa0: {  	[sflag:s6] =	ssyncadd.s32 s4;
	_ =	sdelay $0x1  }
0xa1: {  	s23 =	simm.s32 $0x1B8B  }
0xa2: {  	_ =	swait.ge [sflag:s23], $0x1  }
0xa3: {  	[sflag:s23] =	ssyncset.done $0x0  }
0xa4: {  	[sflag:s23] =	ssyncadd.s32 $0xFFFFFFFF  }
0xa5: {  	s4 =	sld [smem:$0x0]  }
0xa6: {  	s5 =	sand.u32 $0xFFFFFFFE, s1  }
0xa7: {  	p0 =	sne.s32 s1, s5  }
0xa8: {  	s5 =	sshll.u32 @p0 s5, $0xE  }
0xa9: {  	s5 =	sadd.s32 @p0 $0x11B8D, s5;
	s6 =	sshll.u32 @p0 s4, $0x11  }
0xaa: {  	s5 =	sor.u32 @p0 s6, s5  }
0xab: {  	[sflag:s5] =	ssyncadd.remote.s32 @p0 $0x1;
	_ =	sdelay $0x1  }
0xac: {  	s5 =	simm.s32 @p0 $0x1B8D  }
0xad: {  	_ =	swait.eq @p0 [sflag:s5], $0x1  }
0xae: {  	[sflag:s5] =	ssyncadd.s32 @p0 $0xFFFFFFFF  }
0xaf: {  	s6 =	sshll.u32 @!p0 s1, $0xE  }
0xb0: {  	s6 =	sor.u32 @!p0 $0x4000, s6;
	s5 =	simm.s32 @!p0 $0x1B8D  }
0xb1: {  	s4 =	sshll.u32 @!p0 s4, $0x11;
	s6 =	sadd.s32 @!p0 $0x11B8D, s6;
	_ =	swait.eq @!p0 [sflag:s5], $0x1  }
0xb2: {  	s4 =	sor.u32 @!p0 s4, s6;
	[sflag:s5] =	ssyncadd.s32 @!p0 $0xFFFFFFFF  }
0xb3: {  	s25 =	simm.s32 $0x1B8E;
	s24 =	sld [smem:$0x3FFE];
	[sflag:s4] =	ssyncadd.remote.s32 @!p0 $0x1  }
0xb4: {  	s26 =	simm.s32 $execute0_lowered;
	[smem:$0x3FD2] =	sst s25  }
0xb5: {  	s5 =	sshll.u32 s26, $0x1;
	_ =	strace $0x8000004C;
	[dreg:$0x1] =	wrdreg $0xFFFFFFFF  }
0xb6: {  	s28 =	simm.s32 $_size_execute0_lowered;
	s3 =	sadd.s32 s3, s5;
	[dreg:$0x0] =	wrdreg $0x0  }
0xb7: {  	s5 =	sshll.u32 s28, $0x1;
	[dreg:$0x2] =	wrdreg s3  }
0xb8: {  	[dreg:$0x3] =	wrdreg s5  }
0xb9: {  	[dreg:$0x4] =	wrdreg $0xC0  }
0xba: {  	_ =	task [dreg:s22], $0x5FFFF  }
0xbb: {  	[dreg:$0x1] =	wrdreg $0xFFFFFFFF  }
0xbc: {  	[dreg:$0x0] =	wrdreg $0x60  }
0xbd: {  	[dreg:$0x2] =	wrdreg s24  }
0xbe: {  	[dreg:$0x3] =	wrdreg $0x51000  }
0xbf: {  	[dreg:$0x4] =	wrdreg $0xA  }
0xc0: {  	_ =	task.clear_ibuf [dreg:s22], $0x5FFFF;
	_ =	strace $0x9000004C  }
0xc1: {  	s29 =	simm.s32 $0xA;
	_ =	strace $0x8000004E  }
0xc2: {  	_ =	swait.ge [sflag:s29], $0x1  }
0xc3: {  	[sflag:s29] =	ssyncadd.s32 $0xFFFFFFFF  }
0xc4: {  	_ =	strace $0x9000004E  }
0xc5: {  	_ =	sfence  }
0xc6: {  	s30 =	sld [smem:$0x0];
	_ =	sdelay $0x2  }
0xc7: {  	s31 =	sshll.u32 s1, $0xD;
	s1 =	sshrl.u32 s1, $0x2  }
0xc8: {  	s4 =	sand.u32 $0x4000, s31;
	s1 =	sadd.s32 s1, s30  }
0xc9: {  	s0 =	sor.u32 s4, s0;
	s1 =	sshll.u32 s1, $0x11  }
0xca: {  	s0 =	sor.u32 s1, s0  }
0xcb: {  	s0 =	sadd.s32 $0x8F2B, s0  }
0xcc: {  	[sflag:s0] =	ssyncadd.remote.s32 $0x1  }
0xcd: {  	_ =	sfence.sel $0xFFFF  }
0xce: {  	[dreg:$0x0] =	wrdreg $0xFFFFFFFF;
	(pc) =	sbr.abs _section_cstart, $3  }
0xcf: {  	[dreg:$0x1] =	wrdreg $0xFFFFFFFF  }
0xd0: {  	_ =	task.clear_ibuf [dreg:s22], $0x2FFFF;
	_ =	strace $0x9FFFFFFF  }
0xd1: {  	(tm) =	ssettm $0x7FFFFFFF  }
tec
execute0_lowered:
.L_overlay_start_1:
0x0: {  	(tag) =	ssettag $0x1  }
0x1: {  	s0 =	rddreg [dreg:$0x0]  }
0x2: {  	s2 =	rddreg [dreg:$0x1]  }
0x3: {  	s1 =	srdreg.scid;
	s5 =	stileid.u32  }
0x4: {  	s3 =	simm.s32 $0x0;
	s18 =	simm.s32 $0x100;
	s6 =	smul.u32 $0x2780, s5  }
0x5: {  	s28 =	simm.s32 $0x6;
	s29 =	simm.s32 $0x0;
	s9 =	smul.u32 $0x4F000, s5  }
0x6: {  	s1 =	sand.u32 $0x1, s1;
	[smem:$0x7FF] =	sst s3;
	s16 =	smul.u32 $0x1F400, s5  }
0x7: {  	s12 =	sadd.s32 $0x533400, s0;
	s4 =	sadd.s32 $0x5400, s0;
	s17 =	smul.u32 $0x1F40, s5  }
0x8: {  	s8 =	sadd.s32 $0x9400, s0;
	s20 =	sshll.u32 s5, $0x1;
	s7 =	smul.u32 $0x27800, s1  }
0x9: {  	_ =	strace $0x8000004D;
	[dreg:$0x3] =	wrdreg s8;
	s25 =	smul.u32 $0xFA0, s1  }
0xa: {  	s19 =	ssub.s32 $0x2, s1;
	s8 =	sor.u32 s1, s20;
	s1 =	smul.u32 $0xFA00, s1  }
0xb: {  	s23 =	sshll.u32 s5, $0x6;
	s20 =	simm.s32 $0x3;
	s11 =	smul.u32 $0xFA0, s8  }
0xc: {  	s21 =	sshrl.u32 s19, $0x1;
	s22 =	sshrl.u32 s9, $0x2;
	s14 =	smul.u32 $0xFA00, s8  }
0xd: {  	s30 =	sadd.s32 s16, s12;
	s6 =	sadd.s32 s6, s7;
	s10 =	ssub.s32 s19, s21  }
0xe: {  	s13 =	sadd.s32 s22, s2;
	s1 =	sadd.s32 s1, s30;
	s19 =	simm.s32 $0x1  }
0xf: {  	s21 =	simm.s32 $0x50;
	s22 =	simm.s32 $0x80;
	s0 =	sadd.s32 s6, s0  }
0x10: {  	s6 =	sor.u32 $0x1C07, s23;
	s15 =	sadd.s32 $0x50, s11;
	s24 =	sshrl.u32 s11, $0x3  }
0x11: {  	s8 =	smax.u32 s10, $0x1;
	s10 =	sadd.s32 s12, s14;
	s1 =	sadd.s32 $0xF00, s1  }
0x12: {  	s16 =	sshrl.u32 s13, $0x3;
	s23 =	simm.s32 $0x2900;
	s0 =	sadd.s32 $0x37600, s0  }
0x13: {  	s9 =	sadd.s32 s4, s24;
	s26 =	sshrl.u32 s15, $0x3;
	s15 =	sshll.u32 s15, $0x4  }
0x14: {  	s24 =	simm.s32 $0x2;
	[dreg:$0x4] =	wrdreg s0;
	s0 =	sadd.s32 s25, s17  }
0x15: {  	s11 =	sadd.s32 s4, s26;
	s12 =	sadd.s32 s12, s15;
	s31 =	sadd.s32 $0xF0, s0  }
0x16: {  	s17 =	simm.s32 $0x7;
	s25 =	simm.s32 $0x4;
	s14 =	sshrl.u32 s31, $0x3  }
0x17: {  	s26 =	simm.s32 $0x5;
	s15 =	sadd.s32 $0xA0, s0;
	s14 =	sadd.s32 s14, s4  }
.LBB2_1:
0x18: {  	s0 =	rddreg [dreg:$0x3]  }
0x19: {  	[spmem:s16], [sflag:s6] =	dma.local [hbm:s0], $0x2780  }
0x1a: {  	_ =	swait.ge [sflag:s17], $0x2780  }
0x1b: {  	[sflag:s17] =	ssyncset.done $0x0  }
0x1c: {  	[sflag:s17] =	ssyncadd.s32 $0xFFFFD880  }
0x1d: {  	[bflag:$0x0] =	sbarrier.arrive $0xFFFF  }
0x1e: {  	[tilespmem:s3], [sflag:$0x1] =	stream.linear.gather [hbm4b:s9+s3], $0x50, $0x38;
	[tilespmem:$0x18D00] =	vst v63  }
0x1f: {  	_ = 	snop  }
0x20: {  	[tilespmem:s18], [sflag:$0x3] =	stream.linear.gather [hbm4b:s10+s3], $0x2800, $0x38;
	[tilespmem:$0x18D00] =	vst v63  }
0x21: {  	_ =	swait.ge [sflag:s19], $0x50  }
0x22: {  	[sflag:s19] =	ssyncset.done $0x0  }
0x23: {  	[sflag:s19] =	ssyncadd.s32 $0xFFFFFFB0  }
0x24: {  	_ =	swait.ge [sflag:s20], $0x2800  }
0x25: {  	[sflag:s20] =	ssyncset.done $0x0  }
0x26: {  	[sflag:s20] =	ssyncadd.s32 $0xFFFFD800  }
0x27: {  	[spmem:s2] =	stream.indirect.scatter.add.f32 [tilespmem:s18], [sflag:$0x5], $0x80, s3, s21, $0xb8;
	[tilespmem:$0x18D00] =	vst v63  }
0x28: {  	_ = 	snop  }
0x29: {  	[tilespmem:s22], [sflag:$0x2] =	stream.linear.gather [hbm4b:s11+s3], $0x50, $0x38;
	[tilespmem:$0x18D00] =	vst v63  }
0x2a: {  	_ = 	snop  }
0x2b: {  	[tilespmem:s23], [sflag:$0x4] =	stream.linear.gather [hbm4b:s12+s3], $0x2800, $0x38;
	[tilespmem:$0x18D00] =	vst v63  }
0x2c: {  	_ =	swait.ge [sflag:s24], $0x50  }
0x2d: {  	[sflag:s24] =	ssyncset.done $0x0  }
0x2e: {  	[sflag:s24] =	ssyncadd.s32 $0xFFFFFFB0  }
0x2f: {  	_ =	swait.ge [sflag:s25], $0x2800  }
0x30: {  	[sflag:s25] =	ssyncset.done $0x0  }
0x31: {  	[sflag:s25] =	ssyncadd.s32 $0xFFFFD800  }
0x32: {  	[spmem:s2] =	stream.indirect.scatter.add.f32 [tilespmem:s23], [sflag:$0x6], $0x80, s22, s21, $0xb8;
	[tilespmem:$0x18D00] =	vst v63  }
0x33: {  	_ =	swait.ge [sflag:s26], $0x2800  }
0x34: {  	s5 =	sshrl.u32 s15, $0x3;
	[sflag:s26] =	ssyncset.done $0x0  }
0x35: {  	s0 =	sadd.s32 s4, s5;
	[sflag:s26] =	ssyncadd.s32 $0xFFFFD800  }
0x36: {  	[tilespmem:s3], [sflag:$0x1] =	stream.linear.gather [hbm4b:s0+s3], $0x50, $0x38;
	[tilespmem:$0x18D00] =	vst v63  }
0x37: {  	s7 =	sadd.s32 $0xFFFFFB00, s1  }
0x38: {  	[tilespmem:s18], [sflag:$0x3] =	stream.linear.gather [hbm4b:s7+s3], $0x2800, $0x38;
	[tilespmem:$0x18D00] =	vst v63  }
0x39: {  	_ =	swait.ge [sflag:s19], $0x50  }
0x3a: {  	[sflag:s19] =	ssyncset.done $0x0  }
0x3b: {  	[sflag:s19] =	ssyncadd.s32 $0xFFFFFFB0  }
0x3c: {  	_ =	swait.ge [sflag:s20], $0x2800  }
0x3d: {  	[sflag:s20] =	ssyncset.done $0x0  }
0x3e: {  	[sflag:s20] =	ssyncadd.s32 $0xFFFFD800  }
0x3f: {  	[spmem:s2] =	stream.indirect.scatter.add.f32 [tilespmem:s18], [sflag:$0x5], $0x80, s3, s21, $0xb8;
	[tilespmem:$0x18D00] =	vst v63  }
0x40: {  	_ =	swait.ge [sflag:s28], $0x2800  }
0x41: {  	[sflag:s28] =	ssyncset.done $0x0  }
0x42: {  	s13 =	sadd.s32 $0x0, s14;
	s30 =	simm.s32 $0x14;
	[sflag:s28] =	ssyncadd.s32 $0xFFFFD800  }
0x43: {  	[tilespmem:s22], [sflag:$0x2] =	stream.linear.gather [hbm4b:s13+s3], $0x50, $0x38;
	[tilespmem:$0x18D00] =	vst v63  }
0x44: {  	s31 =	sadd.s32 $0xA00, s1;
	s0 =	sadd.s32 $0xA0, s15;
	s13 =	smov.u32 s1  }
.LBB2_2:
0x45: {  	[tilespmem:s23], [sflag:$0x4] =	stream.linear.gather [hbm4b:s13+s3], $0x2800, $0x38;
	[tilespmem:$0x18D00] =	vst v63  }
0x46: {  	s5 =	smov.u32 s30;
	s13 =	smov.u32 s31  }
0x47: {  	p0 =	sne.s32 s30, $0x1CC;
	s30 =	sadd.s32 $0x14, s30;
	_ =	swait.ge [sflag:s24], $0x50  }
0x48: {  	[sflag:s24] =	ssyncset.done $0x0  }
0x49: {  	[sflag:s24] =	ssyncadd.s32 $0xFFFFFFB0  }
0x4a: {  	_ =	swait.ge [sflag:s25], $0x2800  }
0x4b: {  	[sflag:s25] =	ssyncset.done $0x0  }
0x4c: {  	[sflag:s25] =	ssyncadd.s32 $0xFFFFD800  }
0x4d: {  	[spmem:s2] =	stream.indirect.scatter.add.f32 [tilespmem:s23], [sflag:$0x6], $0x80, s22, s21, $0xb8;
	[tilespmem:$0x18D00] =	vst v63  }
0x4e: {  	_ =	swait.ge [sflag:s26], $0x2800  }
0x4f: {  	s7 =	sshrl.u32 s0, $0x3;
	[sflag:s26] =	ssyncset.done $0x0  }
0x50: {  	s7 =	sadd.s32 s4, s7;
	[sflag:s26] =	ssyncadd.s32 $0xFFFFD800  }
0x51: {  	[tilespmem:s3], [sflag:$0x1] =	stream.linear.gather [hbm4b:s7+s3], $0x50, $0x38;
	[tilespmem:$0x18D00] =	vst v63  }
0x52: {  	s7 =	sadd.s32 $0xFFFFFB00, s31  }
0x53: {  	[tilespmem:s18], [sflag:$0x3] =	stream.linear.gather [hbm4b:s7+s3], $0x2800, $0x38;
	[tilespmem:$0x18D00] =	vst v63  }
0x54: {  	_ =	swait.ge [sflag:s19], $0x50  }
0x55: {  	[sflag:s19] =	ssyncset.done $0x0  }
0x56: {  	[sflag:s19] =	ssyncadd.s32 $0xFFFFFFB0  }
0x57: {  	_ =	swait.ge [sflag:s20], $0x2800  }
0x58: {  	[sflag:s20] =	ssyncset.done $0x0  }
0x59: {  	[sflag:s20] =	ssyncadd.s32 $0xFFFFD800  }
0x5a: {  	[spmem:s2] =	stream.indirect.scatter.add.f32 [tilespmem:s18], [sflag:$0x5], $0x80, s3, s21, $0xb8;
	[tilespmem:$0x18D00] =	vst v63  }
.Ltmp0:
0x5b: {  	_ =	swait.ge [sflag:s28], $0x2800;
	(pc) =	sbr.rel @p0 .LBB2_2-.Ltmp0, $4  }
0x5c: {  	[sflag:s28] =	ssyncset.done $0x0  }
0x5d: {  	s5 =	sadd.s32 s5, s14;
	[sflag:s28] =	ssyncadd.s32 $0xFFFFD800  }
0x5e: {  	[tilespmem:s22], [sflag:$0x2] =	stream.linear.gather [hbm4b:s5+s3], $0x50, $0x38;
	[tilespmem:$0x18D00] =	vst v63  }
0x5f: {  	s0 =	sadd.s32 $0xA0, s0;
	s31 =	sadd.s32 $0xA00, s31  }
0x60: {  	[tilespmem:s23], [sflag:$0x4] =	stream.linear.gather [hbm4b:s13+s3], $0x2800, $0x38;
	[tilespmem:$0x18D00] =	vst v63  }
0x61: {  	_ =	swait.ge [sflag:s24], $0x50  }
0x62: {  	[sflag:s24] =	ssyncset.done $0x0  }
0x63: {  	[sflag:s24] =	ssyncadd.s32 $0xFFFFFFB0  }
0x64: {  	_ =	swait.ge [sflag:s25], $0x2800  }
0x65: {  	[sflag:s25] =	ssyncset.done $0x0  }
0x66: {  	[sflag:s25] =	ssyncadd.s32 $0xFFFFD800  }
0x67: {  	[spmem:s2] =	stream.indirect.scatter.add.f32 [tilespmem:s23], [sflag:$0x6], $0x80, s22, s21, $0xb8;
	[tilespmem:$0x18D00] =	vst v63  }
0x68: {  	_ =	swait.ge [sflag:s26], $0x2800  }
0x69: {  	[sflag:s26] =	ssyncset.done $0x0  }
0x6a: {  	[sflag:s26] =	ssyncadd.s32 $0xFFFFD800  }
0x6b: {  	_ =	swait.ge [sflag:s28], $0x2800  }
0x6c: {  	[sflag:s28] =	ssyncset.done $0x0  }
0x6d: {  	s29 =	sadd.s32 $0x1, s29;
	[sflag:s28] =	ssyncadd.s32 $0xFFFFD800  }
0x6e: {  	p0 =	sne.s32 s29, s8;
	[bflag:$0x0] =	sbarrier.arrive $0xFFFF  }
.Ltmp1:
0x6f: {  	s0 =	rddreg [dreg:$0x4];
	(pc) =	sbr.rel @p0 .LBB2_1-.Ltmp1, $4  }
0x70: {  	[hbm:s0], [sflag:s6] =	dma.local [spmem:s16], $0x2780  }
0x71: {  	_ =	swait.ge [sflag:s17], $0x2780  }
0x72: {  	[sflag:s17] =	ssyncset.done $0x0  }
0x73: {  	[sflag:s17] =	ssyncadd.s32 $0xFFFFD880  }
0x74: {  	_ =	sfence.sel $0x180000  }
0x75: {  	[bflag:$0x0] =	sbarrier.arrive $0xFFFF  }
0x76: {  	_ =	strace $0x9000004D  }
0x77: {  	s0 =	stileid.u32;
	[bflag:$0x2] =	sbarrier.arrive $0xFFFF  }
0x78: {  	p0 =	sne.s32 s0, $0x0;
	s0 =	rddreg [dreg:$0x2]  }
0x79: {  	s0 =	sadd.s32 @!p0 $0x100000, s0  }
0x7a: {  	[sflag:s0] =	ssyncadd.tile.s32 @!p0 $0x1;
	_ =	shalt  }
.Lfunc_end2:
_tile_overlayer_lowered:
.L_overlay_start_2:
0x7b: {  	(tag) =	ssettag $0x2  }
0x7c: {  	s0 =	rddreg [dreg:$0x0];
	s2 =	stileid.u32  }
0x7d: {  	s1 =	rddreg [dreg:$0x1];
	p0 =	sne.s32 s2, $0x0  }
0x7e: {  	s3 =	rddreg [dreg:$0x2];
	[bflag:$0x3] =	sbarrier.arrive $0xFFFF;
	s2 =	simm.s32 @!p0 $0x1C07  }
0x7f: {  	[timem:s3], [sflag:s2] =	dma.local @!p0 [hbm:s0], s1  }
0x80: {  	s0 =	simm.s32 @!p0 $0x7  }
0x81: {  	_ =	swait.ge @!p0 [sflag:s0], s1  }
0x82: {  	s1 =	ssub.s32 @!p0 $0x0, s1;
	[sflag:s0] =	ssyncset.done @!p0 $0x0  }
0x83: {  	[sflag:s0] =	ssyncadd.s32 @!p0 s1  }
0x84: {  	[bflag:$0x3] =	sbarrier.arrive $0xFFFF  }
0x85: {  	_ =	shalt  }

// kernel: kernel.19.cloned.1.call-start
scs
__scs_entry_jumppad:
0x0: {  	(pc) =	sbr.rel $0x88, $3  }
0x1: {  	(tag) =	ssettag $0x0;
	lr =	simm.s32 $0x1  }
0x2: {  	[smem:$0x3F91] =	sst lr;
	_ =	strace $0xD0000000  }
0x3: {  	_ = 	snop  }
0x4: {  	_ = 	snop  }
0x5: {  	_ = 	snop  }
0x6: {  	_ = 	snop  }
0x7: {  	_ = 	snop  }
__scs_overlays_trampoline_lowered:
0x8: {  	[smem:$0x3FA0] =	sst s0  }
0x9: {  	[smem:$0x3FA1] =	sst s1  }
0xa: {  	[smem:$0x3FA2] =	sst s2  }
0xb: {  	[smem:$0x3FA3] =	sst s3  }
0xc: {  	[smem:$0x3FA4] =	sst s4  }
0xd: {  	[smem:$0x3FA5] =	sst s5  }
0xe: {  	[smem:$0x3FA6] =	sst s6  }
0xf: {  	[smem:$0x3FA7] =	sst s7  }
0x10: {  	[smem:$0x3FA8] =	sst s8  }
0x11: {  	[smem:$0x3FA9] =	sst s9;
	s0 =	simm.s32 @!p0 $0x0  }
0x12: {  	s1 =	sld [smem:$0x3F8F];
	s0 =	simm.s32 @p0 $0x1  }
0x13: {  	[smem:$0x3FAA] =	sst s0;
	s0 =	simm.s32 @!p1 $0x0  }
0x14: {  	s2 =	sld [smem:$0x3F8E];
	s0 =	simm.s32 @p1 $0x1  }
0x15: {  	[smem:$0x3FAB] =	sst s0;
	s0 =	simm.s32 @!p2 $0x0  }
0x16: {  	s3 =	sld [smem:$0x3FDB];
	s0 =	simm.s32 @p2 $0x1  }
0x17: {  	s4 =	simm.s32 $0x1BF5;
	[smem:$0x3FAD] =	sst s0  }
0x18: {  	s0 =	sld [smem:$0x3F90];
	_ =	swait.ge [sflag:s4], $0x0  }
0x19: {  	s7 =	sld [smem:$0x3F91]  }
0x1a: {  	s8 =	sadd.s32 $0xFFFFE003, lr  }
0x1b: {  	s9 =	sadd.s32 $0xFFFFFEF7, lr;
	s5 =	simm.s32 $0xFFFFFFFF;
	p2 =	slt.u32 s8, $0xFFFFF086  }
0x1c: {  	p1 =	slt.u32 s9, $0xF7A;
	s5 =	simm.s32 @!p2 $0x0  }
0x1d: {  	s5 =	simm.s32 @p1 $0x1;
	p0 =	seq.s32 s7, s2  }
0x1e: {  	s7 =	smul.u32 @!p0 $0xF7A, s2;
	p2 =	seq.s32 @!p0 s5, $0x0  }
0x1f: {  	s9 =	smul.u32 $0xF7A, s1;
	s8 =	simm.s32 @!p0 $0x1BF5;
	p2 =	por !p2, p0  }
0x20: {  	[sflag:s8] =	ssyncset.s32 @!p0 $0xFFFFF086;
	s6 =	sadd.s32 @!p0 s3, s7;
	s7 =	simm.s32 @!p0 $0x108  }
0x21: {  	s3 =	sadd.s32 s3, s9;
	s6 =	sadd.s32 @!p0 $0x88, s6;
	s7 =	simm.s32 @p2 $0x1082  }
0x22: {  	[simem:s7], [sflag:s8] =	dma.local @!p0 [hbm:s6], $0xF7A  }
0x23: {  	s9 =	sor.u32 $0xD0000000, s2;
	s6 =	simm.s32 $0x108;
	_ =	swait.ge @!p0 [sflag:s8], $0x0  }
0x24: {  	s3 =	sadd.s32 $0x88, s3;
	s6 =	simm.s32 @!p1 $0x1082;
	[sflag:s4] =	ssyncset.s32 $0xFFFFF086  }
0x25: {  	[simem:s6], [sflag:s4] =	dma.local [hbm:s3], $0xF7A  }
0x26: {  	[smem:$0x3F91] =	sst s1;
	(tag) =	ssettag s2;
	_ =	strace s9  }
0x27: {  	s1 =	sld [smem:$0x3FA1]  }
0x28: {  	s2 =	sld [smem:$0x3FA2]  }
0x29: {  	s4 =	sld [smem:$0x3FA4]  }
0x2a: {  	p0 =	seq.s32 s5, $0x0;
	s5 =	sld [smem:$0x3FA5]  }
0x2b: {  	s6 =	sld [smem:$0x3FA6]  }
0x2c: {  	s7 =	sld [smem:$0x3FA7]  }
0x2d: {  	s3 =	simm.s32 $0x108;
	s8 =	sld [smem:$0x3FA8]  }
0x2e: {  	s3 =	simm.s32 @!p0 $0x1082;
	s9 =	sld [smem:$0x3FA9]  }
0x2f: {  	lr =	sadd.s32 s0, s3;
	s0 =	sld [smem:$0x3FA0]  }
0x30: {  	s3 =	sld [smem:$0x3FA3]  }
0x31: {  	[smem:$0x3FAC] =	sst s10  }
0x32: {  	s10 =	sld [smem:$0x3FAA];
	_ =	sdelay $0x3  }
0x33: {  	p0 =	seq.s32 s10, $0x1;
	s10 =	sld [smem:$0x3FAC];
	_ =	sdelay $0x3  }
0x34: {  	[smem:$0x3FAC] =	sst s10  }
0x35: {  	s10 =	sld [smem:$0x3FAB];
	_ =	sdelay $0x3  }
0x36: {  	p1 =	seq.s32 s10, $0x1;
	s10 =	sld [smem:$0x3FAC];
	_ =	sdelay $0x3  }
0x37: {  	[smem:$0x3FAC] =	sst s10  }
0x38: {  	s10 =	sld [smem:$0x3FAD]  }
0x39: {  	_ = 	snop;
	(pc) =	sbr.ind lr, $3  }
0x3a: {  	_ = 	snop  }
0x3b: {  	_ = 	snop  }
0x3c: {  	p2 =	seq.s32 s10, $0x1;
	s10 =	sld [smem:$0x3FAC]  }
0x3d: {  	_ =	shalt  }
0x3e: {  	_ =	shalt  }
0x3f: {  	_ =	shalt  }
0x40: {  	_ =	shalt  }
0x41: {  	_ =	shalt  }
0x42: {  	_ =	shalt  }
0x43: {  	_ =	shalt  }
0x44: {  	_ =	shalt  }
0x45: {  	_ =	shalt  }
0x46: {  	_ =	shalt  }
0x47: {  	_ =	shalt  }
0x48: {  	_ =	shalt  }
0x49: {  	_ =	shalt  }
0x4a: {  	_ =	shalt  }
0x4b: {  	_ =	shalt  }
0x4c: {  	_ =	shalt  }
0x4d: {  	_ =	shalt  }
0x4e: {  	_ =	shalt  }
0x4f: {  	_ =	shalt  }
0x50: {  	_ =	shalt  }
0x51: {  	_ =	shalt  }
0x52: {  	_ =	shalt  }
0x53: {  	_ =	shalt  }
0x54: {  	_ =	shalt  }
0x55: {  	_ =	shalt  }
0x56: {  	_ =	shalt  }
0x57: {  	_ =	shalt  }
0x58: {  	_ =	shalt  }
0x59: {  	_ =	shalt  }
0x5a: {  	_ =	shalt  }
0x5b: {  	_ =	shalt  }
0x5c: {  	_ =	shalt  }
0x5d: {  	_ =	shalt  }
0x5e: {  	_ =	shalt  }
0x5f: {  	_ =	shalt  }
0x60: {  	_ =	shalt  }
0x61: {  	_ =	shalt  }
0x62: {  	_ =	shalt  }
0x63: {  	_ =	shalt  }
0x64: {  	_ =	shalt  }
0x65: {  	_ =	shalt  }
0x66: {  	_ =	shalt  }
0x67: {  	_ =	shalt  }
0x68: {  	_ =	shalt  }
0x69: {  	_ =	shalt  }
0x6a: {  	_ =	shalt  }
0x6b: {  	_ =	shalt  }
0x6c: {  	_ =	shalt  }
0x6d: {  	_ =	shalt  }
0x6e: {  	_ =	shalt  }
0x6f: {  	_ =	shalt  }
0x70: {  	_ =	shalt  }
0x71: {  	_ =	shalt  }
0x72: {  	_ =	shalt  }
0x73: {  	_ =	shalt  }
0x74: {  	_ =	shalt  }
0x75: {  	_ =	shalt  }
0x76: {  	_ =	shalt  }
0x77: {  	_ =	shalt  }
0x78: {  	_ =	shalt  }
0x79: {  	_ =	shalt  }
0x7a: {  	_ =	shalt  }
0x7b: {  	_ =	shalt  }
0x7c: {  	_ =	shalt  }
0x7d: {  	_ =	shalt  }
0x7e: {  	_ =	shalt  }
0x7f: {  	_ =	shalt  }
0x80: {  	_ =	shalt  }
0x81: {  	_ =	shalt  }
0x82: {  	_ =	shalt  }
0x83: {  	_ =	shalt  }
0x84: {  	_ =	shalt  }
0x85: {  	_ =	shalt  }
0x86: {  	_ =	shalt  }
0x87: {  	_ =	shalt  }
.Lfunc_end0:
.L_simem_size_0:
called_computation.3_lowered:
.L_overlay_start_0:
0x88: {  	s2 =	sld [smem:$0x3FD9]  }
0x89: {  	s3 =	sld [smem:$0x3FFE];
	_ =	sdelay $0x1  }
0x8a: {  	s1 =	srdreg.scid  }
0x8b: {  	s0 =	sand.u32 $0x1, s1  }
0x8c: {  	s17 =	sshll.u32 s0, $0xA;
	s2 =	sadd.s32 s3, s2  }
0x8d: {  	s2 =	sadd.s32 s2, s17  }
0x8e: {  	[smem:$0x3FB8] =	sst s2  }
0x8f: {  	_ = 	snop  }
0x90: {  	(tm) =	ssettm $0x1  }
0x91: {  	s18 =	sld [smem:$0x3FFB];
	_ =	sdelay $0x3  }
0x92: {  	_ =	strace s18  }
0x93: {  	s2 =	sld [smem:$0x3FFC];
	_ =	sdelay $0x3  }
0x94: {  	_ =	strace s2  }
0x95: {  	s2 =	sld [smem:$0x3FFD];
	_ =	sdelay $0x3  }
0x96: {  	_ =	strace s2  }
0x97: {  	_ =	strace $0x8FFFFFFF  }
0x98: {  	s19 =	sld [smem:$0x3FDB];
	_ =	sdelay $0x1  }
0x99: {  	s20 =	simm.s32 $_scs_section_size  }
0x9a: {  	s4 =	simm.s32 $_size__tile_overlayer_lowered;
	s5 =	simm.s32 $_tile_overlayer_lowered  }
0x9b: {  	s6 =	simm.s32 $0x1BFF;
	s21 =	sshll.u32 s5, $0x1;
	s3 =	sadd.s32 s20, s19  }
0x9c: {  	s22 =	simm.s32 $0x0;
	s4 =	sshll.u32 s4, $0x1;
	s5 =	sadd.s32 s21, s3  }
0x9d: {  	[timem:s22], [sflag:s6] =	dma.local [hbm:s5], s4  }
0x9e: {  	_ =	swait.ge [sflag:s6], s4  }
0x9f: {  	s4 =	ssub.s32 $0x0, s4;
	[sflag:s6] =	ssyncset.done $0x0  }
0xa0: {  	[sflag:s6] =	ssyncadd.s32 s4;
	_ =	sdelay $0x1  }
0xa1: {  	s23 =	simm.s32 $0x1B8B  }
0xa2: {  	_ =	swait.ge [sflag:s23], $0x1  }
0xa3: {  	[sflag:s23] =	ssyncset.done $0x0  }
0xa4: {  	[sflag:s23] =	ssyncadd.s32 $0xFFFFFFFF  }
0xa5: {  	s4 =	sld [smem:$0x0]  }
0xa6: {  	s5 =	sand.u32 $0xFFFFFFFE, s1  }
0xa7: {  	p0 =	sne.s32 s1, s5  }
0xa8: {  	s5 =	sshll.u32 @p0 s5, $0xE  }
0xa9: {  	s5 =	sadd.s32 @p0 $0x11B8D, s5;
	s6 =	sshll.u32 @p0 s4, $0x11  }
0xaa: {  	s5 =	sor.u32 @p0 s6, s5  }
0xab: {  	[sflag:s5] =	ssyncadd.remote.s32 @p0 $0x1;
	_ =	sdelay $0x1  }
0xac: {  	s5 =	simm.s32 @p0 $0x1B8D  }
0xad: {  	_ =	swait.eq @p0 [sflag:s5], $0x1  }
0xae: {  	[sflag:s5] =	ssyncadd.s32 @p0 $0xFFFFFFFF  }
0xaf: {  	s6 =	sshll.u32 @!p0 s1, $0xE  }
0xb0: {  	s6 =	sor.u32 @!p0 $0x4000, s6;
	s5 =	simm.s32 @!p0 $0x1B8D  }
0xb1: {  	s4 =	sshll.u32 @!p0 s4, $0x11;
	s6 =	sadd.s32 @!p0 $0x11B8D, s6;
	_ =	swait.eq @!p0 [sflag:s5], $0x1  }
0xb2: {  	s4 =	sor.u32 @!p0 s4, s6;
	[sflag:s5] =	ssyncadd.s32 @!p0 $0xFFFFFFFF  }
0xb3: {  	s25 =	simm.s32 $0x1B8E;
	s24 =	sld [smem:$0x3FFE];
	[sflag:s4] =	ssyncadd.remote.s32 @!p0 $0x1  }
0xb4: {  	s26 =	simm.s32 $execute0_lowered;
	[smem:$0x3FD2] =	sst s25  }
0xb5: {  	s5 =	sshll.u32 s26, $0x1;
	_ =	strace $0x8000004F;
	[dreg:$0x1] =	wrdreg $0xFFFFFFFF  }
0xb6: {  	s28 =	simm.s32 $_size_execute0_lowered;
	s3 =	sadd.s32 s3, s5;
	[dreg:$0x0] =	wrdreg $0x0  }
0xb7: {  	s5 =	sshll.u32 s28, $0x1;
	[dreg:$0x2] =	wrdreg s3  }
0xb8: {  	[dreg:$0x3] =	wrdreg s5  }
0xb9: {  	[dreg:$0x4] =	wrdreg $0xC0  }
0xba: {  	_ =	task [dreg:s22], $0x5FFFF  }
0xbb: {  	[dreg:$0x1] =	wrdreg $0xFFFFFFFF  }
0xbc: {  	[dreg:$0x0] =	wrdreg $0x60  }
0xbd: {  	[dreg:$0x2] =	wrdreg s24  }
0xbe: {  	[dreg:$0x3] =	wrdreg $0x7A000  }
0xbf: {  	[dreg:$0x4] =	wrdreg $0x9  }
0xc0: {  	_ =	task.clear_ibuf [dreg:s22], $0x5FFFF;
	_ =	strace $0x9000004F  }
0xc1: {  	s29 =	simm.s32 $0x9;
	_ =	strace $0x80000051  }
0xc2: {  	_ =	swait.ge [sflag:s29], $0x1  }
0xc3: {  	[sflag:s29] =	ssyncadd.s32 $0xFFFFFFFF  }
0xc4: {  	_ =	strace $0x90000051  }
0xc5: {  	_ =	sfence  }
0xc6: {  	s30 =	sld [smem:$0x0];
	_ =	sdelay $0x2  }
0xc7: {  	s31 =	sshll.u32 s1, $0xD;
	s1 =	sshrl.u32 s1, $0x2  }
0xc8: {  	s4 =	sand.u32 $0x4000, s31;
	s1 =	sadd.s32 s1, s30  }
0xc9: {  	s0 =	sor.u32 s4, s0;
	s1 =	sshll.u32 s1, $0x11  }
0xca: {  	s0 =	sor.u32 s1, s0  }
0xcb: {  	s0 =	sadd.s32 $0x8F2B, s0  }
0xcc: {  	[sflag:s0] =	ssyncadd.remote.s32 $0x1  }
0xcd: {  	_ =	sfence.sel $0xFFFF  }
0xce: {  	[dreg:$0x0] =	wrdreg $0xFFFFFFFF;
	(pc) =	sbr.abs _section_cstart, $3  }
0xcf: {  	[dreg:$0x1] =	wrdreg $0xFFFFFFFF  }
0xd0: {  	_ =	task.clear_ibuf [dreg:s22], $0x2FFFF;
	_ =	strace $0x9FFFFFFF  }
0xd1: {  	(tm) =	ssettm $0x7FFFFFFF  }
tec
execute0_lowered:
.L_overlay_start_1:
0x0: {  	(tag) =	ssettag $0x1  }
0x1: {  	s0 =	rddreg [dreg:$0x0]  }
0x2: {  	s2 =	rddreg [dreg:$0x1];
	s3 =	simm.s32 $0x0  }
0x3: {  	s11 =	stileid.u32;
	s4 =	srdreg.scid;
	s13 =	simm.s32 $0xA  }
0x4: {  	s14 =	simm.s32 $0x200;
	s15 =	simm.s32 $0x1;
	s16 =	simm.s32 $0x4  }
0x5: {  	s17 =	simm.s32 $0x50;
	s18 =	simm.s32 $0x80;
	s1 =	smul.u32 $0x2EE00, s11  }
0x6: {  	s19 =	simm.s32 $0x2A00;
	s29 =	simm.s32 $0x9;
	s5 =	smul.u32 $0x2780, s11  }
0x7: {  	s30 =	simm.s32 $0x0;
	[smem:$0x7FF] =	sst s3;
	s9 =	smul.u32 $0x4F000, s11  }
0x8: {  	s4 =	sand.u32 $0x1, s4;
	s6 =	sadd.s32 $0x22B600, s0;
	s22 =	smul.u32 $0x2EE0, s11  }
0x9: {  	s8 =	sadd.s32 $0x9400, s0;
	s24 =	sshll.u32 s11, $0x6;
	s7 =	smul.u32 $0x27800, s4  }
0xa: {  	_ =	strace $0x80000050;
	[dreg:$0x3] =	wrdreg s8;
	s10 =	smul.u32 $0x17700, s4  }
0xb: {  	s20 =	ssub.s32 $0x2, s4;
	s4 =	smul.u32 $0x1770, s4;
	s1 =	sadd.s32 s1, s0  }
0xc: {  	s21 =	sshrl.u32 s20, $0x1;
	s23 =	sshrl.u32 s9, $0x2;
	s5 =	sadd.s32 s5, s7  }
0xd: {  	s7 =	ssub.s32 s20, s21;
	s12 =	sadd.s32 s23, s2;
	s26 =	sadd.s32 s10, s1  }
0xe: {  	s28 =	sadd.s32 s4, s22;
	s20 =	simm.s32 $0x2;
	s21 =	simm.s32 $0x5  }
0xf: {  	s22 =	simm.s32 $0x100;
	s23 =	simm.s32 $0x5200;
	s0 =	sadd.s32 s5, s0  }
0x10: {  	s5 =	sor.u32 $0x1C0A, s24;
	s25 =	smax.u32 s7, $0x1;
	s8 =	sadd.s32 $0x727400, s26  }
0x11: {  	s31 =	sadd.s32 $0xA0, s28;
	s4 =	sadd.s32 $0x50, s28;
	s1 =	sshrl.u32 s28, $0x3  }
0x12: {  	s12 =	sshrl.u32 s12, $0x3;
	s0 =	sadd.s32 $0x86600, s0;
	[dreg:$0x5] =	wrdreg s25  }
0x13: {  	s4 =	sshrl.u32 s4, $0x3;
	[dreg:$0x4] =	wrdreg s0;
	s0 =	sshrl.u32 s31, $0x3  }
0x14: {  	s11 =	sadd.s32 s1, s6;
	s10 =	sadd.s32 s4, s6;
	s9 =	sadd.s32 s0, s6  }
.LBB2_1:
0x15: {  	s0 =	rddreg [dreg:$0x3]  }
0x16: {  	[spmem:s12], [sflag:s5] =	dma.local [hbm:s0], $0x2780  }
0x17: {  	_ =	swait.ge [sflag:s13], $0x2780  }
0x18: {  	p0 =	por $0x1, $0x1;
	[sflag:s13] =	ssyncset.done $0x0  }
0x19: {  	p0 =	por p0, p0;
	[sflag:s13] =	ssyncadd.s32 $0xFFFFD880  }
0x1a: {  	s0 =	simm.s32 @!p0 $0x3;
	[bflag:$0x0] =	sbarrier.arrive $0xFFFF  }
0x1b: {  	_ =	swait.ge @!p0 [sflag:s0], $0x50  }
0x1c: {  	[sflag:s0] =	ssyncset.done @!p0 $0x0  }
0x1d: {  	[sflag:s0] =	ssyncadd.s32 @!p0 $0xFFFFFFB0;
	s0 =	simm.s32 @!p0 $0x6  }
0x1e: {  	_ =	swait.ge @!p0 [sflag:s0], $0x2800  }
0x1f: {  	s1 =	simm.s32 @!p0 $0x5200;
	s4 =	simm.s32 @!p0 $0x7;
	[sflag:s0] =	ssyncset.done @!p0 $0x0  }
0x20: {  	s6 =	simm.s32 @!p0 $0x100;
	[sflag:s0] =	ssyncadd.s32 @!p0 $0xFFFFD800;
	s0 =	simm.s32 @!p0 $0x50  }
0x21: {  	[spmem:s2] =	stream.indirect.scatter.add.f32 @!p0 [tilespmem:s1], [sflag:$0x9], $0x80, s6, s0, $0xb8;
	[tilespmem:$0x1B600] =	vst v63  }
0x22: {  	_ =	swait.ge @!p0 [sflag:s4], $0x2800  }
0x23: {  	[sflag:s4] =	ssyncset.done @!p0 $0x0  }
0x24: {  	[sflag:s4] =	ssyncadd.s32 @!p0 $0xFFFFD800  }
0x25: {  	[tilespmem:s3], [sflag:$0x1] =	stream.linear.gather [hbm4b:s11+s3], $0x50, $0x38;
	[tilespmem:$0x1B600] =	vst v63  }
0x26: {  	s26 =	sadd.s32 $0x0, s8  }
0x27: {  	[tilespmem:s14], [sflag:$0x4] =	stream.linear.gather [hbm4b:s26+s3], $0x2800, $0x38;
	[tilespmem:$0x1B600] =	vst v63  }
0x28: {  	_ =	swait.ge [sflag:s15], $0x50  }
0x29: {  	[sflag:s15] =	ssyncset.done $0x0  }
0x2a: {  	[sflag:s15] =	ssyncadd.s32 $0xFFFFFFB0  }
0x2b: {  	_ =	swait.ge [sflag:s16], $0x2800  }
0x2c: {  	[sflag:s16] =	ssyncset.done $0x0  }
0x2d: {  	s1 =	simm.s32 @!p0 $0x8;
	[sflag:s16] =	ssyncadd.s32 $0xFFFFD800  }
0x2e: {  	[spmem:s2] =	stream.indirect.scatter.add.f32 [tilespmem:s14], [sflag:$0x7], $0x80, s3, s17, $0xb8;
	[tilespmem:$0x1B600] =	vst v63  }
0x2f: {  	_ =	swait.ge @!p0 [sflag:s1], $0x2800  }
0x30: {  	[sflag:s1] =	ssyncset.done @!p0 $0x0  }
0x31: {  	[sflag:s1] =	ssyncadd.s32 @!p0 $0xFFFFD800  }
0x32: {  	[tilespmem:s18], [sflag:$0x2] =	stream.linear.gather [hbm4b:s10+s3], $0x50, $0x38;
	[tilespmem:$0x1B600] =	vst v63  }
0x33: {  	s28 =	sadd.s32 $0x500, s26  }
0x34: {  	[tilespmem:s19], [sflag:$0x5] =	stream.linear.gather [hbm4b:s28+s3], $0x2800, $0x38;
	[tilespmem:$0x1B600] =	vst v63  }
0x35: {  	_ =	swait.ge [sflag:s20], $0x50  }
0x36: {  	[sflag:s20] =	ssyncset.done $0x0  }
0x37: {  	[sflag:s20] =	ssyncadd.s32 $0xFFFFFFB0  }
0x38: {  	_ =	swait.ge [sflag:s21], $0x2800  }
0x39: {  	p1 =	por $0x0, $0x0;
	[sflag:s21] =	ssyncset.done $0x0  }
0x3a: {  	s31 =	sadd.s32 $0x1E, s9;
	s4 =	simm.s32 @!p0 $0x9;
	[sflag:s21] =	ssyncadd.s32 $0xFFFFD800  }
0x3b: {  	[spmem:s2] =	stream.indirect.scatter.add.f32 [tilespmem:s19], [sflag:$0x8], $0x80, s18, s17, $0xb8;
	[tilespmem:$0x1B600] =	vst v63  }
0x3c: {  	s7 =	sadd.s32 $0xA00, s26;
	s6 =	simm.s32 $0x1E00;
	_ =	swait.ge @!p0 [sflag:s4], $0x2800  }
0x3d: {  	s0 =	sadd.s32 $0x1E, s10;
	s1 =	simm.s32 $0xF00;
	[sflag:s4] =	ssyncset.done @!p0 $0x0  }
0x3e: {  	[sflag:s4] =	ssyncadd.s32 @!p0 $0xFFFFD800;
	s4 =	sadd.s32 $0x1E, s11;
	p0 =	por p1, p1  }
0x3f: {  	[tilespmem:s22], [sflag:$0x3] =	stream.linear.gather [hbm4b:s9+s3], $0x50, $0x38;
	[tilespmem:$0x1B600] =	vst v63  }
.LBB2_2:
0x40: {  	[tilespmem:s23], [sflag:$0x6] =	stream.linear.gather [hbm4b:s7+s3], $0x2800, $0x38;
	[tilespmem:$0x1B600] =	vst v63  }
0x41: {  	s7 =	smov.u32 s6  }
0x42: {  	s6 =	sadd.s32 $0xF00, s6;
	s24 =	simm.s32 @!p0 $0x3;
	p2 =	seq.s32 s7, $0x0  }
0x43: {  	p1 =	sne.s32 s6, $0x17700;
	_ =	swait.ge @!p0 [sflag:s24], $0x50  }
0x44: {  	[sflag:s24] =	ssyncset.done @!p0 $0x0  }
0x45: {  	[sflag:s24] =	ssyncadd.s32 @!p0 $0xFFFFFFB0;
	s24 =	simm.s32 @!p0 $0x6  }
0x46: {  	_ =	swait.ge @!p0 [sflag:s24], $0x2800  }
0x47: {  	s25 =	simm.s32 @!p0 $0x5200;
	s26 =	simm.s32 @!p0 $0x7;
	[sflag:s24] =	ssyncset.done @!p0 $0x0  }
0x48: {  	s28 =	simm.s32 @!p0 $0x100;
	[sflag:s24] =	ssyncadd.s32 @!p0 $0xFFFFD800;
	s24 =	simm.s32 @!p0 $0x50  }
0x49: {  	[spmem:s2] =	stream.indirect.scatter.add.f32 @!p0 [tilespmem:s25], [sflag:$0x9], $0x80, s28, s24, $0xb8;
	[tilespmem:$0x1B600] =	vst v63  }
0x4a: {  	_ =	swait.ge @!p0 [sflag:s26], $0x2800  }
0x4b: {  	[sflag:s26] =	ssyncset.done @!p0 $0x0  }
0x4c: {  	[sflag:s26] =	ssyncadd.s32 @!p0 $0xFFFFD800  }
0x4d: {  	[tilespmem:s3], [sflag:$0x1] =	stream.linear.gather [hbm4b:s4+s3], $0x50, $0x38;
	[tilespmem:$0x1B600] =	vst v63  }
0x4e: {  	s24 =	sadd.s32 s1, s8;
	s1 =	smov.u32 s7  }
0x4f: {  	[tilespmem:s14], [sflag:$0x4] =	stream.linear.gather [hbm4b:s24+s3], $0x2800, $0x38;
	[tilespmem:$0x1B600] =	vst v63  }
0x50: {  	_ =	swait.ge [sflag:s15], $0x50  }
0x51: {  	[sflag:s15] =	ssyncset.done $0x0  }
0x52: {  	[sflag:s15] =	ssyncadd.s32 $0xFFFFFFB0  }
0x53: {  	_ =	swait.ge [sflag:s16], $0x2800  }
0x54: {  	[sflag:s16] =	ssyncset.done $0x0  }
0x55: {  	s7 =	simm.s32 @!p0 $0x8;
	[sflag:s16] =	ssyncadd.s32 $0xFFFFD800  }
0x56: {  	[spmem:s2] =	stream.indirect.scatter.add.f32 [tilespmem:s14], [sflag:$0x7], $0x80, s3, s17, $0xb8;
	[tilespmem:$0x1B600] =	vst v63  }
0x57: {  	_ =	swait.ge @!p0 [sflag:s7], $0x2800  }
0x58: {  	[sflag:s7] =	ssyncset.done @!p0 $0x0  }
0x59: {  	[sflag:s7] =	ssyncadd.s32 @!p0 $0xFFFFD800  }
0x5a: {  	[tilespmem:s18], [sflag:$0x2] =	stream.linear.gather [hbm4b:s0+s3], $0x50, $0x38;
	[tilespmem:$0x1B600] =	vst v63  }
0x5b: {  	s7 =	sadd.s32 $0x500, s24  }
0x5c: {  	[tilespmem:s19], [sflag:$0x5] =	stream.linear.gather [hbm4b:s7+s3], $0x2800, $0x38;
	[tilespmem:$0x1B600] =	vst v63  }
0x5d: {  	_ =	swait.ge [sflag:s20], $0x50  }
0x5e: {  	[sflag:s20] =	ssyncset.done $0x0  }
0x5f: {  	[sflag:s20] =	ssyncadd.s32 $0xFFFFFFB0  }
0x60: {  	_ =	swait.ge [sflag:s21], $0x2800  }
0x61: {  	[sflag:s21] =	ssyncset.done $0x0  }
0x62: {  	s7 =	simm.s32 @!p0 $0x9;
	[sflag:s21] =	ssyncadd.s32 $0xFFFFD800  }
0x63: {  	[spmem:s2] =	stream.indirect.scatter.add.f32 [tilespmem:s19], [sflag:$0x8], $0x80, s18, s17, $0xb8;
	[tilespmem:$0x1B600] =	vst v63  }
.Ltmp0:
0x64: {  	_ =	swait.ge @!p0 [sflag:s7], $0x2800;
	(pc) =	sbr.rel @p1 .LBB2_2-.Ltmp0, $4  }
0x65: {  	[sflag:s7] =	ssyncset.done @!p0 $0x0  }
0x66: {  	s4 =	sadd.s32 $0x1E, s4;
	[sflag:s7] =	ssyncadd.s32 @!p0 $0xFFFFD800;
	p0 =	por p2, p2  }
0x67: {  	[tilespmem:s22], [sflag:$0x3] =	stream.linear.gather [hbm4b:s31+s3], $0x50, $0x38;
	[tilespmem:$0x1B600] =	vst v63  }
0x68: {  	s0 =	sadd.s32 $0x1E, s0;
	s7 =	sadd.s32 $0xA00, s24;
	s31 =	sadd.s32 $0x1E, s31  }
0x69: {  	[tilespmem:s23], [sflag:$0x6] =	stream.linear.gather [hbm4b:s7+s3], $0x2800, $0x38;
	[tilespmem:$0x1B600] =	vst v63  }
0x6a: {  	s6 =	simm.s32 @!p0 $0x3  }
0x6b: {  	_ =	swait.ge @!p0 [sflag:s6], $0x50  }
0x6c: {  	[sflag:s6] =	ssyncset.done @!p0 $0x0  }
0x6d: {  	[sflag:s6] =	ssyncadd.s32 @!p0 $0xFFFFFFB0;
	s6 =	simm.s32 @!p0 $0x6  }
0x6e: {  	_ =	swait.ge @!p0 [sflag:s6], $0x2800  }
0x6f: {  	s7 =	simm.s32 @!p0 $0x5200;
	[sflag:s6] =	ssyncset.done @!p0 $0x0  }
0x70: {  	s24 =	simm.s32 @!p0 $0x100;
	[sflag:s6] =	ssyncadd.s32 @!p0 $0xFFFFD800;
	s6 =	simm.s32 @!p0 $0x50  }
0x71: {  	[spmem:s2] =	stream.indirect.scatter.add.f32 @!p0 [tilespmem:s7], [sflag:$0x9], $0x80, s24, s6, $0xb8;
	[tilespmem:$0x1B600] =	vst v63  }
0x72: {  	s6 =	simm.s32 @!p0 $0x7  }
0x73: {  	_ =	swait.ge @!p0 [sflag:s6], $0x2800  }
0x74: {  	[sflag:s6] =	ssyncset.done @!p0 $0x0  }
0x75: {  	[sflag:s6] =	ssyncadd.s32 @!p0 $0xFFFFD800  }
0x76: {  	[tilespmem:s3], [sflag:$0x1] =	stream.linear.gather [hbm4b:s4+s3], $0x50, $0x38;
	[tilespmem:$0x1B600] =	vst v63  }
0x77: {  	s1 =	sadd.s32 s1, s8  }
0x78: {  	[tilespmem:s14], [sflag:$0x4] =	stream.linear.gather [hbm4b:s1+s3], $0x2800, $0x38;
	[tilespmem:$0x1B600] =	vst v63  }
0x79: {  	_ =	swait.ge [sflag:s15], $0x50  }
0x7a: {  	[sflag:s15] =	ssyncset.done $0x0  }
0x7b: {  	[sflag:s15] =	ssyncadd.s32 $0xFFFFFFB0  }
0x7c: {  	_ =	swait.ge [sflag:s16], $0x2800  }
0x7d: {  	[sflag:s16] =	ssyncset.done $0x0  }
0x7e: {  	s4 =	simm.s32 @!p0 $0x8;
	[sflag:s16] =	ssyncadd.s32 $0xFFFFD800  }
0x7f: {  	[spmem:s2] =	stream.indirect.scatter.add.f32 [tilespmem:s14], [sflag:$0x7], $0x80, s3, s17, $0xb8;
	[tilespmem:$0x1B600] =	vst v63  }
0x80: {  	_ =	swait.ge @!p0 [sflag:s4], $0x2800  }
0x81: {  	[sflag:s4] =	ssyncset.done @!p0 $0x0  }
0x82: {  	[sflag:s4] =	ssyncadd.s32 @!p0 $0xFFFFD800  }
0x83: {  	[tilespmem:s18], [sflag:$0x2] =	stream.linear.gather [hbm4b:s0+s3], $0x50, $0x38;
	[tilespmem:$0x1B600] =	vst v63  }
0x84: {  	s4 =	sadd.s32 $0x500, s1  }
0x85: {  	[tilespmem:s19], [sflag:$0x5] =	stream.linear.gather [hbm4b:s4+s3], $0x2800, $0x38;
	[tilespmem:$0x1B600] =	vst v63  }
0x86: {  	_ =	swait.ge [sflag:s20], $0x50  }
0x87: {  	[sflag:s20] =	ssyncset.done $0x0  }
0x88: {  	[sflag:s20] =	ssyncadd.s32 $0xFFFFFFB0  }
0x89: {  	_ =	swait.ge [sflag:s21], $0x2800  }
0x8a: {  	[sflag:s21] =	ssyncset.done $0x0  }
0x8b: {  	s0 =	simm.s32 @!p0 $0x9;
	[sflag:s21] =	ssyncadd.s32 $0xFFFFD800  }
0x8c: {  	[spmem:s2] =	stream.indirect.scatter.add.f32 [tilespmem:s19], [sflag:$0x8], $0x80, s18, s17, $0xb8;
	[tilespmem:$0x1B600] =	vst v63  }
0x8d: {  	_ =	swait.ge @!p0 [sflag:s0], $0x2800  }
0x8e: {  	[sflag:s0] =	ssyncset.done @!p0 $0x0  }
0x8f: {  	[sflag:s0] =	ssyncadd.s32 @!p0 $0xFFFFD800  }
0x90: {  	[tilespmem:s22], [sflag:$0x3] =	stream.linear.gather [hbm4b:s31+s3], $0x50, $0x38;
	[tilespmem:$0x1B600] =	vst v63  }
0x91: {  	s7 =	simm.s32 $0x3;
	s6 =	sadd.s32 $0xA00, s1  }
0x92: {  	[tilespmem:s23], [sflag:$0x6] =	stream.linear.gather [hbm4b:s6+s3], $0x2800, $0x38;
	[tilespmem:$0x1B600] =	vst v63  }
0x93: {  	_ =	swait.ge [sflag:s7], $0x50  }
0x94: {  	[sflag:s7] =	ssyncset.done $0x0  }
0x95: {  	s24 =	simm.s32 $0x6;
	[sflag:s7] =	ssyncadd.s32 $0xFFFFFFB0  }
0x96: {  	_ =	swait.ge [sflag:s24], $0x2800  }
0x97: {  	[sflag:s24] =	ssyncset.done $0x0  }
0x98: {  	s25 =	simm.s32 $0x7;
	[sflag:s24] =	ssyncadd.s32 $0xFFFFD800  }
0x99: {  	[spmem:s2] =	stream.indirect.scatter.add.f32 [tilespmem:s23], [sflag:$0x9], $0x80, s22, s17, $0xb8;
	[tilespmem:$0x1B600] =	vst v63  }
0x9a: {  	_ =	swait.ge [sflag:s25], $0x2800  }
0x9b: {  	[sflag:s25] =	ssyncset.done $0x0  }
0x9c: {  	s26 =	simm.s32 $0x8;
	[sflag:s25] =	ssyncadd.s32 $0xFFFFD800  }
0x9d: {  	_ =	swait.ge [sflag:s26], $0x2800  }
0x9e: {  	[sflag:s26] =	ssyncset.done $0x0  }
0x9f: {  	[sflag:s26] =	ssyncadd.s32 $0xFFFFD800  }
0xa0: {  	_ =	swait.ge [sflag:s29], $0x2800  }
0xa1: {  	[sflag:s29] =	ssyncset.done $0x0  }
0xa2: {  	[sflag:s29] =	ssyncadd.s32 $0xFFFFD800  }
0xa3: {  	[bflag:$0x0] =	sbarrier.arrive $0xFFFF  }
0xa4: {  	s28 =	rddreg [dreg:$0x4]  }
0xa5: {  	[hbm:s28], [sflag:s5] =	dma.local [spmem:s12], $0x2780  }
0xa6: {  	_ =	swait.ge [sflag:s13], $0x2780  }
0xa7: {  	s30 =	sadd.s32 $0x1, s30;
	s31 =	rddreg [dreg:$0x5]  }
0xa8: {  	p0 =	sne.s32 s30, s31  }
.Ltmp1:
0xa9: {  	_ = 	snop;
	(pc) =	sbr.rel @p0 .LBB2_1-.Ltmp1, $3  }
0xaa: {  	_ =	sdelay $0x1  }
0xab: {  	[sflag:s13] =	ssyncset.done $0x0  }
0xac: {  	[sflag:s13] =	ssyncadd.s32 $0xFFFFD880  }
0xad: {  	_ =	sfence.sel $0x180000  }
0xae: {  	[bflag:$0x0] =	sbarrier.arrive $0xFFFF  }
0xaf: {  	_ =	strace $0x90000050  }
0xb0: {  	s0 =	stileid.u32;
	[bflag:$0x2] =	sbarrier.arrive $0xFFFF  }
0xb1: {  	p0 =	sne.s32 s0, $0x0;
	s0 =	rddreg [dreg:$0x2]  }
0xb2: {  	s0 =	sadd.s32 @!p0 $0x100000, s0  }
0xb3: {  	[sflag:s0] =	ssyncadd.tile.s32 @!p0 $0x1;
	_ =	shalt  }
.Lfunc_end2:
_tile_overlayer_lowered:
.L_overlay_start_2:
0xb4: {  	(tag) =	ssettag $0x2  }
0xb5: {  	s0 =	rddreg [dreg:$0x0];
	s2 =	stileid.u32  }
0xb6: {  	s1 =	rddreg [dreg:$0x1];
	p0 =	sne.s32 s2, $0x0  }
0xb7: {  	s3 =	rddreg [dreg:$0x2];
	[bflag:$0x3] =	sbarrier.arrive $0xFFFF;
	s2 =	simm.s32 @!p0 $0x1C0A  }
0xb8: {  	[timem:s3], [sflag:s2] =	dma.local @!p0 [hbm:s0], s1  }
0xb9: {  	s0 =	simm.s32 @!p0 $0xA  }
0xba: {  	_ =	swait.ge @!p0 [sflag:s0], s1  }
0xbb: {  	s1 =	ssub.s32 @!p0 $0x0, s1;
	[sflag:s0] =	ssyncset.done @!p0 $0x0  }
0xbc: {  	[sflag:s0] =	ssyncadd.s32 @!p0 s1  }
0xbd: {  	[bflag:$0x3] =	sbarrier.arrive $0xFFFF  }
0xbe: {  	_ =	shalt  }

</sc_bundles>
